<compile_context>
chip_gen: v7x
topology: tpu7x:2x2x1
jax: 0.10.2.dev20260603
libtpu: 0.0.44.dev20260713+nightly
codegen_flags: <defaults>
</compile_context>

<pallas_src>
import jax
import jax.numpy as jnp
from jax import lax
from jax.experimental import pallas as pl
from jax.experimental.pallas import tpu as pltpu
from jax.experimental.pallas import tpu_sc as plsc

_B, _N, _K = 4, 4096, 9
_EPS = 1e-5
_TN1 = 512
_TN = 256
_NC, _NS = 2, 16
_NW = _NC * _NS
_CH = 128
_F32 = jnp.float32
_BF16 = jnp.bfloat16


def _leaky(x):
    return jnp.where(x >= 0, x, 0.1 * x)



def _knn_body(xt_ref, xa_ref, sqr_ref, sqc_ref, out_ref):
    b = pl.program_id(0)
    xt = xt_ref[0]
    xa = xa_ref[0]
    sqr = sqr_ref[0]
    sqc = sqc_ref[0]
    prod = lax.dot_general(
        xt.astype(_BF16), xa.astype(_BF16),
        (((0,), (0,)), ((), ())), preferred_element_type=_F32)
    dist = (sqr + sqc) - 2.0 * prod
    iota = lax.broadcasted_iota(jnp.int32, (_TN1, _N), 1)
    iota16 = lax.broadcasted_iota(jnp.int32, (_TN1, 16), 1)

    def step(k, carry):
        neg, acc = carry
        m = jnp.max(neg, axis=1, keepdims=True)
        j = jnp.min(jnp.where(neg == m, iota, _N), axis=1, keepdims=True)
        neg = jnp.where(iota == j, -jnp.inf, neg)
        acc = acc + j * (iota16 == k).astype(jnp.int32)
        return neg, acc

    _, acc = lax.fori_loop(
        0, _K, step, (-dist, jnp.zeros((_TN1, 16), jnp.int32)))
    out_ref[0] = acc[:, :_K] + b * _N


def _knn(xyz, sq):
    return pl.pallas_call(
        _knn_body,
        grid=(_B, _N // _TN1),
        in_specs=[
            pl.BlockSpec((1, 3, _TN1), lambda b, i: (b, 0, i)),
            pl.BlockSpec((1, 3, _N), lambda b, i: (b, 0, 0)),
            pl.BlockSpec((1, _TN1, 1), lambda b, i: (b, i, 0)),
            pl.BlockSpec((1, 1, _N), lambda b, i: (b, 0, 0)),
        ],
        out_specs=pl.BlockSpec((1, _TN1, _K), lambda b, i: (b, i, 0)),
        out_shape=jax.ShapeDtypeStruct((_B, _N, _K), jnp.int32),
    )(xyz, xyz, sq[:, :, None], sq[:, None, :])



def _sc_gather(idx_flat, tables):
    rows_total = idx_flat.shape[0]
    n_tab = len(tables)
    per_w = rows_total // _NW
    steps = per_w // _CH
    mesh = plsc.VectorSubcoreMesh(core_axis_name="c", subcore_axis_name="s")
    out_type = tuple(
        jax.ShapeDtypeStruct((rows_total, t.shape[1]), t.dtype) for t in tables)
    scratch = ([pltpu.VMEM((_CH,), jnp.int32)]
               + [pltpu.VMEM((_CH, t.shape[1]), t.dtype) for t in tables]
               + [pltpu.SemaphoreType.DMA] * n_tab)

    def body(*refs):
        idx_hbm = refs[0]
        tabs = refs[1:1 + n_tab]
        outs = refs[1 + n_tab:1 + 2 * n_tab]
        idx_v = refs[1 + 2 * n_tab]
        bufs = refs[2 + 2 * n_tab:2 + 3 * n_tab]
        sems = refs[2 + 3 * n_tab:]
        wid = lax.axis_index("s") * _NC + lax.axis_index("c")
        base = wid * per_w

        def step(i, carry):
            off = base + i * _CH
            pltpu.sync_copy(idx_hbm.at[pl.ds(off, _CH)], idx_v)
            copies = [pltpu.async_copy(tabs[t].at[idx_v], bufs[t], sems[t])
                      for t in range(n_tab)]
            for c in copies:
                c.wait()
            for t in range(n_tab):
                pltpu.sync_copy(bufs[t], outs[t].at[pl.ds(off, _CH)])
            return carry

        lax.fori_loop(0, steps, step, 0)

    fn = pl.kernel(body, out_type=out_type, mesh=mesh, scratch_types=scratch,
                   compiler_params=pltpu.CompilerParams(
                       use_tc_tiling_on_sc=False))
    return fn(idx_flat, *tables)



def _wn_weights(w0, b0, w1, b1, w2, b2):
    w0p = jnp.pad(w0, ((0, 0), (0, 13))).astype(_BF16)
    return (w0p, b0.reshape(8, 1),
            w1.astype(_BF16), b1.reshape(8, 1),
            w2.astype(_BF16), b2.reshape(16, 1))


def _lin_weights(lin_w, lin_b, c_in, d_feat):
    w3 = lin_w.reshape(128, c_in, 16)
    lf = jnp.transpose(w3[:, 3:, :], (2, 0, 1))
    lf = jnp.pad(lf, ((0, 0), (0, 0), (0, d_feat - (c_in - 3)))).astype(_BF16)
    lx = jnp.transpose(w3[:, :3, :], (2, 0, 1))
    lx = jnp.pad(lx, ((0, 0), (0, 0), (0, 13))).astype(_BF16)
    return lf, lx, lin_b.reshape(128, 1)


def _agg(fg_ref, gg_ref, ctr_ref, lf_ref, lx_ref, w0, b0, w1, b1, w2, b2,
         lb, s):
    ctr_t = jnp.transpose(ctr_ref[0])
    uf = [None] * 16
    ux = [None] * 16
    for k in range(_K):
        fk_t = jnp.transpose(fg_ref[0, :, k, :])
        gkb = (jnp.transpose(gg_ref[0, :, k, :]) - ctr_t).astype(_BF16)
        h = jnp.maximum(
            s * (jnp.dot(w0, gkb, preferred_element_type=_F32) + b0), 0.0)
        h = jnp.maximum(
            s * (jnp.dot(w1, h.astype(_BF16), preferred_element_type=_F32)
                 + b1), 0.0)
        wt = jnp.maximum(
            s * (jnp.dot(w2, h.astype(_BF16), preferred_element_type=_F32)
                 + b2), 0.0)
        wt32 = wt.astype(_BF16).astype(_F32)
        gk32 = gkb.astype(_F32)
        for w in range(16):
            ws = wt32[w:w + 1, :]
            if k == 0:
                uf[w] = fk_t * ws
                ux[w] = gk32 * ws
            else:
                uf[w] = uf[w] + fk_t * ws
                ux[w] = ux[w] + gk32 * ws
    acc = None
    for w in range(16):
        d = (jnp.dot(lf_ref[w], uf[w].astype(_BF16),
                     preferred_element_type=_F32)
             + jnp.dot(lx_ref[w], ux[w].astype(_BF16),
                       preferred_element_type=_F32))
        acc = d if acc is None else acc + d
    return _leaky(s * (acc + lb))


def _pc1_body(fg_ref, gg_ref, ctr_ref, lf_ref, lx_ref,
              w0_ref, b0_ref, w1_ref, b1_ref, w2_ref, b2_ref, lb_ref, out_ref):
    s = 1.0 / jnp.sqrt(jnp.float32(1.0 + _EPS))
    out = _agg(fg_ref, gg_ref, ctr_ref, lf_ref, lx_ref,
               w0_ref[...], b0_ref[...], w1_ref[...], b1_ref[...],
               w2_ref[...], b2_ref[...], lb_ref[...], s)
    out_ref[0] = jnp.transpose(out).astype(_BF16).astype(_F32)


def _pc2_body(fg_ref, gg_ref, ctr_ref, lf_ref, lx_ref,
              w0_ref, b0_ref, w1_ref, b1_ref, w2_ref, b2_ref, lb_ref,
              m0_ref, m0b_ref, m1_ref, m1b_ref, fcw_ref, fcb_ref,
              x_ref, fl_ref):
    s = 1.0 / jnp.sqrt(jnp.float32(1.0 + _EPS))
    out = _agg(fg_ref, gg_ref, ctr_ref, lf_ref, lx_ref,
               w0_ref[...], b0_ref[...], w1_ref[...], b1_ref[...],
               w2_ref[...], b2_ref[...], lb_ref[...], s)
    x1 = _leaky(s * (jnp.dot(m0_ref[...], out.astype(_BF16),
                             preferred_element_type=_F32) + m0b_ref[...]))
    x2 = _leaky(s * (jnp.dot(m1_ref[...], x1.astype(_BF16),
                             preferred_element_type=_F32) + m1b_ref[...]))
    fl = (jnp.dot(fcw_ref[...], x2.astype(_BF16),
                  preferred_element_type=_F32) + fcb_ref[...])
    x_ref[0] = x2
    fl_ref[0] = jnp.clip(fl, -200.0, 200.0)


def _full(shape):
    zeros = (0,) * len(shape)
    return pl.BlockSpec(shape, lambda b, i, z=zeros: z)


def _pc_specs(d_feat):
    in_specs = [
        pl.BlockSpec((1, _TN, _K, d_feat), lambda b, i: (b, i, 0, 0)),
        pl.BlockSpec((1, _TN, _K, 16), lambda b, i: (b, i, 0, 0)),
        pl.BlockSpec((1, _TN, 16), lambda b, i: (b, i, 0)),
        _full((16, 128, d_feat)),
        _full((16, 128, 16)),
        _full((8, 16)), _full((8, 1)),
        _full((8, 8)), _full((8, 1)),
        _full((16, 8)), _full((16, 1)),
        _full((128, 1)),
    ]
    return in_specs


def kernel(xyz, feats, cost_volume, flow, pc1_wn_w0, pc1_wn_b0, pc1_wn_w1,
           pc1_wn_b1, pc1_wn_w2, pc1_wn_b2, pc1_lin_w, pc1_lin_b, pc2_wn_w0,
           pc2_wn_b0, pc2_wn_w1, pc2_wn_b1, pc2_wn_w2, pc2_wn_b2, pc2_lin_w,
           pc2_lin_b, mlp0_w, mlp0_b, mlp1_w, mlp1_b, fc_w, fc_b):
    sq = jnp.sum(xyz * xyz, axis=1)
    idx = _knn(xyz, sq)
    idx_flat = idx.reshape(_B * _N * _K)

    xyzp = jnp.pad(jnp.transpose(xyz, (0, 2, 1)).reshape(_B * _N, 3),
                   ((0, 0), (0, 13)))
    pts = jnp.transpose(jnp.concatenate([feats, cost_volume, flow], axis=1),
                        (0, 2, 1)).reshape(_B * _N, 195)
    pts = pts.astype(_BF16).astype(_F32)
    ptsp = jnp.pad(pts, ((0, 0), (0, 13)))

    xyzg, fg1 = _sc_gather(idx_flat, (xyzp, ptsp))

    wn1 = _wn_weights(pc1_wn_w0, pc1_wn_b0, pc1_wn_w1, pc1_wn_b1,
                      pc1_wn_w2, pc1_wn_b2)
    lf1, lx1, lb1 = _lin_weights(pc1_lin_w, pc1_lin_b, 198, 208)
    wn2 = _wn_weights(pc2_wn_w0, pc2_wn_b0, pc2_wn_w1, pc2_wn_b1,
                      pc2_wn_w2, pc2_wn_b2)
    lf2, lx2, lb2 = _lin_weights(pc2_lin_w, pc2_lin_b, 131, 128)

    ctr = xyzp.reshape(_B, _N, 16)
    grid = (_B, _N // _TN)
    out1 = pl.pallas_call(
        _pc1_body,
        grid=grid,
        in_specs=_pc_specs(208),
        out_specs=pl.BlockSpec((1, _TN, 128), lambda b, i: (b, i, 0)),
        out_shape=jax.ShapeDtypeStruct((_B, _N, 128), _F32),
    )(fg1.reshape(_B, _N, _K, 208), xyzg.reshape(_B, _N, _K, 16), ctr,
      lf1, lx1, *wn1, lb1)

    (fg2,) = _sc_gather(idx_flat, (out1.reshape(_B * _N, 128),))

    m0 = mlp0_w.astype(_BF16)
    m1 = mlp1_w.astype(_BF16)
    fcw = fc_w.astype(_BF16)
    xo, flo = pl.pallas_call(
        _pc2_body,
        grid=grid,
        in_specs=_pc_specs(128) + [
            _full((128, 128)), _full((128, 1)),
            _full((64, 128)), _full((64, 1)),
            _full((3, 64)), _full((3, 1)),
        ],
        out_specs=[
            pl.BlockSpec((1, 64, _TN), lambda b, i: (b, 0, i)),
            pl.BlockSpec((1, 3, _TN), lambda b, i: (b, 0, i)),
        ],
        out_shape=[
            jax.ShapeDtypeStruct((_B, 64, _N), _F32),
            jax.ShapeDtypeStruct((_B, 3, _N), _F32),
        ],
    )(fg2.reshape(_B, _N, _K, 128), xyzg.reshape(_B, _N, _K, 16), ctr,
      lf2, lx2, *wn2, lb2,
      m0, mlp0_b.reshape(128, 1), m1, mlp1_b.reshape(64, 1),
      fcw, fc_b.reshape(3, 1))

    return (xo, flo)

# --- scband reference (transcript-rebuilt; emitter-appended) ---
"""Pipeline reference for scband-scene-flow-predictor-64931315581437 (READ-ONLY COPY).

The authoritative reference and input builder live on the scoring server;
editing this copy changes nothing except your own understanding.
"""

import jax, jax.numpy as jnp
import numpy as np

LEAKY = 0.1
NSAMPLE = 9
EPS = 1e-5
B, N = 4, 4096
FEAT_CH, COST_CH, FLOW_CH = 128, 64, 3

def _leaky(x):
    return jnp.where(x >= 0, x, LEAKY * x)

def _bn_eval(x):
    return x / jnp.sqrt(1.0 + EPS)

def _knn_idx(xyz, k):
    xyz = jax.lax.stop_gradient(xyz)
    sq = jnp.sum(xyz * xyz, axis=-1)
    dist = sq[:, :, None] + sq[:, None, :] - 2.0 * jnp.einsum('bnd,bmd->bnm', xyz, xyz)
    _, idx = jax.lax.top_k(-dist, k)
    return idx

def _gather(points, idx):
    return jax.vmap(lambda p, i: p[i])(points, idx)

def _weightnet(gxyz, p, pref):
    w = gxyz
    for j in range(3):
        W = p[pref + '_wn_w' + str(j)]
        b = p[pref + '_wn_b' + str(j)]
        w = jax.nn.relu(_bn_eval(jnp.einsum('bnkc,oc->bnko', w, W) + b))
    return w

def _pointconv(xyz, points, p, pref):
    idx = _knn_idx(xyz, NSAMPLE)
    grouped_xyz = _gather(xyz, idx)
    gxyz_norm = grouped_xyz - xyz[:, :, None, :]
    grouped_points = _gather(points, idx)
    new_points = jnp.concatenate([gxyz_norm, grouped_points], axis=-1)
    weights = _weightnet(gxyz_norm, p, pref)
    b, n = xyz.shape[0], xyz.shape[1]
    out = jnp.einsum('bnkc,bnkw->bncw', new_points, weights).reshape(b, n, -1)
    out = out @ p[pref + '_lin_w'].T + p[pref + '_lin_b']
    return _leaky(_bn_eval(out))

def _conv1d(x, W, b):
    return jnp.einsum('oc,bcn->bon', W, x) + b[None, :, None]

def forward(p):
    xyz_t = jnp.transpose(p['xyz'], (0, 2, 1))
    pts = jnp.concatenate([p['feats'], p['cost_volume'], p['flow']], axis=1)
    pts = jnp.transpose(pts, (0, 2, 1))
    pts = _pointconv(xyz_t, pts, p, 'pc1')
    pts = _pointconv(xyz_t, pts, p, 'pc2')
    x = jnp.transpose(pts, (0, 2, 1))
    x = _leaky(_bn_eval(_conv1d(x, p['mlp0_w'], p['mlp0_b'])))
    x = _leaky(_bn_eval(_conv1d(x, p['mlp1_w'], p['mlp1_b'])))
    fl = _conv1d(x, p['fc_w'], p['fc_b'])
    return (x, jnp.clip(fl, -200.0, 200.0))

def setup_inputs(seed=0):
    key = jax.random.key(seed)
    ks = jax.random.split(key, 20)
    d = {}
    d['xyz'] = jax.random.normal(ks[0], (B, 3, N), dtype=jnp.float32)
    d['feats'] = jax.random.normal(ks[1], (B, FEAT_CH, N), dtype=jnp.float32)
    d['cost_volume'] = jax.random.normal(ks[2], (B, COST_CH, N), dtype=jnp.float32)
    d['flow'] = jax.random.normal(ks[3], (B, FLOW_CH, N), dtype=jnp.float32)
    i = 4
    wn_dims = [(8, 3), (8, 8), (16, 8)]
    in_chs = [FEAT_CH + COST_CH + FLOW_CH + 3, 128 + 3]
    outs = [128, 128]
    for li, pref in enumerate(['pc1', 'pc2']):
        for j, (o, c) in enumerate(wn_dims):
            d[pref + '_wn_w' + str(j)] = jax.random.normal(ks[i], (o, c), dtype=jnp.float32) * 0.1
            d[pref + '_wn_b' + str(j)] = jnp.zeros((o,), dtype=jnp.float32)
            i += 1
        d[pref + '_lin_w'] = jax.random.normal(ks[i], (outs[li], in_chs[li] * 16), dtype=jnp.float32) * 0.02
        d[pref + '_lin_b'] = jnp.zeros((outs[li],), dtype=jnp.float32)
        i += 1
    d['mlp0_w'] = jax.random.normal(ks[i], (128, 128), dtype=jnp.float32) * 0.05
    d['mlp0_b'] = jnp.zeros((128,), dtype=jnp.float32)
    d['mlp1_w'] = jax.random.normal(ks[i + 1], (64, 128), dtype=jnp.float32) * 0.05
    d['mlp1_b'] = jnp.zeros((64,), dtype=jnp.float32)
    d['fc_w'] = jax.random.normal(ks[i + 2], (3, 64), dtype=jnp.float32) * 0.05
    d['fc_b'] = jnp.zeros((3,), dtype=jnp.float32)
    return d

def reference(xyz, feats, cost_volume, flow,
              pc1_wn_w0, pc1_wn_b0, pc1_wn_w1, pc1_wn_b1, pc1_wn_w2, pc1_wn_b2,
              pc1_lin_w, pc1_lin_b,
              pc2_wn_w0, pc2_wn_b0, pc2_wn_w1, pc2_wn_b1, pc2_wn_w2, pc2_wn_b2,
              pc2_lin_w, pc2_lin_b,
              mlp0_w, mlp0_b, mlp1_w, mlp1_b, fc_w, fc_b):
    p = {
        'xyz': xyz, 'feats': feats, 'cost_volume': cost_volume, 'flow': flow,
        'pc1_wn_w0': pc1_wn_w0, 'pc1_wn_b0': pc1_wn_b0,
        'pc1_wn_w1': pc1_wn_w1, 'pc1_wn_b1': pc1_wn_b1,
        'pc1_wn_w2': pc1_wn_w2, 'pc1_wn_b2': pc1_wn_b2,
        'pc1_lin_w': pc1_lin_w, 'pc1_lin_b': pc1_lin_b,
        'pc2_wn_w0': pc2_wn_w0, 'pc2_wn_b0': pc2_wn_b0,
        'pc2_wn_w1': pc2_wn_w1, 'pc2_wn_b1': pc2_wn_b1,
        'pc2_wn_w2': pc2_wn_w2, 'pc2_wn_b2': pc2_wn_b2,
        'pc2_lin_w': pc2_lin_w, 'pc2_lin_b': pc2_lin_b,
        'mlp0_w': mlp0_w, 'mlp0_b': mlp0_b,
        'mlp1_w': mlp1_w, 'mlp1_b': mlp1_b,
        'fc_w': fc_w, 'fc_b': fc_b,
    }
    return forward(p)

if __name__ == "__main__":
    import jax
    _d = setup_inputs()
    print(jax.jit(kernel)(*tuple(_d.values())))

</pallas_src>

<mosaic_0001>
#map = affine_map<(d0, d1) -> (0)>
#map1 = affine_map<(d0, d1) -> (0, 0)>
module attributes {stable_mosaic.version = 14 : i64} {
  func.func @body(%arg0: i32, %arg1: i32, %arg2: memref<147456xi32, #tpu.memory_space<hbm>>, %arg3: memref<16384x16xf32, #tpu.memory_space<hbm>>, %arg4: memref<16384x208xf32, #tpu.memory_space<hbm>>, %arg5: memref<147456x16xf32, #tpu.memory_space<hbm>>, %arg6: memref<147456x208xf32, #tpu.memory_space<hbm>>, %arg7: memref<128xi32, #tpu.memory_space<vmem>>, %arg8: memref<128x16xf32, #tpu.memory_space<vmem>>, %arg9: memref<128x208xf32, #tpu.memory_space<vmem>>, %arg10: memref<!tpu.dma_semaphore, #tpu.memory_space<semaphore_mem>>, %arg11: memref<!tpu.dma_semaphore, #tpu.memory_space<semaphore_mem>>) attributes {dimension_semantics = [#tpu.dimension_semantics<core_parallel>, #tpu.dimension_semantics<subcore_parallel>], iteration_bounds = array<i64: 2, 16>, scalar_prefetch = 0 : i64, scratch_operands = 5 : i64, tpu.core_type = #tpu.core_type<sc_vector_subcore>, window_params = [{transform_indices = #map}, {transform_indices = #map1}, {transform_indices = #map1}, {transform_indices = #map1}, {transform_indices = #map1}]} {
    %mul3A = arith.constant 2 : i32
    %mul3A_0 = arith.muli %arg1, %mul3A : i32
    %add3A = arith.addi %mul3A_0, %arg0 : i32
    %mul3A_1 = arith.constant 4608 : i32
    %mul3A_2 = arith.muli %add3A, %mul3A_1 : i32
    %scan3A = arith.constant 0 : i32
    %scan3A_3 = arith.constant 0 : i32
    %scan3A_4 = arith.constant 36 : i32
    %scan3A_5 = arith.addi %scan3A_3, %scan3A_4 : i32
    %scan3A_6 = arith.constant 1 : i32
    scf.for %scan3A_8 = %scan3A_3 to %scan3A_5 step %scan3A_6  : i32 {
      %mul3A_9 = arith.constant 128 : i32
      %mul3A_10 = arith.muli %scan3A_8, %mul3A_9 : i32
      %add3A_11 = arith.addi %mul3A_2, %mul3A_10 : i32
      "tpu.region"() ({
        %run_scoped3A = tpu.sem_alloc : memref<!tpu.dma_semaphore, #tpu.memory_space<semaphore_mem>>
        %dma_start3A_22 = tpu.memref_slice %arg2[%add3A_11] : memref<147456xi32, #tpu.memory_space<hbm>> -> memref<128xi32, #tpu.memory_space<hbm>>
        %dma_start3A_23 = tpu.memref_slice %arg2[%add3A_11] : memref<147456xi32, #tpu.memory_space<hbm>> -> memref<128xi32, #tpu.memory_space<hbm>>
        tpu.enqueue_dma source(%dma_start3A_23 : memref<128xi32, #tpu.memory_space<hbm>>) target(%arg7 : memref<128xi32, #tpu.memory_space<vmem>>) target_semaphore(%run_scoped3A : memref<!tpu.dma_semaphore, #tpu.memory_space<semaphore_mem>>)
        %dma_wait3A_24 = tpu.memref_slice %arg2[%add3A_11] : memref<147456xi32, #tpu.memory_space<hbm>> -> memref<128xi32, #tpu.memory_space<hbm>>
        %dma_wait3A_25 = tpu.memref_slice %arg2[%add3A_11] : memref<147456xi32, #tpu.memory_space<hbm>> -> memref<128xi32, #tpu.memory_space<hbm>>
        tpu.wait_dma2 semaphore(%run_scoped3A : memref<!tpu.dma_semaphore, #tpu.memory_space<semaphore_mem>>) src(%dma_wait3A_25 : memref<128xi32, #tpu.memory_space<hbm>>) dst(%arg7 : memref<128xi32, #tpu.memory_space<vmem>>)
        tpu.yield
      }) : () -> ()
      %dma_start3A = arith.constant 0 : i32
      %dma_start3A_12 = arith.constant 0 : i32
      %dma_start3A_13 = tpu.memref_slice %arg3[%dma_start3A, %dma_start3A_12] : memref<16384x16xf32, #tpu.memory_space<hbm>> -> memref<16384x16xf32, #tpu.memory_space<hbm>>
      tpu.enqueue_indirect_dma source(%dma_start3A_13 : memref<16384x16xf32, #tpu.memory_space<hbm>>) target(%arg8 : memref<128x16xf32, #tpu.memory_space<vmem>>) offsets(%arg7 : memref<128xi32, #tpu.memory_space<vmem>>) semaphore(%arg10 : memref<!tpu.dma_semaphore, #tpu.memory_space<semaphore_mem>>)
      %dma_start3A_14 = arith.constant 0 : i32
      %dma_start3A_15 = arith.constant 0 : i32
      %dma_start3A_16 = tpu.memref_slice %arg4[%dma_start3A_14, %dma_start3A_15] : memref<16384x208xf32, #tpu.memory_space<hbm>> -> memref<16384x208xf32, #tpu.memory_space<hbm>>
      tpu.enqueue_indirect_dma source(%dma_start3A_16 : memref<16384x208xf32, #tpu.memory_space<hbm>>) target(%arg9 : memref<128x208xf32, #tpu.memory_space<vmem>>) offsets(%arg7 : memref<128xi32, #tpu.memory_space<vmem>>) semaphore(%arg11 : memref<!tpu.dma_semaphore, #tpu.memory_space<semaphore_mem>>)
      %dma_wait3A = arith.constant 0 : i32
      %dma_wait3A_17 = arith.constant 0 : i32
      %dma_wait3A_18 = tpu.memref_slice %arg3[%dma_wait3A, %dma_wait3A_17] : memref<16384x16xf32, #tpu.memory_space<hbm>> -> memref<16384x16xf32, #tpu.memory_space<hbm>>
      tpu.wait_indirect_dma semaphore(%arg10 : memref<!tpu.dma_semaphore, #tpu.memory_space<semaphore_mem>>) src(%dma_wait3A_18 : memref<16384x16xf32, #tpu.memory_space<hbm>>) dst(%arg8 : memref<128x16xf32, #tpu.memory_space<vmem>>)
      %dma_wait3A_19 = arith.constant 0 : i32
      %dma_wait3A_20 = arith.constant 0 : i32
      %dma_wait3A_21 = tpu.memref_slice %arg4[%dma_wait3A_19, %dma_wait3A_20] : memref<16384x208xf32, #tpu.memory_space<hbm>> -> memref<16384x208xf32, #tpu.memory_space<hbm>>
      tpu.wait_indirect_dma semaphore(%arg11 : memref<!tpu.dma_semaphore, #tpu.memory_space<semaphore_mem>>) src(%dma_wait3A_21 : memref<16384x208xf32, #tpu.memory_space<hbm>>) dst(%arg9 : memref<128x208xf32, #tpu.memory_space<vmem>>)
      "tpu.region"() ({
        %run_scoped3A = tpu.sem_alloc : memref<!tpu.dma_semaphore, #tpu.memory_space<semaphore_mem>>
        %dma_start3A_22 = arith.constant 0 : i32
        %dma_start3A_23 = tpu.memref_slice %arg5[%add3A_11, %dma_start3A_22] : memref<147456x16xf32, #tpu.memory_space<hbm>> -> memref<128x16xf32, #tpu.memory_space<hbm>>
        %dma_start3A_24 = arith.constant 0 : i32
        %dma_start3A_25 = tpu.memref_slice %arg5[%add3A_11, %dma_start3A_24] : memref<147456x16xf32, #tpu.memory_space<hbm>> -> memref<128x16xf32, #tpu.memory_space<hbm>>
        tpu.enqueue_dma source(%arg8 : memref<128x16xf32, #tpu.memory_space<vmem>>) target(%dma_start3A_25 : memref<128x16xf32, #tpu.memory_space<hbm>>) target_semaphore(%run_scoped3A : memref<!tpu.dma_semaphore, #tpu.memory_space<semaphore_mem>>)
        %dma_wait3A_26 = arith.constant 0 : i32
        %dma_wait3A_27 = tpu.memref_slice %arg5[%add3A_11, %dma_wait3A_26] : memref<147456x16xf32, #tpu.memory_space<hbm>> -> memref<128x16xf32, #tpu.memory_space<hbm>>
        %dma_wait3A_28 = arith.constant 0 : i32
        %dma_wait3A_29 = tpu.memref_slice %arg5[%add3A_11, %dma_wait3A_28] : memref<147456x16xf32, #tpu.memory_space<hbm>> -> memref<128x16xf32, #tpu.memory_space<hbm>>
        tpu.wait_dma2 semaphore(%run_scoped3A : memref<!tpu.dma_semaphore, #tpu.memory_space<semaphore_mem>>) src(%arg8 : memref<128x16xf32, #tpu.memory_space<vmem>>) dst(%dma_wait3A_29 : memref<128x16xf32, #tpu.memory_space<hbm>>)
        tpu.yield
      }) : () -> ()
      "tpu.region"() ({
        %run_scoped3A = tpu.sem_alloc : memref<!tpu.dma_semaphore, #tpu.memory_space<semaphore_mem>>
        %dma_start3A_22 = arith.constant 0 : i32
        %dma_start3A_23 = tpu.memref_slice %arg6[%add3A_11, %dma_start3A_22] : memref<147456x208xf32, #tpu.memory_space<hbm>> -> memref<128x208xf32, #tpu.memory_space<hbm>>
        %dma_start3A_24 = arith.constant 0 : i32
        %dma_start3A_25 = tpu.memref_slice %arg6[%add3A_11, %dma_start3A_24] : memref<147456x208xf32, #tpu.memory_space<hbm>> -> memref<128x208xf32, #tpu.memory_space<hbm>>
        tpu.enqueue_dma source(%arg9 : memref<128x208xf32, #tpu.memory_space<vmem>>) target(%dma_start3A_25 : memref<128x208xf32, #tpu.memory_space<hbm>>) target_semaphore(%run_scoped3A : memref<!tpu.dma_semaphore, #tpu.memory_space<semaphore_mem>>)
        %dma_wait3A_26 = arith.constant 0 : i32
        %dma_wait3A_27 = tpu.memref_slice %arg6[%add3A_11, %dma_wait3A_26] : memref<147456x208xf32, #tpu.memory_space<hbm>> -> memref<128x208xf32, #tpu.memory_space<hbm>>
        %dma_wait3A_28 = arith.constant 0 : i32
        %dma_wait3A_29 = tpu.memref_slice %arg6[%add3A_11, %dma_wait3A_28] : memref<147456x208xf32, #tpu.memory_space<hbm>> -> memref<128x208xf32, #tpu.memory_space<hbm>>
        tpu.wait_dma2 semaphore(%run_scoped3A : memref<!tpu.dma_semaphore, #tpu.memory_space<semaphore_mem>>) src(%arg9 : memref<128x208xf32, #tpu.memory_space<vmem>>) dst(%dma_wait3A_29 : memref<128x208xf32, #tpu.memory_space<hbm>>)
        tpu.yield
      }) : () -> ()
    }
    %scan3A_7 = arith.constant 36 : i32
    return
  }
}

#map = affine_map<(d0, d1) -> (0)>
#map1 = affine_map<(d0, d1) -> (0, 0)>
module attributes {stable_mosaic.version = 14 : i64} {
  func.func @body(%arg0: i32, %arg1: i32, %arg2: memref<147456xi32, #tpu.memory_space<hbm>>, %arg3: memref<16384x128xf32, #tpu.memory_space<hbm>>, %arg4: memref<147456x128xf32, #tpu.memory_space<hbm>>, %arg5: memref<128xi32, #tpu.memory_space<vmem>>, %arg6: memref<128x128xf32, #tpu.memory_space<vmem>>, %arg7: memref<!tpu.dma_semaphore, #tpu.memory_space<semaphore_mem>>) attributes {dimension_semantics = [#tpu.dimension_semantics<core_parallel>, #tpu.dimension_semantics<subcore_parallel>], iteration_bounds = array<i64: 2, 16>, scalar_prefetch = 0 : i64, scratch_operands = 3 : i64, tpu.core_type = #tpu.core_type<sc_vector_subcore>, window_params = [{transform_indices = #map}, {transform_indices = #map1}, {transform_indices = #map1}]} {
    %mul3A = arith.constant 2 : i32
    %mul3A_0 = arith.muli %arg1, %mul3A : i32
    %add3A = arith.addi %mul3A_0, %arg0 : i32
    %mul3A_1 = arith.constant 4608 : i32
    %mul3A_2 = arith.muli %add3A, %mul3A_1 : i32
    %scan3A = arith.constant 0 : i32
    %scan3A_3 = arith.constant 0 : i32
    %scan3A_4 = arith.constant 36 : i32
    %scan3A_5 = arith.addi %scan3A_3, %scan3A_4 : i32
    %scan3A_6 = arith.constant 1 : i32
    scf.for %scan3A_8 = %scan3A_3 to %scan3A_5 step %scan3A_6  : i32 {
      %mul3A_9 = arith.constant 128 : i32
      %mul3A_10 = arith.muli %scan3A_8, %mul3A_9 : i32
      %add3A_11 = arith.addi %mul3A_2, %mul3A_10 : i32
      "tpu.region"() ({
        %run_scoped3A = tpu.sem_alloc : memref<!tpu.dma_semaphore, #tpu.memory_space<semaphore_mem>>
        %dma_start3A_16 = tpu.memref_slice %arg2[%add3A_11] : memref<147456xi32, #tpu.memory_space<hbm>> -> memref<128xi32, #tpu.memory_space<hbm>>
        %dma_start3A_17 = tpu.memref_slice %arg2[%add3A_11] : memref<147456xi32, #tpu.memory_space<hbm>> -> memref<128xi32, #tpu.memory_space<hbm>>
        tpu.enqueue_dma source(%dma_start3A_17 : memref<128xi32, #tpu.memory_space<hbm>>) target(%arg5 : memref<128xi32, #tpu.memory_space<vmem>>) target_semaphore(%run_scoped3A : memref<!tpu.dma_semaphore, #tpu.memory_space<semaphore_mem>>)
        %dma_wait3A_18 = tpu.memref_slice %arg2[%add3A_11] : memref<147456xi32, #tpu.memory_space<hbm>> -> memref<128xi32, #tpu.memory_space<hbm>>
        %dma_wait3A_19 = tpu.memref_slice %arg2[%add3A_11] : memref<147456xi32, #tpu.memory_space<hbm>> -> memref<128xi32, #tpu.memory_space<hbm>>
        tpu.wait_dma2 semaphore(%run_scoped3A : memref<!tpu.dma_semaphore, #tpu.memory_space<semaphore_mem>>) src(%dma_wait3A_19 : memref<128xi32, #tpu.memory_space<hbm>>) dst(%arg5 : memref<128xi32, #tpu.memory_space<vmem>>)
        tpu.yield
      }) : () -> ()
      %dma_start3A = arith.constant 0 : i32
      %dma_start3A_12 = arith.constant 0 : i32
      %dma_start3A_13 = tpu.memref_slice %arg3[%dma_start3A, %dma_start3A_12] : memref<16384x128xf32, #tpu.memory_space<hbm>> -> memref<16384x128xf32, #tpu.memory_space<hbm>>
      tpu.enqueue_indirect_dma source(%dma_start3A_13 : memref<16384x128xf32, #tpu.memory_space<hbm>>) target(%arg6 : memref<128x128xf32, #tpu.memory_space<vmem>>) offsets(%arg5 : memref<128xi32, #tpu.memory_space<vmem>>) semaphore(%arg7 : memref<!tpu.dma_semaphore, #tpu.memory_space<semaphore_mem>>)
      %dma_wait3A = arith.constant 0 : i32
      %dma_wait3A_14 = arith.constant 0 : i32
      %dma_wait3A_15 = tpu.memref_slice %arg3[%dma_wait3A, %dma_wait3A_14] : memref<16384x128xf32, #tpu.memory_space<hbm>> -> memref<16384x128xf32, #tpu.memory_space<hbm>>
      tpu.wait_indirect_dma semaphore(%arg7 : memref<!tpu.dma_semaphore, #tpu.memory_space<semaphore_mem>>) src(%dma_wait3A_15 : memref<16384x128xf32, #tpu.memory_space<hbm>>) dst(%arg6 : memref<128x128xf32, #tpu.memory_space<vmem>>)
      "tpu.region"() ({
        %run_scoped3A = tpu.sem_alloc : memref<!tpu.dma_semaphore, #tpu.memory_space<semaphore_mem>>
        %dma_start3A_16 = arith.constant 0 : i32
        %dma_start3A_17 = tpu.memref_slice %arg4[%add3A_11, %dma_start3A_16] : memref<147456x128xf32, #tpu.memory_space<hbm>> -> memref<128x128xf32, #tpu.memory_space<hbm>>
        %dma_start3A_18 = arith.constant 0 : i32
        %dma_start3A_19 = tpu.memref_slice %arg4[%add3A_11, %dma_start3A_18] : memref<147456x128xf32, #tpu.memory_space<hbm>> -> memref<128x128xf32, #tpu.memory_space<hbm>>
        tpu.enqueue_dma source(%arg6 : memref<128x128xf32, #tpu.memory_space<vmem>>) target(%dma_start3A_19 : memref<128x128xf32, #tpu.memory_space<hbm>>) target_semaphore(%run_scoped3A : memref<!tpu.dma_semaphore, #tpu.memory_space<semaphore_mem>>)
        %dma_wait3A_20 = arith.constant 0 : i32
        %dma_wait3A_21 = tpu.memref_slice %arg4[%add3A_11, %dma_wait3A_20] : memref<147456x128xf32, #tpu.memory_space<hbm>> -> memref<128x128xf32, #tpu.memory_space<hbm>>
        %dma_wait3A_22 = arith.constant 0 : i32
        %dma_wait3A_23 = tpu.memref_slice %arg4[%add3A_11, %dma_wait3A_22] : memref<147456x128xf32, #tpu.memory_space<hbm>> -> memref<128x128xf32, #tpu.memory_space<hbm>>
        tpu.wait_dma2 semaphore(%run_scoped3A : memref<!tpu.dma_semaphore, #tpu.memory_space<semaphore_mem>>) src(%arg6 : memref<128x128xf32, #tpu.memory_space<vmem>>) dst(%dma_wait3A_23 : memref<128x128xf32, #tpu.memory_space<hbm>>)
        tpu.yield
      }) : () -> ()
    }
    %scan3A_7 = arith.constant 36 : i32
    return
  }
}

module attributes {stable_mosaic.version = 14 : i64} {
  func.func @_knn_body(%arg0: i32, %arg1: i32, %arg2: memref<1x3x512xf32, #tpu.memory_space<vmem>>, %arg3: memref<1x3x4096xf32, #tpu.memory_space<vmem>>, %arg4: memref<1x512x1xf32, #tpu.memory_space<vmem>>, %arg5: memref<1x1x4096xf32, #tpu.memory_space<vmem>>, %arg6: memref<1x512x9xi32, #tpu.memory_space<vmem>>) attributes {dimension_semantics = [#tpu.dimension_semantics<arbitrary>, #tpu.dimension_semantics<arbitrary>], iteration_bounds = array<i64: 4, 8>, scalar_prefetch = 0 : i64, scratch_operands = 0 : i64, tpu.core_type = #tpu.core_type<tc>, window_params = [{transform_indices = @transform_0, window_bounds = array<i64: 1, 3, 512>}, {transform_indices = @transform_1, window_bounds = array<i64: 1, 3, 4096>}, {transform_indices = @transform_2, window_bounds = array<i64: 1, 512, 1>}, {transform_indices = @transform_3, window_bounds = array<i64: 1, 1, 4096>}, {transform_indices = @transform_4, window_bounds = array<i64: 1, 512, 9>}]} {
    %get3A = arith.constant 0 : index
    %get3A_0 = arith.constant 0 : index
    %get3A_1 = arith.constant 0 : index
    %get3A_2 = vector.load %arg2[%get3A, %get3A_0, %get3A_1] : memref<1x3x512xf32, #tpu.memory_space<vmem>>, vector<1x3x512xf32>
    %get3A_3 = vector.shape_cast %get3A_2 : vector<1x3x512xf32> to vector<3x512xf32>
    %get3A_4 = arith.constant 0 : index
    %get3A_5 = arith.constant 0 : index
    %get3A_6 = arith.constant 0 : index
    %get3A_7 = vector.load %arg3[%get3A_4, %get3A_5, %get3A_6] : memref<1x3x4096xf32, #tpu.memory_space<vmem>>, vector<1x3x4096xf32>
    %get3A_8 = vector.shape_cast %get3A_7 : vector<1x3x4096xf32> to vector<3x4096xf32>
    %get3A_9 = arith.constant 0 : index
    %get3A_10 = arith.constant 0 : index
    %get3A_11 = arith.constant 0 : index
    %get3A_12 = vector.load %arg4[%get3A_9, %get3A_10, %get3A_11] : memref<1x512x1xf32, #tpu.memory_space<vmem>>, vector<1x512x1xf32>
    %get3A_13 = vector.shape_cast %get3A_12 : vector<1x512x1xf32> to vector<512x1xf32>
    %get3A_14 = arith.constant 0 : index
    %get3A_15 = arith.constant 0 : index
    %get3A_16 = arith.constant 0 : index
    %get3A_17 = vector.load %arg5[%get3A_14, %get3A_15, %get3A_16] : memref<1x1x4096xf32, #tpu.memory_space<vmem>>, vector<1x1x4096xf32>
    %get3A_18 = vector.shape_cast %get3A_17 : vector<1x1x4096xf32> to vector<1x4096xf32>
    %convert_element_type3A = arith.truncf %get3A_3 : vector<3x512xf32> to vector<3x512xbf16>
    %convert_element_type3A_19 = arith.truncf %get3A_8 : vector<3x4096xf32> to vector<3x4096xbf16>
    %dot_general3A = arith.constant dense<0.000000e+00> : vector<512x4096xf32>
    %dot_general3A_20 = tpu.matmul %convert_element_type3A, %convert_element_type3A_19, %dot_general3A {dimension_numbers = #tpu.dot_dimension_numbers<[0], [0], [1], [1], [0, 1, 1, 1], [], []>, transpose_lhs_hint = false} : vector<3x512xbf16>, vector<3x4096xbf16>, vector<512x4096xf32> -> vector<512x4096xf32>
    %add3A = vector.broadcast %get3A_13 : vector<512x1xf32> to vector<512x4096xf32>
    %add3A_21 = vector.broadcast %get3A_18 : vector<1x4096xf32> to vector<512x4096xf32>
    %add3A_22 = arith.addf %add3A, %add3A_21 : vector<512x4096xf32>
    %mul3A = arith.constant 2.000000e+00 : f32
    %mul3A_23 = vector.broadcast %mul3A : f32 to vector<512x4096xf32>
    %mul3A_24 = arith.mulf %mul3A_23, %dot_general3A_20 : vector<512x4096xf32>
    %sub3A = arith.subf %add3A_22, %mul3A_24 : vector<512x4096xf32>
    %iota3A = tpu.iota {dimensions = array<i32: 1>} : vector<512x4096xi32>
    %iota3A_25 = tpu.iota {dimensions = array<i32: 1>} : vector<512x16xi32>
    %neg3A = arith.constant 0.000000e+00 : f32
    %neg3A_26 = vector.broadcast %neg3A : f32 to vector<512x4096xf32>
    %neg3A_27 = arith.subf %neg3A_26, %sub3A : vector<512x4096xf32>
    %broadcast_in_dim3A = arith.constant 0 : i32
    %broadcast_in_dim3A_28 = vector.broadcast %broadcast_in_dim3A : i32 to vector<512x16xi32>
    %scan3A = arith.constant 0 : i32
    %scan3A_29 = arith.constant 9 : i32
    %scan3A_30 = arith.addi %scan3A, %scan3A_29 : i32
    %scan3A_31 = arith.constant 1 : i32
    %scan3A_32:2 = scf.for %scan3A_43 = %scan3A to %scan3A_30 step %scan3A_31 iter_args(%scan3A_44 = %neg3A_27, %scan3A_45 = %broadcast_in_dim3A_28) -> (vector<512x4096xf32>, vector<512x16xi32>)  : i32 {
      %reduce_max3A = arith.constant dense<0xFF800000> : vector<512xf32>
      %reduce_max3A_46 = vector.multi_reduction <maximumf>, %scan3A_44, %reduce_max3A [1] : vector<512x4096xf32> to vector<512xf32>
      %broadcast_in_dim3A_47 = vector.shape_cast %reduce_max3A_46 : vector<512xf32> to vector<512x1xf32>
      %eq3A = vector.broadcast %broadcast_in_dim3A_47 : vector<512x1xf32> to vector<512x4096xf32>
      %eq3A_48 = arith.cmpf oeq, %scan3A_44, %eq3A : vector<512x4096xf32>
      %jit3A = arith.constant 4096 : i32
      %broadcast_in_dim3A_49 = vector.broadcast %jit3A : i32 to vector<512x4096xi32>
      %select_n3A = arith.select %eq3A_48, %iota3A, %broadcast_in_dim3A_49 : vector<512x4096xi1>, vector<512x4096xi32>
      %reduce_min3A = arith.constant dense<2147483647> : vector<512xi32>
      %reduce_min3A_50 = vector.multi_reduction <minsi>, %select_n3A, %reduce_min3A [1] : vector<512x4096xi32> to vector<512xi32>
      %broadcast_in_dim3A_51 = vector.shape_cast %reduce_min3A_50 : vector<512xi32> to vector<512x1xi32>
      %eq3A_52 = vector.broadcast %broadcast_in_dim3A_51 : vector<512x1xi32> to vector<512x4096xi32>
      %eq3A_53 = arith.cmpi eq, %iota3A, %eq3A_52 : vector<512x4096xi32>
      %jit3A_54 = arith.constant 0xFF800000 : f32
      %broadcast_in_dim3A_55 = vector.broadcast %jit3A_54 : f32 to vector<512x4096xf32>
      %select_n3A_56 = arith.select %eq3A_53, %broadcast_in_dim3A_55, %scan3A_44 : vector<512x4096xi1>, vector<512x4096xf32>
      %eq3A_57 = vector.broadcast %scan3A_43 : i32 to vector<512x16xi32>
      %eq3A_58 = arith.cmpi eq, %iota3A_25, %eq3A_57 : vector<512x16xi32>
      %convert_element_type3A_59 = arith.extui %eq3A_58 : vector<512x16xi1> to vector<512x16xi32>
      %mul3A_60 = vector.broadcast %broadcast_in_dim3A_51 : vector<512x1xi32> to vector<512x16xi32>
      %mul3A_61 = arith.muli %mul3A_60, %convert_element_type3A_59 : vector<512x16xi32>
      %add3A_62 = arith.addi %scan3A_45, %mul3A_61 : vector<512x16xi32>
      scf.yield %select_n3A_56, %add3A_62 : vector<512x4096xf32>, vector<512x16xi32>
    }
    %scan3A_33 = arith.constant 9 : i32
    %slice3A = vector.extract_strided_slice %scan3A_32#1 {offsets = [0, 0], sizes = [512, 9], strides = [1, 1]} : vector<512x16xi32> to vector<512x9xi32>
    %mul3A_34 = arith.constant 4096 : i32
    %mul3A_35 = arith.muli %arg0, %mul3A_34 : i32
    %add3A_36 = vector.broadcast %mul3A_35 : i32 to vector<512x9xi32>
    %add3A_37 = arith.addi %slice3A, %add3A_36 : vector<512x9xi32>
    %swap3A = arith.constant 0 : index
    %swap3A_38 = arith.constant 0 : index
    %swap3A_39 = arith.constant 0 : index
    %swap3A_40 = vector.load %arg6[%swap3A, %swap3A_38, %swap3A_39] : memref<1x512x9xi32, #tpu.memory_space<vmem>>, vector<1x512x9xi32>
    %swap3A_41 = vector.shape_cast %swap3A_40 : vector<1x512x9xi32> to vector<512x9xi32>
    %swap3A_42 = vector.shape_cast %add3A_37 : vector<512x9xi32> to vector<1x512x9xi32>
    tpu.vector_store %arg6[%swap3A, %swap3A_38, %swap3A_39], %swap3A_42 {strides = array<i32>} : memref<1x512x9xi32, #tpu.memory_space<vmem>>, vector<1x512x9xi32>,
    return
  }
  func.func @transform_0(%arg0: i32, %arg1: i32) -> (i32, i32, i32) {
    %c0_i32 = arith.constant 0 : i32
    %c0_i32_0 = arith.constant 0 : i32
    return %arg0, %c0_i32, %arg1 : i32, i32, i32
  }
  func.func @transform_1(%arg0: i32, %arg1: i32) -> (i32, i32, i32) {
    %c0_i32 = arith.constant 0 : i32
    %c0_i32_0 = arith.constant 0 : i32
    %c0_i32_1 = arith.constant 0 : i32
    return %arg0, %c0_i32, %c0_i32_0 : i32, i32, i32
  }
  func.func @transform_2(%arg0: i32, %arg1: i32) -> (i32, i32, i32) {
    %c0_i32 = arith.constant 0 : i32
    %c0_i32_0 = arith.constant 0 : i32
    return %arg0, %arg1, %c0_i32 : i32, i32, i32
  }
  func.func @transform_3(%arg0: i32, %arg1: i32) -> (i32, i32, i32) {
    %c0_i32 = arith.constant 0 : i32
    %c0_i32_0 = arith.constant 0 : i32
    %c0_i32_1 = arith.constant 0 : i32
    return %arg0, %c0_i32, %c0_i32_0 : i32, i32, i32
  }
  func.func @transform_4(%arg0: i32, %arg1: i32) -> (i32, i32, i32) {
    %c0_i32 = arith.constant 0 : i32
    %c0_i32_0 = arith.constant 0 : i32
    return %arg0, %arg1, %c0_i32 : i32, i32, i32
  }
}

module attributes {stable_mosaic.version = 14 : i64} {
  func.func @_pc1_body(%arg0: i32, %arg1: i32, %arg2: memref<1x256x9x208xf32, #tpu.memory_space<vmem>>, %arg3: memref<1x256x9x16xf32, #tpu.memory_space<vmem>>, %arg4: memref<1x256x16xf32, #tpu.memory_space<vmem>>, %arg5: memref<16x128x208xbf16, #tpu.memory_space<vmem>>, %arg6: memref<16x128x16xbf16, #tpu.memory_space<vmem>>, %arg7: memref<8x16xbf16, #tpu.memory_space<vmem>>, %arg8: memref<8x1xf32, #tpu.memory_space<vmem>>, %arg9: memref<8x8xbf16, #tpu.memory_space<vmem>>, %arg10: memref<8x1xf32, #tpu.memory_space<vmem>>, %arg11: memref<16x8xbf16, #tpu.memory_space<vmem>>, %arg12: memref<16x1xf32, #tpu.memory_space<vmem>>, %arg13: memref<128x1xf32, #tpu.memory_space<vmem>>, %arg14: memref<1x256x128xf32, #tpu.memory_space<vmem>>) attributes {dimension_semantics = [#tpu.dimension_semantics<arbitrary>, #tpu.dimension_semantics<arbitrary>], iteration_bounds = array<i64: 4, 16>, scalar_prefetch = 0 : i64, scratch_operands = 0 : i64, tpu.core_type = #tpu.core_type<tc>, window_params = [{transform_indices = @transform_0, window_bounds = array<i64: 1, 256, 9, 208>}, {transform_indices = @transform_1, window_bounds = array<i64: 1, 256, 9, 16>}, {transform_indices = @transform_2, window_bounds = array<i64: 1, 256, 16>}, {pipeline_mode = #tpu.pipeline_mode<synchronous>, transform_indices = @transform_3, window_bounds = array<i64: 16, 128, 208>}, {pipeline_mode = #tpu.pipeline_mode<synchronous>, transform_indices = @transform_4, window_bounds = array<i64: 16, 128, 16>}, {pipeline_mode = #tpu.pipeline_mode<synchronous>, transform_indices = @transform_5, window_bounds = array<i64: 8, 16>}, {pipeline_mode = #tpu.pipeline_mode<synchronous>, transform_indices = @transform_6, window_bounds = array<i64: 8, 1>}, {pipeline_mode = #tpu.pipeline_mode<synchronous>, transform_indices = @transform_7, window_bounds = array<i64: 8, 8>}, {pipeline_mode = #tpu.pipeline_mode<synchronous>, transform_indices = @transform_8, window_bounds = array<i64: 8, 1>}, {pipeline_mode = #tpu.pipeline_mode<synchronous>, transform_indices = @transform_9, window_bounds = array<i64: 16, 8>}, {pipeline_mode = #tpu.pipeline_mode<synchronous>, transform_indices = @transform_10, window_bounds = array<i64: 16, 1>}, {pipeline_mode = #tpu.pipeline_mode<synchronous>, transform_indices = @transform_11, window_bounds = array<i64: 128, 1>}, {transform_indices = @transform_12, window_bounds = array<i64: 1, 256, 128>}]} {
    %sqrt3A = arith.constant 1.000010e+00 : f32
    %sqrt3A_0 = math.sqrt %sqrt3A : f32
    %div3A = arith.constant 1.000000e+00 : f32
    %div3A_1 = arith.divf %div3A, %sqrt3A_0 : f32
    %get3A = arith.constant 0 : index
    %get3A_2 = arith.constant 0 : index
    %get3A_3 = vector.load %arg7[%get3A, %get3A_2] : memref<8x16xbf16, #tpu.memory_space<vmem>>, vector<8x16xbf16>
    %get3A_4 = arith.constant 0 : index
    %get3A_5 = arith.constant 0 : index
    %get3A_6 = vector.load %arg8[%get3A_4, %get3A_5] : memref<8x1xf32, #tpu.memory_space<vmem>>, vector<8x1xf32>
    %get3A_7 = arith.constant 0 : index
    %get3A_8 = arith.constant 0 : index
    %get3A_9 = vector.load %arg9[%get3A_7, %get3A_8] : memref<8x8xbf16, #tpu.memory_space<vmem>>, vector<8x8xbf16>
    %get3A_10 = arith.constant 0 : index
    %get3A_11 = arith.constant 0 : index
    %get3A_12 = vector.load %arg10[%get3A_10, %get3A_11] : memref<8x1xf32, #tpu.memory_space<vmem>>, vector<8x1xf32>
    %get3A_13 = arith.constant 0 : index
    %get3A_14 = arith.constant 0 : index
    %get3A_15 = vector.load %arg11[%get3A_13, %get3A_14] : memref<16x8xbf16, #tpu.memory_space<vmem>>, vector<16x8xbf16>
    %get3A_16 = arith.constant 0 : index
    %get3A_17 = arith.constant 0 : index
    %get3A_18 = vector.load %arg12[%get3A_16, %get3A_17] : memref<16x1xf32, #tpu.memory_space<vmem>>, vector<16x1xf32>
    %get3A_19 = arith.constant 0 : index
    %get3A_20 = arith.constant 0 : index
    %get3A_21 = vector.load %arg13[%get3A_19, %get3A_20] : memref<128x1xf32, #tpu.memory_space<vmem>>, vector<128x1xf32>
    %get3A_22 = arith.constant 0 : index
    %get3A_23 = arith.constant 0 : index
    %get3A_24 = arith.constant 0 : index
    %get3A_25 = vector.load %arg4[%get3A_22, %get3A_23, %get3A_24] : memref<1x256x16xf32, #tpu.memory_space<vmem>>, vector<1x256x16xf32>
    %get3A_26 = vector.shape_cast %get3A_25 : vector<1x256x16xf32> to vector<256x16xf32>
    %transpose3A = tpu.transpose %get3A_26, [1, 0] : vector<256x16xf32> -> vector<16x256xf32>
    %get3A_27 = arith.constant 0 : index
    %get3A_28 = arith.constant 0 : index
    %get3A_29 = arith.constant 0 : index
    %get3A_30 = arith.constant 0 : index
    %get3A_31 = vector.load %arg2[%get3A_27, %get3A_28, %get3A_29, %get3A_30] : memref<1x256x9x208xf32, #tpu.memory_space<vmem>>, vector<1x256x1x208xf32>
    %get3A_32 = vector.shape_cast %get3A_31 : vector<1x256x1x208xf32> to vector<256x208xf32>
    %transpose3A_33 = tpu.transpose %get3A_32, [1, 0] : vector<256x208xf32> -> vector<208x256xf32>
    %get3A_34 = arith.constant 0 : index
    %get3A_35 = arith.constant 0 : index
    %get3A_36 = arith.constant 0 : index
    %get3A_37 = arith.constant 0 : index
    %get3A_38 = vector.load %arg3[%get3A_34, %get3A_35, %get3A_36, %get3A_37] : memref<1x256x9x16xf32, #tpu.memory_space<vmem>>, vector<1x256x1x16xf32>
    %get3A_39 = vector.shape_cast %get3A_38 : vector<1x256x1x16xf32> to vector<256x16xf32>
    %transpose3A_40 = tpu.transpose %get3A_39, [1, 0] : vector<256x16xf32> -> vector<16x256xf32>
    %sub3A = arith.subf %transpose3A_40, %transpose3A : vector<16x256xf32>
    %convert_element_type3A = arith.truncf %sub3A : vector<16x256xf32> to vector<16x256xbf16>
    %dot_general3A = arith.constant dense<0.000000e+00> : vector<8x256xf32>
    %dot_general3A_41 = tpu.matmul %get3A_3, %convert_element_type3A, %dot_general3A {dimension_numbers = #tpu.dot_dimension_numbers<[1], [0], [0], [1], [0, 0, 1, 1], [], []>, transpose_lhs_hint = false} : vector<8x16xbf16>, vector<16x256xbf16>, vector<8x256xf32> -> vector<8x256xf32>
    %add3A = vector.broadcast %get3A_6 : vector<8x1xf32> to vector<8x256xf32>
    %add3A_42 = arith.addf %dot_general3A_41, %add3A : vector<8x256xf32>
    %mul3A = vector.broadcast %div3A_1 : f32 to vector<8x256xf32>
    %mul3A_43 = arith.mulf %mul3A, %add3A_42 : vector<8x256xf32>
    %max3A = arith.constant 0.000000e+00 : f32
    %max3A_44 = vector.broadcast %max3A : f32 to vector<8x256xf32>
    %max3A_45 = arith.maximumf %mul3A_43, %max3A_44 : vector<8x256xf32>
    %convert_element_type3A_46 = arith.truncf %max3A_45 : vector<8x256xf32> to vector<8x256xbf16>
    %dot_general3A_47 = arith.constant dense<0.000000e+00> : vector<8x256xf32>
    %dot_general3A_48 = tpu.matmul %get3A_9, %convert_element_type3A_46, %dot_general3A_47 {dimension_numbers = #tpu.dot_dimension_numbers<[1], [0], [0], [1], [0, 0, 1, 1], [], []>, transpose_lhs_hint = false} : vector<8x8xbf16>, vector<8x256xbf16>, vector<8x256xf32> -> vector<8x256xf32>
    %add3A_49 = vector.broadcast %get3A_12 : vector<8x1xf32> to vector<8x256xf32>
    %add3A_50 = arith.addf %dot_general3A_48, %add3A_49 : vector<8x256xf32>
    %mul3A_51 = vector.broadcast %div3A_1 : f32 to vector<8x256xf32>
    %mul3A_52 = arith.mulf %mul3A_51, %add3A_50 : vector<8x256xf32>
    %max3A_53 = arith.constant 0.000000e+00 : f32
    %max3A_54 = vector.broadcast %max3A_53 : f32 to vector<8x256xf32>
    %max3A_55 = arith.maximumf %mul3A_52, %max3A_54 : vector<8x256xf32>
    %convert_element_type3A_56 = arith.truncf %max3A_55 : vector<8x256xf32> to vector<8x256xbf16>
    %dot_general3A_57 = arith.constant dense<0.000000e+00> : vector<16x256xf32>
    %dot_general3A_58 = tpu.matmul %get3A_15, %convert_element_type3A_56, %dot_general3A_57 {dimension_numbers = #tpu.dot_dimension_numbers<[1], [0], [0], [1], [0, 0, 1, 1], [], []>, transpose_lhs_hint = false} : vector<16x8xbf16>, vector<8x256xbf16>, vector<16x256xf32> -> vector<16x256xf32>
    %add3A_59 = vector.broadcast %get3A_18 : vector<16x1xf32> to vector<16x256xf32>
    %add3A_60 = arith.addf %dot_general3A_58, %add3A_59 : vector<16x256xf32>
    %mul3A_61 = vector.broadcast %div3A_1 : f32 to vector<16x256xf32>
    %mul3A_62 = arith.mulf %mul3A_61, %add3A_60 : vector<16x256xf32>
    %max3A_63 = arith.constant 0.000000e+00 : f32
    %max3A_64 = vector.broadcast %max3A_63 : f32 to vector<16x256xf32>
    %max3A_65 = arith.maximumf %mul3A_62, %max3A_64 : vector<16x256xf32>
    %convert_element_type3A_66 = arith.truncf %max3A_65 : vector<16x256xf32> to vector<16x256xbf16>
    %convert_element_type3A_67 = arith.extf %convert_element_type3A_66 : vector<16x256xbf16> to vector<16x256xf32>
    %convert_element_type3A_68 = arith.extf %convert_element_type3A : vector<16x256xbf16> to vector<16x256xf32>
    %slice3A = vector.extract_strided_slice %convert_element_type3A_67 {offsets = [0, 0], sizes = [1, 256], strides = [1, 1]} : vector<16x256xf32> to vector<1x256xf32>
    %mul3A_69 = vector.broadcast %slice3A : vector<1x256xf32> to vector<208x256xf32>
    %mul3A_70 = arith.mulf %transpose3A_33, %mul3A_69 : vector<208x256xf32>
    %mul3A_71 = vector.broadcast %slice3A : vector<1x256xf32> to vector<16x256xf32>
    %mul3A_72 = arith.mulf %convert_element_type3A_68, %mul3A_71 : vector<16x256xf32>
    %slice3A_73 = vector.extract_strided_slice %convert_element_type3A_67 {offsets = [1, 0], sizes = [1, 256], strides = [1, 1]} : vector<16x256xf32> to vector<1x256xf32>
    %mul3A_74 = vector.broadcast %slice3A_73 : vector<1x256xf32> to vector<208x256xf32>
    %mul3A_75 = arith.mulf %transpose3A_33, %mul3A_74 : vector<208x256xf32>
    %mul3A_76 = vector.broadcast %slice3A_73 : vector<1x256xf32> to vector<16x256xf32>
    %mul3A_77 = arith.mulf %convert_element_type3A_68, %mul3A_76 : vector<16x256xf32>
    %slice3A_78 = vector.extract_strided_slice %convert_element_type3A_67 {offsets = [2, 0], sizes = [1, 256], strides = [1, 1]} : vector<16x256xf32> to vector<1x256xf32>
    %mul3A_79 = vector.broadcast %slice3A_78 : vector<1x256xf32> to vector<208x256xf32>
    %mul3A_80 = arith.mulf %transpose3A_33, %mul3A_79 : vector<208x256xf32>
    %mul3A_81 = vector.broadcast %slice3A_78 : vector<1x256xf32> to vector<16x256xf32>
    %mul3A_82 = arith.mulf %convert_element_type3A_68, %mul3A_81 : vector<16x256xf32>
    %slice3A_83 = vector.extract_strided_slice %convert_element_type3A_67 {offsets = [3, 0], sizes = [1, 256], strides = [1, 1]} : vector<16x256xf32> to vector<1x256xf32>
    %mul3A_84 = vector.broadcast %slice3A_83 : vector<1x256xf32> to vector<208x256xf32>
    %mul3A_85 = arith.mulf %transpose3A_33, %mul3A_84 : vector<208x256xf32>
    %mul3A_86 = vector.broadcast %slice3A_83 : vector<1x256xf32> to vector<16x256xf32>
    %mul3A_87 = arith.mulf %convert_element_type3A_68, %mul3A_86 : vector<16x256xf32>
    %slice3A_88 = vector.extract_strided_slice %convert_element_type3A_67 {offsets = [4, 0], sizes = [1, 256], strides = [1, 1]} : vector<16x256xf32> to vector<1x256xf32>
    %mul3A_89 = vector.broadcast %slice3A_88 : vector<1x256xf32> to vector<208x256xf32>
    %mul3A_90 = arith.mulf %transpose3A_33, %mul3A_89 : vector<208x256xf32>
    %mul3A_91 = vector.broadcast %slice3A_88 : vector<1x256xf32> to vector<16x256xf32>
    %mul3A_92 = arith.mulf %convert_element_type3A_68, %mul3A_91 : vector<16x256xf32>
    %slice3A_93 = vector.extract_strided_slice %convert_element_type3A_67 {offsets = [5, 0], sizes = [1, 256], strides = [1, 1]} : vector<16x256xf32> to vector<1x256xf32>
    %mul3A_94 = vector.broadcast %slice3A_93 : vector<1x256xf32> to vector<208x256xf32>
    %mul3A_95 = arith.mulf %transpose3A_33, %mul3A_94 : vector<208x256xf32>
    %mul3A_96 = vector.broadcast %slice3A_93 : vector<1x256xf32> to vector<16x256xf32>
    %mul3A_97 = arith.mulf %convert_element_type3A_68, %mul3A_96 : vector<16x256xf32>
    %slice3A_98 = vector.extract_strided_slice %convert_element_type3A_67 {offsets = [6, 0], sizes = [1, 256], strides = [1, 1]} : vector<16x256xf32> to vector<1x256xf32>
    %mul3A_99 = vector.broadcast %slice3A_98 : vector<1x256xf32> to vector<208x256xf32>
    %mul3A_100 = arith.mulf %transpose3A_33, %mul3A_99 : vector<208x256xf32>
    %mul3A_101 = vector.broadcast %slice3A_98 : vector<1x256xf32> to vector<16x256xf32>
    %mul3A_102 = arith.mulf %convert_element_type3A_68, %mul3A_101 : vector<16x256xf32>
    %slice3A_103 = vector.extract_strided_slice %convert_element_type3A_67 {offsets = [7, 0], sizes = [1, 256], strides = [1, 1]} : vector<16x256xf32> to vector<1x256xf32>
    %mul3A_104 = vector.broadcast %slice3A_103 : vector<1x256xf32> to vector<208x256xf32>
    %mul3A_105 = arith.mulf %transpose3A_33, %mul3A_104 : vector<208x256xf32>
    %mul3A_106 = vector.broadcast %slice3A_103 : vector<1x256xf32> to vector<16x256xf32>
    %mul3A_107 = arith.mulf %convert_element_type3A_68, %mul3A_106 : vector<16x256xf32>
    %slice3A_108 = vector.extract_strided_slice %convert_element_type3A_67 {offsets = [8, 0], sizes = [1, 256], strides = [1, 1]} : vector<16x256xf32> to vector<1x256xf32>
    %mul3A_109 = vector.broadcast %slice3A_108 : vector<1x256xf32> to vector<208x256xf32>
    %mul3A_110 = arith.mulf %transpose3A_33, %mul3A_109 : vector<208x256xf32>
    %mul3A_111 = vector.broadcast %slice3A_108 : vector<1x256xf32> to vector<16x256xf32>
    %mul3A_112 = arith.mulf %convert_element_type3A_68, %mul3A_111 : vector<16x256xf32>
    %slice3A_113 = vector.extract_strided_slice %convert_element_type3A_67 {offsets = [9, 0], sizes = [1, 256], strides = [1, 1]} : vector<16x256xf32> to vector<1x256xf32>
    %mul3A_114 = vector.broadcast %slice3A_113 : vector<1x256xf32> to vector<208x256xf32>
    %mul3A_115 = arith.mulf %transpose3A_33, %mul3A_114 : vector<208x256xf32>
    %mul3A_116 = vector.broadcast %slice3A_113 : vector<1x256xf32> to vector<16x256xf32>
    %mul3A_117 = arith.mulf %convert_element_type3A_68, %mul3A_116 : vector<16x256xf32>
    %slice3A_118 = vector.extract_strided_slice %convert_element_type3A_67 {offsets = [10, 0], sizes = [1, 256], strides = [1, 1]} : vector<16x256xf32> to vector<1x256xf32>
    %mul3A_119 = vector.broadcast %slice3A_118 : vector<1x256xf32> to vector<208x256xf32>
    %mul3A_120 = arith.mulf %transpose3A_33, %mul3A_119 : vector<208x256xf32>
    %mul3A_121 = vector.broadcast %slice3A_118 : vector<1x256xf32> to vector<16x256xf32>
    %mul3A_122 = arith.mulf %convert_element_type3A_68, %mul3A_121 : vector<16x256xf32>
    %slice3A_123 = vector.extract_strided_slice %convert_element_type3A_67 {offsets = [11, 0], sizes = [1, 256], strides = [1, 1]} : vector<16x256xf32> to vector<1x256xf32>
    %mul3A_124 = vector.broadcast %slice3A_123 : vector<1x256xf32> to vector<208x256xf32>
    %mul3A_125 = arith.mulf %transpose3A_33, %mul3A_124 : vector<208x256xf32>
    %mul3A_126 = vector.broadcast %slice3A_123 : vector<1x256xf32> to vector<16x256xf32>
    %mul3A_127 = arith.mulf %convert_element_type3A_68, %mul3A_126 : vector<16x256xf32>
    %slice3A_128 = vector.extract_strided_slice %convert_element_type3A_67 {offsets = [12, 0], sizes = [1, 256], strides = [1, 1]} : vector<16x256xf32> to vector<1x256xf32>
    %mul3A_129 = vector.broadcast %slice3A_128 : vector<1x256xf32> to vector<208x256xf32>
    %mul3A_130 = arith.mulf %transpose3A_33, %mul3A_129 : vector<208x256xf32>
    %mul3A_131 = vector.broadcast %slice3A_128 : vector<1x256xf32> to vector<16x256xf32>
    %mul3A_132 = arith.mulf %convert_element_type3A_68, %mul3A_131 : vector<16x256xf32>
    %slice3A_133 = vector.extract_strided_slice %convert_element_type3A_67 {offsets = [13, 0], sizes = [1, 256], strides = [1, 1]} : vector<16x256xf32> to vector<1x256xf32>
    %mul3A_134 = vector.broadcast %slice3A_133 : vector<1x256xf32> to vector<208x256xf32>
    %mul3A_135 = arith.mulf %transpose3A_33, %mul3A_134 : vector<208x256xf32>
    %mul3A_136 = vector.broadcast %slice3A_133 : vector<1x256xf32> to vector<16x256xf32>
    %mul3A_137 = arith.mulf %convert_element_type3A_68, %mul3A_136 : vector<16x256xf32>
    %slice3A_138 = vector.extract_strided_slice %convert_element_type3A_67 {offsets = [14, 0], sizes = [1, 256], strides = [1, 1]} : vector<16x256xf32> to vector<1x256xf32>
    %mul3A_139 = vector.broadcast %slice3A_138 : vector<1x256xf32> to vector<208x256xf32>
    %mul3A_140 = arith.mulf %transpose3A_33, %mul3A_139 : vector<208x256xf32>
    %mul3A_141 = vector.broadcast %slice3A_138 : vector<1x256xf32> to vector<16x256xf32>
    %mul3A_142 = arith.mulf %convert_element_type3A_68, %mul3A_141 : vector<16x256xf32>
    %slice3A_143 = vector.extract_strided_slice %convert_element_type3A_67 {offsets = [15, 0], sizes = [1, 256], strides = [1, 1]} : vector<16x256xf32> to vector<1x256xf32>
    %mul3A_144 = vector.broadcast %slice3A_143 : vector<1x256xf32> to vector<208x256xf32>
    %mul3A_145 = arith.mulf %transpose3A_33, %mul3A_144 : vector<208x256xf32>
    %mul3A_146 = vector.broadcast %slice3A_143 : vector<1x256xf32> to vector<16x256xf32>
    %mul3A_147 = arith.mulf %convert_element_type3A_68, %mul3A_146 : vector<16x256xf32>
    %get3A_148 = arith.constant 0 : index
    %get3A_149 = arith.constant 0 : index
    %get3A_150 = arith.constant 1 : index
    %get3A_151 = arith.constant 0 : index
    %get3A_152 = vector.load %arg2[%get3A_148, %get3A_149, %get3A_150, %get3A_151] : memref<1x256x9x208xf32, #tpu.memory_space<vmem>>, vector<1x256x1x208xf32>
    %get3A_153 = vector.shape_cast %get3A_152 : vector<1x256x1x208xf32> to vector<256x208xf32>
    %transpose3A_154 = tpu.transpose %get3A_153, [1, 0] : vector<256x208xf32> -> vector<208x256xf32>
    %get3A_155 = arith.constant 0 : index
    %get3A_156 = arith.constant 0 : index
    %get3A_157 = arith.constant 1 : index
    %get3A_158 = arith.constant 0 : index
    %get3A_159 = vector.load %arg3[%get3A_155, %get3A_156, %get3A_157, %get3A_158] : memref<1x256x9x16xf32, #tpu.memory_space<vmem>>, vector<1x256x1x16xf32>
    %get3A_160 = vector.shape_cast %get3A_159 : vector<1x256x1x16xf32> to vector<256x16xf32>
    %transpose3A_161 = tpu.transpose %get3A_160, [1, 0] : vector<256x16xf32> -> vector<16x256xf32>
    %sub3A_162 = arith.subf %transpose3A_161, %transpose3A : vector<16x256xf32>
    %convert_element_type3A_163 = arith.truncf %sub3A_162 : vector<16x256xf32> to vector<16x256xbf16>
    %dot_general3A_164 = arith.constant dense<0.000000e+00> : vector<8x256xf32>
    %dot_general3A_165 = tpu.matmul %get3A_3, %convert_element_type3A_163, %dot_general3A_164 {dimension_numbers = #tpu.dot_dimension_numbers<[1], [0], [0], [1], [0, 0, 1, 1], [], []>, transpose_lhs_hint = false} : vector<8x16xbf16>, vector<16x256xbf16>, vector<8x256xf32> -> vector<8x256xf32>
    %add3A_166 = vector.broadcast %get3A_6 : vector<8x1xf32> to vector<8x256xf32>
    %add3A_167 = arith.addf %dot_general3A_165, %add3A_166 : vector<8x256xf32>
    %mul3A_168 = vector.broadcast %div3A_1 : f32 to vector<8x256xf32>
    %mul3A_169 = arith.mulf %mul3A_168, %add3A_167 : vector<8x256xf32>
    %max3A_170 = arith.constant 0.000000e+00 : f32
    %max3A_171 = vector.broadcast %max3A_170 : f32 to vector<8x256xf32>
    %max3A_172 = arith.maximumf %mul3A_169, %max3A_171 : vector<8x256xf32>
    %convert_element_type3A_173 = arith.truncf %max3A_172 : vector<8x256xf32> to vector<8x256xbf16>
    %dot_general3A_174 = arith.constant dense<0.000000e+00> : vector<8x256xf32>
    %dot_general3A_175 = tpu.matmul %get3A_9, %convert_element_type3A_173, %dot_general3A_174 {dimension_numbers = #tpu.dot_dimension_numbers<[1], [0], [0], [1], [0, 0, 1, 1], [], []>, transpose_lhs_hint = false} : vector<8x8xbf16>, vector<8x256xbf16>, vector<8x256xf32> -> vector<8x256xf32>
    %add3A_176 = vector.broadcast %get3A_12 : vector<8x1xf32> to vector<8x256xf32>
    %add3A_177 = arith.addf %dot_general3A_175, %add3A_176 : vector<8x256xf32>
    %mul3A_178 = vector.broadcast %div3A_1 : f32 to vector<8x256xf32>
    %mul3A_179 = arith.mulf %mul3A_178, %add3A_177 : vector<8x256xf32>
    %max3A_180 = arith.constant 0.000000e+00 : f32
    %max3A_181 = vector.broadcast %max3A_180 : f32 to vector<8x256xf32>
    %max3A_182 = arith.maximumf %mul3A_179, %max3A_181 : vector<8x256xf32>
    %convert_element_type3A_183 = arith.truncf %max3A_182 : vector<8x256xf32> to vector<8x256xbf16>
    %dot_general3A_184 = arith.constant dense<0.000000e+00> : vector<16x256xf32>
    %dot_general3A_185 = tpu.matmul %get3A_15, %convert_element_type3A_183, %dot_general3A_184 {dimension_numbers = #tpu.dot_dimension_numbers<[1], [0], [0], [1], [0, 0, 1, 1], [], []>, transpose_lhs_hint = false} : vector<16x8xbf16>, vector<8x256xbf16>, vector<16x256xf32> -> vector<16x256xf32>
    %add3A_186 = vector.broadcast %get3A_18 : vector<16x1xf32> to vector<16x256xf32>
    %add3A_187 = arith.addf %dot_general3A_185, %add3A_186 : vector<16x256xf32>
    %mul3A_188 = vector.broadcast %div3A_1 : f32 to vector<16x256xf32>
    %mul3A_189 = arith.mulf %mul3A_188, %add3A_187 : vector<16x256xf32>
    %max3A_190 = arith.constant 0.000000e+00 : f32
    %max3A_191 = vector.broadcast %max3A_190 : f32 to vector<16x256xf32>
    %max3A_192 = arith.maximumf %mul3A_189, %max3A_191 : vector<16x256xf32>
    %convert_element_type3A_193 = arith.truncf %max3A_192 : vector<16x256xf32> to vector<16x256xbf16>
    %convert_element_type3A_194 = arith.extf %convert_element_type3A_193 : vector<16x256xbf16> to vector<16x256xf32>
    %convert_element_type3A_195 = arith.extf %convert_element_type3A_163 : vector<16x256xbf16> to vector<16x256xf32>
    %slice3A_196 = vector.extract_strided_slice %convert_element_type3A_194 {offsets = [0, 0], sizes = [1, 256], strides = [1, 1]} : vector<16x256xf32> to vector<1x256xf32>
    %mul3A_197 = vector.broadcast %slice3A_196 : vector<1x256xf32> to vector<208x256xf32>
    %mul3A_198 = arith.mulf %transpose3A_154, %mul3A_197 : vector<208x256xf32>
    %add3A_199 = arith.addf %mul3A_70, %mul3A_198 : vector<208x256xf32>
    %mul3A_200 = vector.broadcast %slice3A_196 : vector<1x256xf32> to vector<16x256xf32>
    %mul3A_201 = arith.mulf %convert_element_type3A_195, %mul3A_200 : vector<16x256xf32>
    %add3A_202 = arith.addf %mul3A_72, %mul3A_201 : vector<16x256xf32>
    %slice3A_203 = vector.extract_strided_slice %convert_element_type3A_194 {offsets = [1, 0], sizes = [1, 256], strides = [1, 1]} : vector<16x256xf32> to vector<1x256xf32>
    %mul3A_204 = vector.broadcast %slice3A_203 : vector<1x256xf32> to vector<208x256xf32>
    %mul3A_205 = arith.mulf %transpose3A_154, %mul3A_204 : vector<208x256xf32>
    %add3A_206 = arith.addf %mul3A_75, %mul3A_205 : vector<208x256xf32>
    %mul3A_207 = vector.broadcast %slice3A_203 : vector<1x256xf32> to vector<16x256xf32>
    %mul3A_208 = arith.mulf %convert_element_type3A_195, %mul3A_207 : vector<16x256xf32>
    %add3A_209 = arith.addf %mul3A_77, %mul3A_208 : vector<16x256xf32>
    %slice3A_210 = vector.extract_strided_slice %convert_element_type3A_194 {offsets = [2, 0], sizes = [1, 256], strides = [1, 1]} : vector<16x256xf32> to vector<1x256xf32>
    %mul3A_211 = vector.broadcast %slice3A_210 : vector<1x256xf32> to vector<208x256xf32>
    %mul3A_212 = arith.mulf %transpose3A_154, %mul3A_211 : vector<208x256xf32>
    %add3A_213 = arith.addf %mul3A_80, %mul3A_212 : vector<208x256xf32>
    %mul3A_214 = vector.broadcast %slice3A_210 : vector<1x256xf32> to vector<16x256xf32>
    %mul3A_215 = arith.mulf %convert_element_type3A_195, %mul3A_214 : vector<16x256xf32>
    %add3A_216 = arith.addf %mul3A_82, %mul3A_215 : vector<16x256xf32>
    %slice3A_217 = vector.extract_strided_slice %convert_element_type3A_194 {offsets = [3, 0], sizes = [1, 256], strides = [1, 1]} : vector<16x256xf32> to vector<1x256xf32>
    %mul3A_218 = vector.broadcast %slice3A_217 : vector<1x256xf32> to vector<208x256xf32>
    %mul3A_219 = arith.mulf %transpose3A_154, %mul3A_218 : vector<208x256xf32>
    %add3A_220 = arith.addf %mul3A_85, %mul3A_219 : vector<208x256xf32>
    %mul3A_221 = vector.broadcast %slice3A_217 : vector<1x256xf32> to vector<16x256xf32>
    %mul3A_222 = arith.mulf %convert_element_type3A_195, %mul3A_221 : vector<16x256xf32>
    %add3A_223 = arith.addf %mul3A_87, %mul3A_222 : vector<16x256xf32>
    %slice3A_224 = vector.extract_strided_slice %convert_element_type3A_194 {offsets = [4, 0], sizes = [1, 256], strides = [1, 1]} : vector<16x256xf32> to vector<1x256xf32>
    %mul3A_225 = vector.broadcast %slice3A_224 : vector<1x256xf32> to vector<208x256xf32>
    %mul3A_226 = arith.mulf %transpose3A_154, %mul3A_225 : vector<208x256xf32>
    %add3A_227 = arith.addf %mul3A_90, %mul3A_226 : vector<208x256xf32>
    %mul3A_228 = vector.broadcast %slice3A_224 : vector<1x256xf32> to vector<16x256xf32>
    %mul3A_229 = arith.mulf %convert_element_type3A_195, %mul3A_228 : vector<16x256xf32>
    %add3A_230 = arith.addf %mul3A_92, %mul3A_229 : vector<16x256xf32>
    %slice3A_231 = vector.extract_strided_slice %convert_element_type3A_194 {offsets = [5, 0], sizes = [1, 256], strides = [1, 1]} : vector<16x256xf32> to vector<1x256xf32>
    %mul3A_232 = vector.broadcast %slice3A_231 : vector<1x256xf32> to vector<208x256xf32>
    %mul3A_233 = arith.mulf %transpose3A_154, %mul3A_232 : vector<208x256xf32>
    %add3A_234 = arith.addf %mul3A_95, %mul3A_233 : vector<208x256xf32>
    %mul3A_235 = vector.broadcast %slice3A_231 : vector<1x256xf32> to vector<16x256xf32>
    %mul3A_236 = arith.mulf %convert_element_type3A_195, %mul3A_235 : vector<16x256xf32>
    %add3A_237 = arith.addf %mul3A_97, %mul3A_236 : vector<16x256xf32>
    %slice3A_238 = vector.extract_strided_slice %convert_element_type3A_194 {offsets = [6, 0], sizes = [1, 256], strides = [1, 1]} : vector<16x256xf32> to vector<1x256xf32>
    %mul3A_239 = vector.broadcast %slice3A_238 : vector<1x256xf32> to vector<208x256xf32>
    %mul3A_240 = arith.mulf %transpose3A_154, %mul3A_239 : vector<208x256xf32>
    %add3A_241 = arith.addf %mul3A_100, %mul3A_240 : vector<208x256xf32>
    %mul3A_242 = vector.broadcast %slice3A_238 : vector<1x256xf32> to vector<16x256xf32>
    %mul3A_243 = arith.mulf %convert_element_type3A_195, %mul3A_242 : vector<16x256xf32>
    %add3A_244 = arith.addf %mul3A_102, %mul3A_243 : vector<16x256xf32>
    %slice3A_245 = vector.extract_strided_slice %convert_element_type3A_194 {offsets = [7, 0], sizes = [1, 256], strides = [1, 1]} : vector<16x256xf32> to vector<1x256xf32>
    %mul3A_246 = vector.broadcast %slice3A_245 : vector<1x256xf32> to vector<208x256xf32>
    %mul3A_247 = arith.mulf %transpose3A_154, %mul3A_246 : vector<208x256xf32>
    %add3A_248 = arith.addf %mul3A_105, %mul3A_247 : vector<208x256xf32>
    %mul3A_249 = vector.broadcast %slice3A_245 : vector<1x256xf32> to vector<16x256xf32>
    %mul3A_250 = arith.mulf %convert_element_type3A_195, %mul3A_249 : vector<16x256xf32>
    %add3A_251 = arith.addf %mul3A_107, %mul3A_250 : vector<16x256xf32>
    %slice3A_252 = vector.extract_strided_slice %convert_element_type3A_194 {offsets = [8, 0], sizes = [1, 256], strides = [1, 1]} : vector<16x256xf32> to vector<1x256xf32>
    %mul3A_253 = vector.broadcast %slice3A_252 : vector<1x256xf32> to vector<208x256xf32>
    %mul3A_254 = arith.mulf %transpose3A_154, %mul3A_253 : vector<208x256xf32>
    %add3A_255 = arith.addf %mul3A_110, %mul3A_254 : vector<208x256xf32>
    %mul3A_256 = vector.broadcast %slice3A_252 : vector<1x256xf32> to vector<16x256xf32>
    %mul3A_257 = arith.mulf %convert_element_type3A_195, %mul3A_256 : vector<16x256xf32>
    %add3A_258 = arith.addf %mul3A_112, %mul3A_257 : vector<16x256xf32>
    %slice3A_259 = vector.extract_strided_slice %convert_element_type3A_194 {offsets = [9, 0], sizes = [1, 256], strides = [1, 1]} : vector<16x256xf32> to vector<1x256xf32>
    %mul3A_260 = vector.broadcast %slice3A_259 : vector<1x256xf32> to vector<208x256xf32>
    %mul3A_261 = arith.mulf %transpose3A_154, %mul3A_260 : vector<208x256xf32>
    %add3A_262 = arith.addf %mul3A_115, %mul3A_261 : vector<208x256xf32>
    %mul3A_263 = vector.broadcast %slice3A_259 : vector<1x256xf32> to vector<16x256xf32>
    %mul3A_264 = arith.mulf %convert_element_type3A_195, %mul3A_263 : vector<16x256xf32>
    %add3A_265 = arith.addf %mul3A_117, %mul3A_264 : vector<16x256xf32>
    %slice3A_266 = vector.extract_strided_slice %convert_element_type3A_194 {offsets = [10, 0], sizes = [1, 256], strides = [1, 1]} : vector<16x256xf32> to vector<1x256xf32>
    %mul3A_267 = vector.broadcast %slice3A_266 : vector<1x256xf32> to vector<208x256xf32>
    %mul3A_268 = arith.mulf %transpose3A_154, %mul3A_267 : vector<208x256xf32>
    %add3A_269 = arith.addf %mul3A_120, %mul3A_268 : vector<208x256xf32>
    %mul3A_270 = vector.broadcast %slice3A_266 : vector<1x256xf32> to vector<16x256xf32>
    %mul3A_271 = arith.mulf %convert_element_type3A_195, %mul3A_270 : vector<16x256xf32>
    %add3A_272 = arith.addf %mul3A_122, %mul3A_271 : vector<16x256xf32>
    %slice3A_273 = vector.extract_strided_slice %convert_element_type3A_194 {offsets = [11, 0], sizes = [1, 256], strides = [1, 1]} : vector<16x256xf32> to vector<1x256xf32>
    %mul3A_274 = vector.broadcast %slice3A_273 : vector<1x256xf32> to vector<208x256xf32>
    %mul3A_275 = arith.mulf %transpose3A_154, %mul3A_274 : vector<208x256xf32>
    %add3A_276 = arith.addf %mul3A_125, %mul3A_275 : vector<208x256xf32>
    %mul3A_277 = vector.broadcast %slice3A_273 : vector<1x256xf32> to vector<16x256xf32>
    %mul3A_278 = arith.mulf %convert_element_type3A_195, %mul3A_277 : vector<16x256xf32>
    %add3A_279 = arith.addf %mul3A_127, %mul3A_278 : vector<16x256xf32>
    %slice3A_280 = vector.extract_strided_slice %convert_element_type3A_194 {offsets = [12, 0], sizes = [1, 256], strides = [1, 1]} : vector<16x256xf32> to vector<1x256xf32>
    %mul3A_281 = vector.broadcast %slice3A_280 : vector<1x256xf32> to vector<208x256xf32>
    %mul3A_282 = arith.mulf %transpose3A_154, %mul3A_281 : vector<208x256xf32>
    %add3A_283 = arith.addf %mul3A_130, %mul3A_282 : vector<208x256xf32>
    %mul3A_284 = vector.broadcast %slice3A_280 : vector<1x256xf32> to vector<16x256xf32>
    %mul3A_285 = arith.mulf %convert_element_type3A_195, %mul3A_284 : vector<16x256xf32>
    %add3A_286 = arith.addf %mul3A_132, %mul3A_285 : vector<16x256xf32>
    %slice3A_287 = vector.extract_strided_slice %convert_element_type3A_194 {offsets = [13, 0], sizes = [1, 256], strides = [1, 1]} : vector<16x256xf32> to vector<1x256xf32>
    %mul3A_288 = vector.broadcast %slice3A_287 : vector<1x256xf32> to vector<208x256xf32>
    %mul3A_289 = arith.mulf %transpose3A_154, %mul3A_288 : vector<208x256xf32>
    %add3A_290 = arith.addf %mul3A_135, %mul3A_289 : vector<208x256xf32>
    %mul3A_291 = vector.broadcast %slice3A_287 : vector<1x256xf32> to vector<16x256xf32>
    %mul3A_292 = arith.mulf %convert_element_type3A_195, %mul3A_291 : vector<16x256xf32>
    %add3A_293 = arith.addf %mul3A_137, %mul3A_292 : vector<16x256xf32>
    %slice3A_294 = vector.extract_strided_slice %convert_element_type3A_194 {offsets = [14, 0], sizes = [1, 256], strides = [1, 1]} : vector<16x256xf32> to vector<1x256xf32>
    %mul3A_295 = vector.broadcast %slice3A_294 : vector<1x256xf32> to vector<208x256xf32>
    %mul3A_296 = arith.mulf %transpose3A_154, %mul3A_295 : vector<208x256xf32>
    %add3A_297 = arith.addf %mul3A_140, %mul3A_296 : vector<208x256xf32>
    %mul3A_298 = vector.broadcast %slice3A_294 : vector<1x256xf32> to vector<16x256xf32>
    %mul3A_299 = arith.mulf %convert_element_type3A_195, %mul3A_298 : vector<16x256xf32>
    %add3A_300 = arith.addf %mul3A_142, %mul3A_299 : vector<16x256xf32>
    %slice3A_301 = vector.extract_strided_slice %convert_element_type3A_194 {offsets = [15, 0], sizes = [1, 256], strides = [1, 1]} : vector<16x256xf32> to vector<1x256xf32>
    %mul3A_302 = vector.broadcast %slice3A_301 : vector<1x256xf32> to vector<208x256xf32>
    %mul3A_303 = arith.mulf %transpose3A_154, %mul3A_302 : vector<208x256xf32>
    %add3A_304 = arith.addf %mul3A_145, %mul3A_303 : vector<208x256xf32>
    %mul3A_305 = vector.broadcast %slice3A_301 : vector<1x256xf32> to vector<16x256xf32>
    %mul3A_306 = arith.mulf %convert_element_type3A_195, %mul3A_305 : vector<16x256xf32>
    %add3A_307 = arith.addf %mul3A_147, %mul3A_306 : vector<16x256xf32>
    %get3A_308 = arith.constant 0 : index
    %get3A_309 = arith.constant 0 : index
    %get3A_310 = arith.constant 2 : index
    %get3A_311 = arith.constant 0 : index
    %get3A_312 = vector.load %arg2[%get3A_308, %get3A_309, %get3A_310, %get3A_311] : memref<1x256x9x208xf32, #tpu.memory_space<vmem>>, vector<1x256x1x208xf32>
    %get3A_313 = vector.shape_cast %get3A_312 : vector<1x256x1x208xf32> to vector<256x208xf32>
    %transpose3A_314 = tpu.transpose %get3A_313, [1, 0] : vector<256x208xf32> -> vector<208x256xf32>
    %get3A_315 = arith.constant 0 : index
    %get3A_316 = arith.constant 0 : index
    %get3A_317 = arith.constant 2 : index
    %get3A_318 = arith.constant 0 : index
    %get3A_319 = vector.load %arg3[%get3A_315, %get3A_316, %get3A_317, %get3A_318] : memref<1x256x9x16xf32, #tpu.memory_space<vmem>>, vector<1x256x1x16xf32>
    %get3A_320 = vector.shape_cast %get3A_319 : vector<1x256x1x16xf32> to vector<256x16xf32>
    %transpose3A_321 = tpu.transpose %get3A_320, [1, 0] : vector<256x16xf32> -> vector<16x256xf32>
    %sub3A_322 = arith.subf %transpose3A_321, %transpose3A : vector<16x256xf32>
    %convert_element_type3A_323 = arith.truncf %sub3A_322 : vector<16x256xf32> to vector<16x256xbf16>
    %dot_general3A_324 = arith.constant dense<0.000000e+00> : vector<8x256xf32>
    %dot_general3A_325 = tpu.matmul %get3A_3, %convert_element_type3A_323, %dot_general3A_324 {dimension_numbers = #tpu.dot_dimension_numbers<[1], [0], [0], [1], [0, 0, 1, 1], [], []>, transpose_lhs_hint = false} : vector<8x16xbf16>, vector<16x256xbf16>, vector<8x256xf32> -> vector<8x256xf32>
    %add3A_326 = vector.broadcast %get3A_6 : vector<8x1xf32> to vector<8x256xf32>
    %add3A_327 = arith.addf %dot_general3A_325, %add3A_326 : vector<8x256xf32>
    %mul3A_328 = vector.broadcast %div3A_1 : f32 to vector<8x256xf32>
    %mul3A_329 = arith.mulf %mul3A_328, %add3A_327 : vector<8x256xf32>
    %max3A_330 = arith.constant 0.000000e+00 : f32
    %max3A_331 = vector.broadcast %max3A_330 : f32 to vector<8x256xf32>
    %max3A_332 = arith.maximumf %mul3A_329, %max3A_331 : vector<8x256xf32>
    %convert_element_type3A_333 = arith.truncf %max3A_332 : vector<8x256xf32> to vector<8x256xbf16>
    %dot_general3A_334 = arith.constant dense<0.000000e+00> : vector<8x256xf32>
    %dot_general3A_335 = tpu.matmul %get3A_9, %convert_element_type3A_333, %dot_general3A_334 {dimension_numbers = #tpu.dot_dimension_numbers<[1], [0], [0], [1], [0, 0, 1, 1], [], []>, transpose_lhs_hint = false} : vector<8x8xbf16>, vector<8x256xbf16>, vector<8x256xf32> -> vector<8x256xf32>
    %add3A_336 = vector.broadcast %get3A_12 : vector<8x1xf32> to vector<8x256xf32>
    %add3A_337 = arith.addf %dot_general3A_335, %add3A_336 : vector<8x256xf32>
    %mul3A_338 = vector.broadcast %div3A_1 : f32 to vector<8x256xf32>
    %mul3A_339 = arith.mulf %mul3A_338, %add3A_337 : vector<8x256xf32>
    %max3A_340 = arith.constant 0.000000e+00 : f32
    %max3A_341 = vector.broadcast %max3A_340 : f32 to vector<8x256xf32>
    %max3A_342 = arith.maximumf %mul3A_339, %max3A_341 : vector<8x256xf32>
    %convert_element_type3A_343 = arith.truncf %max3A_342 : vector<8x256xf32> to vector<8x256xbf16>
    %dot_general3A_344 = arith.constant dense<0.000000e+00> : vector<16x256xf32>
    %dot_general3A_345 = tpu.matmul %get3A_15, %convert_element_type3A_343, %dot_general3A_344 {dimension_numbers = #tpu.dot_dimension_numbers<[1], [0], [0], [1], [0, 0, 1, 1], [], []>, transpose_lhs_hint = false} : vector<16x8xbf16>, vector<8x256xbf16>, vector<16x256xf32> -> vector<16x256xf32>
    %add3A_346 = vector.broadcast %get3A_18 : vector<16x1xf32> to vector<16x256xf32>
    %add3A_347 = arith.addf %dot_general3A_345, %add3A_346 : vector<16x256xf32>
    %mul3A_348 = vector.broadcast %div3A_1 : f32 to vector<16x256xf32>
    %mul3A_349 = arith.mulf %mul3A_348, %add3A_347 : vector<16x256xf32>
    %max3A_350 = arith.constant 0.000000e+00 : f32
    %max3A_351 = vector.broadcast %max3A_350 : f32 to vector<16x256xf32>
    %max3A_352 = arith.maximumf %mul3A_349, %max3A_351 : vector<16x256xf32>
    %convert_element_type3A_353 = arith.truncf %max3A_352 : vector<16x256xf32> to vector<16x256xbf16>
    %convert_element_type3A_354 = arith.extf %convert_element_type3A_353 : vector<16x256xbf16> to vector<16x256xf32>
    %convert_element_type3A_355 = arith.extf %convert_element_type3A_323 : vector<16x256xbf16> to vector<16x256xf32>
    %slice3A_356 = vector.extract_strided_slice %convert_element_type3A_354 {offsets = [0, 0], sizes = [1, 256], strides = [1, 1]} : vector<16x256xf32> to vector<1x256xf32>
    %mul3A_357 = vector.broadcast %slice3A_356 : vector<1x256xf32> to vector<208x256xf32>
    %mul3A_358 = arith.mulf %transpose3A_314, %mul3A_357 : vector<208x256xf32>
    %add3A_359 = arith.addf %add3A_199, %mul3A_358 : vector<208x256xf32>
    %mul3A_360 = vector.broadcast %slice3A_356 : vector<1x256xf32> to vector<16x256xf32>
    %mul3A_361 = arith.mulf %convert_element_type3A_355, %mul3A_360 : vector<16x256xf32>
    %add3A_362 = arith.addf %add3A_202, %mul3A_361 : vector<16x256xf32>
    %slice3A_363 = vector.extract_strided_slice %convert_element_type3A_354 {offsets = [1, 0], sizes = [1, 256], strides = [1, 1]} : vector<16x256xf32> to vector<1x256xf32>
    %mul3A_364 = vector.broadcast %slice3A_363 : vector<1x256xf32> to vector<208x256xf32>
    %mul3A_365 = arith.mulf %transpose3A_314, %mul3A_364 : vector<208x256xf32>
    %add3A_366 = arith.addf %add3A_206, %mul3A_365 : vector<208x256xf32>
    %mul3A_367 = vector.broadcast %slice3A_363 : vector<1x256xf32> to vector<16x256xf32>
    %mul3A_368 = arith.mulf %convert_element_type3A_355, %mul3A_367 : vector<16x256xf32>
    %add3A_369 = arith.addf %add3A_209, %mul3A_368 : vector<16x256xf32>
    %slice3A_370 = vector.extract_strided_slice %convert_element_type3A_354 {offsets = [2, 0], sizes = [1, 256], strides = [1, 1]} : vector<16x256xf32> to vector<1x256xf32>
    %mul3A_371 = vector.broadcast %slice3A_370 : vector<1x256xf32> to vector<208x256xf32>
    %mul3A_372 = arith.mulf %transpose3A_314, %mul3A_371 : vector<208x256xf32>
    %add3A_373 = arith.addf %add3A_213, %mul3A_372 : vector<208x256xf32>
    %mul3A_374 = vector.broadcast %slice3A_370 : vector<1x256xf32> to vector<16x256xf32>
    %mul3A_375 = arith.mulf %convert_element_type3A_355, %mul3A_374 : vector<16x256xf32>
    %add3A_376 = arith.addf %add3A_216, %mul3A_375 : vector<16x256xf32>
    %slice3A_377 = vector.extract_strided_slice %convert_element_type3A_354 {offsets = [3, 0], sizes = [1, 256], strides = [1, 1]} : vector<16x256xf32> to vector<1x256xf32>
    %mul3A_378 = vector.broadcast %slice3A_377 : vector<1x256xf32> to vector<208x256xf32>
    %mul3A_379 = arith.mulf %transpose3A_314, %mul3A_378 : vector<208x256xf32>
    %add3A_380 = arith.addf %add3A_220, %mul3A_379 : vector<208x256xf32>
    %mul3A_381 = vector.broadcast %slice3A_377 : vector<1x256xf32> to vector<16x256xf32>
    %mul3A_382 = arith.mulf %convert_element_type3A_355, %mul3A_381 : vector<16x256xf32>
    %add3A_383 = arith.addf %add3A_223, %mul3A_382 : vector<16x256xf32>
    %slice3A_384 = vector.extract_strided_slice %convert_element_type3A_354 {offsets = [4, 0], sizes = [1, 256], strides = [1, 1]} : vector<16x256xf32> to vector<1x256xf32>
    %mul3A_385 = vector.broadcast %slice3A_384 : vector<1x256xf32> to vector<208x256xf32>
    %mul3A_386 = arith.mulf %transpose3A_314, %mul3A_385 : vector<208x256xf32>
    %add3A_387 = arith.addf %add3A_227, %mul3A_386 : vector<208x256xf32>
    %mul3A_388 = vector.broadcast %slice3A_384 : vector<1x256xf32> to vector<16x256xf32>
    %mul3A_389 = arith.mulf %convert_element_type3A_355, %mul3A_388 : vector<16x256xf32>
    %add3A_390 = arith.addf %add3A_230, %mul3A_389 : vector<16x256xf32>
    %slice3A_391 = vector.extract_strided_slice %convert_element_type3A_354 {offsets = [5, 0], sizes = [1, 256], strides = [1, 1]} : vector<16x256xf32> to vector<1x256xf32>
    %mul3A_392 = vector.broadcast %slice3A_391 : vector<1x256xf32> to vector<208x256xf32>
    %mul3A_393 = arith.mulf %transpose3A_314, %mul3A_392 : vector<208x256xf32>
    %add3A_394 = arith.addf %add3A_234, %mul3A_393 : vector<208x256xf32>
    %mul3A_395 = vector.broadcast %slice3A_391 : vector<1x256xf32> to vector<16x256xf32>
    %mul3A_396 = arith.mulf %convert_element_type3A_355, %mul3A_395 : vector<16x256xf32>
    %add3A_397 = arith.addf %add3A_237, %mul3A_396 : vector<16x256xf32>
    %slice3A_398 = vector.extract_strided_slice %convert_element_type3A_354 {offsets = [6, 0], sizes = [1, 256], strides = [1, 1]} : vector<16x256xf32> to vector<1x256xf32>
    %mul3A_399 = vector.broadcast %slice3A_398 : vector<1x256xf32> to vector<208x256xf32>
    %mul3A_400 = arith.mulf %transpose3A_314, %mul3A_399 : vector<208x256xf32>
    %add3A_401 = arith.addf %add3A_241, %mul3A_400 : vector<208x256xf32>
    %mul3A_402 = vector.broadcast %slice3A_398 : vector<1x256xf32> to vector<16x256xf32>
    %mul3A_403 = arith.mulf %convert_element_type3A_355, %mul3A_402 : vector<16x256xf32>
    %add3A_404 = arith.addf %add3A_244, %mul3A_403 : vector<16x256xf32>
    %slice3A_405 = vector.extract_strided_slice %convert_element_type3A_354 {offsets = [7, 0], sizes = [1, 256], strides = [1, 1]} : vector<16x256xf32> to vector<1x256xf32>
    %mul3A_406 = vector.broadcast %slice3A_405 : vector<1x256xf32> to vector<208x256xf32>
    %mul3A_407 = arith.mulf %transpose3A_314, %mul3A_406 : vector<208x256xf32>
    %add3A_408 = arith.addf %add3A_248, %mul3A_407 : vector<208x256xf32>
    %mul3A_409 = vector.broadcast %slice3A_405 : vector<1x256xf32> to vector<16x256xf32>
    %mul3A_410 = arith.mulf %convert_element_type3A_355, %mul3A_409 : vector<16x256xf32>
    %add3A_411 = arith.addf %add3A_251, %mul3A_410 : vector<16x256xf32>
    %slice3A_412 = vector.extract_strided_slice %convert_element_type3A_354 {offsets = [8, 0], sizes = [1, 256], strides = [1, 1]} : vector<16x256xf32> to vector<1x256xf32>
    %mul3A_413 = vector.broadcast %slice3A_412 : vector<1x256xf32> to vector<208x256xf32>
    %mul3A_414 = arith.mulf %transpose3A_314, %mul3A_413 : vector<208x256xf32>
    %add3A_415 = arith.addf %add3A_255, %mul3A_414 : vector<208x256xf32>
    %mul3A_416 = vector.broadcast %slice3A_412 : vector<1x256xf32> to vector<16x256xf32>
    %mul3A_417 = arith.mulf %convert_element_type3A_355, %mul3A_416 : vector<16x256xf32>
    %add3A_418 = arith.addf %add3A_258, %mul3A_417 : vector<16x256xf32>
    %slice3A_419 = vector.extract_strided_slice %convert_element_type3A_354 {offsets = [9, 0], sizes = [1, 256], strides = [1, 1]} : vector<16x256xf32> to vector<1x256xf32>
    %mul3A_420 = vector.broadcast %slice3A_419 : vector<1x256xf32> to vector<208x256xf32>
    %mul3A_421 = arith.mulf %transpose3A_314, %mul3A_420 : vector<208x256xf32>
    %add3A_422 = arith.addf %add3A_262, %mul3A_421 : vector<208x256xf32>
    %mul3A_423 = vector.broadcast %slice3A_419 : vector<1x256xf32> to vector<16x256xf32>
    %mul3A_424 = arith.mulf %convert_element_type3A_355, %mul3A_423 : vector<16x256xf32>
    %add3A_425 = arith.addf %add3A_265, %mul3A_424 : vector<16x256xf32>
    %slice3A_426 = vector.extract_strided_slice %convert_element_type3A_354 {offsets = [10, 0], sizes = [1, 256], strides = [1, 1]} : vector<16x256xf32> to vector<1x256xf32>
    %mul3A_427 = vector.broadcast %slice3A_426 : vector<1x256xf32> to vector<208x256xf32>
    %mul3A_428 = arith.mulf %transpose3A_314, %mul3A_427 : vector<208x256xf32>
    %add3A_429 = arith.addf %add3A_269, %mul3A_428 : vector<208x256xf32>
    %mul3A_430 = vector.broadcast %slice3A_426 : vector<1x256xf32> to vector<16x256xf32>
    %mul3A_431 = arith.mulf %convert_element_type3A_355, %mul3A_430 : vector<16x256xf32>
    %add3A_432 = arith.addf %add3A_272, %mul3A_431 : vector<16x256xf32>
    %slice3A_433 = vector.extract_strided_slice %convert_element_type3A_354 {offsets = [11, 0], sizes = [1, 256], strides = [1, 1]} : vector<16x256xf32> to vector<1x256xf32>
    %mul3A_434 = vector.broadcast %slice3A_433 : vector<1x256xf32> to vector<208x256xf32>
    %mul3A_435 = arith.mulf %transpose3A_314, %mul3A_434 : vector<208x256xf32>
    %add3A_436 = arith.addf %add3A_276, %mul3A_435 : vector<208x256xf32>
    %mul3A_437 = vector.broadcast %slice3A_433 : vector<1x256xf32> to vector<16x256xf32>
    %mul3A_438 = arith.mulf %convert_element_type3A_355, %mul3A_437 : vector<16x256xf32>
    %add3A_439 = arith.addf %add3A_279, %mul3A_438 : vector<16x256xf32>
    %slice3A_440 = vector.extract_strided_slice %convert_element_type3A_354 {offsets = [12, 0], sizes = [1, 256], strides = [1, 1]} : vector<16x256xf32> to vector<1x256xf32>
    %mul3A_441 = vector.broadcast %slice3A_440 : vector<1x256xf32> to vector<208x256xf32>
    %mul3A_442 = arith.mulf %transpose3A_314, %mul3A_441 : vector<208x256xf32>
    %add3A_443 = arith.addf %add3A_283, %mul3A_442 : vector<208x256xf32>
    %mul3A_444 = vector.broadcast %slice3A_440 : vector<1x256xf32> to vector<16x256xf32>
    %mul3A_445 = arith.mulf %convert_element_type3A_355, %mul3A_444 : vector<16x256xf32>
    %add3A_446 = arith.addf %add3A_286, %mul3A_445 : vector<16x256xf32>
    %slice3A_447 = vector.extract_strided_slice %convert_element_type3A_354 {offsets = [13, 0], sizes = [1, 256], strides = [1, 1]} : vector<16x256xf32> to vector<1x256xf32>
    %mul3A_448 = vector.broadcast %slice3A_447 : vector<1x256xf32> to vector<208x256xf32>
    %mul3A_449 = arith.mulf %transpose3A_314, %mul3A_448 : vector<208x256xf32>
    %add3A_450 = arith.addf %add3A_290, %mul3A_449 : vector<208x256xf32>
    %mul3A_451 = vector.broadcast %slice3A_447 : vector<1x256xf32> to vector<16x256xf32>
    %mul3A_452 = arith.mulf %convert_element_type3A_355, %mul3A_451 : vector<16x256xf32>
    %add3A_453 = arith.addf %add3A_293, %mul3A_452 : vector<16x256xf32>
    %slice3A_454 = vector.extract_strided_slice %convert_element_type3A_354 {offsets = [14, 0], sizes = [1, 256], strides = [1, 1]} : vector<16x256xf32> to vector<1x256xf32>
    %mul3A_455 = vector.broadcast %slice3A_454 : vector<1x256xf32> to vector<208x256xf32>
    %mul3A_456 = arith.mulf %transpose3A_314, %mul3A_455 : vector<208x256xf32>
    %add3A_457 = arith.addf %add3A_297, %mul3A_456 : vector<208x256xf32>
    %mul3A_458 = vector.broadcast %slice3A_454 : vector<1x256xf32> to vector<16x256xf32>
    %mul3A_459 = arith.mulf %convert_element_type3A_355, %mul3A_458 : vector<16x256xf32>
    %add3A_460 = arith.addf %add3A_300, %mul3A_459 : vector<16x256xf32>
    %slice3A_461 = vector.extract_strided_slice %convert_element_type3A_354 {offsets = [15, 0], sizes = [1, 256], strides = [1, 1]} : vector<16x256xf32> to vector<1x256xf32>
    %mul3A_462 = vector.broadcast %slice3A_461 : vector<1x256xf32> to vector<208x256xf32>
    %mul3A_463 = arith.mulf %transpose3A_314, %mul3A_462 : vector<208x256xf32>
    %add3A_464 = arith.addf %add3A_304, %mul3A_463 : vector<208x256xf32>
    %mul3A_465 = vector.broadcast %slice3A_461 : vector<1x256xf32> to vector<16x256xf32>
    %mul3A_466 = arith.mulf %convert_element_type3A_355, %mul3A_465 : vector<16x256xf32>
    %add3A_467 = arith.addf %add3A_307, %mul3A_466 : vector<16x256xf32>
    %get3A_468 = arith.constant 0 : index
    %get3A_469 = arith.constant 0 : index
    %get3A_470 = arith.constant 3 : index
    %get3A_471 = arith.constant 0 : index
    %get3A_472 = vector.load %arg2[%get3A_468, %get3A_469, %get3A_470, %get3A_471] : memref<1x256x9x208xf32, #tpu.memory_space<vmem>>, vector<1x256x1x208xf32>
    %get3A_473 = vector.shape_cast %get3A_472 : vector<1x256x1x208xf32> to vector<256x208xf32>
    %transpose3A_474 = tpu.transpose %get3A_473, [1, 0] : vector<256x208xf32> -> vector<208x256xf32>
    %get3A_475 = arith.constant 0 : index
    %get3A_476 = arith.constant 0 : index
    %get3A_477 = arith.constant 3 : index
    %get3A_478 = arith.constant 0 : index
    %get3A_479 = vector.load %arg3[%get3A_475, %get3A_476, %get3A_477, %get3A_478] : memref<1x256x9x16xf32, #tpu.memory_space<vmem>>, vector<1x256x1x16xf32>
    %get3A_480 = vector.shape_cast %get3A_479 : vector<1x256x1x16xf32> to vector<256x16xf32>
    %transpose3A_481 = tpu.transpose %get3A_480, [1, 0] : vector<256x16xf32> -> vector<16x256xf32>
    %sub3A_482 = arith.subf %transpose3A_481, %transpose3A : vector<16x256xf32>
    %convert_element_type3A_483 = arith.truncf %sub3A_482 : vector<16x256xf32> to vector<16x256xbf16>
    %dot_general3A_484 = arith.constant dense<0.000000e+00> : vector<8x256xf32>
    %dot_general3A_485 = tpu.matmul %get3A_3, %convert_element_type3A_483, %dot_general3A_484 {dimension_numbers = #tpu.dot_dimension_numbers<[1], [0], [0], [1], [0, 0, 1, 1], [], []>, transpose_lhs_hint = false} : vector<8x16xbf16>, vector<16x256xbf16>, vector<8x256xf32> -> vector<8x256xf32>
    %add3A_486 = vector.broadcast %get3A_6 : vector<8x1xf32> to vector<8x256xf32>
    %add3A_487 = arith.addf %dot_general3A_485, %add3A_486 : vector<8x256xf32>
    %mul3A_488 = vector.broadcast %div3A_1 : f32 to vector<8x256xf32>
    %mul3A_489 = arith.mulf %mul3A_488, %add3A_487 : vector<8x256xf32>
    %max3A_490 = arith.constant 0.000000e+00 : f32
    %max3A_491 = vector.broadcast %max3A_490 : f32 to vector<8x256xf32>
    %max3A_492 = arith.maximumf %mul3A_489, %max3A_491 : vector<8x256xf32>
    %convert_element_type3A_493 = arith.truncf %max3A_492 : vector<8x256xf32> to vector<8x256xbf16>
    %dot_general3A_494 = arith.constant dense<0.000000e+00> : vector<8x256xf32>
    %dot_general3A_495 = tpu.matmul %get3A_9, %convert_element_type3A_493, %dot_general3A_494 {dimension_numbers = #tpu.dot_dimension_numbers<[1], [0], [0], [1], [0, 0, 1, 1], [], []>, transpose_lhs_hint = false} : vector<8x8xbf16>, vector<8x256xbf16>, vector<8x256xf32> -> vector<8x256xf32>
    %add3A_496 = vector.broadcast %get3A_12 : vector<8x1xf32> to vector<8x256xf32>
    %add3A_497 = arith.addf %dot_general3A_495, %add3A_496 : vector<8x256xf32>
    %mul3A_498 = vector.broadcast %div3A_1 : f32 to vector<8x256xf32>
    %mul3A_499 = arith.mulf %mul3A_498, %add3A_497 : vector<8x256xf32>
    %max3A_500 = arith.constant 0.000000e+00 : f32
    %max3A_501 = vector.broadcast %max3A_500 : f32 to vector<8x256xf32>
    %max3A_502 = arith.maximumf %mul3A_499, %max3A_501 : vector<8x256xf32>
    %convert_element_type3A_503 = arith.truncf %max3A_502 : vector<8x256xf32> to vector<8x256xbf16>
    %dot_general3A_504 = arith.constant dense<0.000000e+00> : vector<16x256xf32>
    %dot_general3A_505 = tpu.matmul %get3A_15, %convert_element_type3A_503, %dot_general3A_504 {dimension_numbers = #tpu.dot_dimension_numbers<[1], [0], [0], [1], [0, 0, 1, 1], [], []>, transpose_lhs_hint = false} : vector<16x8xbf16>, vector<8x256xbf16>, vector<16x256xf32> -> vector<16x256xf32>
    %add3A_506 = vector.broadcast %get3A_18 : vector<16x1xf32> to vector<16x256xf32>
    %add3A_507 = arith.addf %dot_general3A_505, %add3A_506 : vector<16x256xf32>
    %mul3A_508 = vector.broadcast %div3A_1 : f32 to vector<16x256xf32>
    %mul3A_509 = arith.mulf %mul3A_508, %add3A_507 : vector<16x256xf32>
    %max3A_510 = arith.constant 0.000000e+00 : f32
    %max3A_511 = vector.broadcast %max3A_510 : f32 to vector<16x256xf32>
    %max3A_512 = arith.maximumf %mul3A_509, %max3A_511 : vector<16x256xf32>
    %convert_element_type3A_513 = arith.truncf %max3A_512 : vector<16x256xf32> to vector<16x256xbf16>
    %convert_element_type3A_514 = arith.extf %convert_element_type3A_513 : vector<16x256xbf16> to vector<16x256xf32>
    %convert_element_type3A_515 = arith.extf %convert_element_type3A_483 : vector<16x256xbf16> to vector<16x256xf32>
    %slice3A_516 = vector.extract_strided_slice %convert_element_type3A_514 {offsets = [0, 0], sizes = [1, 256], strides = [1, 1]} : vector<16x256xf32> to vector<1x256xf32>
    %mul3A_517 = vector.broadcast %slice3A_516 : vector<1x256xf32> to vector<208x256xf32>
    %mul3A_518 = arith.mulf %transpose3A_474, %mul3A_517 : vector<208x256xf32>
    %add3A_519 = arith.addf %add3A_359, %mul3A_518 : vector<208x256xf32>
    %mul3A_520 = vector.broadcast %slice3A_516 : vector<1x256xf32> to vector<16x256xf32>
    %mul3A_521 = arith.mulf %convert_element_type3A_515, %mul3A_520 : vector<16x256xf32>
    %add3A_522 = arith.addf %add3A_362, %mul3A_521 : vector<16x256xf32>
    %slice3A_523 = vector.extract_strided_slice %convert_element_type3A_514 {offsets = [1, 0], sizes = [1, 256], strides = [1, 1]} : vector<16x256xf32> to vector<1x256xf32>
    %mul3A_524 = vector.broadcast %slice3A_523 : vector<1x256xf32> to vector<208x256xf32>
    %mul3A_525 = arith.mulf %transpose3A_474, %mul3A_524 : vector<208x256xf32>
    %add3A_526 = arith.addf %add3A_366, %mul3A_525 : vector<208x256xf32>
    %mul3A_527 = vector.broadcast %slice3A_523 : vector<1x256xf32> to vector<16x256xf32>
    %mul3A_528 = arith.mulf %convert_element_type3A_515, %mul3A_527 : vector<16x256xf32>
    %add3A_529 = arith.addf %add3A_369, %mul3A_528 : vector<16x256xf32>
    %slice3A_530 = vector.extract_strided_slice %convert_element_type3A_514 {offsets = [2, 0], sizes = [1, 256], strides = [1, 1]} : vector<16x256xf32> to vector<1x256xf32>
    %mul3A_531 = vector.broadcast %slice3A_530 : vector<1x256xf32> to vector<208x256xf32>
    %mul3A_532 = arith.mulf %transpose3A_474, %mul3A_531 : vector<208x256xf32>
    %add3A_533 = arith.addf %add3A_373, %mul3A_532 : vector<208x256xf32>
    %mul3A_534 = vector.broadcast %slice3A_530 : vector<1x256xf32> to vector<16x256xf32>
    %mul3A_535 = arith.mulf %convert_element_type3A_515, %mul3A_534 : vector<16x256xf32>
    %add3A_536 = arith.addf %add3A_376, %mul3A_535 : vector<16x256xf32>
    %slice3A_537 = vector.extract_strided_slice %convert_element_type3A_514 {offsets = [3, 0], sizes = [1, 256], strides = [1, 1]} : vector<16x256xf32> to vector<1x256xf32>
    %mul3A_538 = vector.broadcast %slice3A_537 : vector<1x256xf32> to vector<208x256xf32>
    %mul3A_539 = arith.mulf %transpose3A_474, %mul3A_538 : vector<208x256xf32>
    %add3A_540 = arith.addf %add3A_380, %mul3A_539 : vector<208x256xf32>
    %mul3A_541 = vector.broadcast %slice3A_537 : vector<1x256xf32> to vector<16x256xf32>
    %mul3A_542 = arith.mulf %convert_element_type3A_515, %mul3A_541 : vector<16x256xf32>
    %add3A_543 = arith.addf %add3A_383, %mul3A_542 : vector<16x256xf32>
    %slice3A_544 = vector.extract_strided_slice %convert_element_type3A_514 {offsets = [4, 0], sizes = [1, 256], strides = [1, 1]} : vector<16x256xf32> to vector<1x256xf32>
    %mul3A_545 = vector.broadcast %slice3A_544 : vector<1x256xf32> to vector<208x256xf32>
    %mul3A_546 = arith.mulf %transpose3A_474, %mul3A_545 : vector<208x256xf32>
    %add3A_547 = arith.addf %add3A_387, %mul3A_546 : vector<208x256xf32>
    %mul3A_548 = vector.broadcast %slice3A_544 : vector<1x256xf32> to vector<16x256xf32>
    %mul3A_549 = arith.mulf %convert_element_type3A_515, %mul3A_548 : vector<16x256xf32>
    %add3A_550 = arith.addf %add3A_390, %mul3A_549 : vector<16x256xf32>
    %slice3A_551 = vector.extract_strided_slice %convert_element_type3A_514 {offsets = [5, 0], sizes = [1, 256], strides = [1, 1]} : vector<16x256xf32> to vector<1x256xf32>
    %mul3A_552 = vector.broadcast %slice3A_551 : vector<1x256xf32> to vector<208x256xf32>
    %mul3A_553 = arith.mulf %transpose3A_474, %mul3A_552 : vector<208x256xf32>
    %add3A_554 = arith.addf %add3A_394, %mul3A_553 : vector<208x256xf32>
    %mul3A_555 = vector.broadcast %slice3A_551 : vector<1x256xf32> to vector<16x256xf32>
    %mul3A_556 = arith.mulf %convert_element_type3A_515, %mul3A_555 : vector<16x256xf32>
    %add3A_557 = arith.addf %add3A_397, %mul3A_556 : vector<16x256xf32>
    %slice3A_558 = vector.extract_strided_slice %convert_element_type3A_514 {offsets = [6, 0], sizes = [1, 256], strides = [1, 1]} : vector<16x256xf32> to vector<1x256xf32>
    %mul3A_559 = vector.broadcast %slice3A_558 : vector<1x256xf32> to vector<208x256xf32>
    %mul3A_560 = arith.mulf %transpose3A_474, %mul3A_559 : vector<208x256xf32>
    %add3A_561 = arith.addf %add3A_401, %mul3A_560 : vector<208x256xf32>
    %mul3A_562 = vector.broadcast %slice3A_558 : vector<1x256xf32> to vector<16x256xf32>
    %mul3A_563 = arith.mulf %convert_element_type3A_515, %mul3A_562 : vector<16x256xf32>
    %add3A_564 = arith.addf %add3A_404, %mul3A_563 : vector<16x256xf32>
    %slice3A_565 = vector.extract_strided_slice %convert_element_type3A_514 {offsets = [7, 0], sizes = [1, 256], strides = [1, 1]} : vector<16x256xf32> to vector<1x256xf32>
    %mul3A_566 = vector.broadcast %slice3A_565 : vector<1x256xf32> to vector<208x256xf32>
    %mul3A_567 = arith.mulf %transpose3A_474, %mul3A_566 : vector<208x256xf32>
    %add3A_568 = arith.addf %add3A_408, %mul3A_567 : vector<208x256xf32>
    %mul3A_569 = vector.broadcast %slice3A_565 : vector<1x256xf32> to vector<16x256xf32>
    %mul3A_570 = arith.mulf %convert_element_type3A_515, %mul3A_569 : vector<16x256xf32>
    %add3A_571 = arith.addf %add3A_411, %mul3A_570 : vector<16x256xf32>
    %slice3A_572 = vector.extract_strided_slice %convert_element_type3A_514 {offsets = [8, 0], sizes = [1, 256], strides = [1, 1]} : vector<16x256xf32> to vector<1x256xf32>
    %mul3A_573 = vector.broadcast %slice3A_572 : vector<1x256xf32> to vector<208x256xf32>
    %mul3A_574 = arith.mulf %transpose3A_474, %mul3A_573 : vector<208x256xf32>
    %add3A_575 = arith.addf %add3A_415, %mul3A_574 : vector<208x256xf32>
    %mul3A_576 = vector.broadcast %slice3A_572 : vector<1x256xf32> to vector<16x256xf32>
    %mul3A_577 = arith.mulf %convert_element_type3A_515, %mul3A_576 : vector<16x256xf32>
    %add3A_578 = arith.addf %add3A_418, %mul3A_577 : vector<16x256xf32>
    %slice3A_579 = vector.extract_strided_slice %convert_element_type3A_514 {offsets = [9, 0], sizes = [1, 256], strides = [1, 1]} : vector<16x256xf32> to vector<1x256xf32>
    %mul3A_580 = vector.broadcast %slice3A_579 : vector<1x256xf32> to vector<208x256xf32>
    %mul3A_581 = arith.mulf %transpose3A_474, %mul3A_580 : vector<208x256xf32>
    %add3A_582 = arith.addf %add3A_422, %mul3A_581 : vector<208x256xf32>
    %mul3A_583 = vector.broadcast %slice3A_579 : vector<1x256xf32> to vector<16x256xf32>
    %mul3A_584 = arith.mulf %convert_element_type3A_515, %mul3A_583 : vector<16x256xf32>
    %add3A_585 = arith.addf %add3A_425, %mul3A_584 : vector<16x256xf32>
    %slice3A_586 = vector.extract_strided_slice %convert_element_type3A_514 {offsets = [10, 0], sizes = [1, 256], strides = [1, 1]} : vector<16x256xf32> to vector<1x256xf32>
    %mul3A_587 = vector.broadcast %slice3A_586 : vector<1x256xf32> to vector<208x256xf32>
    %mul3A_588 = arith.mulf %transpose3A_474, %mul3A_587 : vector<208x256xf32>
    %add3A_589 = arith.addf %add3A_429, %mul3A_588 : vector<208x256xf32>
    %mul3A_590 = vector.broadcast %slice3A_586 : vector<1x256xf32> to vector<16x256xf32>
    %mul3A_591 = arith.mulf %convert_element_type3A_515, %mul3A_590 : vector<16x256xf32>
    %add3A_592 = arith.addf %add3A_432, %mul3A_591 : vector<16x256xf32>
    %slice3A_593 = vector.extract_strided_slice %convert_element_type3A_514 {offsets = [11, 0], sizes = [1, 256], strides = [1, 1]} : vector<16x256xf32> to vector<1x256xf32>
    %mul3A_594 = vector.broadcast %slice3A_593 : vector<1x256xf32> to vector<208x256xf32>
    %mul3A_595 = arith.mulf %transpose3A_474, %mul3A_594 : vector<208x256xf32>
    %add3A_596 = arith.addf %add3A_436, %mul3A_595 : vector<208x256xf32>
    %mul3A_597 = vector.broadcast %slice3A_593 : vector<1x256xf32> to vector<16x256xf32>
    %mul3A_598 = arith.mulf %convert_element_type3A_515, %mul3A_597 : vector<16x256xf32>
    %add3A_599 = arith.addf %add3A_439, %mul3A_598 : vector<16x256xf32>
    %slice3A_600 = vector.extract_strided_slice %convert_element_type3A_514 {offsets = [12, 0], sizes = [1, 256], strides = [1, 1]} : vector<16x256xf32> to vector<1x256xf32>
    %mul3A_601 = vector.broadcast %slice3A_600 : vector<1x256xf32> to vector<208x256xf32>
    %mul3A_602 = arith.mulf %transpose3A_474, %mul3A_601 : vector<208x256xf32>
    %add3A_603 = arith.addf %add3A_443, %mul3A_602 : vector<208x256xf32>
    %mul3A_604 = vector.broadcast %slice3A_600 : vector<1x256xf32> to vector<16x256xf32>
    %mul3A_605 = arith.mulf %convert_element_type3A_515, %mul3A_604 : vector<16x256xf32>
    %add3A_606 = arith.addf %add3A_446, %mul3A_605 : vector<16x256xf32>
    %slice3A_607 = vector.extract_strided_slice %convert_element_type3A_514 {offsets = [13, 0], sizes = [1, 256], strides = [1, 1]} : vector<16x256xf32> to vector<1x256xf32>
    %mul3A_608 = vector.broadcast %slice3A_607 : vector<1x256xf32> to vector<208x256xf32>
    %mul3A_609 = arith.mulf %transpose3A_474, %mul3A_608 : vector<208x256xf32>
    %add3A_610 = arith.addf %add3A_450, %mul3A_609 : vector<208x256xf32>
    %mul3A_611 = vector.broadcast %slice3A_607 : vector<1x256xf32> to vector<16x256xf32>
    %mul3A_612 = arith.mulf %convert_element_type3A_515, %mul3A_611 : vector<16x256xf32>
    %add3A_613 = arith.addf %add3A_453, %mul3A_612 : vector<16x256xf32>
    %slice3A_614 = vector.extract_strided_slice %convert_element_type3A_514 {offsets = [14, 0], sizes = [1, 256], strides = [1, 1]} : vector<16x256xf32> to vector<1x256xf32>
    %mul3A_615 = vector.broadcast %slice3A_614 : vector<1x256xf32> to vector<208x256xf32>
    %mul3A_616 = arith.mulf %transpose3A_474, %mul3A_615 : vector<208x256xf32>
    %add3A_617 = arith.addf %add3A_457, %mul3A_616 : vector<208x256xf32>
    %mul3A_618 = vector.broadcast %slice3A_614 : vector<1x256xf32> to vector<16x256xf32>
    %mul3A_619 = arith.mulf %convert_element_type3A_515, %mul3A_618 : vector<16x256xf32>
    %add3A_620 = arith.addf %add3A_460, %mul3A_619 : vector<16x256xf32>
    %slice3A_621 = vector.extract_strided_slice %convert_element_type3A_514 {offsets = [15, 0], sizes = [1, 256], strides = [1, 1]} : vector<16x256xf32> to vector<1x256xf32>
    %mul3A_622 = vector.broadcast %slice3A_621 : vector<1x256xf32> to vector<208x256xf32>
    %mul3A_623 = arith.mulf %transpose3A_474, %mul3A_622 : vector<208x256xf32>
    %add3A_624 = arith.addf %add3A_464, %mul3A_623 : vector<208x256xf32>
    %mul3A_625 = vector.broadcast %slice3A_621 : vector<1x256xf32> to vector<16x256xf32>
    %mul3A_626 = arith.mulf %convert_element_type3A_515, %mul3A_625 : vector<16x256xf32>
    %add3A_627 = arith.addf %add3A_467, %mul3A_626 : vector<16x256xf32>
    %get3A_628 = arith.constant 0 : index
    %get3A_629 = arith.constant 0 : index
    %get3A_630 = arith.constant 4 : index
    %get3A_631 = arith.constant 0 : index
    %get3A_632 = vector.load %arg2[%get3A_628, %get3A_629, %get3A_630, %get3A_631] : memref<1x256x9x208xf32, #tpu.memory_space<vmem>>, vector<1x256x1x208xf32>
    %get3A_633 = vector.shape_cast %get3A_632 : vector<1x256x1x208xf32> to vector<256x208xf32>
    %transpose3A_634 = tpu.transpose %get3A_633, [1, 0] : vector<256x208xf32> -> vector<208x256xf32>
    %get3A_635 = arith.constant 0 : index
    %get3A_636 = arith.constant 0 : index
    %get3A_637 = arith.constant 4 : index
    %get3A_638 = arith.constant 0 : index
    %get3A_639 = vector.load %arg3[%get3A_635, %get3A_636, %get3A_637, %get3A_638] : memref<1x256x9x16xf32, #tpu.memory_space<vmem>>, vector<1x256x1x16xf32>
    %get3A_640 = vector.shape_cast %get3A_639 : vector<1x256x1x16xf32> to vector<256x16xf32>
    %transpose3A_641 = tpu.transpose %get3A_640, [1, 0] : vector<256x16xf32> -> vector<16x256xf32>
    %sub3A_642 = arith.subf %transpose3A_641, %transpose3A : vector<16x256xf32>
    %convert_element_type3A_643 = arith.truncf %sub3A_642 : vector<16x256xf32> to vector<16x256xbf16>
    %dot_general3A_644 = arith.constant dense<0.000000e+00> : vector<8x256xf32>
    %dot_general3A_645 = tpu.matmul %get3A_3, %convert_element_type3A_643, %dot_general3A_644 {dimension_numbers = #tpu.dot_dimension_numbers<[1], [0], [0], [1], [0, 0, 1, 1], [], []>, transpose_lhs_hint = false} : vector<8x16xbf16>, vector<16x256xbf16>, vector<8x256xf32> -> vector<8x256xf32>
    %add3A_646 = vector.broadcast %get3A_6 : vector<8x1xf32> to vector<8x256xf32>
    %add3A_647 = arith.addf %dot_general3A_645, %add3A_646 : vector<8x256xf32>
    %mul3A_648 = vector.broadcast %div3A_1 : f32 to vector<8x256xf32>
    %mul3A_649 = arith.mulf %mul3A_648, %add3A_647 : vector<8x256xf32>
    %max3A_650 = arith.constant 0.000000e+00 : f32
    %max3A_651 = vector.broadcast %max3A_650 : f32 to vector<8x256xf32>
    %max3A_652 = arith.maximumf %mul3A_649, %max3A_651 : vector<8x256xf32>
    %convert_element_type3A_653 = arith.truncf %max3A_652 : vector<8x256xf32> to vector<8x256xbf16>
    %dot_general3A_654 = arith.constant dense<0.000000e+00> : vector<8x256xf32>
    %dot_general3A_655 = tpu.matmul %get3A_9, %convert_element_type3A_653, %dot_general3A_654 {dimension_numbers = #tpu.dot_dimension_numbers<[1], [0], [0], [1], [0, 0, 1, 1], [], []>, transpose_lhs_hint = false} : vector<8x8xbf16>, vector<8x256xbf16>, vector<8x256xf32> -> vector<8x256xf32>
    %add3A_656 = vector.broadcast %get3A_12 : vector<8x1xf32> to vector<8x256xf32>
    %add3A_657 = arith.addf %dot_general3A_655, %add3A_656 : vector<8x256xf32>
    %mul3A_658 = vector.broadcast %div3A_1 : f32 to vector<8x256xf32>
    %mul3A_659 = arith.mulf %mul3A_658, %add3A_657 : vector<8x256xf32>
    %max3A_660 = arith.constant 0.000000e+00 : f32
    %max3A_661 = vector.broadcast %max3A_660 : f32 to vector<8x256xf32>
    %max3A_662 = arith.maximumf %mul3A_659, %max3A_661 : vector<8x256xf32>
    %convert_element_type3A_663 = arith.truncf %max3A_662 : vector<8x256xf32> to vector<8x256xbf16>
    %dot_general3A_664 = arith.constant dense<0.000000e+00> : vector<16x256xf32>
    %dot_general3A_665 = tpu.matmul %get3A_15, %convert_element_type3A_663, %dot_general3A_664 {dimension_numbers = #tpu.dot_dimension_numbers<[1], [0], [0], [1], [0, 0, 1, 1], [], []>, transpose_lhs_hint = false} : vector<16x8xbf16>, vector<8x256xbf16>, vector<16x256xf32> -> vector<16x256xf32>
    %add3A_666 = vector.broadcast %get3A_18 : vector<16x1xf32> to vector<16x256xf32>
    %add3A_667 = arith.addf %dot_general3A_665, %add3A_666 : vector<16x256xf32>
    %mul3A_668 = vector.broadcast %div3A_1 : f32 to vector<16x256xf32>
    %mul3A_669 = arith.mulf %mul3A_668, %add3A_667 : vector<16x256xf32>
    %max3A_670 = arith.constant 0.000000e+00 : f32
    %max3A_671 = vector.broadcast %max3A_670 : f32 to vector<16x256xf32>
    %max3A_672 = arith.maximumf %mul3A_669, %max3A_671 : vector<16x256xf32>
    %convert_element_type3A_673 = arith.truncf %max3A_672 : vector<16x256xf32> to vector<16x256xbf16>
    %convert_element_type3A_674 = arith.extf %convert_element_type3A_673 : vector<16x256xbf16> to vector<16x256xf32>
    %convert_element_type3A_675 = arith.extf %convert_element_type3A_643 : vector<16x256xbf16> to vector<16x256xf32>
    %slice3A_676 = vector.extract_strided_slice %convert_element_type3A_674 {offsets = [0, 0], sizes = [1, 256], strides = [1, 1]} : vector<16x256xf32> to vector<1x256xf32>
    %mul3A_677 = vector.broadcast %slice3A_676 : vector<1x256xf32> to vector<208x256xf32>
    %mul3A_678 = arith.mulf %transpose3A_634, %mul3A_677 : vector<208x256xf32>
    %add3A_679 = arith.addf %add3A_519, %mul3A_678 : vector<208x256xf32>
    %mul3A_680 = vector.broadcast %slice3A_676 : vector<1x256xf32> to vector<16x256xf32>
    %mul3A_681 = arith.mulf %convert_element_type3A_675, %mul3A_680 : vector<16x256xf32>
    %add3A_682 = arith.addf %add3A_522, %mul3A_681 : vector<16x256xf32>
    %slice3A_683 = vector.extract_strided_slice %convert_element_type3A_674 {offsets = [1, 0], sizes = [1, 256], strides = [1, 1]} : vector<16x256xf32> to vector<1x256xf32>
    %mul3A_684 = vector.broadcast %slice3A_683 : vector<1x256xf32> to vector<208x256xf32>
    %mul3A_685 = arith.mulf %transpose3A_634, %mul3A_684 : vector<208x256xf32>
    %add3A_686 = arith.addf %add3A_526, %mul3A_685 : vector<208x256xf32>
    %mul3A_687 = vector.broadcast %slice3A_683 : vector<1x256xf32> to vector<16x256xf32>
    %mul3A_688 = arith.mulf %convert_element_type3A_675, %mul3A_687 : vector<16x256xf32>
    %add3A_689 = arith.addf %add3A_529, %mul3A_688 : vector<16x256xf32>
    %slice3A_690 = vector.extract_strided_slice %convert_element_type3A_674 {offsets = [2, 0], sizes = [1, 256], strides = [1, 1]} : vector<16x256xf32> to vector<1x256xf32>
    %mul3A_691 = vector.broadcast %slice3A_690 : vector<1x256xf32> to vector<208x256xf32>
    %mul3A_692 = arith.mulf %transpose3A_634, %mul3A_691 : vector<208x256xf32>
    %add3A_693 = arith.addf %add3A_533, %mul3A_692 : vector<208x256xf32>
    %mul3A_694 = vector.broadcast %slice3A_690 : vector<1x256xf32> to vector<16x256xf32>
    %mul3A_695 = arith.mulf %convert_element_type3A_675, %mul3A_694 : vector<16x256xf32>
    %add3A_696 = arith.addf %add3A_536, %mul3A_695 : vector<16x256xf32>
    %slice3A_697 = vector.extract_strided_slice %convert_element_type3A_674 {offsets = [3, 0], sizes = [1, 256], strides = [1, 1]} : vector<16x256xf32> to vector<1x256xf32>
    %mul3A_698 = vector.broadcast %slice3A_697 : vector<1x256xf32> to vector<208x256xf32>
    %mul3A_699 = arith.mulf %transpose3A_634, %mul3A_698 : vector<208x256xf32>
    %add3A_700 = arith.addf %add3A_540, %mul3A_699 : vector<208x256xf32>
    %mul3A_701 = vector.broadcast %slice3A_697 : vector<1x256xf32> to vector<16x256xf32>
    %mul3A_702 = arith.mulf %convert_element_type3A_675, %mul3A_701 : vector<16x256xf32>
    %add3A_703 = arith.addf %add3A_543, %mul3A_702 : vector<16x256xf32>
    %slice3A_704 = vector.extract_strided_slice %convert_element_type3A_674 {offsets = [4, 0], sizes = [1, 256], strides = [1, 1]} : vector<16x256xf32> to vector<1x256xf32>
    %mul3A_705 = vector.broadcast %slice3A_704 : vector<1x256xf32> to vector<208x256xf32>
    %mul3A_706 = arith.mulf %transpose3A_634, %mul3A_705 : vector<208x256xf32>
    %add3A_707 = arith.addf %add3A_547, %mul3A_706 : vector<208x256xf32>
    %mul3A_708 = vector.broadcast %slice3A_704 : vector<1x256xf32> to vector<16x256xf32>
    %mul3A_709 = arith.mulf %convert_element_type3A_675, %mul3A_708 : vector<16x256xf32>
    %add3A_710 = arith.addf %add3A_550, %mul3A_709 : vector<16x256xf32>
    %slice3A_711 = vector.extract_strided_slice %convert_element_type3A_674 {offsets = [5, 0], sizes = [1, 256], strides = [1, 1]} : vector<16x256xf32> to vector<1x256xf32>
    %mul3A_712 = vector.broadcast %slice3A_711 : vector<1x256xf32> to vector<208x256xf32>
    %mul3A_713 = arith.mulf %transpose3A_634, %mul3A_712 : vector<208x256xf32>
    %add3A_714 = arith.addf %add3A_554, %mul3A_713 : vector<208x256xf32>
    %mul3A_715 = vector.broadcast %slice3A_711 : vector<1x256xf32> to vector<16x256xf32>
    %mul3A_716 = arith.mulf %convert_element_type3A_675, %mul3A_715 : vector<16x256xf32>
    %add3A_717 = arith.addf %add3A_557, %mul3A_716 : vector<16x256xf32>
    %slice3A_718 = vector.extract_strided_slice %convert_element_type3A_674 {offsets = [6, 0], sizes = [1, 256], strides = [1, 1]} : vector<16x256xf32> to vector<1x256xf32>
    %mul3A_719 = vector.broadcast %slice3A_718 : vector<1x256xf32> to vector<208x256xf32>
    %mul3A_720 = arith.mulf %transpose3A_634, %mul3A_719 : vector<208x256xf32>
    %add3A_721 = arith.addf %add3A_561, %mul3A_720 : vector<208x256xf32>
    %mul3A_722 = vector.broadcast %slice3A_718 : vector<1x256xf32> to vector<16x256xf32>
    %mul3A_723 = arith.mulf %convert_element_type3A_675, %mul3A_722 : vector<16x256xf32>
    %add3A_724 = arith.addf %add3A_564, %mul3A_723 : vector<16x256xf32>
    %slice3A_725 = vector.extract_strided_slice %convert_element_type3A_674 {offsets = [7, 0], sizes = [1, 256], strides = [1, 1]} : vector<16x256xf32> to vector<1x256xf32>
    %mul3A_726 = vector.broadcast %slice3A_725 : vector<1x256xf32> to vector<208x256xf32>
    %mul3A_727 = arith.mulf %transpose3A_634, %mul3A_726 : vector<208x256xf32>
    %add3A_728 = arith.addf %add3A_568, %mul3A_727 : vector<208x256xf32>
    %mul3A_729 = vector.broadcast %slice3A_725 : vector<1x256xf32> to vector<16x256xf32>
    %mul3A_730 = arith.mulf %convert_element_type3A_675, %mul3A_729 : vector<16x256xf32>
    %add3A_731 = arith.addf %add3A_571, %mul3A_730 : vector<16x256xf32>
    %slice3A_732 = vector.extract_strided_slice %convert_element_type3A_674 {offsets = [8, 0], sizes = [1, 256], strides = [1, 1]} : vector<16x256xf32> to vector<1x256xf32>
    %mul3A_733 = vector.broadcast %slice3A_732 : vector<1x256xf32> to vector<208x256xf32>
    %mul3A_734 = arith.mulf %transpose3A_634, %mul3A_733 : vector<208x256xf32>
    %add3A_735 = arith.addf %add3A_575, %mul3A_734 : vector<208x256xf32>
    %mul3A_736 = vector.broadcast %slice3A_732 : vector<1x256xf32> to vector<16x256xf32>
    %mul3A_737 = arith.mulf %convert_element_type3A_675, %mul3A_736 : vector<16x256xf32>
    %add3A_738 = arith.addf %add3A_578, %mul3A_737 : vector<16x256xf32>
    %slice3A_739 = vector.extract_strided_slice %convert_element_type3A_674 {offsets = [9, 0], sizes = [1, 256], strides = [1, 1]} : vector<16x256xf32> to vector<1x256xf32>
    %mul3A_740 = vector.broadcast %slice3A_739 : vector<1x256xf32> to vector<208x256xf32>
    %mul3A_741 = arith.mulf %transpose3A_634, %mul3A_740 : vector<208x256xf32>
    %add3A_742 = arith.addf %add3A_582, %mul3A_741 : vector<208x256xf32>
    %mul3A_743 = vector.broadcast %slice3A_739 : vector<1x256xf32> to vector<16x256xf32>
    %mul3A_744 = arith.mulf %convert_element_type3A_675, %mul3A_743 : vector<16x256xf32>
    %add3A_745 = arith.addf %add3A_585, %mul3A_744 : vector<16x256xf32>
    %slice3A_746 = vector.extract_strided_slice %convert_element_type3A_674 {offsets = [10, 0], sizes = [1, 256], strides = [1, 1]} : vector<16x256xf32> to vector<1x256xf32>
    %mul3A_747 = vector.broadcast %slice3A_746 : vector<1x256xf32> to vector<208x256xf32>
    %mul3A_748 = arith.mulf %transpose3A_634, %mul3A_747 : vector<208x256xf32>
    %add3A_749 = arith.addf %add3A_589, %mul3A_748 : vector<208x256xf32>
    %mul3A_750 = vector.broadcast %slice3A_746 : vector<1x256xf32> to vector<16x256xf32>
    %mul3A_751 = arith.mulf %convert_element_type3A_675, %mul3A_750 : vector<16x256xf32>
    %add3A_752 = arith.addf %add3A_592, %mul3A_751 : vector<16x256xf32>
    %slice3A_753 = vector.extract_strided_slice %convert_element_type3A_674 {offsets = [11, 0], sizes = [1, 256], strides = [1, 1]} : vector<16x256xf32> to vector<1x256xf32>
    %mul3A_754 = vector.broadcast %slice3A_753 : vector<1x256xf32> to vector<208x256xf32>
    %mul3A_755 = arith.mulf %transpose3A_634, %mul3A_754 : vector<208x256xf32>
    %add3A_756 = arith.addf %add3A_596, %mul3A_755 : vector<208x256xf32>
    %mul3A_757 = vector.broadcast %slice3A_753 : vector<1x256xf32> to vector<16x256xf32>
    %mul3A_758 = arith.mulf %convert_element_type3A_675, %mul3A_757 : vector<16x256xf32>
    %add3A_759 = arith.addf %add3A_599, %mul3A_758 : vector<16x256xf32>
    %slice3A_760 = vector.extract_strided_slice %convert_element_type3A_674 {offsets = [12, 0], sizes = [1, 256], strides = [1, 1]} : vector<16x256xf32> to vector<1x256xf32>
    %mul3A_761 = vector.broadcast %slice3A_760 : vector<1x256xf32> to vector<208x256xf32>
    %mul3A_762 = arith.mulf %transpose3A_634, %mul3A_761 : vector<208x256xf32>
    %add3A_763 = arith.addf %add3A_603, %mul3A_762 : vector<208x256xf32>
    %mul3A_764 = vector.broadcast %slice3A_760 : vector<1x256xf32> to vector<16x256xf32>
    %mul3A_765 = arith.mulf %convert_element_type3A_675, %mul3A_764 : vector<16x256xf32>
    %add3A_766 = arith.addf %add3A_606, %mul3A_765 : vector<16x256xf32>
    %slice3A_767 = vector.extract_strided_slice %convert_element_type3A_674 {offsets = [13, 0], sizes = [1, 256], strides = [1, 1]} : vector<16x256xf32> to vector<1x256xf32>
    %mul3A_768 = vector.broadcast %slice3A_767 : vector<1x256xf32> to vector<208x256xf32>
    %mul3A_769 = arith.mulf %transpose3A_634, %mul3A_768 : vector<208x256xf32>
    %add3A_770 = arith.addf %add3A_610, %mul3A_769 : vector<208x256xf32>
    %mul3A_771 = vector.broadcast %slice3A_767 : vector<1x256xf32> to vector<16x256xf32>
    %mul3A_772 = arith.mulf %convert_element_type3A_675, %mul3A_771 : vector<16x256xf32>
    %add3A_773 = arith.addf %add3A_613, %mul3A_772 : vector<16x256xf32>
    %slice3A_774 = vector.extract_strided_slice %convert_element_type3A_674 {offsets = [14, 0], sizes = [1, 256], strides = [1, 1]} : vector<16x256xf32> to vector<1x256xf32>
    %mul3A_775 = vector.broadcast %slice3A_774 : vector<1x256xf32> to vector<208x256xf32>
    %mul3A_776 = arith.mulf %transpose3A_634, %mul3A_775 : vector<208x256xf32>
    %add3A_777 = arith.addf %add3A_617, %mul3A_776 : vector<208x256xf32>
    %mul3A_778 = vector.broadcast %slice3A_774 : vector<1x256xf32> to vector<16x256xf32>
    %mul3A_779 = arith.mulf %convert_element_type3A_675, %mul3A_778 : vector<16x256xf32>
    %add3A_780 = arith.addf %add3A_620, %mul3A_779 : vector<16x256xf32>
    %slice3A_781 = vector.extract_strided_slice %convert_element_type3A_674 {offsets = [15, 0], sizes = [1, 256], strides = [1, 1]} : vector<16x256xf32> to vector<1x256xf32>
    %mul3A_782 = vector.broadcast %slice3A_781 : vector<1x256xf32> to vector<208x256xf32>
    %mul3A_783 = arith.mulf %transpose3A_634, %mul3A_782 : vector<208x256xf32>
    %add3A_784 = arith.addf %add3A_624, %mul3A_783 : vector<208x256xf32>
    %mul3A_785 = vector.broadcast %slice3A_781 : vector<1x256xf32> to vector<16x256xf32>
    %mul3A_786 = arith.mulf %convert_element_type3A_675, %mul3A_785 : vector<16x256xf32>
    %add3A_787 = arith.addf %add3A_627, %mul3A_786 : vector<16x256xf32>
    %get3A_788 = arith.constant 0 : index
    %get3A_789 = arith.constant 0 : index
    %get3A_790 = arith.constant 5 : index
    %get3A_791 = arith.constant 0 : index
    %get3A_792 = vector.load %arg2[%get3A_788, %get3A_789, %get3A_790, %get3A_791] : memref<1x256x9x208xf32, #tpu.memory_space<vmem>>, vector<1x256x1x208xf32>
    %get3A_793 = vector.shape_cast %get3A_792 : vector<1x256x1x208xf32> to vector<256x208xf32>
    %transpose3A_794 = tpu.transpose %get3A_793, [1, 0] : vector<256x208xf32> -> vector<208x256xf32>
    %get3A_795 = arith.constant 0 : index
    %get3A_796 = arith.constant 0 : index
    %get3A_797 = arith.constant 5 : index
    %get3A_798 = arith.constant 0 : index
    %get3A_799 = vector.load %arg3[%get3A_795, %get3A_796, %get3A_797, %get3A_798] : memref<1x256x9x16xf32, #tpu.memory_space<vmem>>, vector<1x256x1x16xf32>
    %get3A_800 = vector.shape_cast %get3A_799 : vector<1x256x1x16xf32> to vector<256x16xf32>
    %transpose3A_801 = tpu.transpose %get3A_800, [1, 0] : vector<256x16xf32> -> vector<16x256xf32>
    %sub3A_802 = arith.subf %transpose3A_801, %transpose3A : vector<16x256xf32>
    %convert_element_type3A_803 = arith.truncf %sub3A_802 : vector<16x256xf32> to vector<16x256xbf16>
    %dot_general3A_804 = arith.constant dense<0.000000e+00> : vector<8x256xf32>
    %dot_general3A_805 = tpu.matmul %get3A_3, %convert_element_type3A_803, %dot_general3A_804 {dimension_numbers = #tpu.dot_dimension_numbers<[1], [0], [0], [1], [0, 0, 1, 1], [], []>, transpose_lhs_hint = false} : vector<8x16xbf16>, vector<16x256xbf16>, vector<8x256xf32> -> vector<8x256xf32>
    %add3A_806 = vector.broadcast %get3A_6 : vector<8x1xf32> to vector<8x256xf32>
    %add3A_807 = arith.addf %dot_general3A_805, %add3A_806 : vector<8x256xf32>
    %mul3A_808 = vector.broadcast %div3A_1 : f32 to vector<8x256xf32>
    %mul3A_809 = arith.mulf %mul3A_808, %add3A_807 : vector<8x256xf32>
    %max3A_810 = arith.constant 0.000000e+00 : f32
    %max3A_811 = vector.broadcast %max3A_810 : f32 to vector<8x256xf32>
    %max3A_812 = arith.maximumf %mul3A_809, %max3A_811 : vector<8x256xf32>
    %convert_element_type3A_813 = arith.truncf %max3A_812 : vector<8x256xf32> to vector<8x256xbf16>
    %dot_general3A_814 = arith.constant dense<0.000000e+00> : vector<8x256xf32>
    %dot_general3A_815 = tpu.matmul %get3A_9, %convert_element_type3A_813, %dot_general3A_814 {dimension_numbers = #tpu.dot_dimension_numbers<[1], [0], [0], [1], [0, 0, 1, 1], [], []>, transpose_lhs_hint = false} : vector<8x8xbf16>, vector<8x256xbf16>, vector<8x256xf32> -> vector<8x256xf32>
    %add3A_816 = vector.broadcast %get3A_12 : vector<8x1xf32> to vector<8x256xf32>
    %add3A_817 = arith.addf %dot_general3A_815, %add3A_816 : vector<8x256xf32>
    %mul3A_818 = vector.broadcast %div3A_1 : f32 to vector<8x256xf32>
    %mul3A_819 = arith.mulf %mul3A_818, %add3A_817 : vector<8x256xf32>
    %max3A_820 = arith.constant 0.000000e+00 : f32
    %max3A_821 = vector.broadcast %max3A_820 : f32 to vector<8x256xf32>
    %max3A_822 = arith.maximumf %mul3A_819, %max3A_821 : vector<8x256xf32>
    %convert_element_type3A_823 = arith.truncf %max3A_822 : vector<8x256xf32> to vector<8x256xbf16>
    %dot_general3A_824 = arith.constant dense<0.000000e+00> : vector<16x256xf32>
    %dot_general3A_825 = tpu.matmul %get3A_15, %convert_element_type3A_823, %dot_general3A_824 {dimension_numbers = #tpu.dot_dimension_numbers<[1], [0], [0], [1], [0, 0, 1, 1], [], []>, transpose_lhs_hint = false} : vector<16x8xbf16>, vector<8x256xbf16>, vector<16x256xf32> -> vector<16x256xf32>
    %add3A_826 = vector.broadcast %get3A_18 : vector<16x1xf32> to vector<16x256xf32>
    %add3A_827 = arith.addf %dot_general3A_825, %add3A_826 : vector<16x256xf32>
    %mul3A_828 = vector.broadcast %div3A_1 : f32 to vector<16x256xf32>
    %mul3A_829 = arith.mulf %mul3A_828, %add3A_827 : vector<16x256xf32>
    %max3A_830 = arith.constant 0.000000e+00 : f32
    %max3A_831 = vector.broadcast %max3A_830 : f32 to vector<16x256xf32>
    %max3A_832 = arith.maximumf %mul3A_829, %max3A_831 : vector<16x256xf32>
    %convert_element_type3A_833 = arith.truncf %max3A_832 : vector<16x256xf32> to vector<16x256xbf16>
    %convert_element_type3A_834 = arith.extf %convert_element_type3A_833 : vector<16x256xbf16> to vector<16x256xf32>
    %convert_element_type3A_835 = arith.extf %convert_element_type3A_803 : vector<16x256xbf16> to vector<16x256xf32>
    %slice3A_836 = vector.extract_strided_slice %convert_element_type3A_834 {offsets = [0, 0], sizes = [1, 256], strides = [1, 1]} : vector<16x256xf32> to vector<1x256xf32>
    %mul3A_837 = vector.broadcast %slice3A_836 : vector<1x256xf32> to vector<208x256xf32>
    %mul3A_838 = arith.mulf %transpose3A_794, %mul3A_837 : vector<208x256xf32>
    %add3A_839 = arith.addf %add3A_679, %mul3A_838 : vector<208x256xf32>
    %mul3A_840 = vector.broadcast %slice3A_836 : vector<1x256xf32> to vector<16x256xf32>
    %mul3A_841 = arith.mulf %convert_element_type3A_835, %mul3A_840 : vector<16x256xf32>
    %add3A_842 = arith.addf %add3A_682, %mul3A_841 : vector<16x256xf32>
    %slice3A_843 = vector.extract_strided_slice %convert_element_type3A_834 {offsets = [1, 0], sizes = [1, 256], strides = [1, 1]} : vector<16x256xf32> to vector<1x256xf32>
    %mul3A_844 = vector.broadcast %slice3A_843 : vector<1x256xf32> to vector<208x256xf32>
    %mul3A_845 = arith.mulf %transpose3A_794, %mul3A_844 : vector<208x256xf32>
    %add3A_846 = arith.addf %add3A_686, %mul3A_845 : vector<208x256xf32>
    %mul3A_847 = vector.broadcast %slice3A_843 : vector<1x256xf32> to vector<16x256xf32>
    %mul3A_848 = arith.mulf %convert_element_type3A_835, %mul3A_847 : vector<16x256xf32>
    %add3A_849 = arith.addf %add3A_689, %mul3A_848 : vector<16x256xf32>
    %slice3A_850 = vector.extract_strided_slice %convert_element_type3A_834 {offsets = [2, 0], sizes = [1, 256], strides = [1, 1]} : vector<16x256xf32> to vector<1x256xf32>
    %mul3A_851 = vector.broadcast %slice3A_850 : vector<1x256xf32> to vector<208x256xf32>
    %mul3A_852 = arith.mulf %transpose3A_794, %mul3A_851 : vector<208x256xf32>
    %add3A_853 = arith.addf %add3A_693, %mul3A_852 : vector<208x256xf32>
    %mul3A_854 = vector.broadcast %slice3A_850 : vector<1x256xf32> to vector<16x256xf32>
    %mul3A_855 = arith.mulf %convert_element_type3A_835, %mul3A_854 : vector<16x256xf32>
    %add3A_856 = arith.addf %add3A_696, %mul3A_855 : vector<16x256xf32>
    %slice3A_857 = vector.extract_strided_slice %convert_element_type3A_834 {offsets = [3, 0], sizes = [1, 256], strides = [1, 1]} : vector<16x256xf32> to vector<1x256xf32>
    %mul3A_858 = vector.broadcast %slice3A_857 : vector<1x256xf32> to vector<208x256xf32>
    %mul3A_859 = arith.mulf %transpose3A_794, %mul3A_858 : vector<208x256xf32>
    %add3A_860 = arith.addf %add3A_700, %mul3A_859 : vector<208x256xf32>
    %mul3A_861 = vector.broadcast %slice3A_857 : vector<1x256xf32> to vector<16x256xf32>
    %mul3A_862 = arith.mulf %convert_element_type3A_835, %mul3A_861 : vector<16x256xf32>
    %add3A_863 = arith.addf %add3A_703, %mul3A_862 : vector<16x256xf32>
    %slice3A_864 = vector.extract_strided_slice %convert_element_type3A_834 {offsets = [4, 0], sizes = [1, 256], strides = [1, 1]} : vector<16x256xf32> to vector<1x256xf32>
    %mul3A_865 = vector.broadcast %slice3A_864 : vector<1x256xf32> to vector<208x256xf32>
    %mul3A_866 = arith.mulf %transpose3A_794, %mul3A_865 : vector<208x256xf32>
    %add3A_867 = arith.addf %add3A_707, %mul3A_866 : vector<208x256xf32>
    %mul3A_868 = vector.broadcast %slice3A_864 : vector<1x256xf32> to vector<16x256xf32>
    %mul3A_869 = arith.mulf %convert_element_type3A_835, %mul3A_868 : vector<16x256xf32>
    %add3A_870 = arith.addf %add3A_710, %mul3A_869 : vector<16x256xf32>
    %slice3A_871 = vector.extract_strided_slice %convert_element_type3A_834 {offsets = [5, 0], sizes = [1, 256], strides = [1, 1]} : vector<16x256xf32> to vector<1x256xf32>
    %mul3A_872 = vector.broadcast %slice3A_871 : vector<1x256xf32> to vector<208x256xf32>
    %mul3A_873 = arith.mulf %transpose3A_794, %mul3A_872 : vector<208x256xf32>
    %add3A_874 = arith.addf %add3A_714, %mul3A_873 : vector<208x256xf32>
    %mul3A_875 = vector.broadcast %slice3A_871 : vector<1x256xf32> to vector<16x256xf32>
    %mul3A_876 = arith.mulf %convert_element_type3A_835, %mul3A_875 : vector<16x256xf32>
    %add3A_877 = arith.addf %add3A_717, %mul3A_876 : vector<16x256xf32>
    %slice3A_878 = vector.extract_strided_slice %convert_element_type3A_834 {offsets = [6, 0], sizes = [1, 256], strides = [1, 1]} : vector<16x256xf32> to vector<1x256xf32>
    %mul3A_879 = vector.broadcast %slice3A_878 : vector<1x256xf32> to vector<208x256xf32>
    %mul3A_880 = arith.mulf %transpose3A_794, %mul3A_879 : vector<208x256xf32>
    %add3A_881 = arith.addf %add3A_721, %mul3A_880 : vector<208x256xf32>
    %mul3A_882 = vector.broadcast %slice3A_878 : vector<1x256xf32> to vector<16x256xf32>
    %mul3A_883 = arith.mulf %convert_element_type3A_835, %mul3A_882 : vector<16x256xf32>
    %add3A_884 = arith.addf %add3A_724, %mul3A_883 : vector<16x256xf32>
    %slice3A_885 = vector.extract_strided_slice %convert_element_type3A_834 {offsets = [7, 0], sizes = [1, 256], strides = [1, 1]} : vector<16x256xf32> to vector<1x256xf32>
    %mul3A_886 = vector.broadcast %slice3A_885 : vector<1x256xf32> to vector<208x256xf32>
    %mul3A_887 = arith.mulf %transpose3A_794, %mul3A_886 : vector<208x256xf32>
    %add3A_888 = arith.addf %add3A_728, %mul3A_887 : vector<208x256xf32>
    %mul3A_889 = vector.broadcast %slice3A_885 : vector<1x256xf32> to vector<16x256xf32>
    %mul3A_890 = arith.mulf %convert_element_type3A_835, %mul3A_889 : vector<16x256xf32>
    %add3A_891 = arith.addf %add3A_731, %mul3A_890 : vector<16x256xf32>
    %slice3A_892 = vector.extract_strided_slice %convert_element_type3A_834 {offsets = [8, 0], sizes = [1, 256], strides = [1, 1]} : vector<16x256xf32> to vector<1x256xf32>
    %mul3A_893 = vector.broadcast %slice3A_892 : vector<1x256xf32> to vector<208x256xf32>
    %mul3A_894 = arith.mulf %transpose3A_794, %mul3A_893 : vector<208x256xf32>
    %add3A_895 = arith.addf %add3A_735, %mul3A_894 : vector<208x256xf32>
    %mul3A_896 = vector.broadcast %slice3A_892 : vector<1x256xf32> to vector<16x256xf32>
    %mul3A_897 = arith.mulf %convert_element_type3A_835, %mul3A_896 : vector<16x256xf32>
    %add3A_898 = arith.addf %add3A_738, %mul3A_897 : vector<16x256xf32>
    %slice3A_899 = vector.extract_strided_slice %convert_element_type3A_834 {offsets = [9, 0], sizes = [1, 256], strides = [1, 1]} : vector<16x256xf32> to vector<1x256xf32>
    %mul3A_900 = vector.broadcast %slice3A_899 : vector<1x256xf32> to vector<208x256xf32>
    %mul3A_901 = arith.mulf %transpose3A_794, %mul3A_900 : vector<208x256xf32>
    %add3A_902 = arith.addf %add3A_742, %mul3A_901 : vector<208x256xf32>
    %mul3A_903 = vector.broadcast %slice3A_899 : vector<1x256xf32> to vector<16x256xf32>
    %mul3A_904 = arith.mulf %convert_element_type3A_835, %mul3A_903 : vector<16x256xf32>
    %add3A_905 = arith.addf %add3A_745, %mul3A_904 : vector<16x256xf32>
    %slice3A_906 = vector.extract_strided_slice %convert_element_type3A_834 {offsets = [10, 0], sizes = [1, 256], strides = [1, 1]} : vector<16x256xf32> to vector<1x256xf32>
    %mul3A_907 = vector.broadcast %slice3A_906 : vector<1x256xf32> to vector<208x256xf32>
    %mul3A_908 = arith.mulf %transpose3A_794, %mul3A_907 : vector<208x256xf32>
    %add3A_909 = arith.addf %add3A_749, %mul3A_908 : vector<208x256xf32>
    %mul3A_910 = vector.broadcast %slice3A_906 : vector<1x256xf32> to vector<16x256xf32>
    %mul3A_911 = arith.mulf %convert_element_type3A_835, %mul3A_910 : vector<16x256xf32>
    %add3A_912 = arith.addf %add3A_752, %mul3A_911 : vector<16x256xf32>
    %slice3A_913 = vector.extract_strided_slice %convert_element_type3A_834 {offsets = [11, 0], sizes = [1, 256], strides = [1, 1]} : vector<16x256xf32> to vector<1x256xf32>
    %mul3A_914 = vector.broadcast %slice3A_913 : vector<1x256xf32> to vector<208x256xf32>
    %mul3A_915 = arith.mulf %transpose3A_794, %mul3A_914 : vector<208x256xf32>
    %add3A_916 = arith.addf %add3A_756, %mul3A_915 : vector<208x256xf32>
    %mul3A_917 = vector.broadcast %slice3A_913 : vector<1x256xf32> to vector<16x256xf32>
    %mul3A_918 = arith.mulf %convert_element_type3A_835, %mul3A_917 : vector<16x256xf32>
    %add3A_919 = arith.addf %add3A_759, %mul3A_918 : vector<16x256xf32>
    %slice3A_920 = vector.extract_strided_slice %convert_element_type3A_834 {offsets = [12, 0], sizes = [1, 256], strides = [1, 1]} : vector<16x256xf32> to vector<1x256xf32>
    %mul3A_921 = vector.broadcast %slice3A_920 : vector<1x256xf32> to vector<208x256xf32>
    %mul3A_922 = arith.mulf %transpose3A_794, %mul3A_921 : vector<208x256xf32>
    %add3A_923 = arith.addf %add3A_763, %mul3A_922 : vector<208x256xf32>
    %mul3A_924 = vector.broadcast %slice3A_920 : vector<1x256xf32> to vector<16x256xf32>
    %mul3A_925 = arith.mulf %convert_element_type3A_835, %mul3A_924 : vector<16x256xf32>
    %add3A_926 = arith.addf %add3A_766, %mul3A_925 : vector<16x256xf32>
    %slice3A_927 = vector.extract_strided_slice %convert_element_type3A_834 {offsets = [13, 0], sizes = [1, 256], strides = [1, 1]} : vector<16x256xf32> to vector<1x256xf32>
    %mul3A_928 = vector.broadcast %slice3A_927 : vector<1x256xf32> to vector<208x256xf32>
    %mul3A_929 = arith.mulf %transpose3A_794, %mul3A_928 : vector<208x256xf32>
    %add3A_930 = arith.addf %add3A_770, %mul3A_929 : vector<208x256xf32>
    %mul3A_931 = vector.broadcast %slice3A_927 : vector<1x256xf32> to vector<16x256xf32>
    %mul3A_932 = arith.mulf %convert_element_type3A_835, %mul3A_931 : vector<16x256xf32>
    %add3A_933 = arith.addf %add3A_773, %mul3A_932 : vector<16x256xf32>
    %slice3A_934 = vector.extract_strided_slice %convert_element_type3A_834 {offsets = [14, 0], sizes = [1, 256], strides = [1, 1]} : vector<16x256xf32> to vector<1x256xf32>
    %mul3A_935 = vector.broadcast %slice3A_934 : vector<1x256xf32> to vector<208x256xf32>
    %mul3A_936 = arith.mulf %transpose3A_794, %mul3A_935 : vector<208x256xf32>
    %add3A_937 = arith.addf %add3A_777, %mul3A_936 : vector<208x256xf32>
    %mul3A_938 = vector.broadcast %slice3A_934 : vector<1x256xf32> to vector<16x256xf32>
    %mul3A_939 = arith.mulf %convert_element_type3A_835, %mul3A_938 : vector<16x256xf32>
    %add3A_940 = arith.addf %add3A_780, %mul3A_939 : vector<16x256xf32>
    %slice3A_941 = vector.extract_strided_slice %convert_element_type3A_834 {offsets = [15, 0], sizes = [1, 256], strides = [1, 1]} : vector<16x256xf32> to vector<1x256xf32>
    %mul3A_942 = vector.broadcast %slice3A_941 : vector<1x256xf32> to vector<208x256xf32>
    %mul3A_943 = arith.mulf %transpose3A_794, %mul3A_942 : vector<208x256xf32>
    %add3A_944 = arith.addf %add3A_784, %mul3A_943 : vector<208x256xf32>
    %mul3A_945 = vector.broadcast %slice3A_941 : vector<1x256xf32> to vector<16x256xf32>
    %mul3A_946 = arith.mulf %convert_element_type3A_835, %mul3A_945 : vector<16x256xf32>
    %add3A_947 = arith.addf %add3A_787, %mul3A_946 : vector<16x256xf32>
    %get3A_948 = arith.constant 0 : index
    %get3A_949 = arith.constant 0 : index
    %get3A_950 = arith.constant 6 : index
    %get3A_951 = arith.constant 0 : index
    %get3A_952 = vector.load %arg2[%get3A_948, %get3A_949, %get3A_950, %get3A_951] : memref<1x256x9x208xf32, #tpu.memory_space<vmem>>, vector<1x256x1x208xf32>
    %get3A_953 = vector.shape_cast %get3A_952 : vector<1x256x1x208xf32> to vector<256x208xf32>
    %transpose3A_954 = tpu.transpose %get3A_953, [1, 0] : vector<256x208xf32> -> vector<208x256xf32>
    %get3A_955 = arith.constant 0 : index
    %get3A_956 = arith.constant 0 : index
    %get3A_957 = arith.constant 6 : index
    %get3A_958 = arith.constant 0 : index
    %get3A_959 = vector.load %arg3[%get3A_955, %get3A_956, %get3A_957, %get3A_958] : memref<1x256x9x16xf32, #tpu.memory_space<vmem>>, vector<1x256x1x16xf32>
    %get3A_960 = vector.shape_cast %get3A_959 : vector<1x256x1x16xf32> to vector<256x16xf32>
    %transpose3A_961 = tpu.transpose %get3A_960, [1, 0] : vector<256x16xf32> -> vector<16x256xf32>
    %sub3A_962 = arith.subf %transpose3A_961, %transpose3A : vector<16x256xf32>
    %convert_element_type3A_963 = arith.truncf %sub3A_962 : vector<16x256xf32> to vector<16x256xbf16>
    %dot_general3A_964 = arith.constant dense<0.000000e+00> : vector<8x256xf32>
    %dot_general3A_965 = tpu.matmul %get3A_3, %convert_element_type3A_963, %dot_general3A_964 {dimension_numbers = #tpu.dot_dimension_numbers<[1], [0], [0], [1], [0, 0, 1, 1], [], []>, transpose_lhs_hint = false} : vector<8x16xbf16>, vector<16x256xbf16>, vector<8x256xf32> -> vector<8x256xf32>
    %add3A_966 = vector.broadcast %get3A_6 : vector<8x1xf32> to vector<8x256xf32>
    %add3A_967 = arith.addf %dot_general3A_965, %add3A_966 : vector<8x256xf32>
    %mul3A_968 = vector.broadcast %div3A_1 : f32 to vector<8x256xf32>
    %mul3A_969 = arith.mulf %mul3A_968, %add3A_967 : vector<8x256xf32>
    %max3A_970 = arith.constant 0.000000e+00 : f32
    %max3A_971 = vector.broadcast %max3A_970 : f32 to vector<8x256xf32>
    %max3A_972 = arith.maximumf %mul3A_969, %max3A_971 : vector<8x256xf32>
    %convert_element_type3A_973 = arith.truncf %max3A_972 : vector<8x256xf32> to vector<8x256xbf16>
    %dot_general3A_974 = arith.constant dense<0.000000e+00> : vector<8x256xf32>
    %dot_general3A_975 = tpu.matmul %get3A_9, %convert_element_type3A_973, %dot_general3A_974 {dimension_numbers = #tpu.dot_dimension_numbers<[1], [0], [0], [1], [0, 0, 1, 1], [], []>, transpose_lhs_hint = false} : vector<8x8xbf16>, vector<8x256xbf16>, vector<8x256xf32> -> vector<8x256xf32>
    %add3A_976 = vector.broadcast %get3A_12 : vector<8x1xf32> to vector<8x256xf32>
    %add3A_977 = arith.addf %dot_general3A_975, %add3A_976 : vector<8x256xf32>
    %mul3A_978 = vector.broadcast %div3A_1 : f32 to vector<8x256xf32>
    %mul3A_979 = arith.mulf %mul3A_978, %add3A_977 : vector<8x256xf32>
    %max3A_980 = arith.constant 0.000000e+00 : f32
    %max3A_981 = vector.broadcast %max3A_980 : f32 to vector<8x256xf32>
    %max3A_982 = arith.maximumf %mul3A_979, %max3A_981 : vector<8x256xf32>
    %convert_element_type3A_983 = arith.truncf %max3A_982 : vector<8x256xf32> to vector<8x256xbf16>
    %dot_general3A_984 = arith.constant dense<0.000000e+00> : vector<16x256xf32>
    %dot_general3A_985 = tpu.matmul %get3A_15, %convert_element_type3A_983, %dot_general3A_984 {dimension_numbers = #tpu.dot_dimension_numbers<[1], [0], [0], [1], [0, 0, 1, 1], [], []>, transpose_lhs_hint = false} : vector<16x8xbf16>, vector<8x256xbf16>, vector<16x256xf32> -> vector<16x256xf32>
    %add3A_986 = vector.broadcast %get3A_18 : vector<16x1xf32> to vector<16x256xf32>
    %add3A_987 = arith.addf %dot_general3A_985, %add3A_986 : vector<16x256xf32>
    %mul3A_988 = vector.broadcast %div3A_1 : f32 to vector<16x256xf32>
    %mul3A_989 = arith.mulf %mul3A_988, %add3A_987 : vector<16x256xf32>
    %max3A_990 = arith.constant 0.000000e+00 : f32
    %max3A_991 = vector.broadcast %max3A_990 : f32 to vector<16x256xf32>
    %max3A_992 = arith.maximumf %mul3A_989, %max3A_991 : vector<16x256xf32>
    %convert_element_type3A_993 = arith.truncf %max3A_992 : vector<16x256xf32> to vector<16x256xbf16>
    %convert_element_type3A_994 = arith.extf %convert_element_type3A_993 : vector<16x256xbf16> to vector<16x256xf32>
    %convert_element_type3A_995 = arith.extf %convert_element_type3A_963 : vector<16x256xbf16> to vector<16x256xf32>
    %slice3A_996 = vector.extract_strided_slice %convert_element_type3A_994 {offsets = [0, 0], sizes = [1, 256], strides = [1, 1]} : vector<16x256xf32> to vector<1x256xf32>
    %mul3A_997 = vector.broadcast %slice3A_996 : vector<1x256xf32> to vector<208x256xf32>
    %mul3A_998 = arith.mulf %transpose3A_954, %mul3A_997 : vector<208x256xf32>
    %add3A_999 = arith.addf %add3A_839, %mul3A_998 : vector<208x256xf32>
    %mul3A_1000 = vector.broadcast %slice3A_996 : vector<1x256xf32> to vector<16x256xf32>
    %mul3A_1001 = arith.mulf %convert_element_type3A_995, %mul3A_1000 : vector<16x256xf32>
    %add3A_1002 = arith.addf %add3A_842, %mul3A_1001 : vector<16x256xf32>
    %slice3A_1003 = vector.extract_strided_slice %convert_element_type3A_994 {offsets = [1, 0], sizes = [1, 256], strides = [1, 1]} : vector<16x256xf32> to vector<1x256xf32>
    %mul3A_1004 = vector.broadcast %slice3A_1003 : vector<1x256xf32> to vector<208x256xf32>
    %mul3A_1005 = arith.mulf %transpose3A_954, %mul3A_1004 : vector<208x256xf32>
    %add3A_1006 = arith.addf %add3A_846, %mul3A_1005 : vector<208x256xf32>
    %mul3A_1007 = vector.broadcast %slice3A_1003 : vector<1x256xf32> to vector<16x256xf32>
    %mul3A_1008 = arith.mulf %convert_element_type3A_995, %mul3A_1007 : vector<16x256xf32>
    %add3A_1009 = arith.addf %add3A_849, %mul3A_1008 : vector<16x256xf32>
    %slice3A_1010 = vector.extract_strided_slice %convert_element_type3A_994 {offsets = [2, 0], sizes = [1, 256], strides = [1, 1]} : vector<16x256xf32> to vector<1x256xf32>
    %mul3A_1011 = vector.broadcast %slice3A_1010 : vector<1x256xf32> to vector<208x256xf32>
    %mul3A_1012 = arith.mulf %transpose3A_954, %mul3A_1011 : vector<208x256xf32>
    %add3A_1013 = arith.addf %add3A_853, %mul3A_1012 : vector<208x256xf32>
    %mul3A_1014 = vector.broadcast %slice3A_1010 : vector<1x256xf32> to vector<16x256xf32>
    %mul3A_1015 = arith.mulf %convert_element_type3A_995, %mul3A_1014 : vector<16x256xf32>
    %add3A_1016 = arith.addf %add3A_856, %mul3A_1015 : vector<16x256xf32>
    %slice3A_1017 = vector.extract_strided_slice %convert_element_type3A_994 {offsets = [3, 0], sizes = [1, 256], strides = [1, 1]} : vector<16x256xf32> to vector<1x256xf32>
    %mul3A_1018 = vector.broadcast %slice3A_1017 : vector<1x256xf32> to vector<208x256xf32>
    %mul3A_1019 = arith.mulf %transpose3A_954, %mul3A_1018 : vector<208x256xf32>
    %add3A_1020 = arith.addf %add3A_860, %mul3A_1019 : vector<208x256xf32>
    %mul3A_1021 = vector.broadcast %slice3A_1017 : vector<1x256xf32> to vector<16x256xf32>
    %mul3A_1022 = arith.mulf %convert_element_type3A_995, %mul3A_1021 : vector<16x256xf32>
    %add3A_1023 = arith.addf %add3A_863, %mul3A_1022 : vector<16x256xf32>
    %slice3A_1024 = vector.extract_strided_slice %convert_element_type3A_994 {offsets = [4, 0], sizes = [1, 256], strides = [1, 1]} : vector<16x256xf32> to vector<1x256xf32>
    %mul3A_1025 = vector.broadcast %slice3A_1024 : vector<1x256xf32> to vector<208x256xf32>
    %mul3A_1026 = arith.mulf %transpose3A_954, %mul3A_1025 : vector<208x256xf32>
    %add3A_1027 = arith.addf %add3A_867, %mul3A_1026 : vector<208x256xf32>
    %mul3A_1028 = vector.broadcast %slice3A_1024 : vector<1x256xf32> to vector<16x256xf32>
    %mul3A_1029 = arith.mulf %convert_element_type3A_995, %mul3A_1028 : vector<16x256xf32>
    %add3A_1030 = arith.addf %add3A_870, %mul3A_1029 : vector<16x256xf32>
    %slice3A_1031 = vector.extract_strided_slice %convert_element_type3A_994 {offsets = [5, 0], sizes = [1, 256], strides = [1, 1]} : vector<16x256xf32> to vector<1x256xf32>
    %mul3A_1032 = vector.broadcast %slice3A_1031 : vector<1x256xf32> to vector<208x256xf32>
    %mul3A_1033 = arith.mulf %transpose3A_954, %mul3A_1032 : vector<208x256xf32>
    %add3A_1034 = arith.addf %add3A_874, %mul3A_1033 : vector<208x256xf32>
    %mul3A_1035 = vector.broadcast %slice3A_1031 : vector<1x256xf32> to vector<16x256xf32>
    %mul3A_1036 = arith.mulf %convert_element_type3A_995, %mul3A_1035 : vector<16x256xf32>
    %add3A_1037 = arith.addf %add3A_877, %mul3A_1036 : vector<16x256xf32>
    %slice3A_1038 = vector.extract_strided_slice %convert_element_type3A_994 {offsets = [6, 0], sizes = [1, 256], strides = [1, 1]} : vector<16x256xf32> to vector<1x256xf32>
    %mul3A_1039 = vector.broadcast %slice3A_1038 : vector<1x256xf32> to vector<208x256xf32>
    %mul3A_1040 = arith.mulf %transpose3A_954, %mul3A_1039 : vector<208x256xf32>
    %add3A_1041 = arith.addf %add3A_881, %mul3A_1040 : vector<208x256xf32>
    %mul3A_1042 = vector.broadcast %slice3A_1038 : vector<1x256xf32> to vector<16x256xf32>
    %mul3A_1043 = arith.mulf %convert_element_type3A_995, %mul3A_1042 : vector<16x256xf32>
    %add3A_1044 = arith.addf %add3A_884, %mul3A_1043 : vector<16x256xf32>
    %slice3A_1045 = vector.extract_strided_slice %convert_element_type3A_994 {offsets = [7, 0], sizes = [1, 256], strides = [1, 1]} : vector<16x256xf32> to vector<1x256xf32>
    %mul3A_1046 = vector.broadcast %slice3A_1045 : vector<1x256xf32> to vector<208x256xf32>
    %mul3A_1047 = arith.mulf %transpose3A_954, %mul3A_1046 : vector<208x256xf32>
    %add3A_1048 = arith.addf %add3A_888, %mul3A_1047 : vector<208x256xf32>
    %mul3A_1049 = vector.broadcast %slice3A_1045 : vector<1x256xf32> to vector<16x256xf32>
    %mul3A_1050 = arith.mulf %convert_element_type3A_995, %mul3A_1049 : vector<16x256xf32>
    %add3A_1051 = arith.addf %add3A_891, %mul3A_1050 : vector<16x256xf32>
    %slice3A_1052 = vector.extract_strided_slice %convert_element_type3A_994 {offsets = [8, 0], sizes = [1, 256], strides = [1, 1]} : vector<16x256xf32> to vector<1x256xf32>
    %mul3A_1053 = vector.broadcast %slice3A_1052 : vector<1x256xf32> to vector<208x256xf32>
    %mul3A_1054 = arith.mulf %transpose3A_954, %mul3A_1053 : vector<208x256xf32>
    %add3A_1055 = arith.addf %add3A_895, %mul3A_1054 : vector<208x256xf32>
    %mul3A_1056 = vector.broadcast %slice3A_1052 : vector<1x256xf32> to vector<16x256xf32>
    %mul3A_1057 = arith.mulf %convert_element_type3A_995, %mul3A_1056 : vector<16x256xf32>
    %add3A_1058 = arith.addf %add3A_898, %mul3A_1057 : vector<16x256xf32>
    %slice3A_1059 = vector.extract_strided_slice %convert_element_type3A_994 {offsets = [9, 0], sizes = [1, 256], strides = [1, 1]} : vector<16x256xf32> to vector<1x256xf32>
    %mul3A_1060 = vector.broadcast %slice3A_1059 : vector<1x256xf32> to vector<208x256xf32>
    %mul3A_1061 = arith.mulf %transpose3A_954, %mul3A_1060 : vector<208x256xf32>
    %add3A_1062 = arith.addf %add3A_902, %mul3A_1061 : vector<208x256xf32>
    %mul3A_1063 = vector.broadcast %slice3A_1059 : vector<1x256xf32> to vector<16x256xf32>
    %mul3A_1064 = arith.mulf %convert_element_type3A_995, %mul3A_1063 : vector<16x256xf32>
    %add3A_1065 = arith.addf %add3A_905, %mul3A_1064 : vector<16x256xf32>
    %slice3A_1066 = vector.extract_strided_slice %convert_element_type3A_994 {offsets = [10, 0], sizes = [1, 256], strides = [1, 1]} : vector<16x256xf32> to vector<1x256xf32>
    %mul3A_1067 = vector.broadcast %slice3A_1066 : vector<1x256xf32> to vector<208x256xf32>
    %mul3A_1068 = arith.mulf %transpose3A_954, %mul3A_1067 : vector<208x256xf32>
    %add3A_1069 = arith.addf %add3A_909, %mul3A_1068 : vector<208x256xf32>
    %mul3A_1070 = vector.broadcast %slice3A_1066 : vector<1x256xf32> to vector<16x256xf32>
    %mul3A_1071 = arith.mulf %convert_element_type3A_995, %mul3A_1070 : vector<16x256xf32>
    %add3A_1072 = arith.addf %add3A_912, %mul3A_1071 : vector<16x256xf32>
    %slice3A_1073 = vector.extract_strided_slice %convert_element_type3A_994 {offsets = [11, 0], sizes = [1, 256], strides = [1, 1]} : vector<16x256xf32> to vector<1x256xf32>
    %mul3A_1074 = vector.broadcast %slice3A_1073 : vector<1x256xf32> to vector<208x256xf32>
    %mul3A_1075 = arith.mulf %transpose3A_954, %mul3A_1074 : vector<208x256xf32>
    %add3A_1076 = arith.addf %add3A_916, %mul3A_1075 : vector<208x256xf32>
    %mul3A_1077 = vector.broadcast %slice3A_1073 : vector<1x256xf32> to vector<16x256xf32>
    %mul3A_1078 = arith.mulf %convert_element_type3A_995, %mul3A_1077 : vector<16x256xf32>
    %add3A_1079 = arith.addf %add3A_919, %mul3A_1078 : vector<16x256xf32>
    %slice3A_1080 = vector.extract_strided_slice %convert_element_type3A_994 {offsets = [12, 0], sizes = [1, 256], strides = [1, 1]} : vector<16x256xf32> to vector<1x256xf32>
    %mul3A_1081 = vector.broadcast %slice3A_1080 : vector<1x256xf32> to vector<208x256xf32>
    %mul3A_1082 = arith.mulf %transpose3A_954, %mul3A_1081 : vector<208x256xf32>
    %add3A_1083 = arith.addf %add3A_923, %mul3A_1082 : vector<208x256xf32>
    %mul3A_1084 = vector.broadcast %slice3A_1080 : vector<1x256xf32> to vector<16x256xf32>
    %mul3A_1085 = arith.mulf %convert_element_type3A_995, %mul3A_1084 : vector<16x256xf32>
    %add3A_1086 = arith.addf %add3A_926, %mul3A_1085 : vector<16x256xf32>
    %slice3A_1087 = vector.extract_strided_slice %convert_element_type3A_994 {offsets = [13, 0], sizes = [1, 256], strides = [1, 1]} : vector<16x256xf32> to vector<1x256xf32>
    %mul3A_1088 = vector.broadcast %slice3A_1087 : vector<1x256xf32> to vector<208x256xf32>
    %mul3A_1089 = arith.mulf %transpose3A_954, %mul3A_1088 : vector<208x256xf32>
    %add3A_1090 = arith.addf %add3A_930, %mul3A_1089 : vector<208x256xf32>
    %mul3A_1091 = vector.broadcast %slice3A_1087 : vector<1x256xf32> to vector<16x256xf32>
    %mul3A_1092 = arith.mulf %convert_element_type3A_995, %mul3A_1091 : vector<16x256xf32>
    %add3A_1093 = arith.addf %add3A_933, %mul3A_1092 : vector<16x256xf32>
    %slice3A_1094 = vector.extract_strided_slice %convert_element_type3A_994 {offsets = [14, 0], sizes = [1, 256], strides = [1, 1]} : vector<16x256xf32> to vector<1x256xf32>
    %mul3A_1095 = vector.broadcast %slice3A_1094 : vector<1x256xf32> to vector<208x256xf32>
    %mul3A_1096 = arith.mulf %transpose3A_954, %mul3A_1095 : vector<208x256xf32>
    %add3A_1097 = arith.addf %add3A_937, %mul3A_1096 : vector<208x256xf32>
    %mul3A_1098 = vector.broadcast %slice3A_1094 : vector<1x256xf32> to vector<16x256xf32>
    %mul3A_1099 = arith.mulf %convert_element_type3A_995, %mul3A_1098 : vector<16x256xf32>
    %add3A_1100 = arith.addf %add3A_940, %mul3A_1099 : vector<16x256xf32>
    %slice3A_1101 = vector.extract_strided_slice %convert_element_type3A_994 {offsets = [15, 0], sizes = [1, 256], strides = [1, 1]} : vector<16x256xf32> to vector<1x256xf32>
    %mul3A_1102 = vector.broadcast %slice3A_1101 : vector<1x256xf32> to vector<208x256xf32>
    %mul3A_1103 = arith.mulf %transpose3A_954, %mul3A_1102 : vector<208x256xf32>
    %add3A_1104 = arith.addf %add3A_944, %mul3A_1103 : vector<208x256xf32>
    %mul3A_1105 = vector.broadcast %slice3A_1101 : vector<1x256xf32> to vector<16x256xf32>
    %mul3A_1106 = arith.mulf %convert_element_type3A_995, %mul3A_1105 : vector<16x256xf32>
    %add3A_1107 = arith.addf %add3A_947, %mul3A_1106 : vector<16x256xf32>
    %get3A_1108 = arith.constant 0 : index
    %get3A_1109 = arith.constant 0 : index
    %get3A_1110 = arith.constant 7 : index
    %get3A_1111 = arith.constant 0 : index
    %get3A_1112 = vector.load %arg2[%get3A_1108, %get3A_1109, %get3A_1110, %get3A_1111] : memref<1x256x9x208xf32, #tpu.memory_space<vmem>>, vector<1x256x1x208xf32>
    %get3A_1113 = vector.shape_cast %get3A_1112 : vector<1x256x1x208xf32> to vector<256x208xf32>
    %transpose3A_1114 = tpu.transpose %get3A_1113, [1, 0] : vector<256x208xf32> -> vector<208x256xf32>
    %get3A_1115 = arith.constant 0 : index
    %get3A_1116 = arith.constant 0 : index
    %get3A_1117 = arith.constant 7 : index
    %get3A_1118 = arith.constant 0 : index
    %get3A_1119 = vector.load %arg3[%get3A_1115, %get3A_1116, %get3A_1117, %get3A_1118] : memref<1x256x9x16xf32, #tpu.memory_space<vmem>>, vector<1x256x1x16xf32>
    %get3A_1120 = vector.shape_cast %get3A_1119 : vector<1x256x1x16xf32> to vector<256x16xf32>
    %transpose3A_1121 = tpu.transpose %get3A_1120, [1, 0] : vector<256x16xf32> -> vector<16x256xf32>
    %sub3A_1122 = arith.subf %transpose3A_1121, %transpose3A : vector<16x256xf32>
    %convert_element_type3A_1123 = arith.truncf %sub3A_1122 : vector<16x256xf32> to vector<16x256xbf16>
    %dot_general3A_1124 = arith.constant dense<0.000000e+00> : vector<8x256xf32>
    %dot_general3A_1125 = tpu.matmul %get3A_3, %convert_element_type3A_1123, %dot_general3A_1124 {dimension_numbers = #tpu.dot_dimension_numbers<[1], [0], [0], [1], [0, 0, 1, 1], [], []>, transpose_lhs_hint = false} : vector<8x16xbf16>, vector<16x256xbf16>, vector<8x256xf32> -> vector<8x256xf32>
    %add3A_1126 = vector.broadcast %get3A_6 : vector<8x1xf32> to vector<8x256xf32>
    %add3A_1127 = arith.addf %dot_general3A_1125, %add3A_1126 : vector<8x256xf32>
    %mul3A_1128 = vector.broadcast %div3A_1 : f32 to vector<8x256xf32>
    %mul3A_1129 = arith.mulf %mul3A_1128, %add3A_1127 : vector<8x256xf32>
    %max3A_1130 = arith.constant 0.000000e+00 : f32
    %max3A_1131 = vector.broadcast %max3A_1130 : f32 to vector<8x256xf32>
    %max3A_1132 = arith.maximumf %mul3A_1129, %max3A_1131 : vector<8x256xf32>
    %convert_element_type3A_1133 = arith.truncf %max3A_1132 : vector<8x256xf32> to vector<8x256xbf16>
    %dot_general3A_1134 = arith.constant dense<0.000000e+00> : vector<8x256xf32>
    %dot_general3A_1135 = tpu.matmul %get3A_9, %convert_element_type3A_1133, %dot_general3A_1134 {dimension_numbers = #tpu.dot_dimension_numbers<[1], [0], [0], [1], [0, 0, 1, 1], [], []>, transpose_lhs_hint = false} : vector<8x8xbf16>, vector<8x256xbf16>, vector<8x256xf32> -> vector<8x256xf32>
    %add3A_1136 = vector.broadcast %get3A_12 : vector<8x1xf32> to vector<8x256xf32>
    %add3A_1137 = arith.addf %dot_general3A_1135, %add3A_1136 : vector<8x256xf32>
    %mul3A_1138 = vector.broadcast %div3A_1 : f32 to vector<8x256xf32>
    %mul3A_1139 = arith.mulf %mul3A_1138, %add3A_1137 : vector<8x256xf32>
    %max3A_1140 = arith.constant 0.000000e+00 : f32
    %max3A_1141 = vector.broadcast %max3A_1140 : f32 to vector<8x256xf32>
    %max3A_1142 = arith.maximumf %mul3A_1139, %max3A_1141 : vector<8x256xf32>
    %convert_element_type3A_1143 = arith.truncf %max3A_1142 : vector<8x256xf32> to vector<8x256xbf16>
    %dot_general3A_1144 = arith.constant dense<0.000000e+00> : vector<16x256xf32>
    %dot_general3A_1145 = tpu.matmul %get3A_15, %convert_element_type3A_1143, %dot_general3A_1144 {dimension_numbers = #tpu.dot_dimension_numbers<[1], [0], [0], [1], [0, 0, 1, 1], [], []>, transpose_lhs_hint = false} : vector<16x8xbf16>, vector<8x256xbf16>, vector<16x256xf32> -> vector<16x256xf32>
    %add3A_1146 = vector.broadcast %get3A_18 : vector<16x1xf32> to vector<16x256xf32>
    %add3A_1147 = arith.addf %dot_general3A_1145, %add3A_1146 : vector<16x256xf32>
    %mul3A_1148 = vector.broadcast %div3A_1 : f32 to vector<16x256xf32>
    %mul3A_1149 = arith.mulf %mul3A_1148, %add3A_1147 : vector<16x256xf32>
    %max3A_1150 = arith.constant 0.000000e+00 : f32
    %max3A_1151 = vector.broadcast %max3A_1150 : f32 to vector<16x256xf32>
    %max3A_1152 = arith.maximumf %mul3A_1149, %max3A_1151 : vector<16x256xf32>
    %convert_element_type3A_1153 = arith.truncf %max3A_1152 : vector<16x256xf32> to vector<16x256xbf16>
    %convert_element_type3A_1154 = arith.extf %convert_element_type3A_1153 : vector<16x256xbf16> to vector<16x256xf32>
    %convert_element_type3A_1155 = arith.extf %convert_element_type3A_1123 : vector<16x256xbf16> to vector<16x256xf32>
    %slice3A_1156 = vector.extract_strided_slice %convert_element_type3A_1154 {offsets = [0, 0], sizes = [1, 256], strides = [1, 1]} : vector<16x256xf32> to vector<1x256xf32>
    %mul3A_1157 = vector.broadcast %slice3A_1156 : vector<1x256xf32> to vector<208x256xf32>
    %mul3A_1158 = arith.mulf %transpose3A_1114, %mul3A_1157 : vector<208x256xf32>
    %add3A_1159 = arith.addf %add3A_999, %mul3A_1158 : vector<208x256xf32>
    %mul3A_1160 = vector.broadcast %slice3A_1156 : vector<1x256xf32> to vector<16x256xf32>
    %mul3A_1161 = arith.mulf %convert_element_type3A_1155, %mul3A_1160 : vector<16x256xf32>
    %add3A_1162 = arith.addf %add3A_1002, %mul3A_1161 : vector<16x256xf32>
    %slice3A_1163 = vector.extract_strided_slice %convert_element_type3A_1154 {offsets = [1, 0], sizes = [1, 256], strides = [1, 1]} : vector<16x256xf32> to vector<1x256xf32>
    %mul3A_1164 = vector.broadcast %slice3A_1163 : vector<1x256xf32> to vector<208x256xf32>
    %mul3A_1165 = arith.mulf %transpose3A_1114, %mul3A_1164 : vector<208x256xf32>
    %add3A_1166 = arith.addf %add3A_1006, %mul3A_1165 : vector<208x256xf32>
    %mul3A_1167 = vector.broadcast %slice3A_1163 : vector<1x256xf32> to vector<16x256xf32>
    %mul3A_1168 = arith.mulf %convert_element_type3A_1155, %mul3A_1167 : vector<16x256xf32>
    %add3A_1169 = arith.addf %add3A_1009, %mul3A_1168 : vector<16x256xf32>
    %slice3A_1170 = vector.extract_strided_slice %convert_element_type3A_1154 {offsets = [2, 0], sizes = [1, 256], strides = [1, 1]} : vector<16x256xf32> to vector<1x256xf32>
    %mul3A_1171 = vector.broadcast %slice3A_1170 : vector<1x256xf32> to vector<208x256xf32>
    %mul3A_1172 = arith.mulf %transpose3A_1114, %mul3A_1171 : vector<208x256xf32>
    %add3A_1173 = arith.addf %add3A_1013, %mul3A_1172 : vector<208x256xf32>
    %mul3A_1174 = vector.broadcast %slice3A_1170 : vector<1x256xf32> to vector<16x256xf32>
    %mul3A_1175 = arith.mulf %convert_element_type3A_1155, %mul3A_1174 : vector<16x256xf32>
    %add3A_1176 = arith.addf %add3A_1016, %mul3A_1175 : vector<16x256xf32>
    %slice3A_1177 = vector.extract_strided_slice %convert_element_type3A_1154 {offsets = [3, 0], sizes = [1, 256], strides = [1, 1]} : vector<16x256xf32> to vector<1x256xf32>
    %mul3A_1178 = vector.broadcast %slice3A_1177 : vector<1x256xf32> to vector<208x256xf32>
    %mul3A_1179 = arith.mulf %transpose3A_1114, %mul3A_1178 : vector<208x256xf32>
    %add3A_1180 = arith.addf %add3A_1020, %mul3A_1179 : vector<208x256xf32>
    %mul3A_1181 = vector.broadcast %slice3A_1177 : vector<1x256xf32> to vector<16x256xf32>
    %mul3A_1182 = arith.mulf %convert_element_type3A_1155, %mul3A_1181 : vector<16x256xf32>
    %add3A_1183 = arith.addf %add3A_1023, %mul3A_1182 : vector<16x256xf32>
    %slice3A_1184 = vector.extract_strided_slice %convert_element_type3A_1154 {offsets = [4, 0], sizes = [1, 256], strides = [1, 1]} : vector<16x256xf32> to vector<1x256xf32>
    %mul3A_1185 = vector.broadcast %slice3A_1184 : vector<1x256xf32> to vector<208x256xf32>
    %mul3A_1186 = arith.mulf %transpose3A_1114, %mul3A_1185 : vector<208x256xf32>
    %add3A_1187 = arith.addf %add3A_1027, %mul3A_1186 : vector<208x256xf32>
    %mul3A_1188 = vector.broadcast %slice3A_1184 : vector<1x256xf32> to vector<16x256xf32>
    %mul3A_1189 = arith.mulf %convert_element_type3A_1155, %mul3A_1188 : vector<16x256xf32>
    %add3A_1190 = arith.addf %add3A_1030, %mul3A_1189 : vector<16x256xf32>
    %slice3A_1191 = vector.extract_strided_slice %convert_element_type3A_1154 {offsets = [5, 0], sizes = [1, 256], strides = [1, 1]} : vector<16x256xf32> to vector<1x256xf32>
    %mul3A_1192 = vector.broadcast %slice3A_1191 : vector<1x256xf32> to vector<208x256xf32>
    %mul3A_1193 = arith.mulf %transpose3A_1114, %mul3A_1192 : vector<208x256xf32>
    %add3A_1194 = arith.addf %add3A_1034, %mul3A_1193 : vector<208x256xf32>
    %mul3A_1195 = vector.broadcast %slice3A_1191 : vector<1x256xf32> to vector<16x256xf32>
    %mul3A_1196 = arith.mulf %convert_element_type3A_1155, %mul3A_1195 : vector<16x256xf32>
    %add3A_1197 = arith.addf %add3A_1037, %mul3A_1196 : vector<16x256xf32>
    %slice3A_1198 = vector.extract_strided_slice %convert_element_type3A_1154 {offsets = [6, 0], sizes = [1, 256], strides = [1, 1]} : vector<16x256xf32> to vector<1x256xf32>
    %mul3A_1199 = vector.broadcast %slice3A_1198 : vector<1x256xf32> to vector<208x256xf32>
    %mul3A_1200 = arith.mulf %transpose3A_1114, %mul3A_1199 : vector<208x256xf32>
    %add3A_1201 = arith.addf %add3A_1041, %mul3A_1200 : vector<208x256xf32>
    %mul3A_1202 = vector.broadcast %slice3A_1198 : vector<1x256xf32> to vector<16x256xf32>
    %mul3A_1203 = arith.mulf %convert_element_type3A_1155, %mul3A_1202 : vector<16x256xf32>
    %add3A_1204 = arith.addf %add3A_1044, %mul3A_1203 : vector<16x256xf32>
    %slice3A_1205 = vector.extract_strided_slice %convert_element_type3A_1154 {offsets = [7, 0], sizes = [1, 256], strides = [1, 1]} : vector<16x256xf32> to vector<1x256xf32>
    %mul3A_1206 = vector.broadcast %slice3A_1205 : vector<1x256xf32> to vector<208x256xf32>
    %mul3A_1207 = arith.mulf %transpose3A_1114, %mul3A_1206 : vector<208x256xf32>
    %add3A_1208 = arith.addf %add3A_1048, %mul3A_1207 : vector<208x256xf32>
    %mul3A_1209 = vector.broadcast %slice3A_1205 : vector<1x256xf32> to vector<16x256xf32>
    %mul3A_1210 = arith.mulf %convert_element_type3A_1155, %mul3A_1209 : vector<16x256xf32>
    %add3A_1211 = arith.addf %add3A_1051, %mul3A_1210 : vector<16x256xf32>
    %slice3A_1212 = vector.extract_strided_slice %convert_element_type3A_1154 {offsets = [8, 0], sizes = [1, 256], strides = [1, 1]} : vector<16x256xf32> to vector<1x256xf32>
    %mul3A_1213 = vector.broadcast %slice3A_1212 : vector<1x256xf32> to vector<208x256xf32>
    %mul3A_1214 = arith.mulf %transpose3A_1114, %mul3A_1213 : vector<208x256xf32>
    %add3A_1215 = arith.addf %add3A_1055, %mul3A_1214 : vector<208x256xf32>
    %mul3A_1216 = vector.broadcast %slice3A_1212 : vector<1x256xf32> to vector<16x256xf32>
    %mul3A_1217 = arith.mulf %convert_element_type3A_1155, %mul3A_1216 : vector<16x256xf32>
    %add3A_1218 = arith.addf %add3A_1058, %mul3A_1217 : vector<16x256xf32>
    %slice3A_1219 = vector.extract_strided_slice %convert_element_type3A_1154 {offsets = [9, 0], sizes = [1, 256], strides = [1, 1]} : vector<16x256xf32> to vector<1x256xf32>
    %mul3A_1220 = vector.broadcast %slice3A_1219 : vector<1x256xf32> to vector<208x256xf32>
    %mul3A_1221 = arith.mulf %transpose3A_1114, %mul3A_1220 : vector<208x256xf32>
    %add3A_1222 = arith.addf %add3A_1062, %mul3A_1221 : vector<208x256xf32>
    %mul3A_1223 = vector.broadcast %slice3A_1219 : vector<1x256xf32> to vector<16x256xf32>
    %mul3A_1224 = arith.mulf %convert_element_type3A_1155, %mul3A_1223 : vector<16x256xf32>
    %add3A_1225 = arith.addf %add3A_1065, %mul3A_1224 : vector<16x256xf32>
    %slice3A_1226 = vector.extract_strided_slice %convert_element_type3A_1154 {offsets = [10, 0], sizes = [1, 256], strides = [1, 1]} : vector<16x256xf32> to vector<1x256xf32>
    %mul3A_1227 = vector.broadcast %slice3A_1226 : vector<1x256xf32> to vector<208x256xf32>
    %mul3A_1228 = arith.mulf %transpose3A_1114, %mul3A_1227 : vector<208x256xf32>
    %add3A_1229 = arith.addf %add3A_1069, %mul3A_1228 : vector<208x256xf32>
    %mul3A_1230 = vector.broadcast %slice3A_1226 : vector<1x256xf32> to vector<16x256xf32>
    %mul3A_1231 = arith.mulf %convert_element_type3A_1155, %mul3A_1230 : vector<16x256xf32>
    %add3A_1232 = arith.addf %add3A_1072, %mul3A_1231 : vector<16x256xf32>
    %slice3A_1233 = vector.extract_strided_slice %convert_element_type3A_1154 {offsets = [11, 0], sizes = [1, 256], strides = [1, 1]} : vector<16x256xf32> to vector<1x256xf32>
    %mul3A_1234 = vector.broadcast %slice3A_1233 : vector<1x256xf32> to vector<208x256xf32>
    %mul3A_1235 = arith.mulf %transpose3A_1114, %mul3A_1234 : vector<208x256xf32>
    %add3A_1236 = arith.addf %add3A_1076, %mul3A_1235 : vector<208x256xf32>
    %mul3A_1237 = vector.broadcast %slice3A_1233 : vector<1x256xf32> to vector<16x256xf32>
    %mul3A_1238 = arith.mulf %convert_element_type3A_1155, %mul3A_1237 : vector<16x256xf32>
    %add3A_1239 = arith.addf %add3A_1079, %mul3A_1238 : vector<16x256xf32>
    %slice3A_1240 = vector.extract_strided_slice %convert_element_type3A_1154 {offsets = [12, 0], sizes = [1, 256], strides = [1, 1]} : vector<16x256xf32> to vector<1x256xf32>
    %mul3A_1241 = vector.broadcast %slice3A_1240 : vector<1x256xf32> to vector<208x256xf32>
    %mul3A_1242 = arith.mulf %transpose3A_1114, %mul3A_1241 : vector<208x256xf32>
    %add3A_1243 = arith.addf %add3A_1083, %mul3A_1242 : vector<208x256xf32>
    %mul3A_1244 = vector.broadcast %slice3A_1240 : vector<1x256xf32> to vector<16x256xf32>
    %mul3A_1245 = arith.mulf %convert_element_type3A_1155, %mul3A_1244 : vector<16x256xf32>
    %add3A_1246 = arith.addf %add3A_1086, %mul3A_1245 : vector<16x256xf32>
    %slice3A_1247 = vector.extract_strided_slice %convert_element_type3A_1154 {offsets = [13, 0], sizes = [1, 256], strides = [1, 1]} : vector<16x256xf32> to vector<1x256xf32>
    %mul3A_1248 = vector.broadcast %slice3A_1247 : vector<1x256xf32> to vector<208x256xf32>
    %mul3A_1249 = arith.mulf %transpose3A_1114, %mul3A_1248 : vector<208x256xf32>
    %add3A_1250 = arith.addf %add3A_1090, %mul3A_1249 : vector<208x256xf32>
    %mul3A_1251 = vector.broadcast %slice3A_1247 : vector<1x256xf32> to vector<16x256xf32>
    %mul3A_1252 = arith.mulf %convert_element_type3A_1155, %mul3A_1251 : vector<16x256xf32>
    %add3A_1253 = arith.addf %add3A_1093, %mul3A_1252 : vector<16x256xf32>
    %slice3A_1254 = vector.extract_strided_slice %convert_element_type3A_1154 {offsets = [14, 0], sizes = [1, 256], strides = [1, 1]} : vector<16x256xf32> to vector<1x256xf32>
    %mul3A_1255 = vector.broadcast %slice3A_1254 : vector<1x256xf32> to vector<208x256xf32>
    %mul3A_1256 = arith.mulf %transpose3A_1114, %mul3A_1255 : vector<208x256xf32>
    %add3A_1257 = arith.addf %add3A_1097, %mul3A_1256 : vector<208x256xf32>
    %mul3A_1258 = vector.broadcast %slice3A_1254 : vector<1x256xf32> to vector<16x256xf32>
    %mul3A_1259 = arith.mulf %convert_element_type3A_1155, %mul3A_1258 : vector<16x256xf32>
    %add3A_1260 = arith.addf %add3A_1100, %mul3A_1259 : vector<16x256xf32>
    %slice3A_1261 = vector.extract_strided_slice %convert_element_type3A_1154 {offsets = [15, 0], sizes = [1, 256], strides = [1, 1]} : vector<16x256xf32> to vector<1x256xf32>
    %mul3A_1262 = vector.broadcast %slice3A_1261 : vector<1x256xf32> to vector<208x256xf32>
    %mul3A_1263 = arith.mulf %transpose3A_1114, %mul3A_1262 : vector<208x256xf32>
    %add3A_1264 = arith.addf %add3A_1104, %mul3A_1263 : vector<208x256xf32>
    %mul3A_1265 = vector.broadcast %slice3A_1261 : vector<1x256xf32> to vector<16x256xf32>
    %mul3A_1266 = arith.mulf %convert_element_type3A_1155, %mul3A_1265 : vector<16x256xf32>
    %add3A_1267 = arith.addf %add3A_1107, %mul3A_1266 : vector<16x256xf32>
    %get3A_1268 = arith.constant 0 : index
    %get3A_1269 = arith.constant 0 : index
    %get3A_1270 = arith.constant 8 : index
    %get3A_1271 = arith.constant 0 : index
    %get3A_1272 = vector.load %arg2[%get3A_1268, %get3A_1269, %get3A_1270, %get3A_1271] : memref<1x256x9x208xf32, #tpu.memory_space<vmem>>, vector<1x256x1x208xf32>
    %get3A_1273 = vector.shape_cast %get3A_1272 : vector<1x256x1x208xf32> to vector<256x208xf32>
    %transpose3A_1274 = tpu.transpose %get3A_1273, [1, 0] : vector<256x208xf32> -> vector<208x256xf32>
    %get3A_1275 = arith.constant 0 : index
    %get3A_1276 = arith.constant 0 : index
    %get3A_1277 = arith.constant 8 : index
    %get3A_1278 = arith.constant 0 : index
    %get3A_1279 = vector.load %arg3[%get3A_1275, %get3A_1276, %get3A_1277, %get3A_1278] : memref<1x256x9x16xf32, #tpu.memory_space<vmem>>, vector<1x256x1x16xf32>
    %get3A_1280 = vector.shape_cast %get3A_1279 : vector<1x256x1x16xf32> to vector<256x16xf32>
    %transpose3A_1281 = tpu.transpose %get3A_1280, [1, 0] : vector<256x16xf32> -> vector<16x256xf32>
    %sub3A_1282 = arith.subf %transpose3A_1281, %transpose3A : vector<16x256xf32>
    %convert_element_type3A_1283 = arith.truncf %sub3A_1282 : vector<16x256xf32> to vector<16x256xbf16>
    %dot_general3A_1284 = arith.constant dense<0.000000e+00> : vector<8x256xf32>
    %dot_general3A_1285 = tpu.matmul %get3A_3, %convert_element_type3A_1283, %dot_general3A_1284 {dimension_numbers = #tpu.dot_dimension_numbers<[1], [0], [0], [1], [0, 0, 1, 1], [], []>, transpose_lhs_hint = false} : vector<8x16xbf16>, vector<16x256xbf16>, vector<8x256xf32> -> vector<8x256xf32>
    %add3A_1286 = vector.broadcast %get3A_6 : vector<8x1xf32> to vector<8x256xf32>
    %add3A_1287 = arith.addf %dot_general3A_1285, %add3A_1286 : vector<8x256xf32>
    %mul3A_1288 = vector.broadcast %div3A_1 : f32 to vector<8x256xf32>
    %mul3A_1289 = arith.mulf %mul3A_1288, %add3A_1287 : vector<8x256xf32>
    %max3A_1290 = arith.constant 0.000000e+00 : f32
    %max3A_1291 = vector.broadcast %max3A_1290 : f32 to vector<8x256xf32>
    %max3A_1292 = arith.maximumf %mul3A_1289, %max3A_1291 : vector<8x256xf32>
    %convert_element_type3A_1293 = arith.truncf %max3A_1292 : vector<8x256xf32> to vector<8x256xbf16>
    %dot_general3A_1294 = arith.constant dense<0.000000e+00> : vector<8x256xf32>
    %dot_general3A_1295 = tpu.matmul %get3A_9, %convert_element_type3A_1293, %dot_general3A_1294 {dimension_numbers = #tpu.dot_dimension_numbers<[1], [0], [0], [1], [0, 0, 1, 1], [], []>, transpose_lhs_hint = false} : vector<8x8xbf16>, vector<8x256xbf16>, vector<8x256xf32> -> vector<8x256xf32>
    %add3A_1296 = vector.broadcast %get3A_12 : vector<8x1xf32> to vector<8x256xf32>
    %add3A_1297 = arith.addf %dot_general3A_1295, %add3A_1296 : vector<8x256xf32>
    %mul3A_1298 = vector.broadcast %div3A_1 : f32 to vector<8x256xf32>
    %mul3A_1299 = arith.mulf %mul3A_1298, %add3A_1297 : vector<8x256xf32>
    %max3A_1300 = arith.constant 0.000000e+00 : f32
    %max3A_1301 = vector.broadcast %max3A_1300 : f32 to vector<8x256xf32>
    %max3A_1302 = arith.maximumf %mul3A_1299, %max3A_1301 : vector<8x256xf32>
    %convert_element_type3A_1303 = arith.truncf %max3A_1302 : vector<8x256xf32> to vector<8x256xbf16>
    %dot_general3A_1304 = arith.constant dense<0.000000e+00> : vector<16x256xf32>
    %dot_general3A_1305 = tpu.matmul %get3A_15, %convert_element_type3A_1303, %dot_general3A_1304 {dimension_numbers = #tpu.dot_dimension_numbers<[1], [0], [0], [1], [0, 0, 1, 1], [], []>, transpose_lhs_hint = false} : vector<16x8xbf16>, vector<8x256xbf16>, vector<16x256xf32> -> vector<16x256xf32>
    %add3A_1306 = vector.broadcast %get3A_18 : vector<16x1xf32> to vector<16x256xf32>
    %add3A_1307 = arith.addf %dot_general3A_1305, %add3A_1306 : vector<16x256xf32>
    %mul3A_1308 = vector.broadcast %div3A_1 : f32 to vector<16x256xf32>
    %mul3A_1309 = arith.mulf %mul3A_1308, %add3A_1307 : vector<16x256xf32>
    %max3A_1310 = arith.constant 0.000000e+00 : f32
    %max3A_1311 = vector.broadcast %max3A_1310 : f32 to vector<16x256xf32>
    %max3A_1312 = arith.maximumf %mul3A_1309, %max3A_1311 : vector<16x256xf32>
    %convert_element_type3A_1313 = arith.truncf %max3A_1312 : vector<16x256xf32> to vector<16x256xbf16>
    %convert_element_type3A_1314 = arith.extf %convert_element_type3A_1313 : vector<16x256xbf16> to vector<16x256xf32>
    %convert_element_type3A_1315 = arith.extf %convert_element_type3A_1283 : vector<16x256xbf16> to vector<16x256xf32>
    %slice3A_1316 = vector.extract_strided_slice %convert_element_type3A_1314 {offsets = [0, 0], sizes = [1, 256], strides = [1, 1]} : vector<16x256xf32> to vector<1x256xf32>
    %mul3A_1317 = vector.broadcast %slice3A_1316 : vector<1x256xf32> to vector<208x256xf32>
    %mul3A_1318 = arith.mulf %transpose3A_1274, %mul3A_1317 : vector<208x256xf32>
    %add3A_1319 = arith.addf %add3A_1159, %mul3A_1318 : vector<208x256xf32>
    %mul3A_1320 = vector.broadcast %slice3A_1316 : vector<1x256xf32> to vector<16x256xf32>
    %mul3A_1321 = arith.mulf %convert_element_type3A_1315, %mul3A_1320 : vector<16x256xf32>
    %add3A_1322 = arith.addf %add3A_1162, %mul3A_1321 : vector<16x256xf32>
    %slice3A_1323 = vector.extract_strided_slice %convert_element_type3A_1314 {offsets = [1, 0], sizes = [1, 256], strides = [1, 1]} : vector<16x256xf32> to vector<1x256xf32>
    %mul3A_1324 = vector.broadcast %slice3A_1323 : vector<1x256xf32> to vector<208x256xf32>
    %mul3A_1325 = arith.mulf %transpose3A_1274, %mul3A_1324 : vector<208x256xf32>
    %add3A_1326 = arith.addf %add3A_1166, %mul3A_1325 : vector<208x256xf32>
    %mul3A_1327 = vector.broadcast %slice3A_1323 : vector<1x256xf32> to vector<16x256xf32>
    %mul3A_1328 = arith.mulf %convert_element_type3A_1315, %mul3A_1327 : vector<16x256xf32>
    %add3A_1329 = arith.addf %add3A_1169, %mul3A_1328 : vector<16x256xf32>
    %slice3A_1330 = vector.extract_strided_slice %convert_element_type3A_1314 {offsets = [2, 0], sizes = [1, 256], strides = [1, 1]} : vector<16x256xf32> to vector<1x256xf32>
    %mul3A_1331 = vector.broadcast %slice3A_1330 : vector<1x256xf32> to vector<208x256xf32>
    %mul3A_1332 = arith.mulf %transpose3A_1274, %mul3A_1331 : vector<208x256xf32>
    %add3A_1333 = arith.addf %add3A_1173, %mul3A_1332 : vector<208x256xf32>
    %mul3A_1334 = vector.broadcast %slice3A_1330 : vector<1x256xf32> to vector<16x256xf32>
    %mul3A_1335 = arith.mulf %convert_element_type3A_1315, %mul3A_1334 : vector<16x256xf32>
    %add3A_1336 = arith.addf %add3A_1176, %mul3A_1335 : vector<16x256xf32>
    %slice3A_1337 = vector.extract_strided_slice %convert_element_type3A_1314 {offsets = [3, 0], sizes = [1, 256], strides = [1, 1]} : vector<16x256xf32> to vector<1x256xf32>
    %mul3A_1338 = vector.broadcast %slice3A_1337 : vector<1x256xf32> to vector<208x256xf32>
    %mul3A_1339 = arith.mulf %transpose3A_1274, %mul3A_1338 : vector<208x256xf32>
    %add3A_1340 = arith.addf %add3A_1180, %mul3A_1339 : vector<208x256xf32>
    %mul3A_1341 = vector.broadcast %slice3A_1337 : vector<1x256xf32> to vector<16x256xf32>
    %mul3A_1342 = arith.mulf %convert_element_type3A_1315, %mul3A_1341 : vector<16x256xf32>
    %add3A_1343 = arith.addf %add3A_1183, %mul3A_1342 : vector<16x256xf32>
    %slice3A_1344 = vector.extract_strided_slice %convert_element_type3A_1314 {offsets = [4, 0], sizes = [1, 256], strides = [1, 1]} : vector<16x256xf32> to vector<1x256xf32>
    %mul3A_1345 = vector.broadcast %slice3A_1344 : vector<1x256xf32> to vector<208x256xf32>
    %mul3A_1346 = arith.mulf %transpose3A_1274, %mul3A_1345 : vector<208x256xf32>
    %add3A_1347 = arith.addf %add3A_1187, %mul3A_1346 : vector<208x256xf32>
    %mul3A_1348 = vector.broadcast %slice3A_1344 : vector<1x256xf32> to vector<16x256xf32>
    %mul3A_1349 = arith.mulf %convert_element_type3A_1315, %mul3A_1348 : vector<16x256xf32>
    %add3A_1350 = arith.addf %add3A_1190, %mul3A_1349 : vector<16x256xf32>
    %slice3A_1351 = vector.extract_strided_slice %convert_element_type3A_1314 {offsets = [5, 0], sizes = [1, 256], strides = [1, 1]} : vector<16x256xf32> to vector<1x256xf32>
    %mul3A_1352 = vector.broadcast %slice3A_1351 : vector<1x256xf32> to vector<208x256xf32>
    %mul3A_1353 = arith.mulf %transpose3A_1274, %mul3A_1352 : vector<208x256xf32>
    %add3A_1354 = arith.addf %add3A_1194, %mul3A_1353 : vector<208x256xf32>
    %mul3A_1355 = vector.broadcast %slice3A_1351 : vector<1x256xf32> to vector<16x256xf32>
    %mul3A_1356 = arith.mulf %convert_element_type3A_1315, %mul3A_1355 : vector<16x256xf32>
    %add3A_1357 = arith.addf %add3A_1197, %mul3A_1356 : vector<16x256xf32>
    %slice3A_1358 = vector.extract_strided_slice %convert_element_type3A_1314 {offsets = [6, 0], sizes = [1, 256], strides = [1, 1]} : vector<16x256xf32> to vector<1x256xf32>
    %mul3A_1359 = vector.broadcast %slice3A_1358 : vector<1x256xf32> to vector<208x256xf32>
    %mul3A_1360 = arith.mulf %transpose3A_1274, %mul3A_1359 : vector<208x256xf32>
    %add3A_1361 = arith.addf %add3A_1201, %mul3A_1360 : vector<208x256xf32>
    %mul3A_1362 = vector.broadcast %slice3A_1358 : vector<1x256xf32> to vector<16x256xf32>
    %mul3A_1363 = arith.mulf %convert_element_type3A_1315, %mul3A_1362 : vector<16x256xf32>
    %add3A_1364 = arith.addf %add3A_1204, %mul3A_1363 : vector<16x256xf32>
    %slice3A_1365 = vector.extract_strided_slice %convert_element_type3A_1314 {offsets = [7, 0], sizes = [1, 256], strides = [1, 1]} : vector<16x256xf32> to vector<1x256xf32>
    %mul3A_1366 = vector.broadcast %slice3A_1365 : vector<1x256xf32> to vector<208x256xf32>
    %mul3A_1367 = arith.mulf %transpose3A_1274, %mul3A_1366 : vector<208x256xf32>
    %add3A_1368 = arith.addf %add3A_1208, %mul3A_1367 : vector<208x256xf32>
    %mul3A_1369 = vector.broadcast %slice3A_1365 : vector<1x256xf32> to vector<16x256xf32>
    %mul3A_1370 = arith.mulf %convert_element_type3A_1315, %mul3A_1369 : vector<16x256xf32>
    %add3A_1371 = arith.addf %add3A_1211, %mul3A_1370 : vector<16x256xf32>
    %slice3A_1372 = vector.extract_strided_slice %convert_element_type3A_1314 {offsets = [8, 0], sizes = [1, 256], strides = [1, 1]} : vector<16x256xf32> to vector<1x256xf32>
    %mul3A_1373 = vector.broadcast %slice3A_1372 : vector<1x256xf32> to vector<208x256xf32>
    %mul3A_1374 = arith.mulf %transpose3A_1274, %mul3A_1373 : vector<208x256xf32>
    %add3A_1375 = arith.addf %add3A_1215, %mul3A_1374 : vector<208x256xf32>
    %mul3A_1376 = vector.broadcast %slice3A_1372 : vector<1x256xf32> to vector<16x256xf32>
    %mul3A_1377 = arith.mulf %convert_element_type3A_1315, %mul3A_1376 : vector<16x256xf32>
    %add3A_1378 = arith.addf %add3A_1218, %mul3A_1377 : vector<16x256xf32>
    %slice3A_1379 = vector.extract_strided_slice %convert_element_type3A_1314 {offsets = [9, 0], sizes = [1, 256], strides = [1, 1]} : vector<16x256xf32> to vector<1x256xf32>
    %mul3A_1380 = vector.broadcast %slice3A_1379 : vector<1x256xf32> to vector<208x256xf32>
    %mul3A_1381 = arith.mulf %transpose3A_1274, %mul3A_1380 : vector<208x256xf32>
    %add3A_1382 = arith.addf %add3A_1222, %mul3A_1381 : vector<208x256xf32>
    %mul3A_1383 = vector.broadcast %slice3A_1379 : vector<1x256xf32> to vector<16x256xf32>
    %mul3A_1384 = arith.mulf %convert_element_type3A_1315, %mul3A_1383 : vector<16x256xf32>
    %add3A_1385 = arith.addf %add3A_1225, %mul3A_1384 : vector<16x256xf32>
    %slice3A_1386 = vector.extract_strided_slice %convert_element_type3A_1314 {offsets = [10, 0], sizes = [1, 256], strides = [1, 1]} : vector<16x256xf32> to vector<1x256xf32>
    %mul3A_1387 = vector.broadcast %slice3A_1386 : vector<1x256xf32> to vector<208x256xf32>
    %mul3A_1388 = arith.mulf %transpose3A_1274, %mul3A_1387 : vector<208x256xf32>
    %add3A_1389 = arith.addf %add3A_1229, %mul3A_1388 : vector<208x256xf32>
    %mul3A_1390 = vector.broadcast %slice3A_1386 : vector<1x256xf32> to vector<16x256xf32>
    %mul3A_1391 = arith.mulf %convert_element_type3A_1315, %mul3A_1390 : vector<16x256xf32>
    %add3A_1392 = arith.addf %add3A_1232, %mul3A_1391 : vector<16x256xf32>
    %slice3A_1393 = vector.extract_strided_slice %convert_element_type3A_1314 {offsets = [11, 0], sizes = [1, 256], strides = [1, 1]} : vector<16x256xf32> to vector<1x256xf32>
    %mul3A_1394 = vector.broadcast %slice3A_1393 : vector<1x256xf32> to vector<208x256xf32>
    %mul3A_1395 = arith.mulf %transpose3A_1274, %mul3A_1394 : vector<208x256xf32>
    %add3A_1396 = arith.addf %add3A_1236, %mul3A_1395 : vector<208x256xf32>
    %mul3A_1397 = vector.broadcast %slice3A_1393 : vector<1x256xf32> to vector<16x256xf32>
    %mul3A_1398 = arith.mulf %convert_element_type3A_1315, %mul3A_1397 : vector<16x256xf32>
    %add3A_1399 = arith.addf %add3A_1239, %mul3A_1398 : vector<16x256xf32>
    %slice3A_1400 = vector.extract_strided_slice %convert_element_type3A_1314 {offsets = [12, 0], sizes = [1, 256], strides = [1, 1]} : vector<16x256xf32> to vector<1x256xf32>
    %mul3A_1401 = vector.broadcast %slice3A_1400 : vector<1x256xf32> to vector<208x256xf32>
    %mul3A_1402 = arith.mulf %transpose3A_1274, %mul3A_1401 : vector<208x256xf32>
    %add3A_1403 = arith.addf %add3A_1243, %mul3A_1402 : vector<208x256xf32>
    %mul3A_1404 = vector.broadcast %slice3A_1400 : vector<1x256xf32> to vector<16x256xf32>
    %mul3A_1405 = arith.mulf %convert_element_type3A_1315, %mul3A_1404 : vector<16x256xf32>
    %add3A_1406 = arith.addf %add3A_1246, %mul3A_1405 : vector<16x256xf32>
    %slice3A_1407 = vector.extract_strided_slice %convert_element_type3A_1314 {offsets = [13, 0], sizes = [1, 256], strides = [1, 1]} : vector<16x256xf32> to vector<1x256xf32>
    %mul3A_1408 = vector.broadcast %slice3A_1407 : vector<1x256xf32> to vector<208x256xf32>
    %mul3A_1409 = arith.mulf %transpose3A_1274, %mul3A_1408 : vector<208x256xf32>
    %add3A_1410 = arith.addf %add3A_1250, %mul3A_1409 : vector<208x256xf32>
    %mul3A_1411 = vector.broadcast %slice3A_1407 : vector<1x256xf32> to vector<16x256xf32>
    %mul3A_1412 = arith.mulf %convert_element_type3A_1315, %mul3A_1411 : vector<16x256xf32>
    %add3A_1413 = arith.addf %add3A_1253, %mul3A_1412 : vector<16x256xf32>
    %slice3A_1414 = vector.extract_strided_slice %convert_element_type3A_1314 {offsets = [14, 0], sizes = [1, 256], strides = [1, 1]} : vector<16x256xf32> to vector<1x256xf32>
    %mul3A_1415 = vector.broadcast %slice3A_1414 : vector<1x256xf32> to vector<208x256xf32>
    %mul3A_1416 = arith.mulf %transpose3A_1274, %mul3A_1415 : vector<208x256xf32>
    %add3A_1417 = arith.addf %add3A_1257, %mul3A_1416 : vector<208x256xf32>
    %mul3A_1418 = vector.broadcast %slice3A_1414 : vector<1x256xf32> to vector<16x256xf32>
    %mul3A_1419 = arith.mulf %convert_element_type3A_1315, %mul3A_1418 : vector<16x256xf32>
    %add3A_1420 = arith.addf %add3A_1260, %mul3A_1419 : vector<16x256xf32>
    %slice3A_1421 = vector.extract_strided_slice %convert_element_type3A_1314 {offsets = [15, 0], sizes = [1, 256], strides = [1, 1]} : vector<16x256xf32> to vector<1x256xf32>
    %mul3A_1422 = vector.broadcast %slice3A_1421 : vector<1x256xf32> to vector<208x256xf32>
    %mul3A_1423 = arith.mulf %transpose3A_1274, %mul3A_1422 : vector<208x256xf32>
    %add3A_1424 = arith.addf %add3A_1264, %mul3A_1423 : vector<208x256xf32>
    %mul3A_1425 = vector.broadcast %slice3A_1421 : vector<1x256xf32> to vector<16x256xf32>
    %mul3A_1426 = arith.mulf %convert_element_type3A_1315, %mul3A_1425 : vector<16x256xf32>
    %add3A_1427 = arith.addf %add3A_1267, %mul3A_1426 : vector<16x256xf32>
    %get3A_1428 = arith.constant 0 : index
    %get3A_1429 = arith.constant 0 : index
    %get3A_1430 = arith.constant 0 : index
    %get3A_1431 = vector.load %arg5[%get3A_1428, %get3A_1429, %get3A_1430] : memref<16x128x208xbf16, #tpu.memory_space<vmem>>, vector<1x128x208xbf16>
    %get3A_1432 = vector.shape_cast %get3A_1431 : vector<1x128x208xbf16> to vector<128x208xbf16>
    %convert_element_type3A_1433 = arith.truncf %add3A_1319 : vector<208x256xf32> to vector<208x256xbf16>
    %dot_general3A_1434 = arith.constant dense<0.000000e+00> : vector<128x256xf32>
    %dot_general3A_1435 = tpu.matmul %get3A_1432, %convert_element_type3A_1433, %dot_general3A_1434 {dimension_numbers = #tpu.dot_dimension_numbers<[1], [0], [0], [1], [0, 0, 1, 1], [], []>, transpose_lhs_hint = false} : vector<128x208xbf16>, vector<208x256xbf16>, vector<128x256xf32> -> vector<128x256xf32>
    %get3A_1436 = arith.constant 0 : index
    %get3A_1437 = arith.constant 0 : index
    %get3A_1438 = arith.constant 0 : index
    %get3A_1439 = vector.load %arg6[%get3A_1436, %get3A_1437, %get3A_1438] : memref<16x128x16xbf16, #tpu.memory_space<vmem>>, vector<1x128x16xbf16>
    %get3A_1440 = vector.shape_cast %get3A_1439 : vector<1x128x16xbf16> to vector<128x16xbf16>
    %convert_element_type3A_1441 = arith.truncf %add3A_1322 : vector<16x256xf32> to vector<16x256xbf16>
    %dot_general3A_1442 = arith.constant dense<0.000000e+00> : vector<128x256xf32>
    %dot_general3A_1443 = tpu.matmul %get3A_1440, %convert_element_type3A_1441, %dot_general3A_1442 {dimension_numbers = #tpu.dot_dimension_numbers<[1], [0], [0], [1], [0, 0, 1, 1], [], []>, transpose_lhs_hint = false} : vector<128x16xbf16>, vector<16x256xbf16>, vector<128x256xf32> -> vector<128x256xf32>
    %add3A_1444 = arith.addf %dot_general3A_1435, %dot_general3A_1443 : vector<128x256xf32>
    %get3A_1445 = arith.constant 1 : index
    %get3A_1446 = arith.constant 0 : index
    %get3A_1447 = arith.constant 0 : index
    %get3A_1448 = vector.load %arg5[%get3A_1445, %get3A_1446, %get3A_1447] : memref<16x128x208xbf16, #tpu.memory_space<vmem>>, vector<1x128x208xbf16>
    %get3A_1449 = vector.shape_cast %get3A_1448 : vector<1x128x208xbf16> to vector<128x208xbf16>
    %convert_element_type3A_1450 = arith.truncf %add3A_1326 : vector<208x256xf32> to vector<208x256xbf16>
    %dot_general3A_1451 = arith.constant dense<0.000000e+00> : vector<128x256xf32>
    %dot_general3A_1452 = tpu.matmul %get3A_1449, %convert_element_type3A_1450, %dot_general3A_1451 {dimension_numbers = #tpu.dot_dimension_numbers<[1], [0], [0], [1], [0, 0, 1, 1], [], []>, transpose_lhs_hint = false} : vector<128x208xbf16>, vector<208x256xbf16>, vector<128x256xf32> -> vector<128x256xf32>
    %get3A_1453 = arith.constant 1 : index
    %get3A_1454 = arith.constant 0 : index
    %get3A_1455 = arith.constant 0 : index
    %get3A_1456 = vector.load %arg6[%get3A_1453, %get3A_1454, %get3A_1455] : memref<16x128x16xbf16, #tpu.memory_space<vmem>>, vector<1x128x16xbf16>
    %get3A_1457 = vector.shape_cast %get3A_1456 : vector<1x128x16xbf16> to vector<128x16xbf16>
    %convert_element_type3A_1458 = arith.truncf %add3A_1329 : vector<16x256xf32> to vector<16x256xbf16>
    %dot_general3A_1459 = arith.constant dense<0.000000e+00> : vector<128x256xf32>
    %dot_general3A_1460 = tpu.matmul %get3A_1457, %convert_element_type3A_1458, %dot_general3A_1459 {dimension_numbers = #tpu.dot_dimension_numbers<[1], [0], [0], [1], [0, 0, 1, 1], [], []>, transpose_lhs_hint = false} : vector<128x16xbf16>, vector<16x256xbf16>, vector<128x256xf32> -> vector<128x256xf32>
    %add3A_1461 = arith.addf %dot_general3A_1452, %dot_general3A_1460 : vector<128x256xf32>
    %add3A_1462 = arith.addf %add3A_1444, %add3A_1461 : vector<128x256xf32>
    %get3A_1463 = arith.constant 2 : index
    %get3A_1464 = arith.constant 0 : index
    %get3A_1465 = arith.constant 0 : index
    %get3A_1466 = vector.load %arg5[%get3A_1463, %get3A_1464, %get3A_1465] : memref<16x128x208xbf16, #tpu.memory_space<vmem>>, vector<1x128x208xbf16>
    %get3A_1467 = vector.shape_cast %get3A_1466 : vector<1x128x208xbf16> to vector<128x208xbf16>
    %convert_element_type3A_1468 = arith.truncf %add3A_1333 : vector<208x256xf32> to vector<208x256xbf16>
    %dot_general3A_1469 = arith.constant dense<0.000000e+00> : vector<128x256xf32>
    %dot_general3A_1470 = tpu.matmul %get3A_1467, %convert_element_type3A_1468, %dot_general3A_1469 {dimension_numbers = #tpu.dot_dimension_numbers<[1], [0], [0], [1], [0, 0, 1, 1], [], []>, transpose_lhs_hint = false} : vector<128x208xbf16>, vector<208x256xbf16>, vector<128x256xf32> -> vector<128x256xf32>
    %get3A_1471 = arith.constant 2 : index
    %get3A_1472 = arith.constant 0 : index
    %get3A_1473 = arith.constant 0 : index
    %get3A_1474 = vector.load %arg6[%get3A_1471, %get3A_1472, %get3A_1473] : memref<16x128x16xbf16, #tpu.memory_space<vmem>>, vector<1x128x16xbf16>
    %get3A_1475 = vector.shape_cast %get3A_1474 : vector<1x128x16xbf16> to vector<128x16xbf16>
    %convert_element_type3A_1476 = arith.truncf %add3A_1336 : vector<16x256xf32> to vector<16x256xbf16>
    %dot_general3A_1477 = arith.constant dense<0.000000e+00> : vector<128x256xf32>
    %dot_general3A_1478 = tpu.matmul %get3A_1475, %convert_element_type3A_1476, %dot_general3A_1477 {dimension_numbers = #tpu.dot_dimension_numbers<[1], [0], [0], [1], [0, 0, 1, 1], [], []>, transpose_lhs_hint = false} : vector<128x16xbf16>, vector<16x256xbf16>, vector<128x256xf32> -> vector<128x256xf32>
    %add3A_1479 = arith.addf %dot_general3A_1470, %dot_general3A_1478 : vector<128x256xf32>
    %add3A_1480 = arith.addf %add3A_1462, %add3A_1479 : vector<128x256xf32>
    %get3A_1481 = arith.constant 3 : index
    %get3A_1482 = arith.constant 0 : index
    %get3A_1483 = arith.constant 0 : index
    %get3A_1484 = vector.load %arg5[%get3A_1481, %get3A_1482, %get3A_1483] : memref<16x128x208xbf16, #tpu.memory_space<vmem>>, vector<1x128x208xbf16>
    %get3A_1485 = vector.shape_cast %get3A_1484 : vector<1x128x208xbf16> to vector<128x208xbf16>
    %convert_element_type3A_1486 = arith.truncf %add3A_1340 : vector<208x256xf32> to vector<208x256xbf16>
    %dot_general3A_1487 = arith.constant dense<0.000000e+00> : vector<128x256xf32>
    %dot_general3A_1488 = tpu.matmul %get3A_1485, %convert_element_type3A_1486, %dot_general3A_1487 {dimension_numbers = #tpu.dot_dimension_numbers<[1], [0], [0], [1], [0, 0, 1, 1], [], []>, transpose_lhs_hint = false} : vector<128x208xbf16>, vector<208x256xbf16>, vector<128x256xf32> -> vector<128x256xf32>
    %get3A_1489 = arith.constant 3 : index
    %get3A_1490 = arith.constant 0 : index
    %get3A_1491 = arith.constant 0 : index
    %get3A_1492 = vector.load %arg6[%get3A_1489, %get3A_1490, %get3A_1491] : memref<16x128x16xbf16, #tpu.memory_space<vmem>>, vector<1x128x16xbf16>
    %get3A_1493 = vector.shape_cast %get3A_1492 : vector<1x128x16xbf16> to vector<128x16xbf16>
    %convert_element_type3A_1494 = arith.truncf %add3A_1343 : vector<16x256xf32> to vector<16x256xbf16>
    %dot_general3A_1495 = arith.constant dense<0.000000e+00> : vector<128x256xf32>
    %dot_general3A_1496 = tpu.matmul %get3A_1493, %convert_element_type3A_1494, %dot_general3A_1495 {dimension_numbers = #tpu.dot_dimension_numbers<[1], [0], [0], [1], [0, 0, 1, 1], [], []>, transpose_lhs_hint = false} : vector<128x16xbf16>, vector<16x256xbf16>, vector<128x256xf32> -> vector<128x256xf32>
    %add3A_1497 = arith.addf %dot_general3A_1488, %dot_general3A_1496 : vector<128x256xf32>
    %add3A_1498 = arith.addf %add3A_1480, %add3A_1497 : vector<128x256xf32>
    %get3A_1499 = arith.constant 4 : index
    %get3A_1500 = arith.constant 0 : index
    %get3A_1501 = arith.constant 0 : index
    %get3A_1502 = vector.load %arg5[%get3A_1499, %get3A_1500, %get3A_1501] : memref<16x128x208xbf16, #tpu.memory_space<vmem>>, vector<1x128x208xbf16>
    %get3A_1503 = vector.shape_cast %get3A_1502 : vector<1x128x208xbf16> to vector<128x208xbf16>
    %convert_element_type3A_1504 = arith.truncf %add3A_1347 : vector<208x256xf32> to vector<208x256xbf16>
    %dot_general3A_1505 = arith.constant dense<0.000000e+00> : vector<128x256xf32>
    %dot_general3A_1506 = tpu.matmul %get3A_1503, %convert_element_type3A_1504, %dot_general3A_1505 {dimension_numbers = #tpu.dot_dimension_numbers<[1], [0], [0], [1], [0, 0, 1, 1], [], []>, transpose_lhs_hint = false} : vector<128x208xbf16>, vector<208x256xbf16>, vector<128x256xf32> -> vector<128x256xf32>
    %get3A_1507 = arith.constant 4 : index
    %get3A_1508 = arith.constant 0 : index
    %get3A_1509 = arith.constant 0 : index
    %get3A_1510 = vector.load %arg6[%get3A_1507, %get3A_1508, %get3A_1509] : memref<16x128x16xbf16, #tpu.memory_space<vmem>>, vector<1x128x16xbf16>
    %get3A_1511 = vector.shape_cast %get3A_1510 : vector<1x128x16xbf16> to vector<128x16xbf16>
    %convert_element_type3A_1512 = arith.truncf %add3A_1350 : vector<16x256xf32> to vector<16x256xbf16>
    %dot_general3A_1513 = arith.constant dense<0.000000e+00> : vector<128x256xf32>
    %dot_general3A_1514 = tpu.matmul %get3A_1511, %convert_element_type3A_1512, %dot_general3A_1513 {dimension_numbers = #tpu.dot_dimension_numbers<[1], [0], [0], [1], [0, 0, 1, 1], [], []>, transpose_lhs_hint = false} : vector<128x16xbf16>, vector<16x256xbf16>, vector<128x256xf32> -> vector<128x256xf32>
    %add3A_1515 = arith.addf %dot_general3A_1506, %dot_general3A_1514 : vector<128x256xf32>
    %add3A_1516 = arith.addf %add3A_1498, %add3A_1515 : vector<128x256xf32>
    %get3A_1517 = arith.constant 5 : index
    %get3A_1518 = arith.constant 0 : index
    %get3A_1519 = arith.constant 0 : index
    %get3A_1520 = vector.load %arg5[%get3A_1517, %get3A_1518, %get3A_1519] : memref<16x128x208xbf16, #tpu.memory_space<vmem>>, vector<1x128x208xbf16>
    %get3A_1521 = vector.shape_cast %get3A_1520 : vector<1x128x208xbf16> to vector<128x208xbf16>
    %convert_element_type3A_1522 = arith.truncf %add3A_1354 : vector<208x256xf32> to vector<208x256xbf16>
    %dot_general3A_1523 = arith.constant dense<0.000000e+00> : vector<128x256xf32>
    %dot_general3A_1524 = tpu.matmul %get3A_1521, %convert_element_type3A_1522, %dot_general3A_1523 {dimension_numbers = #tpu.dot_dimension_numbers<[1], [0], [0], [1], [0, 0, 1, 1], [], []>, transpose_lhs_hint = false} : vector<128x208xbf16>, vector<208x256xbf16>, vector<128x256xf32> -> vector<128x256xf32>
    %get3A_1525 = arith.constant 5 : index
    %get3A_1526 = arith.constant 0 : index
    %get3A_1527 = arith.constant 0 : index
    %get3A_1528 = vector.load %arg6[%get3A_1525, %get3A_1526, %get3A_1527] : memref<16x128x16xbf16, #tpu.memory_space<vmem>>, vector<1x128x16xbf16>
    %get3A_1529 = vector.shape_cast %get3A_1528 : vector<1x128x16xbf16> to vector<128x16xbf16>
    %convert_element_type3A_1530 = arith.truncf %add3A_1357 : vector<16x256xf32> to vector<16x256xbf16>
    %dot_general3A_1531 = arith.constant dense<0.000000e+00> : vector<128x256xf32>
    %dot_general3A_1532 = tpu.matmul %get3A_1529, %convert_element_type3A_1530, %dot_general3A_1531 {dimension_numbers = #tpu.dot_dimension_numbers<[1], [0], [0], [1], [0, 0, 1, 1], [], []>, transpose_lhs_hint = false} : vector<128x16xbf16>, vector<16x256xbf16>, vector<128x256xf32> -> vector<128x256xf32>
    %add3A_1533 = arith.addf %dot_general3A_1524, %dot_general3A_1532 : vector<128x256xf32>
    %add3A_1534 = arith.addf %add3A_1516, %add3A_1533 : vector<128x256xf32>
    %get3A_1535 = arith.constant 6 : index
    %get3A_1536 = arith.constant 0 : index
    %get3A_1537 = arith.constant 0 : index
    %get3A_1538 = vector.load %arg5[%get3A_1535, %get3A_1536, %get3A_1537] : memref<16x128x208xbf16, #tpu.memory_space<vmem>>, vector<1x128x208xbf16>
    %get3A_1539 = vector.shape_cast %get3A_1538 : vector<1x128x208xbf16> to vector<128x208xbf16>
    %convert_element_type3A_1540 = arith.truncf %add3A_1361 : vector<208x256xf32> to vector<208x256xbf16>
    %dot_general3A_1541 = arith.constant dense<0.000000e+00> : vector<128x256xf32>
    %dot_general3A_1542 = tpu.matmul %get3A_1539, %convert_element_type3A_1540, %dot_general3A_1541 {dimension_numbers = #tpu.dot_dimension_numbers<[1], [0], [0], [1], [0, 0, 1, 1], [], []>, transpose_lhs_hint = false} : vector<128x208xbf16>, vector<208x256xbf16>, vector<128x256xf32> -> vector<128x256xf32>
    %get3A_1543 = arith.constant 6 : index
    %get3A_1544 = arith.constant 0 : index
    %get3A_1545 = arith.constant 0 : index
    %get3A_1546 = vector.load %arg6[%get3A_1543, %get3A_1544, %get3A_1545] : memref<16x128x16xbf16, #tpu.memory_space<vmem>>, vector<1x128x16xbf16>
    %get3A_1547 = vector.shape_cast %get3A_1546 : vector<1x128x16xbf16> to vector<128x16xbf16>
    %convert_element_type3A_1548 = arith.truncf %add3A_1364 : vector<16x256xf32> to vector<16x256xbf16>
    %dot_general3A_1549 = arith.constant dense<0.000000e+00> : vector<128x256xf32>
    %dot_general3A_1550 = tpu.matmul %get3A_1547, %convert_element_type3A_1548, %dot_general3A_1549 {dimension_numbers = #tpu.dot_dimension_numbers<[1], [0], [0], [1], [0, 0, 1, 1], [], []>, transpose_lhs_hint = false} : vector<128x16xbf16>, vector<16x256xbf16>, vector<128x256xf32> -> vector<128x256xf32>
    %add3A_1551 = arith.addf %dot_general3A_1542, %dot_general3A_1550 : vector<128x256xf32>
    %add3A_1552 = arith.addf %add3A_1534, %add3A_1551 : vector<128x256xf32>
    %get3A_1553 = arith.constant 7 : index
    %get3A_1554 = arith.constant 0 : index
    %get3A_1555 = arith.constant 0 : index
    %get3A_1556 = vector.load %arg5[%get3A_1553, %get3A_1554, %get3A_1555] : memref<16x128x208xbf16, #tpu.memory_space<vmem>>, vector<1x128x208xbf16>
    %get3A_1557 = vector.shape_cast %get3A_1556 : vector<1x128x208xbf16> to vector<128x208xbf16>
    %convert_element_type3A_1558 = arith.truncf %add3A_1368 : vector<208x256xf32> to vector<208x256xbf16>
    %dot_general3A_1559 = arith.constant dense<0.000000e+00> : vector<128x256xf32>
    %dot_general3A_1560 = tpu.matmul %get3A_1557, %convert_element_type3A_1558, %dot_general3A_1559 {dimension_numbers = #tpu.dot_dimension_numbers<[1], [0], [0], [1], [0, 0, 1, 1], [], []>, transpose_lhs_hint = false} : vector<128x208xbf16>, vector<208x256xbf16>, vector<128x256xf32> -> vector<128x256xf32>
    %get3A_1561 = arith.constant 7 : index
    %get3A_1562 = arith.constant 0 : index
    %get3A_1563 = arith.constant 0 : index
    %get3A_1564 = vector.load %arg6[%get3A_1561, %get3A_1562, %get3A_1563] : memref<16x128x16xbf16, #tpu.memory_space<vmem>>, vector<1x128x16xbf16>
    %get3A_1565 = vector.shape_cast %get3A_1564 : vector<1x128x16xbf16> to vector<128x16xbf16>
    %convert_element_type3A_1566 = arith.truncf %add3A_1371 : vector<16x256xf32> to vector<16x256xbf16>
    %dot_general3A_1567 = arith.constant dense<0.000000e+00> : vector<128x256xf32>
    %dot_general3A_1568 = tpu.matmul %get3A_1565, %convert_element_type3A_1566, %dot_general3A_1567 {dimension_numbers = #tpu.dot_dimension_numbers<[1], [0], [0], [1], [0, 0, 1, 1], [], []>, transpose_lhs_hint = false} : vector<128x16xbf16>, vector<16x256xbf16>, vector<128x256xf32> -> vector<128x256xf32>
    %add3A_1569 = arith.addf %dot_general3A_1560, %dot_general3A_1568 : vector<128x256xf32>
    %add3A_1570 = arith.addf %add3A_1552, %add3A_1569 : vector<128x256xf32>
    %get3A_1571 = arith.constant 8 : index
    %get3A_1572 = arith.constant 0 : index
    %get3A_1573 = arith.constant 0 : index
    %get3A_1574 = vector.load %arg5[%get3A_1571, %get3A_1572, %get3A_1573] : memref<16x128x208xbf16, #tpu.memory_space<vmem>>, vector<1x128x208xbf16>
    %get3A_1575 = vector.shape_cast %get3A_1574 : vector<1x128x208xbf16> to vector<128x208xbf16>
    %convert_element_type3A_1576 = arith.truncf %add3A_1375 : vector<208x256xf32> to vector<208x256xbf16>
    %dot_general3A_1577 = arith.constant dense<0.000000e+00> : vector<128x256xf32>
    %dot_general3A_1578 = tpu.matmul %get3A_1575, %convert_element_type3A_1576, %dot_general3A_1577 {dimension_numbers = #tpu.dot_dimension_numbers<[1], [0], [0], [1], [0, 0, 1, 1], [], []>, transpose_lhs_hint = false} : vector<128x208xbf16>, vector<208x256xbf16>, vector<128x256xf32> -> vector<128x256xf32>
    %get3A_1579 = arith.constant 8 : index
    %get3A_1580 = arith.constant 0 : index
    %get3A_1581 = arith.constant 0 : index
    %get3A_1582 = vector.load %arg6[%get3A_1579, %get3A_1580, %get3A_1581] : memref<16x128x16xbf16, #tpu.memory_space<vmem>>, vector<1x128x16xbf16>
    %get3A_1583 = vector.shape_cast %get3A_1582 : vector<1x128x16xbf16> to vector<128x16xbf16>
    %convert_element_type3A_1584 = arith.truncf %add3A_1378 : vector<16x256xf32> to vector<16x256xbf16>
    %dot_general3A_1585 = arith.constant dense<0.000000e+00> : vector<128x256xf32>
    %dot_general3A_1586 = tpu.matmul %get3A_1583, %convert_element_type3A_1584, %dot_general3A_1585 {dimension_numbers = #tpu.dot_dimension_numbers<[1], [0], [0], [1], [0, 0, 1, 1], [], []>, transpose_lhs_hint = false} : vector<128x16xbf16>, vector<16x256xbf16>, vector<128x256xf32> -> vector<128x256xf32>
    %add3A_1587 = arith.addf %dot_general3A_1578, %dot_general3A_1586 : vector<128x256xf32>
    %add3A_1588 = arith.addf %add3A_1570, %add3A_1587 : vector<128x256xf32>
    %get3A_1589 = arith.constant 9 : index
    %get3A_1590 = arith.constant 0 : index
    %get3A_1591 = arith.constant 0 : index
    %get3A_1592 = vector.load %arg5[%get3A_1589, %get3A_1590, %get3A_1591] : memref<16x128x208xbf16, #tpu.memory_space<vmem>>, vector<1x128x208xbf16>
    %get3A_1593 = vector.shape_cast %get3A_1592 : vector<1x128x208xbf16> to vector<128x208xbf16>
    %convert_element_type3A_1594 = arith.truncf %add3A_1382 : vector<208x256xf32> to vector<208x256xbf16>
    %dot_general3A_1595 = arith.constant dense<0.000000e+00> : vector<128x256xf32>
    %dot_general3A_1596 = tpu.matmul %get3A_1593, %convert_element_type3A_1594, %dot_general3A_1595 {dimension_numbers = #tpu.dot_dimension_numbers<[1], [0], [0], [1], [0, 0, 1, 1], [], []>, transpose_lhs_hint = false} : vector<128x208xbf16>, vector<208x256xbf16>, vector<128x256xf32> -> vector<128x256xf32>
    %get3A_1597 = arith.constant 9 : index
    %get3A_1598 = arith.constant 0 : index
    %get3A_1599 = arith.constant 0 : index
    %get3A_1600 = vector.load %arg6[%get3A_1597, %get3A_1598, %get3A_1599] : memref<16x128x16xbf16, #tpu.memory_space<vmem>>, vector<1x128x16xbf16>
    %get3A_1601 = vector.shape_cast %get3A_1600 : vector<1x128x16xbf16> to vector<128x16xbf16>
    %convert_element_type3A_1602 = arith.truncf %add3A_1385 : vector<16x256xf32> to vector<16x256xbf16>
    %dot_general3A_1603 = arith.constant dense<0.000000e+00> : vector<128x256xf32>
    %dot_general3A_1604 = tpu.matmul %get3A_1601, %convert_element_type3A_1602, %dot_general3A_1603 {dimension_numbers = #tpu.dot_dimension_numbers<[1], [0], [0], [1], [0, 0, 1, 1], [], []>, transpose_lhs_hint = false} : vector<128x16xbf16>, vector<16x256xbf16>, vector<128x256xf32> -> vector<128x256xf32>
    %add3A_1605 = arith.addf %dot_general3A_1596, %dot_general3A_1604 : vector<128x256xf32>
    %add3A_1606 = arith.addf %add3A_1588, %add3A_1605 : vector<128x256xf32>
    %get3A_1607 = arith.constant 10 : index
    %get3A_1608 = arith.constant 0 : index
    %get3A_1609 = arith.constant 0 : index
    %get3A_1610 = vector.load %arg5[%get3A_1607, %get3A_1608, %get3A_1609] : memref<16x128x208xbf16, #tpu.memory_space<vmem>>, vector<1x128x208xbf16>
    %get3A_1611 = vector.shape_cast %get3A_1610 : vector<1x128x208xbf16> to vector<128x208xbf16>
    %convert_element_type3A_1612 = arith.truncf %add3A_1389 : vector<208x256xf32> to vector<208x256xbf16>
    %dot_general3A_1613 = arith.constant dense<0.000000e+00> : vector<128x256xf32>
    %dot_general3A_1614 = tpu.matmul %get3A_1611, %convert_element_type3A_1612, %dot_general3A_1613 {dimension_numbers = #tpu.dot_dimension_numbers<[1], [0], [0], [1], [0, 0, 1, 1], [], []>, transpose_lhs_hint = false} : vector<128x208xbf16>, vector<208x256xbf16>, vector<128x256xf32> -> vector<128x256xf32>
    %get3A_1615 = arith.constant 10 : index
    %get3A_1616 = arith.constant 0 : index
    %get3A_1617 = arith.constant 0 : index
    %get3A_1618 = vector.load %arg6[%get3A_1615, %get3A_1616, %get3A_1617] : memref<16x128x16xbf16, #tpu.memory_space<vmem>>, vector<1x128x16xbf16>
    %get3A_1619 = vector.shape_cast %get3A_1618 : vector<1x128x16xbf16> to vector<128x16xbf16>
    %convert_element_type3A_1620 = arith.truncf %add3A_1392 : vector<16x256xf32> to vector<16x256xbf16>
    %dot_general3A_1621 = arith.constant dense<0.000000e+00> : vector<128x256xf32>
    %dot_general3A_1622 = tpu.matmul %get3A_1619, %convert_element_type3A_1620, %dot_general3A_1621 {dimension_numbers = #tpu.dot_dimension_numbers<[1], [0], [0], [1], [0, 0, 1, 1], [], []>, transpose_lhs_hint = false} : vector<128x16xbf16>, vector<16x256xbf16>, vector<128x256xf32> -> vector<128x256xf32>
    %add3A_1623 = arith.addf %dot_general3A_1614, %dot_general3A_1622 : vector<128x256xf32>
    %add3A_1624 = arith.addf %add3A_1606, %add3A_1623 : vector<128x256xf32>
    %get3A_1625 = arith.constant 11 : index
    %get3A_1626 = arith.constant 0 : index
    %get3A_1627 = arith.constant 0 : index
    %get3A_1628 = vector.load %arg5[%get3A_1625, %get3A_1626, %get3A_1627] : memref<16x128x208xbf16, #tpu.memory_space<vmem>>, vector<1x128x208xbf16>
    %get3A_1629 = vector.shape_cast %get3A_1628 : vector<1x128x208xbf16> to vector<128x208xbf16>
    %convert_element_type3A_1630 = arith.truncf %add3A_1396 : vector<208x256xf32> to vector<208x256xbf16>
    %dot_general3A_1631 = arith.constant dense<0.000000e+00> : vector<128x256xf32>
    %dot_general3A_1632 = tpu.matmul %get3A_1629, %convert_element_type3A_1630, %dot_general3A_1631 {dimension_numbers = #tpu.dot_dimension_numbers<[1], [0], [0], [1], [0, 0, 1, 1], [], []>, transpose_lhs_hint = false} : vector<128x208xbf16>, vector<208x256xbf16>, vector<128x256xf32> -> vector<128x256xf32>
    %get3A_1633 = arith.constant 11 : index
    %get3A_1634 = arith.constant 0 : index
    %get3A_1635 = arith.constant 0 : index
    %get3A_1636 = vector.load %arg6[%get3A_1633, %get3A_1634, %get3A_1635] : memref<16x128x16xbf16, #tpu.memory_space<vmem>>, vector<1x128x16xbf16>
    %get3A_1637 = vector.shape_cast %get3A_1636 : vector<1x128x16xbf16> to vector<128x16xbf16>
    %convert_element_type3A_1638 = arith.truncf %add3A_1399 : vector<16x256xf32> to vector<16x256xbf16>
    %dot_general3A_1639 = arith.constant dense<0.000000e+00> : vector<128x256xf32>
    %dot_general3A_1640 = tpu.matmul %get3A_1637, %convert_element_type3A_1638, %dot_general3A_1639 {dimension_numbers = #tpu.dot_dimension_numbers<[1], [0], [0], [1], [0, 0, 1, 1], [], []>, transpose_lhs_hint = false} : vector<128x16xbf16>, vector<16x256xbf16>, vector<128x256xf32> -> vector<128x256xf32>
    %add3A_1641 = arith.addf %dot_general3A_1632, %dot_general3A_1640 : vector<128x256xf32>
    %add3A_1642 = arith.addf %add3A_1624, %add3A_1641 : vector<128x256xf32>
    %get3A_1643 = arith.constant 12 : index
    %get3A_1644 = arith.constant 0 : index
    %get3A_1645 = arith.constant 0 : index
    %get3A_1646 = vector.load %arg5[%get3A_1643, %get3A_1644, %get3A_1645] : memref<16x128x208xbf16, #tpu.memory_space<vmem>>, vector<1x128x208xbf16>
    %get3A_1647 = vector.shape_cast %get3A_1646 : vector<1x128x208xbf16> to vector<128x208xbf16>
    %convert_element_type3A_1648 = arith.truncf %add3A_1403 : vector<208x256xf32> to vector<208x256xbf16>
    %dot_general3A_1649 = arith.constant dense<0.000000e+00> : vector<128x256xf32>
    %dot_general3A_1650 = tpu.matmul %get3A_1647, %convert_element_type3A_1648, %dot_general3A_1649 {dimension_numbers = #tpu.dot_dimension_numbers<[1], [0], [0], [1], [0, 0, 1, 1], [], []>, transpose_lhs_hint = false} : vector<128x208xbf16>, vector<208x256xbf16>, vector<128x256xf32> -> vector<128x256xf32>
    %get3A_1651 = arith.constant 12 : index
    %get3A_1652 = arith.constant 0 : index
    %get3A_1653 = arith.constant 0 : index
    %get3A_1654 = vector.load %arg6[%get3A_1651, %get3A_1652, %get3A_1653] : memref<16x128x16xbf16, #tpu.memory_space<vmem>>, vector<1x128x16xbf16>
    %get3A_1655 = vector.shape_cast %get3A_1654 : vector<1x128x16xbf16> to vector<128x16xbf16>
    %convert_element_type3A_1656 = arith.truncf %add3A_1406 : vector<16x256xf32> to vector<16x256xbf16>
    %dot_general3A_1657 = arith.constant dense<0.000000e+00> : vector<128x256xf32>
    %dot_general3A_1658 = tpu.matmul %get3A_1655, %convert_element_type3A_1656, %dot_general3A_1657 {dimension_numbers = #tpu.dot_dimension_numbers<[1], [0], [0], [1], [0, 0, 1, 1], [], []>, transpose_lhs_hint = false} : vector<128x16xbf16>, vector<16x256xbf16>, vector<128x256xf32> -> vector<128x256xf32>
    %add3A_1659 = arith.addf %dot_general3A_1650, %dot_general3A_1658 : vector<128x256xf32>
    %add3A_1660 = arith.addf %add3A_1642, %add3A_1659 : vector<128x256xf32>
    %get3A_1661 = arith.constant 13 : index
    %get3A_1662 = arith.constant 0 : index
    %get3A_1663 = arith.constant 0 : index
    %get3A_1664 = vector.load %arg5[%get3A_1661, %get3A_1662, %get3A_1663] : memref<16x128x208xbf16, #tpu.memory_space<vmem>>, vector<1x128x208xbf16>
    %get3A_1665 = vector.shape_cast %get3A_1664 : vector<1x128x208xbf16> to vector<128x208xbf16>
    %convert_element_type3A_1666 = arith.truncf %add3A_1410 : vector<208x256xf32> to vector<208x256xbf16>
    %dot_general3A_1667 = arith.constant dense<0.000000e+00> : vector<128x256xf32>
    %dot_general3A_1668 = tpu.matmul %get3A_1665, %convert_element_type3A_1666, %dot_general3A_1667 {dimension_numbers = #tpu.dot_dimension_numbers<[1], [0], [0], [1], [0, 0, 1, 1], [], []>, transpose_lhs_hint = false} : vector<128x208xbf16>, vector<208x256xbf16>, vector<128x256xf32> -> vector<128x256xf32>
    %get3A_1669 = arith.constant 13 : index
    %get3A_1670 = arith.constant 0 : index
    %get3A_1671 = arith.constant 0 : index
    %get3A_1672 = vector.load %arg6[%get3A_1669, %get3A_1670, %get3A_1671] : memref<16x128x16xbf16, #tpu.memory_space<vmem>>, vector<1x128x16xbf16>
    %get3A_1673 = vector.shape_cast %get3A_1672 : vector<1x128x16xbf16> to vector<128x16xbf16>
    %convert_element_type3A_1674 = arith.truncf %add3A_1413 : vector<16x256xf32> to vector<16x256xbf16>
    %dot_general3A_1675 = arith.constant dense<0.000000e+00> : vector<128x256xf32>
    %dot_general3A_1676 = tpu.matmul %get3A_1673, %convert_element_type3A_1674, %dot_general3A_1675 {dimension_numbers = #tpu.dot_dimension_numbers<[1], [0], [0], [1], [0, 0, 1, 1], [], []>, transpose_lhs_hint = false} : vector<128x16xbf16>, vector<16x256xbf16>, vector<128x256xf32> -> vector<128x256xf32>
    %add3A_1677 = arith.addf %dot_general3A_1668, %dot_general3A_1676 : vector<128x256xf32>
    %add3A_1678 = arith.addf %add3A_1660, %add3A_1677 : vector<128x256xf32>
    %get3A_1679 = arith.constant 14 : index
    %get3A_1680 = arith.constant 0 : index
    %get3A_1681 = arith.constant 0 : index
    %get3A_1682 = vector.load %arg5[%get3A_1679, %get3A_1680, %get3A_1681] : memref<16x128x208xbf16, #tpu.memory_space<vmem>>, vector<1x128x208xbf16>
    %get3A_1683 = vector.shape_cast %get3A_1682 : vector<1x128x208xbf16> to vector<128x208xbf16>
    %convert_element_type3A_1684 = arith.truncf %add3A_1417 : vector<208x256xf32> to vector<208x256xbf16>
    %dot_general3A_1685 = arith.constant dense<0.000000e+00> : vector<128x256xf32>
    %dot_general3A_1686 = tpu.matmul %get3A_1683, %convert_element_type3A_1684, %dot_general3A_1685 {dimension_numbers = #tpu.dot_dimension_numbers<[1], [0], [0], [1], [0, 0, 1, 1], [], []>, transpose_lhs_hint = false} : vector<128x208xbf16>, vector<208x256xbf16>, vector<128x256xf32> -> vector<128x256xf32>
    %get3A_1687 = arith.constant 14 : index
    %get3A_1688 = arith.constant 0 : index
    %get3A_1689 = arith.constant 0 : index
    %get3A_1690 = vector.load %arg6[%get3A_1687, %get3A_1688, %get3A_1689] : memref<16x128x16xbf16, #tpu.memory_space<vmem>>, vector<1x128x16xbf16>
    %get3A_1691 = vector.shape_cast %get3A_1690 : vector<1x128x16xbf16> to vector<128x16xbf16>
    %convert_element_type3A_1692 = arith.truncf %add3A_1420 : vector<16x256xf32> to vector<16x256xbf16>
    %dot_general3A_1693 = arith.constant dense<0.000000e+00> : vector<128x256xf32>
    %dot_general3A_1694 = tpu.matmul %get3A_1691, %convert_element_type3A_1692, %dot_general3A_1693 {dimension_numbers = #tpu.dot_dimension_numbers<[1], [0], [0], [1], [0, 0, 1, 1], [], []>, transpose_lhs_hint = false} : vector<128x16xbf16>, vector<16x256xbf16>, vector<128x256xf32> -> vector<128x256xf32>
    %add3A_1695 = arith.addf %dot_general3A_1686, %dot_general3A_1694 : vector<128x256xf32>
    %add3A_1696 = arith.addf %add3A_1678, %add3A_1695 : vector<128x256xf32>
    %get3A_1697 = arith.constant 15 : index
    %get3A_1698 = arith.constant 0 : index
    %get3A_1699 = arith.constant 0 : index
    %get3A_1700 = vector.load %arg5[%get3A_1697, %get3A_1698, %get3A_1699] : memref<16x128x208xbf16, #tpu.memory_space<vmem>>, vector<1x128x208xbf16>
    %get3A_1701 = vector.shape_cast %get3A_1700 : vector<1x128x208xbf16> to vector<128x208xbf16>
    %convert_element_type3A_1702 = arith.truncf %add3A_1424 : vector<208x256xf32> to vector<208x256xbf16>
    %dot_general3A_1703 = arith.constant dense<0.000000e+00> : vector<128x256xf32>
    %dot_general3A_1704 = tpu.matmul %get3A_1701, %convert_element_type3A_1702, %dot_general3A_1703 {dimension_numbers = #tpu.dot_dimension_numbers<[1], [0], [0], [1], [0, 0, 1, 1], [], []>, transpose_lhs_hint = false} : vector<128x208xbf16>, vector<208x256xbf16>, vector<128x256xf32> -> vector<128x256xf32>
    %get3A_1705 = arith.constant 15 : index
    %get3A_1706 = arith.constant 0 : index
    %get3A_1707 = arith.constant 0 : index
    %get3A_1708 = vector.load %arg6[%get3A_1705, %get3A_1706, %get3A_1707] : memref<16x128x16xbf16, #tpu.memory_space<vmem>>, vector<1x128x16xbf16>
    %get3A_1709 = vector.shape_cast %get3A_1708 : vector<1x128x16xbf16> to vector<128x16xbf16>
    %convert_element_type3A_1710 = arith.truncf %add3A_1427 : vector<16x256xf32> to vector<16x256xbf16>
    %dot_general3A_1711 = arith.constant dense<0.000000e+00> : vector<128x256xf32>
    %dot_general3A_1712 = tpu.matmul %get3A_1709, %convert_element_type3A_1710, %dot_general3A_1711 {dimension_numbers = #tpu.dot_dimension_numbers<[1], [0], [0], [1], [0, 0, 1, 1], [], []>, transpose_lhs_hint = false} : vector<128x16xbf16>, vector<16x256xbf16>, vector<128x256xf32> -> vector<128x256xf32>
    %add3A_1713 = arith.addf %dot_general3A_1704, %dot_general3A_1712 : vector<128x256xf32>
    %add3A_1714 = arith.addf %add3A_1696, %add3A_1713 : vector<128x256xf32>
    %add3A_1715 = vector.broadcast %get3A_21 : vector<128x1xf32> to vector<128x256xf32>
    %add3A_1716 = arith.addf %add3A_1714, %add3A_1715 : vector<128x256xf32>
    %mul3A_1717 = vector.broadcast %div3A_1 : f32 to vector<128x256xf32>
    %mul3A_1718 = arith.mulf %mul3A_1717, %add3A_1716 : vector<128x256xf32>
    %ge3A = arith.constant 0.000000e+00 : f32
    %ge3A_1719 = vector.broadcast %ge3A : f32 to vector<128x256xf32>
    %ge3A_1720 = arith.cmpf oge, %mul3A_1718, %ge3A_1719 : vector<128x256xf32>
    %mul3A_1721 = arith.constant 1.000000e-01 : f32
    %mul3A_1722 = vector.broadcast %mul3A_1721 : f32 to vector<128x256xf32>
    %mul3A_1723 = arith.mulf %mul3A_1722, %mul3A_1718 : vector<128x256xf32>
    %select_n3A = arith.select %ge3A_1720, %mul3A_1718, %mul3A_1723 : vector<128x256xi1>, vector<128x256xf32>
    %transpose3A_1724 = tpu.transpose %select_n3A, [1, 0] : vector<128x256xf32> -> vector<256x128xf32>
    %convert_element_type3A_1725 = arith.truncf %transpose3A_1724 : vector<256x128xf32> to vector<256x128xbf16>
    %convert_element_type3A_1726 = arith.extf %convert_element_type3A_1725 : vector<256x128xbf16> to vector<256x128xf32>
    %swap3A = arith.constant 0 : index
    %swap3A_1727 = arith.constant 0 : index
    %swap3A_1728 = arith.constant 0 : index
    %swap3A_1729 = vector.load %arg14[%swap3A, %swap3A_1727, %swap3A_1728] : memref<1x256x128xf32, #tpu.memory_space<vmem>>, vector<1x256x128xf32>
    %swap3A_1730 = vector.shape_cast %swap3A_1729 : vector<1x256x128xf32> to vector<256x128xf32>
    %swap3A_1731 = vector.shape_cast %convert_element_type3A_1726 : vector<256x128xf32> to vector<1x256x128xf32>
    tpu.vector_store %arg14[%swap3A, %swap3A_1727, %swap3A_1728], %swap3A_1731 {strides = array<i32>} : memref<1x256x128xf32, #tpu.memory_space<vmem>>, vector<1x256x128xf32>,
    return
  }
  func.func @transform_0(%arg0: i32, %arg1: i32) -> (i32, i32, i32, i32) {
    %c0_i32 = arith.constant 0 : i32
    %c0_i32_0 = arith.constant 0 : i32
    %c0_i32_1 = arith.constant 0 : i32
    return %arg0, %arg1, %c0_i32, %c0_i32_0 : i32, i32, i32, i32
  }
  func.func @transform_1(%arg0: i32, %arg1: i32) -> (i32, i32, i32, i32) {
    %c0_i32 = arith.constant 0 : i32
    %c0_i32_0 = arith.constant 0 : i32
    %c0_i32_1 = arith.constant 0 : i32
    return %arg0, %arg1, %c0_i32, %c0_i32_0 : i32, i32, i32, i32
  }
  func.func @transform_2(%arg0: i32, %arg1: i32) -> (i32, i32, i32) {
    %c0_i32 = arith.constant 0 : i32
    %c0_i32_0 = arith.constant 0 : i32
    return %arg0, %arg1, %c0_i32 : i32, i32, i32
  }
  func.func @transform_3(%arg0: i32, %arg1: i32) -> (i32, i32, i32) {
    %c0_i32 = arith.constant 0 : i32
    %c0_i32_0 = arith.constant 0 : i32
    %c0_i32_1 = arith.constant 0 : i32
    %c0_i32_2 = arith.constant 0 : i32
    return %c0_i32, %c0_i32_0, %c0_i32_1 : i32, i32, i32
  }
  func.func @transform_4(%arg0: i32, %arg1: i32) -> (i32, i32, i32) {
    %c0_i32 = arith.constant 0 : i32
    %c0_i32_0 = arith.constant 0 : i32
    %c0_i32_1 = arith.constant 0 : i32
    %c0_i32_2 = arith.constant 0 : i32
    return %c0_i32, %c0_i32_0, %c0_i32_1 : i32, i32, i32
  }
  func.func @transform_5(%arg0: i32, %arg1: i32) -> (i32, i32) {
    %c0_i32 = arith.constant 0 : i32
    %c0_i32_0 = arith.constant 0 : i32
    %c0_i32_1 = arith.constant 0 : i32
    return %c0_i32, %c0_i32_0 : i32, i32
  }
  func.func @transform_6(%arg0: i32, %arg1: i32) -> (i32, i32) {
    %c0_i32 = arith.constant 0 : i32
    %c0_i32_0 = arith.constant 0 : i32
    %c0_i32_1 = arith.constant 0 : i32
    return %c0_i32, %c0_i32_0 : i32, i32
  }
  func.func @transform_7(%arg0: i32, %arg1: i32) -> (i32, i32) {
    %c0_i32 = arith.constant 0 : i32
    %c0_i32_0 = arith.constant 0 : i32
    %c0_i32_1 = arith.constant 0 : i32
    return %c0_i32, %c0_i32_0 : i32, i32
  }
  func.func @transform_8(%arg0: i32, %arg1: i32) -> (i32, i32) {
    %c0_i32 = arith.constant 0 : i32
    %c0_i32_0 = arith.constant 0 : i32
    %c0_i32_1 = arith.constant 0 : i32
    return %c0_i32, %c0_i32_0 : i32, i32
  }
  func.func @transform_9(%arg0: i32, %arg1: i32) -> (i32, i32) {
    %c0_i32 = arith.constant 0 : i32
    %c0_i32_0 = arith.constant 0 : i32
    %c0_i32_1 = arith.constant 0 : i32
    return %c0_i32, %c0_i32_0 : i32, i32
  }
  func.func @transform_10(%arg0: i32, %arg1: i32) -> (i32, i32) {
    %c0_i32 = arith.constant 0 : i32
    %c0_i32_0 = arith.constant 0 : i32
    %c0_i32_1 = arith.constant 0 : i32
    return %c0_i32, %c0_i32_0 : i32, i32
  }
  func.func @transform_11(%arg0: i32, %arg1: i32) -> (i32, i32) {
    %c0_i32 = arith.constant 0 : i32
    %c0_i32_0 = arith.constant 0 : i32
    %c0_i32_1 = arith.constant 0 : i32
    return %c0_i32, %c0_i32_0 : i32, i32
  }
  func.func @transform_12(%arg0: i32, %arg1: i32) -> (i32, i32, i32) {
    %c0_i32 = arith.constant 0 : i32
    %c0_i32_0 = arith.constant 0 : i32
    return %arg0, %arg1, %c0_i32 : i32, i32, i32
  }
}

module attributes {stable_mosaic.version = 14 : i64} {
  func.func @_pc2_body(%arg0: i32, %arg1: i32, %arg2: memref<1x256x9x128xf32, #tpu.memory_space<vmem>>, %arg3: memref<1x256x9x16xf32, #tpu.memory_space<vmem>>, %arg4: memref<1x256x16xf32, #tpu.memory_space<vmem>>, %arg5: memref<16x128x128xbf16, #tpu.memory_space<vmem>>, %arg6: memref<16x128x16xbf16, #tpu.memory_space<vmem>>, %arg7: memref<8x16xbf16, #tpu.memory_space<vmem>>, %arg8: memref<8x1xf32, #tpu.memory_space<vmem>>, %arg9: memref<8x8xbf16, #tpu.memory_space<vmem>>, %arg10: memref<8x1xf32, #tpu.memory_space<vmem>>, %arg11: memref<16x8xbf16, #tpu.memory_space<vmem>>, %arg12: memref<16x1xf32, #tpu.memory_space<vmem>>, %arg13: memref<128x1xf32, #tpu.memory_space<vmem>>, %arg14: memref<128x128xbf16, #tpu.memory_space<vmem>>, %arg15: memref<128x1xf32, #tpu.memory_space<vmem>>, %arg16: memref<64x128xbf16, #tpu.memory_space<vmem>>, %arg17: memref<64x1xf32, #tpu.memory_space<vmem>>, %arg18: memref<3x64xbf16, #tpu.memory_space<vmem>>, %arg19: memref<3x1xf32, #tpu.memory_space<vmem>>, %arg20: memref<1x64x256xf32, #tpu.memory_space<vmem>>, %arg21: memref<1x3x256xf32, #tpu.memory_space<vmem>>) attributes {dimension_semantics = [#tpu.dimension_semantics<arbitrary>, #tpu.dimension_semantics<arbitrary>], iteration_bounds = array<i64: 4, 16>, scalar_prefetch = 0 : i64, scratch_operands = 0 : i64, tpu.core_type = #tpu.core_type<tc>, window_params = [{transform_indices = @transform_0, window_bounds = array<i64: 1, 256, 9, 128>}, {transform_indices = @transform_1, window_bounds = array<i64: 1, 256, 9, 16>}, {transform_indices = @transform_2, window_bounds = array<i64: 1, 256, 16>}, {pipeline_mode = #tpu.pipeline_mode<synchronous>, transform_indices = @transform_3, window_bounds = array<i64: 16, 128, 128>}, {pipeline_mode = #tpu.pipeline_mode<synchronous>, transform_indices = @transform_4, window_bounds = array<i64: 16, 128, 16>}, {pipeline_mode = #tpu.pipeline_mode<synchronous>, transform_indices = @transform_5, window_bounds = array<i64: 8, 16>}, {pipeline_mode = #tpu.pipeline_mode<synchronous>, transform_indices = @transform_6, window_bounds = array<i64: 8, 1>}, {pipeline_mode = #tpu.pipeline_mode<synchronous>, transform_indices = @transform_7, window_bounds = array<i64: 8, 8>}, {pipeline_mode = #tpu.pipeline_mode<synchronous>, transform_indices = @transform_8, window_bounds = array<i64: 8, 1>}, {pipeline_mode = #tpu.pipeline_mode<synchronous>, transform_indices = @transform_9, window_bounds = array<i64: 16, 8>}, {pipeline_mode = #tpu.pipeline_mode<synchronous>, transform_indices = @transform_10, window_bounds = array<i64: 16, 1>}, {pipeline_mode = #tpu.pipeline_mode<synchronous>, transform_indices = @transform_11, window_bounds = array<i64: 128, 1>}, {pipeline_mode = #tpu.pipeline_mode<synchronous>, transform_indices = @transform_12, window_bounds = array<i64: 128, 128>}, {pipeline_mode = #tpu.pipeline_mode<synchronous>, transform_indices = @transform_13, window_bounds = array<i64: 128, 1>}, {pipeline_mode = #tpu.pipeline_mode<synchronous>, transform_indices = @transform_14, window_bounds = array<i64: 64, 128>}, {pipeline_mode = #tpu.pipeline_mode<synchronous>, transform_indices = @transform_15, window_bounds = array<i64: 64, 1>}, {pipeline_mode = #tpu.pipeline_mode<synchronous>, transform_indices = @transform_16, window_bounds = array<i64: 3, 64>}, {pipeline_mode = #tpu.pipeline_mode<synchronous>, transform_indices = @transform_17, window_bounds = array<i64: 3, 1>}, {transform_indices = @transform_18, window_bounds = array<i64: 1, 64, 256>}, {transform_indices = @transform_19, window_bounds = array<i64: 1, 3, 256>}]} {
    %sqrt3A = arith.constant 1.000010e+00 : f32
    %sqrt3A_0 = math.sqrt %sqrt3A : f32
    %div3A = arith.constant 1.000000e+00 : f32
    %div3A_1 = arith.divf %div3A, %sqrt3A_0 : f32
    %get3A = arith.constant 0 : index
    %get3A_2 = arith.constant 0 : index
    %get3A_3 = vector.load %arg7[%get3A, %get3A_2] : memref<8x16xbf16, #tpu.memory_space<vmem>>, vector<8x16xbf16>
    %get3A_4 = arith.constant 0 : index
    %get3A_5 = arith.constant 0 : index
    %get3A_6 = vector.load %arg8[%get3A_4, %get3A_5] : memref<8x1xf32, #tpu.memory_space<vmem>>, vector<8x1xf32>
    %get3A_7 = arith.constant 0 : index
    %get3A_8 = arith.constant 0 : index
    %get3A_9 = vector.load %arg9[%get3A_7, %get3A_8] : memref<8x8xbf16, #tpu.memory_space<vmem>>, vector<8x8xbf16>
    %get3A_10 = arith.constant 0 : index
    %get3A_11 = arith.constant 0 : index
    %get3A_12 = vector.load %arg10[%get3A_10, %get3A_11] : memref<8x1xf32, #tpu.memory_space<vmem>>, vector<8x1xf32>
    %get3A_13 = arith.constant 0 : index
    %get3A_14 = arith.constant 0 : index
    %get3A_15 = vector.load %arg11[%get3A_13, %get3A_14] : memref<16x8xbf16, #tpu.memory_space<vmem>>, vector<16x8xbf16>
    %get3A_16 = arith.constant 0 : index
    %get3A_17 = arith.constant 0 : index
    %get3A_18 = vector.load %arg12[%get3A_16, %get3A_17] : memref<16x1xf32, #tpu.memory_space<vmem>>, vector<16x1xf32>
    %get3A_19 = arith.constant 0 : index
    %get3A_20 = arith.constant 0 : index
    %get3A_21 = vector.load %arg13[%get3A_19, %get3A_20] : memref<128x1xf32, #tpu.memory_space<vmem>>, vector<128x1xf32>
    %get3A_22 = arith.constant 0 : index
    %get3A_23 = arith.constant 0 : index
    %get3A_24 = arith.constant 0 : index
    %get3A_25 = vector.load %arg4[%get3A_22, %get3A_23, %get3A_24] : memref<1x256x16xf32, #tpu.memory_space<vmem>>, vector<1x256x16xf32>
    %get3A_26 = vector.shape_cast %get3A_25 : vector<1x256x16xf32> to vector<256x16xf32>
    %transpose3A = tpu.transpose %get3A_26, [1, 0] : vector<256x16xf32> -> vector<16x256xf32>
    %get3A_27 = arith.constant 0 : index
    %get3A_28 = arith.constant 0 : index
    %get3A_29 = arith.constant 0 : index
    %get3A_30 = arith.constant 0 : index
    %get3A_31 = vector.load %arg2[%get3A_27, %get3A_28, %get3A_29, %get3A_30] : memref<1x256x9x128xf32, #tpu.memory_space<vmem>>, vector<1x256x1x128xf32>
    %get3A_32 = vector.shape_cast %get3A_31 : vector<1x256x1x128xf32> to vector<256x128xf32>
    %transpose3A_33 = tpu.transpose %get3A_32, [1, 0] : vector<256x128xf32> -> vector<128x256xf32>
    %get3A_34 = arith.constant 0 : index
    %get3A_35 = arith.constant 0 : index
    %get3A_36 = arith.constant 0 : index
    %get3A_37 = arith.constant 0 : index
    %get3A_38 = vector.load %arg3[%get3A_34, %get3A_35, %get3A_36, %get3A_37] : memref<1x256x9x16xf32, #tpu.memory_space<vmem>>, vector<1x256x1x16xf32>
    %get3A_39 = vector.shape_cast %get3A_38 : vector<1x256x1x16xf32> to vector<256x16xf32>
    %transpose3A_40 = tpu.transpose %get3A_39, [1, 0] : vector<256x16xf32> -> vector<16x256xf32>
    %sub3A = arith.subf %transpose3A_40, %transpose3A : vector<16x256xf32>
    %convert_element_type3A = arith.truncf %sub3A : vector<16x256xf32> to vector<16x256xbf16>
    %dot_general3A = arith.constant dense<0.000000e+00> : vector<8x256xf32>
    %dot_general3A_41 = tpu.matmul %get3A_3, %convert_element_type3A, %dot_general3A {dimension_numbers = #tpu.dot_dimension_numbers<[1], [0], [0], [1], [0, 0, 1, 1], [], []>, transpose_lhs_hint = false} : vector<8x16xbf16>, vector<16x256xbf16>, vector<8x256xf32> -> vector<8x256xf32>
    %add3A = vector.broadcast %get3A_6 : vector<8x1xf32> to vector<8x256xf32>
    %add3A_42 = arith.addf %dot_general3A_41, %add3A : vector<8x256xf32>
    %mul3A = vector.broadcast %div3A_1 : f32 to vector<8x256xf32>
    %mul3A_43 = arith.mulf %mul3A, %add3A_42 : vector<8x256xf32>
    %max3A = arith.constant 0.000000e+00 : f32
    %max3A_44 = vector.broadcast %max3A : f32 to vector<8x256xf32>
    %max3A_45 = arith.maximumf %mul3A_43, %max3A_44 : vector<8x256xf32>
    %convert_element_type3A_46 = arith.truncf %max3A_45 : vector<8x256xf32> to vector<8x256xbf16>
    %dot_general3A_47 = arith.constant dense<0.000000e+00> : vector<8x256xf32>
    %dot_general3A_48 = tpu.matmul %get3A_9, %convert_element_type3A_46, %dot_general3A_47 {dimension_numbers = #tpu.dot_dimension_numbers<[1], [0], [0], [1], [0, 0, 1, 1], [], []>, transpose_lhs_hint = false} : vector<8x8xbf16>, vector<8x256xbf16>, vector<8x256xf32> -> vector<8x256xf32>
    %add3A_49 = vector.broadcast %get3A_12 : vector<8x1xf32> to vector<8x256xf32>
    %add3A_50 = arith.addf %dot_general3A_48, %add3A_49 : vector<8x256xf32>
    %mul3A_51 = vector.broadcast %div3A_1 : f32 to vector<8x256xf32>
    %mul3A_52 = arith.mulf %mul3A_51, %add3A_50 : vector<8x256xf32>
    %max3A_53 = arith.constant 0.000000e+00 : f32
    %max3A_54 = vector.broadcast %max3A_53 : f32 to vector<8x256xf32>
    %max3A_55 = arith.maximumf %mul3A_52, %max3A_54 : vector<8x256xf32>
    %convert_element_type3A_56 = arith.truncf %max3A_55 : vector<8x256xf32> to vector<8x256xbf16>
    %dot_general3A_57 = arith.constant dense<0.000000e+00> : vector<16x256xf32>
    %dot_general3A_58 = tpu.matmul %get3A_15, %convert_element_type3A_56, %dot_general3A_57 {dimension_numbers = #tpu.dot_dimension_numbers<[1], [0], [0], [1], [0, 0, 1, 1], [], []>, transpose_lhs_hint = false} : vector<16x8xbf16>, vector<8x256xbf16>, vector<16x256xf32> -> vector<16x256xf32>
    %add3A_59 = vector.broadcast %get3A_18 : vector<16x1xf32> to vector<16x256xf32>
    %add3A_60 = arith.addf %dot_general3A_58, %add3A_59 : vector<16x256xf32>
    %mul3A_61 = vector.broadcast %div3A_1 : f32 to vector<16x256xf32>
    %mul3A_62 = arith.mulf %mul3A_61, %add3A_60 : vector<16x256xf32>
    %max3A_63 = arith.constant 0.000000e+00 : f32
    %max3A_64 = vector.broadcast %max3A_63 : f32 to vector<16x256xf32>
    %max3A_65 = arith.maximumf %mul3A_62, %max3A_64 : vector<16x256xf32>
    %convert_element_type3A_66 = arith.truncf %max3A_65 : vector<16x256xf32> to vector<16x256xbf16>
    %convert_element_type3A_67 = arith.extf %convert_element_type3A_66 : vector<16x256xbf16> to vector<16x256xf32>
    %convert_element_type3A_68 = arith.extf %convert_element_type3A : vector<16x256xbf16> to vector<16x256xf32>
    %slice3A = vector.extract_strided_slice %convert_element_type3A_67 {offsets = [0, 0], sizes = [1, 256], strides = [1, 1]} : vector<16x256xf32> to vector<1x256xf32>
    %mul3A_69 = vector.broadcast %slice3A : vector<1x256xf32> to vector<128x256xf32>
    %mul3A_70 = arith.mulf %transpose3A_33, %mul3A_69 : vector<128x256xf32>
    %mul3A_71 = vector.broadcast %slice3A : vector<1x256xf32> to vector<16x256xf32>
    %mul3A_72 = arith.mulf %convert_element_type3A_68, %mul3A_71 : vector<16x256xf32>
    %slice3A_73 = vector.extract_strided_slice %convert_element_type3A_67 {offsets = [1, 0], sizes = [1, 256], strides = [1, 1]} : vector<16x256xf32> to vector<1x256xf32>
    %mul3A_74 = vector.broadcast %slice3A_73 : vector<1x256xf32> to vector<128x256xf32>
    %mul3A_75 = arith.mulf %transpose3A_33, %mul3A_74 : vector<128x256xf32>
    %mul3A_76 = vector.broadcast %slice3A_73 : vector<1x256xf32> to vector<16x256xf32>
    %mul3A_77 = arith.mulf %convert_element_type3A_68, %mul3A_76 : vector<16x256xf32>
    %slice3A_78 = vector.extract_strided_slice %convert_element_type3A_67 {offsets = [2, 0], sizes = [1, 256], strides = [1, 1]} : vector<16x256xf32> to vector<1x256xf32>
    %mul3A_79 = vector.broadcast %slice3A_78 : vector<1x256xf32> to vector<128x256xf32>
    %mul3A_80 = arith.mulf %transpose3A_33, %mul3A_79 : vector<128x256xf32>
    %mul3A_81 = vector.broadcast %slice3A_78 : vector<1x256xf32> to vector<16x256xf32>
    %mul3A_82 = arith.mulf %convert_element_type3A_68, %mul3A_81 : vector<16x256xf32>
    %slice3A_83 = vector.extract_strided_slice %convert_element_type3A_67 {offsets = [3, 0], sizes = [1, 256], strides = [1, 1]} : vector<16x256xf32> to vector<1x256xf32>
    %mul3A_84 = vector.broadcast %slice3A_83 : vector<1x256xf32> to vector<128x256xf32>
    %mul3A_85 = arith.mulf %transpose3A_33, %mul3A_84 : vector<128x256xf32>
    %mul3A_86 = vector.broadcast %slice3A_83 : vector<1x256xf32> to vector<16x256xf32>
    %mul3A_87 = arith.mulf %convert_element_type3A_68, %mul3A_86 : vector<16x256xf32>
    %slice3A_88 = vector.extract_strided_slice %convert_element_type3A_67 {offsets = [4, 0], sizes = [1, 256], strides = [1, 1]} : vector<16x256xf32> to vector<1x256xf32>
    %mul3A_89 = vector.broadcast %slice3A_88 : vector<1x256xf32> to vector<128x256xf32>
    %mul3A_90 = arith.mulf %transpose3A_33, %mul3A_89 : vector<128x256xf32>
    %mul3A_91 = vector.broadcast %slice3A_88 : vector<1x256xf32> to vector<16x256xf32>
    %mul3A_92 = arith.mulf %convert_element_type3A_68, %mul3A_91 : vector<16x256xf32>
    %slice3A_93 = vector.extract_strided_slice %convert_element_type3A_67 {offsets = [5, 0], sizes = [1, 256], strides = [1, 1]} : vector<16x256xf32> to vector<1x256xf32>
    %mul3A_94 = vector.broadcast %slice3A_93 : vector<1x256xf32> to vector<128x256xf32>
    %mul3A_95 = arith.mulf %transpose3A_33, %mul3A_94 : vector<128x256xf32>
    %mul3A_96 = vector.broadcast %slice3A_93 : vector<1x256xf32> to vector<16x256xf32>
    %mul3A_97 = arith.mulf %convert_element_type3A_68, %mul3A_96 : vector<16x256xf32>
    %slice3A_98 = vector.extract_strided_slice %convert_element_type3A_67 {offsets = [6, 0], sizes = [1, 256], strides = [1, 1]} : vector<16x256xf32> to vector<1x256xf32>
    %mul3A_99 = vector.broadcast %slice3A_98 : vector<1x256xf32> to vector<128x256xf32>
    %mul3A_100 = arith.mulf %transpose3A_33, %mul3A_99 : vector<128x256xf32>
    %mul3A_101 = vector.broadcast %slice3A_98 : vector<1x256xf32> to vector<16x256xf32>
    %mul3A_102 = arith.mulf %convert_element_type3A_68, %mul3A_101 : vector<16x256xf32>
    %slice3A_103 = vector.extract_strided_slice %convert_element_type3A_67 {offsets = [7, 0], sizes = [1, 256], strides = [1, 1]} : vector<16x256xf32> to vector<1x256xf32>
    %mul3A_104 = vector.broadcast %slice3A_103 : vector<1x256xf32> to vector<128x256xf32>
    %mul3A_105 = arith.mulf %transpose3A_33, %mul3A_104 : vector<128x256xf32>
    %mul3A_106 = vector.broadcast %slice3A_103 : vector<1x256xf32> to vector<16x256xf32>
    %mul3A_107 = arith.mulf %convert_element_type3A_68, %mul3A_106 : vector<16x256xf32>
    %slice3A_108 = vector.extract_strided_slice %convert_element_type3A_67 {offsets = [8, 0], sizes = [1, 256], strides = [1, 1]} : vector<16x256xf32> to vector<1x256xf32>
    %mul3A_109 = vector.broadcast %slice3A_108 : vector<1x256xf32> to vector<128x256xf32>
    %mul3A_110 = arith.mulf %transpose3A_33, %mul3A_109 : vector<128x256xf32>
    %mul3A_111 = vector.broadcast %slice3A_108 : vector<1x256xf32> to vector<16x256xf32>
    %mul3A_112 = arith.mulf %convert_element_type3A_68, %mul3A_111 : vector<16x256xf32>
    %slice3A_113 = vector.extract_strided_slice %convert_element_type3A_67 {offsets = [9, 0], sizes = [1, 256], strides = [1, 1]} : vector<16x256xf32> to vector<1x256xf32>
    %mul3A_114 = vector.broadcast %slice3A_113 : vector<1x256xf32> to vector<128x256xf32>
    %mul3A_115 = arith.mulf %transpose3A_33, %mul3A_114 : vector<128x256xf32>
    %mul3A_116 = vector.broadcast %slice3A_113 : vector<1x256xf32> to vector<16x256xf32>
    %mul3A_117 = arith.mulf %convert_element_type3A_68, %mul3A_116 : vector<16x256xf32>
    %slice3A_118 = vector.extract_strided_slice %convert_element_type3A_67 {offsets = [10, 0], sizes = [1, 256], strides = [1, 1]} : vector<16x256xf32> to vector<1x256xf32>
    %mul3A_119 = vector.broadcast %slice3A_118 : vector<1x256xf32> to vector<128x256xf32>
    %mul3A_120 = arith.mulf %transpose3A_33, %mul3A_119 : vector<128x256xf32>
    %mul3A_121 = vector.broadcast %slice3A_118 : vector<1x256xf32> to vector<16x256xf32>
    %mul3A_122 = arith.mulf %convert_element_type3A_68, %mul3A_121 : vector<16x256xf32>
    %slice3A_123 = vector.extract_strided_slice %convert_element_type3A_67 {offsets = [11, 0], sizes = [1, 256], strides = [1, 1]} : vector<16x256xf32> to vector<1x256xf32>
    %mul3A_124 = vector.broadcast %slice3A_123 : vector<1x256xf32> to vector<128x256xf32>
    %mul3A_125 = arith.mulf %transpose3A_33, %mul3A_124 : vector<128x256xf32>
    %mul3A_126 = vector.broadcast %slice3A_123 : vector<1x256xf32> to vector<16x256xf32>
    %mul3A_127 = arith.mulf %convert_element_type3A_68, %mul3A_126 : vector<16x256xf32>
    %slice3A_128 = vector.extract_strided_slice %convert_element_type3A_67 {offsets = [12, 0], sizes = [1, 256], strides = [1, 1]} : vector<16x256xf32> to vector<1x256xf32>
    %mul3A_129 = vector.broadcast %slice3A_128 : vector<1x256xf32> to vector<128x256xf32>
    %mul3A_130 = arith.mulf %transpose3A_33, %mul3A_129 : vector<128x256xf32>
    %mul3A_131 = vector.broadcast %slice3A_128 : vector<1x256xf32> to vector<16x256xf32>
    %mul3A_132 = arith.mulf %convert_element_type3A_68, %mul3A_131 : vector<16x256xf32>
    %slice3A_133 = vector.extract_strided_slice %convert_element_type3A_67 {offsets = [13, 0], sizes = [1, 256], strides = [1, 1]} : vector<16x256xf32> to vector<1x256xf32>
    %mul3A_134 = vector.broadcast %slice3A_133 : vector<1x256xf32> to vector<128x256xf32>
    %mul3A_135 = arith.mulf %transpose3A_33, %mul3A_134 : vector<128x256xf32>
    %mul3A_136 = vector.broadcast %slice3A_133 : vector<1x256xf32> to vector<16x256xf32>
    %mul3A_137 = arith.mulf %convert_element_type3A_68, %mul3A_136 : vector<16x256xf32>
    %slice3A_138 = vector.extract_strided_slice %convert_element_type3A_67 {offsets = [14, 0], sizes = [1, 256], strides = [1, 1]} : vector<16x256xf32> to vector<1x256xf32>
    %mul3A_139 = vector.broadcast %slice3A_138 : vector<1x256xf32> to vector<128x256xf32>
    %mul3A_140 = arith.mulf %transpose3A_33, %mul3A_139 : vector<128x256xf32>
    %mul3A_141 = vector.broadcast %slice3A_138 : vector<1x256xf32> to vector<16x256xf32>
    %mul3A_142 = arith.mulf %convert_element_type3A_68, %mul3A_141 : vector<16x256xf32>
    %slice3A_143 = vector.extract_strided_slice %convert_element_type3A_67 {offsets = [15, 0], sizes = [1, 256], strides = [1, 1]} : vector<16x256xf32> to vector<1x256xf32>
    %mul3A_144 = vector.broadcast %slice3A_143 : vector<1x256xf32> to vector<128x256xf32>
    %mul3A_145 = arith.mulf %transpose3A_33, %mul3A_144 : vector<128x256xf32>
    %mul3A_146 = vector.broadcast %slice3A_143 : vector<1x256xf32> to vector<16x256xf32>
    %mul3A_147 = arith.mulf %convert_element_type3A_68, %mul3A_146 : vector<16x256xf32>
    %get3A_148 = arith.constant 0 : index
    %get3A_149 = arith.constant 0 : index
    %get3A_150 = arith.constant 1 : index
    %get3A_151 = arith.constant 0 : index
    %get3A_152 = vector.load %arg2[%get3A_148, %get3A_149, %get3A_150, %get3A_151] : memref<1x256x9x128xf32, #tpu.memory_space<vmem>>, vector<1x256x1x128xf32>
    %get3A_153 = vector.shape_cast %get3A_152 : vector<1x256x1x128xf32> to vector<256x128xf32>
    %transpose3A_154 = tpu.transpose %get3A_153, [1, 0] : vector<256x128xf32> -> vector<128x256xf32>
    %get3A_155 = arith.constant 0 : index
    %get3A_156 = arith.constant 0 : index
    %get3A_157 = arith.constant 1 : index
    %get3A_158 = arith.constant 0 : index
    %get3A_159 = vector.load %arg3[%get3A_155, %get3A_156, %get3A_157, %get3A_158] : memref<1x256x9x16xf32, #tpu.memory_space<vmem>>, vector<1x256x1x16xf32>
    %get3A_160 = vector.shape_cast %get3A_159 : vector<1x256x1x16xf32> to vector<256x16xf32>
    %transpose3A_161 = tpu.transpose %get3A_160, [1, 0] : vector<256x16xf32> -> vector<16x256xf32>
    %sub3A_162 = arith.subf %transpose3A_161, %transpose3A : vector<16x256xf32>
    %convert_element_type3A_163 = arith.truncf %sub3A_162 : vector<16x256xf32> to vector<16x256xbf16>
    %dot_general3A_164 = arith.constant dense<0.000000e+00> : vector<8x256xf32>
    %dot_general3A_165 = tpu.matmul %get3A_3, %convert_element_type3A_163, %dot_general3A_164 {dimension_numbers = #tpu.dot_dimension_numbers<[1], [0], [0], [1], [0, 0, 1, 1], [], []>, transpose_lhs_hint = false} : vector<8x16xbf16>, vector<16x256xbf16>, vector<8x256xf32> -> vector<8x256xf32>
    %add3A_166 = vector.broadcast %get3A_6 : vector<8x1xf32> to vector<8x256xf32>
    %add3A_167 = arith.addf %dot_general3A_165, %add3A_166 : vector<8x256xf32>
    %mul3A_168 = vector.broadcast %div3A_1 : f32 to vector<8x256xf32>
    %mul3A_169 = arith.mulf %mul3A_168, %add3A_167 : vector<8x256xf32>
    %max3A_170 = arith.constant 0.000000e+00 : f32
    %max3A_171 = vector.broadcast %max3A_170 : f32 to vector<8x256xf32>
    %max3A_172 = arith.maximumf %mul3A_169, %max3A_171 : vector<8x256xf32>
    %convert_element_type3A_173 = arith.truncf %max3A_172 : vector<8x256xf32> to vector<8x256xbf16>
    %dot_general3A_174 = arith.constant dense<0.000000e+00> : vector<8x256xf32>
    %dot_general3A_175 = tpu.matmul %get3A_9, %convert_element_type3A_173, %dot_general3A_174 {dimension_numbers = #tpu.dot_dimension_numbers<[1], [0], [0], [1], [0, 0, 1, 1], [], []>, transpose_lhs_hint = false} : vector<8x8xbf16>, vector<8x256xbf16>, vector<8x256xf32> -> vector<8x256xf32>
    %add3A_176 = vector.broadcast %get3A_12 : vector<8x1xf32> to vector<8x256xf32>
    %add3A_177 = arith.addf %dot_general3A_175, %add3A_176 : vector<8x256xf32>
    %mul3A_178 = vector.broadcast %div3A_1 : f32 to vector<8x256xf32>
    %mul3A_179 = arith.mulf %mul3A_178, %add3A_177 : vector<8x256xf32>
    %max3A_180 = arith.constant 0.000000e+00 : f32
    %max3A_181 = vector.broadcast %max3A_180 : f32 to vector<8x256xf32>
    %max3A_182 = arith.maximumf %mul3A_179, %max3A_181 : vector<8x256xf32>
    %convert_element_type3A_183 = arith.truncf %max3A_182 : vector<8x256xf32> to vector<8x256xbf16>
    %dot_general3A_184 = arith.constant dense<0.000000e+00> : vector<16x256xf32>
    %dot_general3A_185 = tpu.matmul %get3A_15, %convert_element_type3A_183, %dot_general3A_184 {dimension_numbers = #tpu.dot_dimension_numbers<[1], [0], [0], [1], [0, 0, 1, 1], [], []>, transpose_lhs_hint = false} : vector<16x8xbf16>, vector<8x256xbf16>, vector<16x256xf32> -> vector<16x256xf32>
    %add3A_186 = vector.broadcast %get3A_18 : vector<16x1xf32> to vector<16x256xf32>
    %add3A_187 = arith.addf %dot_general3A_185, %add3A_186 : vector<16x256xf32>
    %mul3A_188 = vector.broadcast %div3A_1 : f32 to vector<16x256xf32>
    %mul3A_189 = arith.mulf %mul3A_188, %add3A_187 : vector<16x256xf32>
    %max3A_190 = arith.constant 0.000000e+00 : f32
    %max3A_191 = vector.broadcast %max3A_190 : f32 to vector<16x256xf32>
    %max3A_192 = arith.maximumf %mul3A_189, %max3A_191 : vector<16x256xf32>
    %convert_element_type3A_193 = arith.truncf %max3A_192 : vector<16x256xf32> to vector<16x256xbf16>
    %convert_element_type3A_194 = arith.extf %convert_element_type3A_193 : vector<16x256xbf16> to vector<16x256xf32>
    %convert_element_type3A_195 = arith.extf %convert_element_type3A_163 : vector<16x256xbf16> to vector<16x256xf32>
    %slice3A_196 = vector.extract_strided_slice %convert_element_type3A_194 {offsets = [0, 0], sizes = [1, 256], strides = [1, 1]} : vector<16x256xf32> to vector<1x256xf32>
    %mul3A_197 = vector.broadcast %slice3A_196 : vector<1x256xf32> to vector<128x256xf32>
    %mul3A_198 = arith.mulf %transpose3A_154, %mul3A_197 : vector<128x256xf32>
    %add3A_199 = arith.addf %mul3A_70, %mul3A_198 : vector<128x256xf32>
    %mul3A_200 = vector.broadcast %slice3A_196 : vector<1x256xf32> to vector<16x256xf32>
    %mul3A_201 = arith.mulf %convert_element_type3A_195, %mul3A_200 : vector<16x256xf32>
    %add3A_202 = arith.addf %mul3A_72, %mul3A_201 : vector<16x256xf32>
    %slice3A_203 = vector.extract_strided_slice %convert_element_type3A_194 {offsets = [1, 0], sizes = [1, 256], strides = [1, 1]} : vector<16x256xf32> to vector<1x256xf32>
    %mul3A_204 = vector.broadcast %slice3A_203 : vector<1x256xf32> to vector<128x256xf32>
    %mul3A_205 = arith.mulf %transpose3A_154, %mul3A_204 : vector<128x256xf32>
    %add3A_206 = arith.addf %mul3A_75, %mul3A_205 : vector<128x256xf32>
    %mul3A_207 = vector.broadcast %slice3A_203 : vector<1x256xf32> to vector<16x256xf32>
    %mul3A_208 = arith.mulf %convert_element_type3A_195, %mul3A_207 : vector<16x256xf32>
    %add3A_209 = arith.addf %mul3A_77, %mul3A_208 : vector<16x256xf32>
    %slice3A_210 = vector.extract_strided_slice %convert_element_type3A_194 {offsets = [2, 0], sizes = [1, 256], strides = [1, 1]} : vector<16x256xf32> to vector<1x256xf32>
    %mul3A_211 = vector.broadcast %slice3A_210 : vector<1x256xf32> to vector<128x256xf32>
    %mul3A_212 = arith.mulf %transpose3A_154, %mul3A_211 : vector<128x256xf32>
    %add3A_213 = arith.addf %mul3A_80, %mul3A_212 : vector<128x256xf32>
    %mul3A_214 = vector.broadcast %slice3A_210 : vector<1x256xf32> to vector<16x256xf32>
    %mul3A_215 = arith.mulf %convert_element_type3A_195, %mul3A_214 : vector<16x256xf32>
    %add3A_216 = arith.addf %mul3A_82, %mul3A_215 : vector<16x256xf32>
    %slice3A_217 = vector.extract_strided_slice %convert_element_type3A_194 {offsets = [3, 0], sizes = [1, 256], strides = [1, 1]} : vector<16x256xf32> to vector<1x256xf32>
    %mul3A_218 = vector.broadcast %slice3A_217 : vector<1x256xf32> to vector<128x256xf32>
    %mul3A_219 = arith.mulf %transpose3A_154, %mul3A_218 : vector<128x256xf32>
    %add3A_220 = arith.addf %mul3A_85, %mul3A_219 : vector<128x256xf32>
    %mul3A_221 = vector.broadcast %slice3A_217 : vector<1x256xf32> to vector<16x256xf32>
    %mul3A_222 = arith.mulf %convert_element_type3A_195, %mul3A_221 : vector<16x256xf32>
    %add3A_223 = arith.addf %mul3A_87, %mul3A_222 : vector<16x256xf32>
    %slice3A_224 = vector.extract_strided_slice %convert_element_type3A_194 {offsets = [4, 0], sizes = [1, 256], strides = [1, 1]} : vector<16x256xf32> to vector<1x256xf32>
    %mul3A_225 = vector.broadcast %slice3A_224 : vector<1x256xf32> to vector<128x256xf32>
    %mul3A_226 = arith.mulf %transpose3A_154, %mul3A_225 : vector<128x256xf32>
    %add3A_227 = arith.addf %mul3A_90, %mul3A_226 : vector<128x256xf32>
    %mul3A_228 = vector.broadcast %slice3A_224 : vector<1x256xf32> to vector<16x256xf32>
    %mul3A_229 = arith.mulf %convert_element_type3A_195, %mul3A_228 : vector<16x256xf32>
    %add3A_230 = arith.addf %mul3A_92, %mul3A_229 : vector<16x256xf32>
    %slice3A_231 = vector.extract_strided_slice %convert_element_type3A_194 {offsets = [5, 0], sizes = [1, 256], strides = [1, 1]} : vector<16x256xf32> to vector<1x256xf32>
    %mul3A_232 = vector.broadcast %slice3A_231 : vector<1x256xf32> to vector<128x256xf32>
    %mul3A_233 = arith.mulf %transpose3A_154, %mul3A_232 : vector<128x256xf32>
    %add3A_234 = arith.addf %mul3A_95, %mul3A_233 : vector<128x256xf32>
    %mul3A_235 = vector.broadcast %slice3A_231 : vector<1x256xf32> to vector<16x256xf32>
    %mul3A_236 = arith.mulf %convert_element_type3A_195, %mul3A_235 : vector<16x256xf32>
    %add3A_237 = arith.addf %mul3A_97, %mul3A_236 : vector<16x256xf32>
    %slice3A_238 = vector.extract_strided_slice %convert_element_type3A_194 {offsets = [6, 0], sizes = [1, 256], strides = [1, 1]} : vector<16x256xf32> to vector<1x256xf32>
    %mul3A_239 = vector.broadcast %slice3A_238 : vector<1x256xf32> to vector<128x256xf32>
    %mul3A_240 = arith.mulf %transpose3A_154, %mul3A_239 : vector<128x256xf32>
    %add3A_241 = arith.addf %mul3A_100, %mul3A_240 : vector<128x256xf32>
    %mul3A_242 = vector.broadcast %slice3A_238 : vector<1x256xf32> to vector<16x256xf32>
    %mul3A_243 = arith.mulf %convert_element_type3A_195, %mul3A_242 : vector<16x256xf32>
    %add3A_244 = arith.addf %mul3A_102, %mul3A_243 : vector<16x256xf32>
    %slice3A_245 = vector.extract_strided_slice %convert_element_type3A_194 {offsets = [7, 0], sizes = [1, 256], strides = [1, 1]} : vector<16x256xf32> to vector<1x256xf32>
    %mul3A_246 = vector.broadcast %slice3A_245 : vector<1x256xf32> to vector<128x256xf32>
    %mul3A_247 = arith.mulf %transpose3A_154, %mul3A_246 : vector<128x256xf32>
    %add3A_248 = arith.addf %mul3A_105, %mul3A_247 : vector<128x256xf32>
    %mul3A_249 = vector.broadcast %slice3A_245 : vector<1x256xf32> to vector<16x256xf32>
    %mul3A_250 = arith.mulf %convert_element_type3A_195, %mul3A_249 : vector<16x256xf32>
    %add3A_251 = arith.addf %mul3A_107, %mul3A_250 : vector<16x256xf32>
    %slice3A_252 = vector.extract_strided_slice %convert_element_type3A_194 {offsets = [8, 0], sizes = [1, 256], strides = [1, 1]} : vector<16x256xf32> to vector<1x256xf32>
    %mul3A_253 = vector.broadcast %slice3A_252 : vector<1x256xf32> to vector<128x256xf32>
    %mul3A_254 = arith.mulf %transpose3A_154, %mul3A_253 : vector<128x256xf32>
    %add3A_255 = arith.addf %mul3A_110, %mul3A_254 : vector<128x256xf32>
    %mul3A_256 = vector.broadcast %slice3A_252 : vector<1x256xf32> to vector<16x256xf32>
    %mul3A_257 = arith.mulf %convert_element_type3A_195, %mul3A_256 : vector<16x256xf32>
    %add3A_258 = arith.addf %mul3A_112, %mul3A_257 : vector<16x256xf32>
    %slice3A_259 = vector.extract_strided_slice %convert_element_type3A_194 {offsets = [9, 0], sizes = [1, 256], strides = [1, 1]} : vector<16x256xf32> to vector<1x256xf32>
    %mul3A_260 = vector.broadcast %slice3A_259 : vector<1x256xf32> to vector<128x256xf32>
    %mul3A_261 = arith.mulf %transpose3A_154, %mul3A_260 : vector<128x256xf32>
    %add3A_262 = arith.addf %mul3A_115, %mul3A_261 : vector<128x256xf32>
    %mul3A_263 = vector.broadcast %slice3A_259 : vector<1x256xf32> to vector<16x256xf32>
    %mul3A_264 = arith.mulf %convert_element_type3A_195, %mul3A_263 : vector<16x256xf32>
    %add3A_265 = arith.addf %mul3A_117, %mul3A_264 : vector<16x256xf32>
    %slice3A_266 = vector.extract_strided_slice %convert_element_type3A_194 {offsets = [10, 0], sizes = [1, 256], strides = [1, 1]} : vector<16x256xf32> to vector<1x256xf32>
    %mul3A_267 = vector.broadcast %slice3A_266 : vector<1x256xf32> to vector<128x256xf32>
    %mul3A_268 = arith.mulf %transpose3A_154, %mul3A_267 : vector<128x256xf32>
    %add3A_269 = arith.addf %mul3A_120, %mul3A_268 : vector<128x256xf32>
    %mul3A_270 = vector.broadcast %slice3A_266 : vector<1x256xf32> to vector<16x256xf32>
    %mul3A_271 = arith.mulf %convert_element_type3A_195, %mul3A_270 : vector<16x256xf32>
    %add3A_272 = arith.addf %mul3A_122, %mul3A_271 : vector<16x256xf32>
    %slice3A_273 = vector.extract_strided_slice %convert_element_type3A_194 {offsets = [11, 0], sizes = [1, 256], strides = [1, 1]} : vector<16x256xf32> to vector<1x256xf32>
    %mul3A_274 = vector.broadcast %slice3A_273 : vector<1x256xf32> to vector<128x256xf32>
    %mul3A_275 = arith.mulf %transpose3A_154, %mul3A_274 : vector<128x256xf32>
    %add3A_276 = arith.addf %mul3A_125, %mul3A_275 : vector<128x256xf32>
    %mul3A_277 = vector.broadcast %slice3A_273 : vector<1x256xf32> to vector<16x256xf32>
    %mul3A_278 = arith.mulf %convert_element_type3A_195, %mul3A_277 : vector<16x256xf32>
    %add3A_279 = arith.addf %mul3A_127, %mul3A_278 : vector<16x256xf32>
    %slice3A_280 = vector.extract_strided_slice %convert_element_type3A_194 {offsets = [12, 0], sizes = [1, 256], strides = [1, 1]} : vector<16x256xf32> to vector<1x256xf32>
    %mul3A_281 = vector.broadcast %slice3A_280 : vector<1x256xf32> to vector<128x256xf32>
    %mul3A_282 = arith.mulf %transpose3A_154, %mul3A_281 : vector<128x256xf32>
    %add3A_283 = arith.addf %mul3A_130, %mul3A_282 : vector<128x256xf32>
    %mul3A_284 = vector.broadcast %slice3A_280 : vector<1x256xf32> to vector<16x256xf32>
    %mul3A_285 = arith.mulf %convert_element_type3A_195, %mul3A_284 : vector<16x256xf32>
    %add3A_286 = arith.addf %mul3A_132, %mul3A_285 : vector<16x256xf32>
    %slice3A_287 = vector.extract_strided_slice %convert_element_type3A_194 {offsets = [13, 0], sizes = [1, 256], strides = [1, 1]} : vector<16x256xf32> to vector<1x256xf32>
    %mul3A_288 = vector.broadcast %slice3A_287 : vector<1x256xf32> to vector<128x256xf32>
    %mul3A_289 = arith.mulf %transpose3A_154, %mul3A_288 : vector<128x256xf32>
    %add3A_290 = arith.addf %mul3A_135, %mul3A_289 : vector<128x256xf32>
    %mul3A_291 = vector.broadcast %slice3A_287 : vector<1x256xf32> to vector<16x256xf32>
    %mul3A_292 = arith.mulf %convert_element_type3A_195, %mul3A_291 : vector<16x256xf32>
    %add3A_293 = arith.addf %mul3A_137, %mul3A_292 : vector<16x256xf32>
    %slice3A_294 = vector.extract_strided_slice %convert_element_type3A_194 {offsets = [14, 0], sizes = [1, 256], strides = [1, 1]} : vector<16x256xf32> to vector<1x256xf32>
    %mul3A_295 = vector.broadcast %slice3A_294 : vector<1x256xf32> to vector<128x256xf32>
    %mul3A_296 = arith.mulf %transpose3A_154, %mul3A_295 : vector<128x256xf32>
    %add3A_297 = arith.addf %mul3A_140, %mul3A_296 : vector<128x256xf32>
    %mul3A_298 = vector.broadcast %slice3A_294 : vector<1x256xf32> to vector<16x256xf32>
    %mul3A_299 = arith.mulf %convert_element_type3A_195, %mul3A_298 : vector<16x256xf32>
    %add3A_300 = arith.addf %mul3A_142, %mul3A_299 : vector<16x256xf32>
    %slice3A_301 = vector.extract_strided_slice %convert_element_type3A_194 {offsets = [15, 0], sizes = [1, 256], strides = [1, 1]} : vector<16x256xf32> to vector<1x256xf32>
    %mul3A_302 = vector.broadcast %slice3A_301 : vector<1x256xf32> to vector<128x256xf32>
    %mul3A_303 = arith.mulf %transpose3A_154, %mul3A_302 : vector<128x256xf32>
    %add3A_304 = arith.addf %mul3A_145, %mul3A_303 : vector<128x256xf32>
    %mul3A_305 = vector.broadcast %slice3A_301 : vector<1x256xf32> to vector<16x256xf32>
    %mul3A_306 = arith.mulf %convert_element_type3A_195, %mul3A_305 : vector<16x256xf32>
    %add3A_307 = arith.addf %mul3A_147, %mul3A_306 : vector<16x256xf32>
    %get3A_308 = arith.constant 0 : index
    %get3A_309 = arith.constant 0 : index
    %get3A_310 = arith.constant 2 : index
    %get3A_311 = arith.constant 0 : index
    %get3A_312 = vector.load %arg2[%get3A_308, %get3A_309, %get3A_310, %get3A_311] : memref<1x256x9x128xf32, #tpu.memory_space<vmem>>, vector<1x256x1x128xf32>
    %get3A_313 = vector.shape_cast %get3A_312 : vector<1x256x1x128xf32> to vector<256x128xf32>
    %transpose3A_314 = tpu.transpose %get3A_313, [1, 0] : vector<256x128xf32> -> vector<128x256xf32>
    %get3A_315 = arith.constant 0 : index
    %get3A_316 = arith.constant 0 : index
    %get3A_317 = arith.constant 2 : index
    %get3A_318 = arith.constant 0 : index
    %get3A_319 = vector.load %arg3[%get3A_315, %get3A_316, %get3A_317, %get3A_318] : memref<1x256x9x16xf32, #tpu.memory_space<vmem>>, vector<1x256x1x16xf32>
    %get3A_320 = vector.shape_cast %get3A_319 : vector<1x256x1x16xf32> to vector<256x16xf32>
    %transpose3A_321 = tpu.transpose %get3A_320, [1, 0] : vector<256x16xf32> -> vector<16x256xf32>
    %sub3A_322 = arith.subf %transpose3A_321, %transpose3A : vector<16x256xf32>
    %convert_element_type3A_323 = arith.truncf %sub3A_322 : vector<16x256xf32> to vector<16x256xbf16>
    %dot_general3A_324 = arith.constant dense<0.000000e+00> : vector<8x256xf32>
    %dot_general3A_325 = tpu.matmul %get3A_3, %convert_element_type3A_323, %dot_general3A_324 {dimension_numbers = #tpu.dot_dimension_numbers<[1], [0], [0], [1], [0, 0, 1, 1], [], []>, transpose_lhs_hint = false} : vector<8x16xbf16>, vector<16x256xbf16>, vector<8x256xf32> -> vector<8x256xf32>
    %add3A_326 = vector.broadcast %get3A_6 : vector<8x1xf32> to vector<8x256xf32>
    %add3A_327 = arith.addf %dot_general3A_325, %add3A_326 : vector<8x256xf32>
    %mul3A_328 = vector.broadcast %div3A_1 : f32 to vector<8x256xf32>
    %mul3A_329 = arith.mulf %mul3A_328, %add3A_327 : vector<8x256xf32>
    %max3A_330 = arith.constant 0.000000e+00 : f32
    %max3A_331 = vector.broadcast %max3A_330 : f32 to vector<8x256xf32>
    %max3A_332 = arith.maximumf %mul3A_329, %max3A_331 : vector<8x256xf32>
    %convert_element_type3A_333 = arith.truncf %max3A_332 : vector<8x256xf32> to vector<8x256xbf16>
    %dot_general3A_334 = arith.constant dense<0.000000e+00> : vector<8x256xf32>
    %dot_general3A_335 = tpu.matmul %get3A_9, %convert_element_type3A_333, %dot_general3A_334 {dimension_numbers = #tpu.dot_dimension_numbers<[1], [0], [0], [1], [0, 0, 1, 1], [], []>, transpose_lhs_hint = false} : vector<8x8xbf16>, vector<8x256xbf16>, vector<8x256xf32> -> vector<8x256xf32>
    %add3A_336 = vector.broadcast %get3A_12 : vector<8x1xf32> to vector<8x256xf32>
    %add3A_337 = arith.addf %dot_general3A_335, %add3A_336 : vector<8x256xf32>
    %mul3A_338 = vector.broadcast %div3A_1 : f32 to vector<8x256xf32>
    %mul3A_339 = arith.mulf %mul3A_338, %add3A_337 : vector<8x256xf32>
    %max3A_340 = arith.constant 0.000000e+00 : f32
    %max3A_341 = vector.broadcast %max3A_340 : f32 to vector<8x256xf32>
    %max3A_342 = arith.maximumf %mul3A_339, %max3A_341 : vector<8x256xf32>
    %convert_element_type3A_343 = arith.truncf %max3A_342 : vector<8x256xf32> to vector<8x256xbf16>
    %dot_general3A_344 = arith.constant dense<0.000000e+00> : vector<16x256xf32>
    %dot_general3A_345 = tpu.matmul %get3A_15, %convert_element_type3A_343, %dot_general3A_344 {dimension_numbers = #tpu.dot_dimension_numbers<[1], [0], [0], [1], [0, 0, 1, 1], [], []>, transpose_lhs_hint = false} : vector<16x8xbf16>, vector<8x256xbf16>, vector<16x256xf32> -> vector<16x256xf32>
    %add3A_346 = vector.broadcast %get3A_18 : vector<16x1xf32> to vector<16x256xf32>
    %add3A_347 = arith.addf %dot_general3A_345, %add3A_346 : vector<16x256xf32>
    %mul3A_348 = vector.broadcast %div3A_1 : f32 to vector<16x256xf32>
    %mul3A_349 = arith.mulf %mul3A_348, %add3A_347 : vector<16x256xf32>
    %max3A_350 = arith.constant 0.000000e+00 : f32
    %max3A_351 = vector.broadcast %max3A_350 : f32 to vector<16x256xf32>
    %max3A_352 = arith.maximumf %mul3A_349, %max3A_351 : vector<16x256xf32>
    %convert_element_type3A_353 = arith.truncf %max3A_352 : vector<16x256xf32> to vector<16x256xbf16>
    %convert_element_type3A_354 = arith.extf %convert_element_type3A_353 : vector<16x256xbf16> to vector<16x256xf32>
    %convert_element_type3A_355 = arith.extf %convert_element_type3A_323 : vector<16x256xbf16> to vector<16x256xf32>
    %slice3A_356 = vector.extract_strided_slice %convert_element_type3A_354 {offsets = [0, 0], sizes = [1, 256], strides = [1, 1]} : vector<16x256xf32> to vector<1x256xf32>
    %mul3A_357 = vector.broadcast %slice3A_356 : vector<1x256xf32> to vector<128x256xf32>
    %mul3A_358 = arith.mulf %transpose3A_314, %mul3A_357 : vector<128x256xf32>
    %add3A_359 = arith.addf %add3A_199, %mul3A_358 : vector<128x256xf32>
    %mul3A_360 = vector.broadcast %slice3A_356 : vector<1x256xf32> to vector<16x256xf32>
    %mul3A_361 = arith.mulf %convert_element_type3A_355, %mul3A_360 : vector<16x256xf32>
    %add3A_362 = arith.addf %add3A_202, %mul3A_361 : vector<16x256xf32>
    %slice3A_363 = vector.extract_strided_slice %convert_element_type3A_354 {offsets = [1, 0], sizes = [1, 256], strides = [1, 1]} : vector<16x256xf32> to vector<1x256xf32>
    %mul3A_364 = vector.broadcast %slice3A_363 : vector<1x256xf32> to vector<128x256xf32>
    %mul3A_365 = arith.mulf %transpose3A_314, %mul3A_364 : vector<128x256xf32>
    %add3A_366 = arith.addf %add3A_206, %mul3A_365 : vector<128x256xf32>
    %mul3A_367 = vector.broadcast %slice3A_363 : vector<1x256xf32> to vector<16x256xf32>
    %mul3A_368 = arith.mulf %convert_element_type3A_355, %mul3A_367 : vector<16x256xf32>
    %add3A_369 = arith.addf %add3A_209, %mul3A_368 : vector<16x256xf32>
    %slice3A_370 = vector.extract_strided_slice %convert_element_type3A_354 {offsets = [2, 0], sizes = [1, 256], strides = [1, 1]} : vector<16x256xf32> to vector<1x256xf32>
    %mul3A_371 = vector.broadcast %slice3A_370 : vector<1x256xf32> to vector<128x256xf32>
    %mul3A_372 = arith.mulf %transpose3A_314, %mul3A_371 : vector<128x256xf32>
    %add3A_373 = arith.addf %add3A_213, %mul3A_372 : vector<128x256xf32>
    %mul3A_374 = vector.broadcast %slice3A_370 : vector<1x256xf32> to vector<16x256xf32>
    %mul3A_375 = arith.mulf %convert_element_type3A_355, %mul3A_374 : vector<16x256xf32>
    %add3A_376 = arith.addf %add3A_216, %mul3A_375 : vector<16x256xf32>
    %slice3A_377 = vector.extract_strided_slice %convert_element_type3A_354 {offsets = [3, 0], sizes = [1, 256], strides = [1, 1]} : vector<16x256xf32> to vector<1x256xf32>
    %mul3A_378 = vector.broadcast %slice3A_377 : vector<1x256xf32> to vector<128x256xf32>
    %mul3A_379 = arith.mulf %transpose3A_314, %mul3A_378 : vector<128x256xf32>
    %add3A_380 = arith.addf %add3A_220, %mul3A_379 : vector<128x256xf32>
    %mul3A_381 = vector.broadcast %slice3A_377 : vector<1x256xf32> to vector<16x256xf32>
    %mul3A_382 = arith.mulf %convert_element_type3A_355, %mul3A_381 : vector<16x256xf32>
    %add3A_383 = arith.addf %add3A_223, %mul3A_382 : vector<16x256xf32>
    %slice3A_384 = vector.extract_strided_slice %convert_element_type3A_354 {offsets = [4, 0], sizes = [1, 256], strides = [1, 1]} : vector<16x256xf32> to vector<1x256xf32>
    %mul3A_385 = vector.broadcast %slice3A_384 : vector<1x256xf32> to vector<128x256xf32>
    %mul3A_386 = arith.mulf %transpose3A_314, %mul3A_385 : vector<128x256xf32>
    %add3A_387 = arith.addf %add3A_227, %mul3A_386 : vector<128x256xf32>
    %mul3A_388 = vector.broadcast %slice3A_384 : vector<1x256xf32> to vector<16x256xf32>
    %mul3A_389 = arith.mulf %convert_element_type3A_355, %mul3A_388 : vector<16x256xf32>
    %add3A_390 = arith.addf %add3A_230, %mul3A_389 : vector<16x256xf32>
    %slice3A_391 = vector.extract_strided_slice %convert_element_type3A_354 {offsets = [5, 0], sizes = [1, 256], strides = [1, 1]} : vector<16x256xf32> to vector<1x256xf32>
    %mul3A_392 = vector.broadcast %slice3A_391 : vector<1x256xf32> to vector<128x256xf32>
    %mul3A_393 = arith.mulf %transpose3A_314, %mul3A_392 : vector<128x256xf32>
    %add3A_394 = arith.addf %add3A_234, %mul3A_393 : vector<128x256xf32>
    %mul3A_395 = vector.broadcast %slice3A_391 : vector<1x256xf32> to vector<16x256xf32>
    %mul3A_396 = arith.mulf %convert_element_type3A_355, %mul3A_395 : vector<16x256xf32>
    %add3A_397 = arith.addf %add3A_237, %mul3A_396 : vector<16x256xf32>
    %slice3A_398 = vector.extract_strided_slice %convert_element_type3A_354 {offsets = [6, 0], sizes = [1, 256], strides = [1, 1]} : vector<16x256xf32> to vector<1x256xf32>
    %mul3A_399 = vector.broadcast %slice3A_398 : vector<1x256xf32> to vector<128x256xf32>
    %mul3A_400 = arith.mulf %transpose3A_314, %mul3A_399 : vector<128x256xf32>
    %add3A_401 = arith.addf %add3A_241, %mul3A_400 : vector<128x256xf32>
    %mul3A_402 = vector.broadcast %slice3A_398 : vector<1x256xf32> to vector<16x256xf32>
    %mul3A_403 = arith.mulf %convert_element_type3A_355, %mul3A_402 : vector<16x256xf32>
    %add3A_404 = arith.addf %add3A_244, %mul3A_403 : vector<16x256xf32>
    %slice3A_405 = vector.extract_strided_slice %convert_element_type3A_354 {offsets = [7, 0], sizes = [1, 256], strides = [1, 1]} : vector<16x256xf32> to vector<1x256xf32>
    %mul3A_406 = vector.broadcast %slice3A_405 : vector<1x256xf32> to vector<128x256xf32>
    %mul3A_407 = arith.mulf %transpose3A_314, %mul3A_406 : vector<128x256xf32>
    %add3A_408 = arith.addf %add3A_248, %mul3A_407 : vector<128x256xf32>
    %mul3A_409 = vector.broadcast %slice3A_405 : vector<1x256xf32> to vector<16x256xf32>
    %mul3A_410 = arith.mulf %convert_element_type3A_355, %mul3A_409 : vector<16x256xf32>
    %add3A_411 = arith.addf %add3A_251, %mul3A_410 : vector<16x256xf32>
    %slice3A_412 = vector.extract_strided_slice %convert_element_type3A_354 {offsets = [8, 0], sizes = [1, 256], strides = [1, 1]} : vector<16x256xf32> to vector<1x256xf32>
    %mul3A_413 = vector.broadcast %slice3A_412 : vector<1x256xf32> to vector<128x256xf32>
    %mul3A_414 = arith.mulf %transpose3A_314, %mul3A_413 : vector<128x256xf32>
    %add3A_415 = arith.addf %add3A_255, %mul3A_414 : vector<128x256xf32>
    %mul3A_416 = vector.broadcast %slice3A_412 : vector<1x256xf32> to vector<16x256xf32>
    %mul3A_417 = arith.mulf %convert_element_type3A_355, %mul3A_416 : vector<16x256xf32>
    %add3A_418 = arith.addf %add3A_258, %mul3A_417 : vector<16x256xf32>
    %slice3A_419 = vector.extract_strided_slice %convert_element_type3A_354 {offsets = [9, 0], sizes = [1, 256], strides = [1, 1]} : vector<16x256xf32> to vector<1x256xf32>
    %mul3A_420 = vector.broadcast %slice3A_419 : vector<1x256xf32> to vector<128x256xf32>
    %mul3A_421 = arith.mulf %transpose3A_314, %mul3A_420 : vector<128x256xf32>
    %add3A_422 = arith.addf %add3A_262, %mul3A_421 : vector<128x256xf32>
    %mul3A_423 = vector.broadcast %slice3A_419 : vector<1x256xf32> to vector<16x256xf32>
    %mul3A_424 = arith.mulf %convert_element_type3A_355, %mul3A_423 : vector<16x256xf32>
    %add3A_425 = arith.addf %add3A_265, %mul3A_424 : vector<16x256xf32>
    %slice3A_426 = vector.extract_strided_slice %convert_element_type3A_354 {offsets = [10, 0], sizes = [1, 256], strides = [1, 1]} : vector<16x256xf32> to vector<1x256xf32>
    %mul3A_427 = vector.broadcast %slice3A_426 : vector<1x256xf32> to vector<128x256xf32>
    %mul3A_428 = arith.mulf %transpose3A_314, %mul3A_427 : vector<128x256xf32>
    %add3A_429 = arith.addf %add3A_269, %mul3A_428 : vector<128x256xf32>
    %mul3A_430 = vector.broadcast %slice3A_426 : vector<1x256xf32> to vector<16x256xf32>
    %mul3A_431 = arith.mulf %convert_element_type3A_355, %mul3A_430 : vector<16x256xf32>
    %add3A_432 = arith.addf %add3A_272, %mul3A_431 : vector<16x256xf32>
    %slice3A_433 = vector.extract_strided_slice %convert_element_type3A_354 {offsets = [11, 0], sizes = [1, 256], strides = [1, 1]} : vector<16x256xf32> to vector<1x256xf32>
    %mul3A_434 = vector.broadcast %slice3A_433 : vector<1x256xf32> to vector<128x256xf32>
    %mul3A_435 = arith.mulf %transpose3A_314, %mul3A_434 : vector<128x256xf32>
    %add3A_436 = arith.addf %add3A_276, %mul3A_435 : vector<128x256xf32>
    %mul3A_437 = vector.broadcast %slice3A_433 : vector<1x256xf32> to vector<16x256xf32>
    %mul3A_438 = arith.mulf %convert_element_type3A_355, %mul3A_437 : vector<16x256xf32>
    %add3A_439 = arith.addf %add3A_279, %mul3A_438 : vector<16x256xf32>
    %slice3A_440 = vector.extract_strided_slice %convert_element_type3A_354 {offsets = [12, 0], sizes = [1, 256], strides = [1, 1]} : vector<16x256xf32> to vector<1x256xf32>
    %mul3A_441 = vector.broadcast %slice3A_440 : vector<1x256xf32> to vector<128x256xf32>
    %mul3A_442 = arith.mulf %transpose3A_314, %mul3A_441 : vector<128x256xf32>
    %add3A_443 = arith.addf %add3A_283, %mul3A_442 : vector<128x256xf32>
    %mul3A_444 = vector.broadcast %slice3A_440 : vector<1x256xf32> to vector<16x256xf32>
    %mul3A_445 = arith.mulf %convert_element_type3A_355, %mul3A_444 : vector<16x256xf32>
    %add3A_446 = arith.addf %add3A_286, %mul3A_445 : vector<16x256xf32>
    %slice3A_447 = vector.extract_strided_slice %convert_element_type3A_354 {offsets = [13, 0], sizes = [1, 256], strides = [1, 1]} : vector<16x256xf32> to vector<1x256xf32>
    %mul3A_448 = vector.broadcast %slice3A_447 : vector<1x256xf32> to vector<128x256xf32>
    %mul3A_449 = arith.mulf %transpose3A_314, %mul3A_448 : vector<128x256xf32>
    %add3A_450 = arith.addf %add3A_290, %mul3A_449 : vector<128x256xf32>
    %mul3A_451 = vector.broadcast %slice3A_447 : vector<1x256xf32> to vector<16x256xf32>
    %mul3A_452 = arith.mulf %convert_element_type3A_355, %mul3A_451 : vector<16x256xf32>
    %add3A_453 = arith.addf %add3A_293, %mul3A_452 : vector<16x256xf32>
    %slice3A_454 = vector.extract_strided_slice %convert_element_type3A_354 {offsets = [14, 0], sizes = [1, 256], strides = [1, 1]} : vector<16x256xf32> to vector<1x256xf32>
    %mul3A_455 = vector.broadcast %slice3A_454 : vector<1x256xf32> to vector<128x256xf32>
    %mul3A_456 = arith.mulf %transpose3A_314, %mul3A_455 : vector<128x256xf32>
    %add3A_457 = arith.addf %add3A_297, %mul3A_456 : vector<128x256xf32>
    %mul3A_458 = vector.broadcast %slice3A_454 : vector<1x256xf32> to vector<16x256xf32>
    %mul3A_459 = arith.mulf %convert_element_type3A_355, %mul3A_458 : vector<16x256xf32>
    %add3A_460 = arith.addf %add3A_300, %mul3A_459 : vector<16x256xf32>
    %slice3A_461 = vector.extract_strided_slice %convert_element_type3A_354 {offsets = [15, 0], sizes = [1, 256], strides = [1, 1]} : vector<16x256xf32> to vector<1x256xf32>
    %mul3A_462 = vector.broadcast %slice3A_461 : vector<1x256xf32> to vector<128x256xf32>
    %mul3A_463 = arith.mulf %transpose3A_314, %mul3A_462 : vector<128x256xf32>
    %add3A_464 = arith.addf %add3A_304, %mul3A_463 : vector<128x256xf32>
    %mul3A_465 = vector.broadcast %slice3A_461 : vector<1x256xf32> to vector<16x256xf32>
    %mul3A_466 = arith.mulf %convert_element_type3A_355, %mul3A_465 : vector<16x256xf32>
    %add3A_467 = arith.addf %add3A_307, %mul3A_466 : vector<16x256xf32>
    %get3A_468 = arith.constant 0 : index
    %get3A_469 = arith.constant 0 : index
    %get3A_470 = arith.constant 3 : index
    %get3A_471 = arith.constant 0 : index
    %get3A_472 = vector.load %arg2[%get3A_468, %get3A_469, %get3A_470, %get3A_471] : memref<1x256x9x128xf32, #tpu.memory_space<vmem>>, vector<1x256x1x128xf32>
    %get3A_473 = vector.shape_cast %get3A_472 : vector<1x256x1x128xf32> to vector<256x128xf32>
    %transpose3A_474 = tpu.transpose %get3A_473, [1, 0] : vector<256x128xf32> -> vector<128x256xf32>
    %get3A_475 = arith.constant 0 : index
    %get3A_476 = arith.constant 0 : index
    %get3A_477 = arith.constant 3 : index
    %get3A_478 = arith.constant 0 : index
    %get3A_479 = vector.load %arg3[%get3A_475, %get3A_476, %get3A_477, %get3A_478] : memref<1x256x9x16xf32, #tpu.memory_space<vmem>>, vector<1x256x1x16xf32>
    %get3A_480 = vector.shape_cast %get3A_479 : vector<1x256x1x16xf32> to vector<256x16xf32>
    %transpose3A_481 = tpu.transpose %get3A_480, [1, 0] : vector<256x16xf32> -> vector<16x256xf32>
    %sub3A_482 = arith.subf %transpose3A_481, %transpose3A : vector<16x256xf32>
    %convert_element_type3A_483 = arith.truncf %sub3A_482 : vector<16x256xf32> to vector<16x256xbf16>
    %dot_general3A_484 = arith.constant dense<0.000000e+00> : vector<8x256xf32>
    %dot_general3A_485 = tpu.matmul %get3A_3, %convert_element_type3A_483, %dot_general3A_484 {dimension_numbers = #tpu.dot_dimension_numbers<[1], [0], [0], [1], [0, 0, 1, 1], [], []>, transpose_lhs_hint = false} : vector<8x16xbf16>, vector<16x256xbf16>, vector<8x256xf32> -> vector<8x256xf32>
    %add3A_486 = vector.broadcast %get3A_6 : vector<8x1xf32> to vector<8x256xf32>
    %add3A_487 = arith.addf %dot_general3A_485, %add3A_486 : vector<8x256xf32>
    %mul3A_488 = vector.broadcast %div3A_1 : f32 to vector<8x256xf32>
    %mul3A_489 = arith.mulf %mul3A_488, %add3A_487 : vector<8x256xf32>
    %max3A_490 = arith.constant 0.000000e+00 : f32
    %max3A_491 = vector.broadcast %max3A_490 : f32 to vector<8x256xf32>
    %max3A_492 = arith.maximumf %mul3A_489, %max3A_491 : vector<8x256xf32>
    %convert_element_type3A_493 = arith.truncf %max3A_492 : vector<8x256xf32> to vector<8x256xbf16>
    %dot_general3A_494 = arith.constant dense<0.000000e+00> : vector<8x256xf32>
    %dot_general3A_495 = tpu.matmul %get3A_9, %convert_element_type3A_493, %dot_general3A_494 {dimension_numbers = #tpu.dot_dimension_numbers<[1], [0], [0], [1], [0, 0, 1, 1], [], []>, transpose_lhs_hint = false} : vector<8x8xbf16>, vector<8x256xbf16>, vector<8x256xf32> -> vector<8x256xf32>
    %add3A_496 = vector.broadcast %get3A_12 : vector<8x1xf32> to vector<8x256xf32>
    %add3A_497 = arith.addf %dot_general3A_495, %add3A_496 : vector<8x256xf32>
    %mul3A_498 = vector.broadcast %div3A_1 : f32 to vector<8x256xf32>
    %mul3A_499 = arith.mulf %mul3A_498, %add3A_497 : vector<8x256xf32>
    %max3A_500 = arith.constant 0.000000e+00 : f32
    %max3A_501 = vector.broadcast %max3A_500 : f32 to vector<8x256xf32>
    %max3A_502 = arith.maximumf %mul3A_499, %max3A_501 : vector<8x256xf32>
    %convert_element_type3A_503 = arith.truncf %max3A_502 : vector<8x256xf32> to vector<8x256xbf16>
    %dot_general3A_504 = arith.constant dense<0.000000e+00> : vector<16x256xf32>
    %dot_general3A_505 = tpu.matmul %get3A_15, %convert_element_type3A_503, %dot_general3A_504 {dimension_numbers = #tpu.dot_dimension_numbers<[1], [0], [0], [1], [0, 0, 1, 1], [], []>, transpose_lhs_hint = false} : vector<16x8xbf16>, vector<8x256xbf16>, vector<16x256xf32> -> vector<16x256xf32>
    %add3A_506 = vector.broadcast %get3A_18 : vector<16x1xf32> to vector<16x256xf32>
    %add3A_507 = arith.addf %dot_general3A_505, %add3A_506 : vector<16x256xf32>
    %mul3A_508 = vector.broadcast %div3A_1 : f32 to vector<16x256xf32>
    %mul3A_509 = arith.mulf %mul3A_508, %add3A_507 : vector<16x256xf32>
    %max3A_510 = arith.constant 0.000000e+00 : f32
    %max3A_511 = vector.broadcast %max3A_510 : f32 to vector<16x256xf32>
    %max3A_512 = arith.maximumf %mul3A_509, %max3A_511 : vector<16x256xf32>
    %convert_element_type3A_513 = arith.truncf %max3A_512 : vector<16x256xf32> to vector<16x256xbf16>
    %convert_element_type3A_514 = arith.extf %convert_element_type3A_513 : vector<16x256xbf16> to vector<16x256xf32>
    %convert_element_type3A_515 = arith.extf %convert_element_type3A_483 : vector<16x256xbf16> to vector<16x256xf32>
    %slice3A_516 = vector.extract_strided_slice %convert_element_type3A_514 {offsets = [0, 0], sizes = [1, 256], strides = [1, 1]} : vector<16x256xf32> to vector<1x256xf32>
    %mul3A_517 = vector.broadcast %slice3A_516 : vector<1x256xf32> to vector<128x256xf32>
    %mul3A_518 = arith.mulf %transpose3A_474, %mul3A_517 : vector<128x256xf32>
    %add3A_519 = arith.addf %add3A_359, %mul3A_518 : vector<128x256xf32>
    %mul3A_520 = vector.broadcast %slice3A_516 : vector<1x256xf32> to vector<16x256xf32>
    %mul3A_521 = arith.mulf %convert_element_type3A_515, %mul3A_520 : vector<16x256xf32>
    %add3A_522 = arith.addf %add3A_362, %mul3A_521 : vector<16x256xf32>
    %slice3A_523 = vector.extract_strided_slice %convert_element_type3A_514 {offsets = [1, 0], sizes = [1, 256], strides = [1, 1]} : vector<16x256xf32> to vector<1x256xf32>
    %mul3A_524 = vector.broadcast %slice3A_523 : vector<1x256xf32> to vector<128x256xf32>
    %mul3A_525 = arith.mulf %transpose3A_474, %mul3A_524 : vector<128x256xf32>
    %add3A_526 = arith.addf %add3A_366, %mul3A_525 : vector<128x256xf32>
    %mul3A_527 = vector.broadcast %slice3A_523 : vector<1x256xf32> to vector<16x256xf32>
    %mul3A_528 = arith.mulf %convert_element_type3A_515, %mul3A_527 : vector<16x256xf32>
    %add3A_529 = arith.addf %add3A_369, %mul3A_528 : vector<16x256xf32>
    %slice3A_530 = vector.extract_strided_slice %convert_element_type3A_514 {offsets = [2, 0], sizes = [1, 256], strides = [1, 1]} : vector<16x256xf32> to vector<1x256xf32>
    %mul3A_531 = vector.broadcast %slice3A_530 : vector<1x256xf32> to vector<128x256xf32>
    %mul3A_532 = arith.mulf %transpose3A_474, %mul3A_531 : vector<128x256xf32>
    %add3A_533 = arith.addf %add3A_373, %mul3A_532 : vector<128x256xf32>
    %mul3A_534 = vector.broadcast %slice3A_530 : vector<1x256xf32> to vector<16x256xf32>
    %mul3A_535 = arith.mulf %convert_element_type3A_515, %mul3A_534 : vector<16x256xf32>
    %add3A_536 = arith.addf %add3A_376, %mul3A_535 : vector<16x256xf32>
    %slice3A_537 = vector.extract_strided_slice %convert_element_type3A_514 {offsets = [3, 0], sizes = [1, 256], strides = [1, 1]} : vector<16x256xf32> to vector<1x256xf32>
    %mul3A_538 = vector.broadcast %slice3A_537 : vector<1x256xf32> to vector<128x256xf32>
    %mul3A_539 = arith.mulf %transpose3A_474, %mul3A_538 : vector<128x256xf32>
    %add3A_540 = arith.addf %add3A_380, %mul3A_539 : vector<128x256xf32>
    %mul3A_541 = vector.broadcast %slice3A_537 : vector<1x256xf32> to vector<16x256xf32>
    %mul3A_542 = arith.mulf %convert_element_type3A_515, %mul3A_541 : vector<16x256xf32>
    %add3A_543 = arith.addf %add3A_383, %mul3A_542 : vector<16x256xf32>
    %slice3A_544 = vector.extract_strided_slice %convert_element_type3A_514 {offsets = [4, 0], sizes = [1, 256], strides = [1, 1]} : vector<16x256xf32> to vector<1x256xf32>
    %mul3A_545 = vector.broadcast %slice3A_544 : vector<1x256xf32> to vector<128x256xf32>
    %mul3A_546 = arith.mulf %transpose3A_474, %mul3A_545 : vector<128x256xf32>
    %add3A_547 = arith.addf %add3A_387, %mul3A_546 : vector<128x256xf32>
    %mul3A_548 = vector.broadcast %slice3A_544 : vector<1x256xf32> to vector<16x256xf32>
    %mul3A_549 = arith.mulf %convert_element_type3A_515, %mul3A_548 : vector<16x256xf32>
    %add3A_550 = arith.addf %add3A_390, %mul3A_549 : vector<16x256xf32>
    %slice3A_551 = vector.extract_strided_slice %convert_element_type3A_514 {offsets = [5, 0], sizes = [1, 256], strides = [1, 1]} : vector<16x256xf32> to vector<1x256xf32>
    %mul3A_552 = vector.broadcast %slice3A_551 : vector<1x256xf32> to vector<128x256xf32>
    %mul3A_553 = arith.mulf %transpose3A_474, %mul3A_552 : vector<128x256xf32>
    %add3A_554 = arith.addf %add3A_394, %mul3A_553 : vector<128x256xf32>
    %mul3A_555 = vector.broadcast %slice3A_551 : vector<1x256xf32> to vector<16x256xf32>
    %mul3A_556 = arith.mulf %convert_element_type3A_515, %mul3A_555 : vector<16x256xf32>
    %add3A_557 = arith.addf %add3A_397, %mul3A_556 : vector<16x256xf32>
    %slice3A_558 = vector.extract_strided_slice %convert_element_type3A_514 {offsets = [6, 0], sizes = [1, 256], strides = [1, 1]} : vector<16x256xf32> to vector<1x256xf32>
    %mul3A_559 = vector.broadcast %slice3A_558 : vector<1x256xf32> to vector<128x256xf32>
    %mul3A_560 = arith.mulf %transpose3A_474, %mul3A_559 : vector<128x256xf32>
    %add3A_561 = arith.addf %add3A_401, %mul3A_560 : vector<128x256xf32>
    %mul3A_562 = vector.broadcast %slice3A_558 : vector<1x256xf32> to vector<16x256xf32>
    %mul3A_563 = arith.mulf %convert_element_type3A_515, %mul3A_562 : vector<16x256xf32>
    %add3A_564 = arith.addf %add3A_404, %mul3A_563 : vector<16x256xf32>
    %slice3A_565 = vector.extract_strided_slice %convert_element_type3A_514 {offsets = [7, 0], sizes = [1, 256], strides = [1, 1]} : vector<16x256xf32> to vector<1x256xf32>
    %mul3A_566 = vector.broadcast %slice3A_565 : vector<1x256xf32> to vector<128x256xf32>
    %mul3A_567 = arith.mulf %transpose3A_474, %mul3A_566 : vector<128x256xf32>
    %add3A_568 = arith.addf %add3A_408, %mul3A_567 : vector<128x256xf32>
    %mul3A_569 = vector.broadcast %slice3A_565 : vector<1x256xf32> to vector<16x256xf32>
    %mul3A_570 = arith.mulf %convert_element_type3A_515, %mul3A_569 : vector<16x256xf32>
    %add3A_571 = arith.addf %add3A_411, %mul3A_570 : vector<16x256xf32>
    %slice3A_572 = vector.extract_strided_slice %convert_element_type3A_514 {offsets = [8, 0], sizes = [1, 256], strides = [1, 1]} : vector<16x256xf32> to vector<1x256xf32>
    %mul3A_573 = vector.broadcast %slice3A_572 : vector<1x256xf32> to vector<128x256xf32>
    %mul3A_574 = arith.mulf %transpose3A_474, %mul3A_573 : vector<128x256xf32>
    %add3A_575 = arith.addf %add3A_415, %mul3A_574 : vector<128x256xf32>
    %mul3A_576 = vector.broadcast %slice3A_572 : vector<1x256xf32> to vector<16x256xf32>
    %mul3A_577 = arith.mulf %convert_element_type3A_515, %mul3A_576 : vector<16x256xf32>
    %add3A_578 = arith.addf %add3A_418, %mul3A_577 : vector<16x256xf32>
    %slice3A_579 = vector.extract_strided_slice %convert_element_type3A_514 {offsets = [9, 0], sizes = [1, 256], strides = [1, 1]} : vector<16x256xf32> to vector<1x256xf32>
    %mul3A_580 = vector.broadcast %slice3A_579 : vector<1x256xf32> to vector<128x256xf32>
    %mul3A_581 = arith.mulf %transpose3A_474, %mul3A_580 : vector<128x256xf32>
    %add3A_582 = arith.addf %add3A_422, %mul3A_581 : vector<128x256xf32>
    %mul3A_583 = vector.broadcast %slice3A_579 : vector<1x256xf32> to vector<16x256xf32>
    %mul3A_584 = arith.mulf %convert_element_type3A_515, %mul3A_583 : vector<16x256xf32>
    %add3A_585 = arith.addf %add3A_425, %mul3A_584 : vector<16x256xf32>
    %slice3A_586 = vector.extract_strided_slice %convert_element_type3A_514 {offsets = [10, 0], sizes = [1, 256], strides = [1, 1]} : vector<16x256xf32> to vector<1x256xf32>
    %mul3A_587 = vector.broadcast %slice3A_586 : vector<1x256xf32> to vector<128x256xf32>
    %mul3A_588 = arith.mulf %transpose3A_474, %mul3A_587 : vector<128x256xf32>
    %add3A_589 = arith.addf %add3A_429, %mul3A_588 : vector<128x256xf32>
    %mul3A_590 = vector.broadcast %slice3A_586 : vector<1x256xf32> to vector<16x256xf32>
    %mul3A_591 = arith.mulf %convert_element_type3A_515, %mul3A_590 : vector<16x256xf32>
    %add3A_592 = arith.addf %add3A_432, %mul3A_591 : vector<16x256xf32>
    %slice3A_593 = vector.extract_strided_slice %convert_element_type3A_514 {offsets = [11, 0], sizes = [1, 256], strides = [1, 1]} : vector<16x256xf32> to vector<1x256xf32>
    %mul3A_594 = vector.broadcast %slice3A_593 : vector<1x256xf32> to vector<128x256xf32>
    %mul3A_595 = arith.mulf %transpose3A_474, %mul3A_594 : vector<128x256xf32>
    %add3A_596 = arith.addf %add3A_436, %mul3A_595 : vector<128x256xf32>
    %mul3A_597 = vector.broadcast %slice3A_593 : vector<1x256xf32> to vector<16x256xf32>
    %mul3A_598 = arith.mulf %convert_element_type3A_515, %mul3A_597 : vector<16x256xf32>
    %add3A_599 = arith.addf %add3A_439, %mul3A_598 : vector<16x256xf32>
    %slice3A_600 = vector.extract_strided_slice %convert_element_type3A_514 {offsets = [12, 0], sizes = [1, 256], strides = [1, 1]} : vector<16x256xf32> to vector<1x256xf32>
    %mul3A_601 = vector.broadcast %slice3A_600 : vector<1x256xf32> to vector<128x256xf32>
    %mul3A_602 = arith.mulf %transpose3A_474, %mul3A_601 : vector<128x256xf32>
    %add3A_603 = arith.addf %add3A_443, %mul3A_602 : vector<128x256xf32>
    %mul3A_604 = vector.broadcast %slice3A_600 : vector<1x256xf32> to vector<16x256xf32>
    %mul3A_605 = arith.mulf %convert_element_type3A_515, %mul3A_604 : vector<16x256xf32>
    %add3A_606 = arith.addf %add3A_446, %mul3A_605 : vector<16x256xf32>
    %slice3A_607 = vector.extract_strided_slice %convert_element_type3A_514 {offsets = [13, 0], sizes = [1, 256], strides = [1, 1]} : vector<16x256xf32> to vector<1x256xf32>
    %mul3A_608 = vector.broadcast %slice3A_607 : vector<1x256xf32> to vector<128x256xf32>
    %mul3A_609 = arith.mulf %transpose3A_474, %mul3A_608 : vector<128x256xf32>
    %add3A_610 = arith.addf %add3A_450, %mul3A_609 : vector<128x256xf32>
    %mul3A_611 = vector.broadcast %slice3A_607 : vector<1x256xf32> to vector<16x256xf32>
    %mul3A_612 = arith.mulf %convert_element_type3A_515, %mul3A_611 : vector<16x256xf32>
    %add3A_613 = arith.addf %add3A_453, %mul3A_612 : vector<16x256xf32>
    %slice3A_614 = vector.extract_strided_slice %convert_element_type3A_514 {offsets = [14, 0], sizes = [1, 256], strides = [1, 1]} : vector<16x256xf32> to vector<1x256xf32>
    %mul3A_615 = vector.broadcast %slice3A_614 : vector<1x256xf32> to vector<128x256xf32>
    %mul3A_616 = arith.mulf %transpose3A_474, %mul3A_615 : vector<128x256xf32>
    %add3A_617 = arith.addf %add3A_457, %mul3A_616 : vector<128x256xf32>
    %mul3A_618 = vector.broadcast %slice3A_614 : vector<1x256xf32> to vector<16x256xf32>
    %mul3A_619 = arith.mulf %convert_element_type3A_515, %mul3A_618 : vector<16x256xf32>
    %add3A_620 = arith.addf %add3A_460, %mul3A_619 : vector<16x256xf32>
    %slice3A_621 = vector.extract_strided_slice %convert_element_type3A_514 {offsets = [15, 0], sizes = [1, 256], strides = [1, 1]} : vector<16x256xf32> to vector<1x256xf32>
    %mul3A_622 = vector.broadcast %slice3A_621 : vector<1x256xf32> to vector<128x256xf32>
    %mul3A_623 = arith.mulf %transpose3A_474, %mul3A_622 : vector<128x256xf32>
    %add3A_624 = arith.addf %add3A_464, %mul3A_623 : vector<128x256xf32>
    %mul3A_625 = vector.broadcast %slice3A_621 : vector<1x256xf32> to vector<16x256xf32>
    %mul3A_626 = arith.mulf %convert_element_type3A_515, %mul3A_625 : vector<16x256xf32>
    %add3A_627 = arith.addf %add3A_467, %mul3A_626 : vector<16x256xf32>
    %get3A_628 = arith.constant 0 : index
    %get3A_629 = arith.constant 0 : index
    %get3A_630 = arith.constant 4 : index
    %get3A_631 = arith.constant 0 : index
    %get3A_632 = vector.load %arg2[%get3A_628, %get3A_629, %get3A_630, %get3A_631] : memref<1x256x9x128xf32, #tpu.memory_space<vmem>>, vector<1x256x1x128xf32>
    %get3A_633 = vector.shape_cast %get3A_632 : vector<1x256x1x128xf32> to vector<256x128xf32>
    %transpose3A_634 = tpu.transpose %get3A_633, [1, 0] : vector<256x128xf32> -> vector<128x256xf32>
    %get3A_635 = arith.constant 0 : index
    %get3A_636 = arith.constant 0 : index
    %get3A_637 = arith.constant 4 : index
    %get3A_638 = arith.constant 0 : index
    %get3A_639 = vector.load %arg3[%get3A_635, %get3A_636, %get3A_637, %get3A_638] : memref<1x256x9x16xf32, #tpu.memory_space<vmem>>, vector<1x256x1x16xf32>
    %get3A_640 = vector.shape_cast %get3A_639 : vector<1x256x1x16xf32> to vector<256x16xf32>
    %transpose3A_641 = tpu.transpose %get3A_640, [1, 0] : vector<256x16xf32> -> vector<16x256xf32>
    %sub3A_642 = arith.subf %transpose3A_641, %transpose3A : vector<16x256xf32>
    %convert_element_type3A_643 = arith.truncf %sub3A_642 : vector<16x256xf32> to vector<16x256xbf16>
    %dot_general3A_644 = arith.constant dense<0.000000e+00> : vector<8x256xf32>
    %dot_general3A_645 = tpu.matmul %get3A_3, %convert_element_type3A_643, %dot_general3A_644 {dimension_numbers = #tpu.dot_dimension_numbers<[1], [0], [0], [1], [0, 0, 1, 1], [], []>, transpose_lhs_hint = false} : vector<8x16xbf16>, vector<16x256xbf16>, vector<8x256xf32> -> vector<8x256xf32>
    %add3A_646 = vector.broadcast %get3A_6 : vector<8x1xf32> to vector<8x256xf32>
    %add3A_647 = arith.addf %dot_general3A_645, %add3A_646 : vector<8x256xf32>
    %mul3A_648 = vector.broadcast %div3A_1 : f32 to vector<8x256xf32>
    %mul3A_649 = arith.mulf %mul3A_648, %add3A_647 : vector<8x256xf32>
    %max3A_650 = arith.constant 0.000000e+00 : f32
    %max3A_651 = vector.broadcast %max3A_650 : f32 to vector<8x256xf32>
    %max3A_652 = arith.maximumf %mul3A_649, %max3A_651 : vector<8x256xf32>
    %convert_element_type3A_653 = arith.truncf %max3A_652 : vector<8x256xf32> to vector<8x256xbf16>
    %dot_general3A_654 = arith.constant dense<0.000000e+00> : vector<8x256xf32>
    %dot_general3A_655 = tpu.matmul %get3A_9, %convert_element_type3A_653, %dot_general3A_654 {dimension_numbers = #tpu.dot_dimension_numbers<[1], [0], [0], [1], [0, 0, 1, 1], [], []>, transpose_lhs_hint = false} : vector<8x8xbf16>, vector<8x256xbf16>, vector<8x256xf32> -> vector<8x256xf32>
    %add3A_656 = vector.broadcast %get3A_12 : vector<8x1xf32> to vector<8x256xf32>
    %add3A_657 = arith.addf %dot_general3A_655, %add3A_656 : vector<8x256xf32>
    %mul3A_658 = vector.broadcast %div3A_1 : f32 to vector<8x256xf32>
    %mul3A_659 = arith.mulf %mul3A_658, %add3A_657 : vector<8x256xf32>
    %max3A_660 = arith.constant 0.000000e+00 : f32
    %max3A_661 = vector.broadcast %max3A_660 : f32 to vector<8x256xf32>
    %max3A_662 = arith.maximumf %mul3A_659, %max3A_661 : vector<8x256xf32>
    %convert_element_type3A_663 = arith.truncf %max3A_662 : vector<8x256xf32> to vector<8x256xbf16>
    %dot_general3A_664 = arith.constant dense<0.000000e+00> : vector<16x256xf32>
    %dot_general3A_665 = tpu.matmul %get3A_15, %convert_element_type3A_663, %dot_general3A_664 {dimension_numbers = #tpu.dot_dimension_numbers<[1], [0], [0], [1], [0, 0, 1, 1], [], []>, transpose_lhs_hint = false} : vector<16x8xbf16>, vector<8x256xbf16>, vector<16x256xf32> -> vector<16x256xf32>
    %add3A_666 = vector.broadcast %get3A_18 : vector<16x1xf32> to vector<16x256xf32>
    %add3A_667 = arith.addf %dot_general3A_665, %add3A_666 : vector<16x256xf32>
    %mul3A_668 = vector.broadcast %div3A_1 : f32 to vector<16x256xf32>
    %mul3A_669 = arith.mulf %mul3A_668, %add3A_667 : vector<16x256xf32>
    %max3A_670 = arith.constant 0.000000e+00 : f32
    %max3A_671 = vector.broadcast %max3A_670 : f32 to vector<16x256xf32>
    %max3A_672 = arith.maximumf %mul3A_669, %max3A_671 : vector<16x256xf32>
    %convert_element_type3A_673 = arith.truncf %max3A_672 : vector<16x256xf32> to vector<16x256xbf16>
    %convert_element_type3A_674 = arith.extf %convert_element_type3A_673 : vector<16x256xbf16> to vector<16x256xf32>
    %convert_element_type3A_675 = arith.extf %convert_element_type3A_643 : vector<16x256xbf16> to vector<16x256xf32>
    %slice3A_676 = vector.extract_strided_slice %convert_element_type3A_674 {offsets = [0, 0], sizes = [1, 256], strides = [1, 1]} : vector<16x256xf32> to vector<1x256xf32>
    %mul3A_677 = vector.broadcast %slice3A_676 : vector<1x256xf32> to vector<128x256xf32>
    %mul3A_678 = arith.mulf %transpose3A_634, %mul3A_677 : vector<128x256xf32>
    %add3A_679 = arith.addf %add3A_519, %mul3A_678 : vector<128x256xf32>
    %mul3A_680 = vector.broadcast %slice3A_676 : vector<1x256xf32> to vector<16x256xf32>
    %mul3A_681 = arith.mulf %convert_element_type3A_675, %mul3A_680 : vector<16x256xf32>
    %add3A_682 = arith.addf %add3A_522, %mul3A_681 : vector<16x256xf32>
    %slice3A_683 = vector.extract_strided_slice %convert_element_type3A_674 {offsets = [1, 0], sizes = [1, 256], strides = [1, 1]} : vector<16x256xf32> to vector<1x256xf32>
    %mul3A_684 = vector.broadcast %slice3A_683 : vector<1x256xf32> to vector<128x256xf32>
    %mul3A_685 = arith.mulf %transpose3A_634, %mul3A_684 : vector<128x256xf32>
    %add3A_686 = arith.addf %add3A_526, %mul3A_685 : vector<128x256xf32>
    %mul3A_687 = vector.broadcast %slice3A_683 : vector<1x256xf32> to vector<16x256xf32>
    %mul3A_688 = arith.mulf %convert_element_type3A_675, %mul3A_687 : vector<16x256xf32>
    %add3A_689 = arith.addf %add3A_529, %mul3A_688 : vector<16x256xf32>
    %slice3A_690 = vector.extract_strided_slice %convert_element_type3A_674 {offsets = [2, 0], sizes = [1, 256], strides = [1, 1]} : vector<16x256xf32> to vector<1x256xf32>
    %mul3A_691 = vector.broadcast %slice3A_690 : vector<1x256xf32> to vector<128x256xf32>
    %mul3A_692 = arith.mulf %transpose3A_634, %mul3A_691 : vector<128x256xf32>
    %add3A_693 = arith.addf %add3A_533, %mul3A_692 : vector<128x256xf32>
    %mul3A_694 = vector.broadcast %slice3A_690 : vector<1x256xf32> to vector<16x256xf32>
    %mul3A_695 = arith.mulf %convert_element_type3A_675, %mul3A_694 : vector<16x256xf32>
    %add3A_696 = arith.addf %add3A_536, %mul3A_695 : vector<16x256xf32>
    %slice3A_697 = vector.extract_strided_slice %convert_element_type3A_674 {offsets = [3, 0], sizes = [1, 256], strides = [1, 1]} : vector<16x256xf32> to vector<1x256xf32>
    %mul3A_698 = vector.broadcast %slice3A_697 : vector<1x256xf32> to vector<128x256xf32>
    %mul3A_699 = arith.mulf %transpose3A_634, %mul3A_698 : vector<128x256xf32>
    %add3A_700 = arith.addf %add3A_540, %mul3A_699 : vector<128x256xf32>
    %mul3A_701 = vector.broadcast %slice3A_697 : vector<1x256xf32> to vector<16x256xf32>
    %mul3A_702 = arith.mulf %convert_element_type3A_675, %mul3A_701 : vector<16x256xf32>
    %add3A_703 = arith.addf %add3A_543, %mul3A_702 : vector<16x256xf32>
    %slice3A_704 = vector.extract_strided_slice %convert_element_type3A_674 {offsets = [4, 0], sizes = [1, 256], strides = [1, 1]} : vector<16x256xf32> to vector<1x256xf32>
    %mul3A_705 = vector.broadcast %slice3A_704 : vector<1x256xf32> to vector<128x256xf32>
    %mul3A_706 = arith.mulf %transpose3A_634, %mul3A_705 : vector<128x256xf32>
    %add3A_707 = arith.addf %add3A_547, %mul3A_706 : vector<128x256xf32>
    %mul3A_708 = vector.broadcast %slice3A_704 : vector<1x256xf32> to vector<16x256xf32>
    %mul3A_709 = arith.mulf %convert_element_type3A_675, %mul3A_708 : vector<16x256xf32>
    %add3A_710 = arith.addf %add3A_550, %mul3A_709 : vector<16x256xf32>
    %slice3A_711 = vector.extract_strided_slice %convert_element_type3A_674 {offsets = [5, 0], sizes = [1, 256], strides = [1, 1]} : vector<16x256xf32> to vector<1x256xf32>
    %mul3A_712 = vector.broadcast %slice3A_711 : vector<1x256xf32> to vector<128x256xf32>
    %mul3A_713 = arith.mulf %transpose3A_634, %mul3A_712 : vector<128x256xf32>
    %add3A_714 = arith.addf %add3A_554, %mul3A_713 : vector<128x256xf32>
    %mul3A_715 = vector.broadcast %slice3A_711 : vector<1x256xf32> to vector<16x256xf32>
    %mul3A_716 = arith.mulf %convert_element_type3A_675, %mul3A_715 : vector<16x256xf32>
    %add3A_717 = arith.addf %add3A_557, %mul3A_716 : vector<16x256xf32>
    %slice3A_718 = vector.extract_strided_slice %convert_element_type3A_674 {offsets = [6, 0], sizes = [1, 256], strides = [1, 1]} : vector<16x256xf32> to vector<1x256xf32>
    %mul3A_719 = vector.broadcast %slice3A_718 : vector<1x256xf32> to vector<128x256xf32>
    %mul3A_720 = arith.mulf %transpose3A_634, %mul3A_719 : vector<128x256xf32>
    %add3A_721 = arith.addf %add3A_561, %mul3A_720 : vector<128x256xf32>
    %mul3A_722 = vector.broadcast %slice3A_718 : vector<1x256xf32> to vector<16x256xf32>
    %mul3A_723 = arith.mulf %convert_element_type3A_675, %mul3A_722 : vector<16x256xf32>
    %add3A_724 = arith.addf %add3A_564, %mul3A_723 : vector<16x256xf32>
    %slice3A_725 = vector.extract_strided_slice %convert_element_type3A_674 {offsets = [7, 0], sizes = [1, 256], strides = [1, 1]} : vector<16x256xf32> to vector<1x256xf32>
    %mul3A_726 = vector.broadcast %slice3A_725 : vector<1x256xf32> to vector<128x256xf32>
    %mul3A_727 = arith.mulf %transpose3A_634, %mul3A_726 : vector<128x256xf32>
    %add3A_728 = arith.addf %add3A_568, %mul3A_727 : vector<128x256xf32>
    %mul3A_729 = vector.broadcast %slice3A_725 : vector<1x256xf32> to vector<16x256xf32>
    %mul3A_730 = arith.mulf %convert_element_type3A_675, %mul3A_729 : vector<16x256xf32>
    %add3A_731 = arith.addf %add3A_571, %mul3A_730 : vector<16x256xf32>
    %slice3A_732 = vector.extract_strided_slice %convert_element_type3A_674 {offsets = [8, 0], sizes = [1, 256], strides = [1, 1]} : vector<16x256xf32> to vector<1x256xf32>
    %mul3A_733 = vector.broadcast %slice3A_732 : vector<1x256xf32> to vector<128x256xf32>
    %mul3A_734 = arith.mulf %transpose3A_634, %mul3A_733 : vector<128x256xf32>
    %add3A_735 = arith.addf %add3A_575, %mul3A_734 : vector<128x256xf32>
    %mul3A_736 = vector.broadcast %slice3A_732 : vector<1x256xf32> to vector<16x256xf32>
    %mul3A_737 = arith.mulf %convert_element_type3A_675, %mul3A_736 : vector<16x256xf32>
    %add3A_738 = arith.addf %add3A_578, %mul3A_737 : vector<16x256xf32>
    %slice3A_739 = vector.extract_strided_slice %convert_element_type3A_674 {offsets = [9, 0], sizes = [1, 256], strides = [1, 1]} : vector<16x256xf32> to vector<1x256xf32>
    %mul3A_740 = vector.broadcast %slice3A_739 : vector<1x256xf32> to vector<128x256xf32>
    %mul3A_741 = arith.mulf %transpose3A_634, %mul3A_740 : vector<128x256xf32>
    %add3A_742 = arith.addf %add3A_582, %mul3A_741 : vector<128x256xf32>
    %mul3A_743 = vector.broadcast %slice3A_739 : vector<1x256xf32> to vector<16x256xf32>
    %mul3A_744 = arith.mulf %convert_element_type3A_675, %mul3A_743 : vector<16x256xf32>
    %add3A_745 = arith.addf %add3A_585, %mul3A_744 : vector<16x256xf32>
    %slice3A_746 = vector.extract_strided_slice %convert_element_type3A_674 {offsets = [10, 0], sizes = [1, 256], strides = [1, 1]} : vector<16x256xf32> to vector<1x256xf32>
    %mul3A_747 = vector.broadcast %slice3A_746 : vector<1x256xf32> to vector<128x256xf32>
    %mul3A_748 = arith.mulf %transpose3A_634, %mul3A_747 : vector<128x256xf32>
    %add3A_749 = arith.addf %add3A_589, %mul3A_748 : vector<128x256xf32>
    %mul3A_750 = vector.broadcast %slice3A_746 : vector<1x256xf32> to vector<16x256xf32>
    %mul3A_751 = arith.mulf %convert_element_type3A_675, %mul3A_750 : vector<16x256xf32>
    %add3A_752 = arith.addf %add3A_592, %mul3A_751 : vector<16x256xf32>
    %slice3A_753 = vector.extract_strided_slice %convert_element_type3A_674 {offsets = [11, 0], sizes = [1, 256], strides = [1, 1]} : vector<16x256xf32> to vector<1x256xf32>
    %mul3A_754 = vector.broadcast %slice3A_753 : vector<1x256xf32> to vector<128x256xf32>
    %mul3A_755 = arith.mulf %transpose3A_634, %mul3A_754 : vector<128x256xf32>
    %add3A_756 = arith.addf %add3A_596, %mul3A_755 : vector<128x256xf32>
    %mul3A_757 = vector.broadcast %slice3A_753 : vector<1x256xf32> to vector<16x256xf32>
    %mul3A_758 = arith.mulf %convert_element_type3A_675, %mul3A_757 : vector<16x256xf32>
    %add3A_759 = arith.addf %add3A_599, %mul3A_758 : vector<16x256xf32>
    %slice3A_760 = vector.extract_strided_slice %convert_element_type3A_674 {offsets = [12, 0], sizes = [1, 256], strides = [1, 1]} : vector<16x256xf32> to vector<1x256xf32>
    %mul3A_761 = vector.broadcast %slice3A_760 : vector<1x256xf32> to vector<128x256xf32>
    %mul3A_762 = arith.mulf %transpose3A_634, %mul3A_761 : vector<128x256xf32>
    %add3A_763 = arith.addf %add3A_603, %mul3A_762 : vector<128x256xf32>
    %mul3A_764 = vector.broadcast %slice3A_760 : vector<1x256xf32> to vector<16x256xf32>
    %mul3A_765 = arith.mulf %convert_element_type3A_675, %mul3A_764 : vector<16x256xf32>
    %add3A_766 = arith.addf %add3A_606, %mul3A_765 : vector<16x256xf32>
    %slice3A_767 = vector.extract_strided_slice %convert_element_type3A_674 {offsets = [13, 0], sizes = [1, 256], strides = [1, 1]} : vector<16x256xf32> to vector<1x256xf32>
    %mul3A_768 = vector.broadcast %slice3A_767 : vector<1x256xf32> to vector<128x256xf32>
    %mul3A_769 = arith.mulf %transpose3A_634, %mul3A_768 : vector<128x256xf32>
    %add3A_770 = arith.addf %add3A_610, %mul3A_769 : vector<128x256xf32>
    %mul3A_771 = vector.broadcast %slice3A_767 : vector<1x256xf32> to vector<16x256xf32>
    %mul3A_772 = arith.mulf %convert_element_type3A_675, %mul3A_771 : vector<16x256xf32>
    %add3A_773 = arith.addf %add3A_613, %mul3A_772 : vector<16x256xf32>
    %slice3A_774 = vector.extract_strided_slice %convert_element_type3A_674 {offsets = [14, 0], sizes = [1, 256], strides = [1, 1]} : vector<16x256xf32> to vector<1x256xf32>
    %mul3A_775 = vector.broadcast %slice3A_774 : vector<1x256xf32> to vector<128x256xf32>
    %mul3A_776 = arith.mulf %transpose3A_634, %mul3A_775 : vector<128x256xf32>
    %add3A_777 = arith.addf %add3A_617, %mul3A_776 : vector<128x256xf32>
    %mul3A_778 = vector.broadcast %slice3A_774 : vector<1x256xf32> to vector<16x256xf32>
    %mul3A_779 = arith.mulf %convert_element_type3A_675, %mul3A_778 : vector<16x256xf32>
    %add3A_780 = arith.addf %add3A_620, %mul3A_779 : vector<16x256xf32>
    %slice3A_781 = vector.extract_strided_slice %convert_element_type3A_674 {offsets = [15, 0], sizes = [1, 256], strides = [1, 1]} : vector<16x256xf32> to vector<1x256xf32>
    %mul3A_782 = vector.broadcast %slice3A_781 : vector<1x256xf32> to vector<128x256xf32>
    %mul3A_783 = arith.mulf %transpose3A_634, %mul3A_782 : vector<128x256xf32>
    %add3A_784 = arith.addf %add3A_624, %mul3A_783 : vector<128x256xf32>
    %mul3A_785 = vector.broadcast %slice3A_781 : vector<1x256xf32> to vector<16x256xf32>
    %mul3A_786 = arith.mulf %convert_element_type3A_675, %mul3A_785 : vector<16x256xf32>
    %add3A_787 = arith.addf %add3A_627, %mul3A_786 : vector<16x256xf32>
    %get3A_788 = arith.constant 0 : index
    %get3A_789 = arith.constant 0 : index
    %get3A_790 = arith.constant 5 : index
    %get3A_791 = arith.constant 0 : index
    %get3A_792 = vector.load %arg2[%get3A_788, %get3A_789, %get3A_790, %get3A_791] : memref<1x256x9x128xf32, #tpu.memory_space<vmem>>, vector<1x256x1x128xf32>
    %get3A_793 = vector.shape_cast %get3A_792 : vector<1x256x1x128xf32> to vector<256x128xf32>
    %transpose3A_794 = tpu.transpose %get3A_793, [1, 0] : vector<256x128xf32> -> vector<128x256xf32>
    %get3A_795 = arith.constant 0 : index
    %get3A_796 = arith.constant 0 : index
    %get3A_797 = arith.constant 5 : index
    %get3A_798 = arith.constant 0 : index
    %get3A_799 = vector.load %arg3[%get3A_795, %get3A_796, %get3A_797, %get3A_798] : memref<1x256x9x16xf32, #tpu.memory_space<vmem>>, vector<1x256x1x16xf32>
    %get3A_800 = vector.shape_cast %get3A_799 : vector<1x256x1x16xf32> to vector<256x16xf32>
    %transpose3A_801 = tpu.transpose %get3A_800, [1, 0] : vector<256x16xf32> -> vector<16x256xf32>
    %sub3A_802 = arith.subf %transpose3A_801, %transpose3A : vector<16x256xf32>
    %convert_element_type3A_803 = arith.truncf %sub3A_802 : vector<16x256xf32> to vector<16x256xbf16>
    %dot_general3A_804 = arith.constant dense<0.000000e+00> : vector<8x256xf32>
    %dot_general3A_805 = tpu.matmul %get3A_3, %convert_element_type3A_803, %dot_general3A_804 {dimension_numbers = #tpu.dot_dimension_numbers<[1], [0], [0], [1], [0, 0, 1, 1], [], []>, transpose_lhs_hint = false} : vector<8x16xbf16>, vector<16x256xbf16>, vector<8x256xf32> -> vector<8x256xf32>
    %add3A_806 = vector.broadcast %get3A_6 : vector<8x1xf32> to vector<8x256xf32>
    %add3A_807 = arith.addf %dot_general3A_805, %add3A_806 : vector<8x256xf32>
    %mul3A_808 = vector.broadcast %div3A_1 : f32 to vector<8x256xf32>
    %mul3A_809 = arith.mulf %mul3A_808, %add3A_807 : vector<8x256xf32>
    %max3A_810 = arith.constant 0.000000e+00 : f32
    %max3A_811 = vector.broadcast %max3A_810 : f32 to vector<8x256xf32>
    %max3A_812 = arith.maximumf %mul3A_809, %max3A_811 : vector<8x256xf32>
    %convert_element_type3A_813 = arith.truncf %max3A_812 : vector<8x256xf32> to vector<8x256xbf16>
    %dot_general3A_814 = arith.constant dense<0.000000e+00> : vector<8x256xf32>
    %dot_general3A_815 = tpu.matmul %get3A_9, %convert_element_type3A_813, %dot_general3A_814 {dimension_numbers = #tpu.dot_dimension_numbers<[1], [0], [0], [1], [0, 0, 1, 1], [], []>, transpose_lhs_hint = false} : vector<8x8xbf16>, vector<8x256xbf16>, vector<8x256xf32> -> vector<8x256xf32>
    %add3A_816 = vector.broadcast %get3A_12 : vector<8x1xf32> to vector<8x256xf32>
    %add3A_817 = arith.addf %dot_general3A_815, %add3A_816 : vector<8x256xf32>
    %mul3A_818 = vector.broadcast %div3A_1 : f32 to vector<8x256xf32>
    %mul3A_819 = arith.mulf %mul3A_818, %add3A_817 : vector<8x256xf32>
    %max3A_820 = arith.constant 0.000000e+00 : f32
    %max3A_821 = vector.broadcast %max3A_820 : f32 to vector<8x256xf32>
    %max3A_822 = arith.maximumf %mul3A_819, %max3A_821 : vector<8x256xf32>
    %convert_element_type3A_823 = arith.truncf %max3A_822 : vector<8x256xf32> to vector<8x256xbf16>
    %dot_general3A_824 = arith.constant dense<0.000000e+00> : vector<16x256xf32>
    %dot_general3A_825 = tpu.matmul %get3A_15, %convert_element_type3A_823, %dot_general3A_824 {dimension_numbers = #tpu.dot_dimension_numbers<[1], [0], [0], [1], [0, 0, 1, 1], [], []>, transpose_lhs_hint = false} : vector<16x8xbf16>, vector<8x256xbf16>, vector<16x256xf32> -> vector<16x256xf32>
    %add3A_826 = vector.broadcast %get3A_18 : vector<16x1xf32> to vector<16x256xf32>
    %add3A_827 = arith.addf %dot_general3A_825, %add3A_826 : vector<16x256xf32>
    %mul3A_828 = vector.broadcast %div3A_1 : f32 to vector<16x256xf32>
    %mul3A_829 = arith.mulf %mul3A_828, %add3A_827 : vector<16x256xf32>
    %max3A_830 = arith.constant 0.000000e+00 : f32
    %max3A_831 = vector.broadcast %max3A_830 : f32 to vector<16x256xf32>
    %max3A_832 = arith.maximumf %mul3A_829, %max3A_831 : vector<16x256xf32>
    %convert_element_type3A_833 = arith.truncf %max3A_832 : vector<16x256xf32> to vector<16x256xbf16>
    %convert_element_type3A_834 = arith.extf %convert_element_type3A_833 : vector<16x256xbf16> to vector<16x256xf32>
    %convert_element_type3A_835 = arith.extf %convert_element_type3A_803 : vector<16x256xbf16> to vector<16x256xf32>
    %slice3A_836 = vector.extract_strided_slice %convert_element_type3A_834 {offsets = [0, 0], sizes = [1, 256], strides = [1, 1]} : vector<16x256xf32> to vector<1x256xf32>
    %mul3A_837 = vector.broadcast %slice3A_836 : vector<1x256xf32> to vector<128x256xf32>
    %mul3A_838 = arith.mulf %transpose3A_794, %mul3A_837 : vector<128x256xf32>
    %add3A_839 = arith.addf %add3A_679, %mul3A_838 : vector<128x256xf32>
    %mul3A_840 = vector.broadcast %slice3A_836 : vector<1x256xf32> to vector<16x256xf32>
    %mul3A_841 = arith.mulf %convert_element_type3A_835, %mul3A_840 : vector<16x256xf32>
    %add3A_842 = arith.addf %add3A_682, %mul3A_841 : vector<16x256xf32>
    %slice3A_843 = vector.extract_strided_slice %convert_element_type3A_834 {offsets = [1, 0], sizes = [1, 256], strides = [1, 1]} : vector<16x256xf32> to vector<1x256xf32>
    %mul3A_844 = vector.broadcast %slice3A_843 : vector<1x256xf32> to vector<128x256xf32>
    %mul3A_845 = arith.mulf %transpose3A_794, %mul3A_844 : vector<128x256xf32>
    %add3A_846 = arith.addf %add3A_686, %mul3A_845 : vector<128x256xf32>
    %mul3A_847 = vector.broadcast %slice3A_843 : vector<1x256xf32> to vector<16x256xf32>
    %mul3A_848 = arith.mulf %convert_element_type3A_835, %mul3A_847 : vector<16x256xf32>
    %add3A_849 = arith.addf %add3A_689, %mul3A_848 : vector<16x256xf32>
    %slice3A_850 = vector.extract_strided_slice %convert_element_type3A_834 {offsets = [2, 0], sizes = [1, 256], strides = [1, 1]} : vector<16x256xf32> to vector<1x256xf32>
    %mul3A_851 = vector.broadcast %slice3A_850 : vector<1x256xf32> to vector<128x256xf32>
    %mul3A_852 = arith.mulf %transpose3A_794, %mul3A_851 : vector<128x256xf32>
    %add3A_853 = arith.addf %add3A_693, %mul3A_852 : vector<128x256xf32>
    %mul3A_854 = vector.broadcast %slice3A_850 : vector<1x256xf32> to vector<16x256xf32>
    %mul3A_855 = arith.mulf %convert_element_type3A_835, %mul3A_854 : vector<16x256xf32>
    %add3A_856 = arith.addf %add3A_696, %mul3A_855 : vector<16x256xf32>
    %slice3A_857 = vector.extract_strided_slice %convert_element_type3A_834 {offsets = [3, 0], sizes = [1, 256], strides = [1, 1]} : vector<16x256xf32> to vector<1x256xf32>
    %mul3A_858 = vector.broadcast %slice3A_857 : vector<1x256xf32> to vector<128x256xf32>
    %mul3A_859 = arith.mulf %transpose3A_794, %mul3A_858 : vector<128x256xf32>
    %add3A_860 = arith.addf %add3A_700, %mul3A_859 : vector<128x256xf32>
    %mul3A_861 = vector.broadcast %slice3A_857 : vector<1x256xf32> to vector<16x256xf32>
    %mul3A_862 = arith.mulf %convert_element_type3A_835, %mul3A_861 : vector<16x256xf32>
    %add3A_863 = arith.addf %add3A_703, %mul3A_862 : vector<16x256xf32>
    %slice3A_864 = vector.extract_strided_slice %convert_element_type3A_834 {offsets = [4, 0], sizes = [1, 256], strides = [1, 1]} : vector<16x256xf32> to vector<1x256xf32>
    %mul3A_865 = vector.broadcast %slice3A_864 : vector<1x256xf32> to vector<128x256xf32>
    %mul3A_866 = arith.mulf %transpose3A_794, %mul3A_865 : vector<128x256xf32>
    %add3A_867 = arith.addf %add3A_707, %mul3A_866 : vector<128x256xf32>
    %mul3A_868 = vector.broadcast %slice3A_864 : vector<1x256xf32> to vector<16x256xf32>
    %mul3A_869 = arith.mulf %convert_element_type3A_835, %mul3A_868 : vector<16x256xf32>
    %add3A_870 = arith.addf %add3A_710, %mul3A_869 : vector<16x256xf32>
    %slice3A_871 = vector.extract_strided_slice %convert_element_type3A_834 {offsets = [5, 0], sizes = [1, 256], strides = [1, 1]} : vector<16x256xf32> to vector<1x256xf32>
    %mul3A_872 = vector.broadcast %slice3A_871 : vector<1x256xf32> to vector<128x256xf32>
    %mul3A_873 = arith.mulf %transpose3A_794, %mul3A_872 : vector<128x256xf32>
    %add3A_874 = arith.addf %add3A_714, %mul3A_873 : vector<128x256xf32>
    %mul3A_875 = vector.broadcast %slice3A_871 : vector<1x256xf32> to vector<16x256xf32>
    %mul3A_876 = arith.mulf %convert_element_type3A_835, %mul3A_875 : vector<16x256xf32>
    %add3A_877 = arith.addf %add3A_717, %mul3A_876 : vector<16x256xf32>
    %slice3A_878 = vector.extract_strided_slice %convert_element_type3A_834 {offsets = [6, 0], sizes = [1, 256], strides = [1, 1]} : vector<16x256xf32> to vector<1x256xf32>
    %mul3A_879 = vector.broadcast %slice3A_878 : vector<1x256xf32> to vector<128x256xf32>
    %mul3A_880 = arith.mulf %transpose3A_794, %mul3A_879 : vector<128x256xf32>
    %add3A_881 = arith.addf %add3A_721, %mul3A_880 : vector<128x256xf32>
    %mul3A_882 = vector.broadcast %slice3A_878 : vector<1x256xf32> to vector<16x256xf32>
    %mul3A_883 = arith.mulf %convert_element_type3A_835, %mul3A_882 : vector<16x256xf32>
    %add3A_884 = arith.addf %add3A_724, %mul3A_883 : vector<16x256xf32>
    %slice3A_885 = vector.extract_strided_slice %convert_element_type3A_834 {offsets = [7, 0], sizes = [1, 256], strides = [1, 1]} : vector<16x256xf32> to vector<1x256xf32>
    %mul3A_886 = vector.broadcast %slice3A_885 : vector<1x256xf32> to vector<128x256xf32>
    %mul3A_887 = arith.mulf %transpose3A_794, %mul3A_886 : vector<128x256xf32>
    %add3A_888 = arith.addf %add3A_728, %mul3A_887 : vector<128x256xf32>
    %mul3A_889 = vector.broadcast %slice3A_885 : vector<1x256xf32> to vector<16x256xf32>
    %mul3A_890 = arith.mulf %convert_element_type3A_835, %mul3A_889 : vector<16x256xf32>
    %add3A_891 = arith.addf %add3A_731, %mul3A_890 : vector<16x256xf32>
    %slice3A_892 = vector.extract_strided_slice %convert_element_type3A_834 {offsets = [8, 0], sizes = [1, 256], strides = [1, 1]} : vector<16x256xf32> to vector<1x256xf32>
    %mul3A_893 = vector.broadcast %slice3A_892 : vector<1x256xf32> to vector<128x256xf32>
    %mul3A_894 = arith.mulf %transpose3A_794, %mul3A_893 : vector<128x256xf32>
    %add3A_895 = arith.addf %add3A_735, %mul3A_894 : vector<128x256xf32>
    %mul3A_896 = vector.broadcast %slice3A_892 : vector<1x256xf32> to vector<16x256xf32>
    %mul3A_897 = arith.mulf %convert_element_type3A_835, %mul3A_896 : vector<16x256xf32>
    %add3A_898 = arith.addf %add3A_738, %mul3A_897 : vector<16x256xf32>
    %slice3A_899 = vector.extract_strided_slice %convert_element_type3A_834 {offsets = [9, 0], sizes = [1, 256], strides = [1, 1]} : vector<16x256xf32> to vector<1x256xf32>
    %mul3A_900 = vector.broadcast %slice3A_899 : vector<1x256xf32> to vector<128x256xf32>
    %mul3A_901 = arith.mulf %transpose3A_794, %mul3A_900 : vector<128x256xf32>
    %add3A_902 = arith.addf %add3A_742, %mul3A_901 : vector<128x256xf32>
    %mul3A_903 = vector.broadcast %slice3A_899 : vector<1x256xf32> to vector<16x256xf32>
    %mul3A_904 = arith.mulf %convert_element_type3A_835, %mul3A_903 : vector<16x256xf32>
    %add3A_905 = arith.addf %add3A_745, %mul3A_904 : vector<16x256xf32>
    %slice3A_906 = vector.extract_strided_slice %convert_element_type3A_834 {offsets = [10, 0], sizes = [1, 256], strides = [1, 1]} : vector<16x256xf32> to vector<1x256xf32>
    %mul3A_907 = vector.broadcast %slice3A_906 : vector<1x256xf32> to vector<128x256xf32>
    %mul3A_908 = arith.mulf %transpose3A_794, %mul3A_907 : vector<128x256xf32>
    %add3A_909 = arith.addf %add3A_749, %mul3A_908 : vector<128x256xf32>
    %mul3A_910 = vector.broadcast %slice3A_906 : vector<1x256xf32> to vector<16x256xf32>
    %mul3A_911 = arith.mulf %convert_element_type3A_835, %mul3A_910 : vector<16x256xf32>
    %add3A_912 = arith.addf %add3A_752, %mul3A_911 : vector<16x256xf32>
    %slice3A_913 = vector.extract_strided_slice %convert_element_type3A_834 {offsets = [11, 0], sizes = [1, 256], strides = [1, 1]} : vector<16x256xf32> to vector<1x256xf32>
    %mul3A_914 = vector.broadcast %slice3A_913 : vector<1x256xf32> to vector<128x256xf32>
    %mul3A_915 = arith.mulf %transpose3A_794, %mul3A_914 : vector<128x256xf32>
    %add3A_916 = arith.addf %add3A_756, %mul3A_915 : vector<128x256xf32>
    %mul3A_917 = vector.broadcast %slice3A_913 : vector<1x256xf32> to vector<16x256xf32>
    %mul3A_918 = arith.mulf %convert_element_type3A_835, %mul3A_917 : vector<16x256xf32>
    %add3A_919 = arith.addf %add3A_759, %mul3A_918 : vector<16x256xf32>
    %slice3A_920 = vector.extract_strided_slice %convert_element_type3A_834 {offsets = [12, 0], sizes = [1, 256], strides = [1, 1]} : vector<16x256xf32> to vector<1x256xf32>
    %mul3A_921 = vector.broadcast %slice3A_920 : vector<1x256xf32> to vector<128x256xf32>
    %mul3A_922 = arith.mulf %transpose3A_794, %mul3A_921 : vector<128x256xf32>
    %add3A_923 = arith.addf %add3A_763, %mul3A_922 : vector<128x256xf32>
    %mul3A_924 = vector.broadcast %slice3A_920 : vector<1x256xf32> to vector<16x256xf32>
    %mul3A_925 = arith.mulf %convert_element_type3A_835, %mul3A_924 : vector<16x256xf32>
    %add3A_926 = arith.addf %add3A_766, %mul3A_925 : vector<16x256xf32>
    %slice3A_927 = vector.extract_strided_slice %convert_element_type3A_834 {offsets = [13, 0], sizes = [1, 256], strides = [1, 1]} : vector<16x256xf32> to vector<1x256xf32>
    %mul3A_928 = vector.broadcast %slice3A_927 : vector<1x256xf32> to vector<128x256xf32>
    %mul3A_929 = arith.mulf %transpose3A_794, %mul3A_928 : vector<128x256xf32>
    %add3A_930 = arith.addf %add3A_770, %mul3A_929 : vector<128x256xf32>
    %mul3A_931 = vector.broadcast %slice3A_927 : vector<1x256xf32> to vector<16x256xf32>
    %mul3A_932 = arith.mulf %convert_element_type3A_835, %mul3A_931 : vector<16x256xf32>
    %add3A_933 = arith.addf %add3A_773, %mul3A_932 : vector<16x256xf32>
    %slice3A_934 = vector.extract_strided_slice %convert_element_type3A_834 {offsets = [14, 0], sizes = [1, 256], strides = [1, 1]} : vector<16x256xf32> to vector<1x256xf32>
    %mul3A_935 = vector.broadcast %slice3A_934 : vector<1x256xf32> to vector<128x256xf32>
    %mul3A_936 = arith.mulf %transpose3A_794, %mul3A_935 : vector<128x256xf32>
    %add3A_937 = arith.addf %add3A_777, %mul3A_936 : vector<128x256xf32>
    %mul3A_938 = vector.broadcast %slice3A_934 : vector<1x256xf32> to vector<16x256xf32>
    %mul3A_939 = arith.mulf %convert_element_type3A_835, %mul3A_938 : vector<16x256xf32>
    %add3A_940 = arith.addf %add3A_780, %mul3A_939 : vector<16x256xf32>
    %slice3A_941 = vector.extract_strided_slice %convert_element_type3A_834 {offsets = [15, 0], sizes = [1, 256], strides = [1, 1]} : vector<16x256xf32> to vector<1x256xf32>
    %mul3A_942 = vector.broadcast %slice3A_941 : vector<1x256xf32> to vector<128x256xf32>
    %mul3A_943 = arith.mulf %transpose3A_794, %mul3A_942 : vector<128x256xf32>
    %add3A_944 = arith.addf %add3A_784, %mul3A_943 : vector<128x256xf32>
    %mul3A_945 = vector.broadcast %slice3A_941 : vector<1x256xf32> to vector<16x256xf32>
    %mul3A_946 = arith.mulf %convert_element_type3A_835, %mul3A_945 : vector<16x256xf32>
    %add3A_947 = arith.addf %add3A_787, %mul3A_946 : vector<16x256xf32>
    %get3A_948 = arith.constant 0 : index
    %get3A_949 = arith.constant 0 : index
    %get3A_950 = arith.constant 6 : index
    %get3A_951 = arith.constant 0 : index
    %get3A_952 = vector.load %arg2[%get3A_948, %get3A_949, %get3A_950, %get3A_951] : memref<1x256x9x128xf32, #tpu.memory_space<vmem>>, vector<1x256x1x128xf32>
    %get3A_953 = vector.shape_cast %get3A_952 : vector<1x256x1x128xf32> to vector<256x128xf32>
    %transpose3A_954 = tpu.transpose %get3A_953, [1, 0] : vector<256x128xf32> -> vector<128x256xf32>
    %get3A_955 = arith.constant 0 : index
    %get3A_956 = arith.constant 0 : index
    %get3A_957 = arith.constant 6 : index
    %get3A_958 = arith.constant 0 : index
    %get3A_959 = vector.load %arg3[%get3A_955, %get3A_956, %get3A_957, %get3A_958] : memref<1x256x9x16xf32, #tpu.memory_space<vmem>>, vector<1x256x1x16xf32>
    %get3A_960 = vector.shape_cast %get3A_959 : vector<1x256x1x16xf32> to vector<256x16xf32>
    %transpose3A_961 = tpu.transpose %get3A_960, [1, 0] : vector<256x16xf32> -> vector<16x256xf32>
    %sub3A_962 = arith.subf %transpose3A_961, %transpose3A : vector<16x256xf32>
    %convert_element_type3A_963 = arith.truncf %sub3A_962 : vector<16x256xf32> to vector<16x256xbf16>
    %dot_general3A_964 = arith.constant dense<0.000000e+00> : vector<8x256xf32>
    %dot_general3A_965 = tpu.matmul %get3A_3, %convert_element_type3A_963, %dot_general3A_964 {dimension_numbers = #tpu.dot_dimension_numbers<[1], [0], [0], [1], [0, 0, 1, 1], [], []>, transpose_lhs_hint = false} : vector<8x16xbf16>, vector<16x256xbf16>, vector<8x256xf32> -> vector<8x256xf32>
    %add3A_966 = vector.broadcast %get3A_6 : vector<8x1xf32> to vector<8x256xf32>
    %add3A_967 = arith.addf %dot_general3A_965, %add3A_966 : vector<8x256xf32>
    %mul3A_968 = vector.broadcast %div3A_1 : f32 to vector<8x256xf32>
    %mul3A_969 = arith.mulf %mul3A_968, %add3A_967 : vector<8x256xf32>
    %max3A_970 = arith.constant 0.000000e+00 : f32
    %max3A_971 = vector.broadcast %max3A_970 : f32 to vector<8x256xf32>
    %max3A_972 = arith.maximumf %mul3A_969, %max3A_971 : vector<8x256xf32>
    %convert_element_type3A_973 = arith.truncf %max3A_972 : vector<8x256xf32> to vector<8x256xbf16>
    %dot_general3A_974 = arith.constant dense<0.000000e+00> : vector<8x256xf32>
    %dot_general3A_975 = tpu.matmul %get3A_9, %convert_element_type3A_973, %dot_general3A_974 {dimension_numbers = #tpu.dot_dimension_numbers<[1], [0], [0], [1], [0, 0, 1, 1], [], []>, transpose_lhs_hint = false} : vector<8x8xbf16>, vector<8x256xbf16>, vector<8x256xf32> -> vector<8x256xf32>
    %add3A_976 = vector.broadcast %get3A_12 : vector<8x1xf32> to vector<8x256xf32>
    %add3A_977 = arith.addf %dot_general3A_975, %add3A_976 : vector<8x256xf32>
    %mul3A_978 = vector.broadcast %div3A_1 : f32 to vector<8x256xf32>
    %mul3A_979 = arith.mulf %mul3A_978, %add3A_977 : vector<8x256xf32>
    %max3A_980 = arith.constant 0.000000e+00 : f32
    %max3A_981 = vector.broadcast %max3A_980 : f32 to vector<8x256xf32>
    %max3A_982 = arith.maximumf %mul3A_979, %max3A_981 : vector<8x256xf32>
    %convert_element_type3A_983 = arith.truncf %max3A_982 : vector<8x256xf32> to vector<8x256xbf16>
    %dot_general3A_984 = arith.constant dense<0.000000e+00> : vector<16x256xf32>
    %dot_general3A_985 = tpu.matmul %get3A_15, %convert_element_type3A_983, %dot_general3A_984 {dimension_numbers = #tpu.dot_dimension_numbers<[1], [0], [0], [1], [0, 0, 1, 1], [], []>, transpose_lhs_hint = false} : vector<16x8xbf16>, vector<8x256xbf16>, vector<16x256xf32> -> vector<16x256xf32>
    %add3A_986 = vector.broadcast %get3A_18 : vector<16x1xf32> to vector<16x256xf32>
    %add3A_987 = arith.addf %dot_general3A_985, %add3A_986 : vector<16x256xf32>
    %mul3A_988 = vector.broadcast %div3A_1 : f32 to vector<16x256xf32>
    %mul3A_989 = arith.mulf %mul3A_988, %add3A_987 : vector<16x256xf32>
    %max3A_990 = arith.constant 0.000000e+00 : f32
    %max3A_991 = vector.broadcast %max3A_990 : f32 to vector<16x256xf32>
    %max3A_992 = arith.maximumf %mul3A_989, %max3A_991 : vector<16x256xf32>
    %convert_element_type3A_993 = arith.truncf %max3A_992 : vector<16x256xf32> to vector<16x256xbf16>
    %convert_element_type3A_994 = arith.extf %convert_element_type3A_993 : vector<16x256xbf16> to vector<16x256xf32>
    %convert_element_type3A_995 = arith.extf %convert_element_type3A_963 : vector<16x256xbf16> to vector<16x256xf32>
    %slice3A_996 = vector.extract_strided_slice %convert_element_type3A_994 {offsets = [0, 0], sizes = [1, 256], strides = [1, 1]} : vector<16x256xf32> to vector<1x256xf32>
    %mul3A_997 = vector.broadcast %slice3A_996 : vector<1x256xf32> to vector<128x256xf32>
    %mul3A_998 = arith.mulf %transpose3A_954, %mul3A_997 : vector<128x256xf32>
    %add3A_999 = arith.addf %add3A_839, %mul3A_998 : vector<128x256xf32>
    %mul3A_1000 = vector.broadcast %slice3A_996 : vector<1x256xf32> to vector<16x256xf32>
    %mul3A_1001 = arith.mulf %convert_element_type3A_995, %mul3A_1000 : vector<16x256xf32>
    %add3A_1002 = arith.addf %add3A_842, %mul3A_1001 : vector<16x256xf32>
    %slice3A_1003 = vector.extract_strided_slice %convert_element_type3A_994 {offsets = [1, 0], sizes = [1, 256], strides = [1, 1]} : vector<16x256xf32> to vector<1x256xf32>
    %mul3A_1004 = vector.broadcast %slice3A_1003 : vector<1x256xf32> to vector<128x256xf32>
    %mul3A_1005 = arith.mulf %transpose3A_954, %mul3A_1004 : vector<128x256xf32>
    %add3A_1006 = arith.addf %add3A_846, %mul3A_1005 : vector<128x256xf32>
    %mul3A_1007 = vector.broadcast %slice3A_1003 : vector<1x256xf32> to vector<16x256xf32>
    %mul3A_1008 = arith.mulf %convert_element_type3A_995, %mul3A_1007 : vector<16x256xf32>
    %add3A_1009 = arith.addf %add3A_849, %mul3A_1008 : vector<16x256xf32>
    %slice3A_1010 = vector.extract_strided_slice %convert_element_type3A_994 {offsets = [2, 0], sizes = [1, 256], strides = [1, 1]} : vector<16x256xf32> to vector<1x256xf32>
    %mul3A_1011 = vector.broadcast %slice3A_1010 : vector<1x256xf32> to vector<128x256xf32>
    %mul3A_1012 = arith.mulf %transpose3A_954, %mul3A_1011 : vector<128x256xf32>
    %add3A_1013 = arith.addf %add3A_853, %mul3A_1012 : vector<128x256xf32>
    %mul3A_1014 = vector.broadcast %slice3A_1010 : vector<1x256xf32> to vector<16x256xf32>
    %mul3A_1015 = arith.mulf %convert_element_type3A_995, %mul3A_1014 : vector<16x256xf32>
    %add3A_1016 = arith.addf %add3A_856, %mul3A_1015 : vector<16x256xf32>
    %slice3A_1017 = vector.extract_strided_slice %convert_element_type3A_994 {offsets = [3, 0], sizes = [1, 256], strides = [1, 1]} : vector<16x256xf32> to vector<1x256xf32>
    %mul3A_1018 = vector.broadcast %slice3A_1017 : vector<1x256xf32> to vector<128x256xf32>
    %mul3A_1019 = arith.mulf %transpose3A_954, %mul3A_1018 : vector<128x256xf32>
    %add3A_1020 = arith.addf %add3A_860, %mul3A_1019 : vector<128x256xf32>
    %mul3A_1021 = vector.broadcast %slice3A_1017 : vector<1x256xf32> to vector<16x256xf32>
    %mul3A_1022 = arith.mulf %convert_element_type3A_995, %mul3A_1021 : vector<16x256xf32>
    %add3A_1023 = arith.addf %add3A_863, %mul3A_1022 : vector<16x256xf32>
    %slice3A_1024 = vector.extract_strided_slice %convert_element_type3A_994 {offsets = [4, 0], sizes = [1, 256], strides = [1, 1]} : vector<16x256xf32> to vector<1x256xf32>
    %mul3A_1025 = vector.broadcast %slice3A_1024 : vector<1x256xf32> to vector<128x256xf32>
    %mul3A_1026 = arith.mulf %transpose3A_954, %mul3A_1025 : vector<128x256xf32>
    %add3A_1027 = arith.addf %add3A_867, %mul3A_1026 : vector<128x256xf32>
    %mul3A_1028 = vector.broadcast %slice3A_1024 : vector<1x256xf32> to vector<16x256xf32>
    %mul3A_1029 = arith.mulf %convert_element_type3A_995, %mul3A_1028 : vector<16x256xf32>
    %add3A_1030 = arith.addf %add3A_870, %mul3A_1029 : vector<16x256xf32>
    %slice3A_1031 = vector.extract_strided_slice %convert_element_type3A_994 {offsets = [5, 0], sizes = [1, 256], strides = [1, 1]} : vector<16x256xf32> to vector<1x256xf32>
    %mul3A_1032 = vector.broadcast %slice3A_1031 : vector<1x256xf32> to vector<128x256xf32>
    %mul3A_1033 = arith.mulf %transpose3A_954, %mul3A_1032 : vector<128x256xf32>
    %add3A_1034 = arith.addf %add3A_874, %mul3A_1033 : vector<128x256xf32>
    %mul3A_1035 = vector.broadcast %slice3A_1031 : vector<1x256xf32> to vector<16x256xf32>
    %mul3A_1036 = arith.mulf %convert_element_type3A_995, %mul3A_1035 : vector<16x256xf32>
    %add3A_1037 = arith.addf %add3A_877, %mul3A_1036 : vector<16x256xf32>
    %slice3A_1038 = vector.extract_strided_slice %convert_element_type3A_994 {offsets = [6, 0], sizes = [1, 256], strides = [1, 1]} : vector<16x256xf32> to vector<1x256xf32>
    %mul3A_1039 = vector.broadcast %slice3A_1038 : vector<1x256xf32> to vector<128x256xf32>
    %mul3A_1040 = arith.mulf %transpose3A_954, %mul3A_1039 : vector<128x256xf32>
    %add3A_1041 = arith.addf %add3A_881, %mul3A_1040 : vector<128x256xf32>
    %mul3A_1042 = vector.broadcast %slice3A_1038 : vector<1x256xf32> to vector<16x256xf32>
    %mul3A_1043 = arith.mulf %convert_element_type3A_995, %mul3A_1042 : vector<16x256xf32>
    %add3A_1044 = arith.addf %add3A_884, %mul3A_1043 : vector<16x256xf32>
    %slice3A_1045 = vector.extract_strided_slice %convert_element_type3A_994 {offsets = [7, 0], sizes = [1, 256], strides = [1, 1]} : vector<16x256xf32> to vector<1x256xf32>
    %mul3A_1046 = vector.broadcast %slice3A_1045 : vector<1x256xf32> to vector<128x256xf32>
    %mul3A_1047 = arith.mulf %transpose3A_954, %mul3A_1046 : vector<128x256xf32>
    %add3A_1048 = arith.addf %add3A_888, %mul3A_1047 : vector<128x256xf32>
    %mul3A_1049 = vector.broadcast %slice3A_1045 : vector<1x256xf32> to vector<16x256xf32>
    %mul3A_1050 = arith.mulf %convert_element_type3A_995, %mul3A_1049 : vector<16x256xf32>
    %add3A_1051 = arith.addf %add3A_891, %mul3A_1050 : vector<16x256xf32>
    %slice3A_1052 = vector.extract_strided_slice %convert_element_type3A_994 {offsets = [8, 0], sizes = [1, 256], strides = [1, 1]} : vector<16x256xf32> to vector<1x256xf32>
    %mul3A_1053 = vector.broadcast %slice3A_1052 : vector<1x256xf32> to vector<128x256xf32>
    %mul3A_1054 = arith.mulf %transpose3A_954, %mul3A_1053 : vector<128x256xf32>
    %add3A_1055 = arith.addf %add3A_895, %mul3A_1054 : vector<128x256xf32>
    %mul3A_1056 = vector.broadcast %slice3A_1052 : vector<1x256xf32> to vector<16x256xf32>
    %mul3A_1057 = arith.mulf %convert_element_type3A_995, %mul3A_1056 : vector<16x256xf32>
    %add3A_1058 = arith.addf %add3A_898, %mul3A_1057 : vector<16x256xf32>
    %slice3A_1059 = vector.extract_strided_slice %convert_element_type3A_994 {offsets = [9, 0], sizes = [1, 256], strides = [1, 1]} : vector<16x256xf32> to vector<1x256xf32>
    %mul3A_1060 = vector.broadcast %slice3A_1059 : vector<1x256xf32> to vector<128x256xf32>
    %mul3A_1061 = arith.mulf %transpose3A_954, %mul3A_1060 : vector<128x256xf32>
    %add3A_1062 = arith.addf %add3A_902, %mul3A_1061 : vector<128x256xf32>
    %mul3A_1063 = vector.broadcast %slice3A_1059 : vector<1x256xf32> to vector<16x256xf32>
    %mul3A_1064 = arith.mulf %convert_element_type3A_995, %mul3A_1063 : vector<16x256xf32>
    %add3A_1065 = arith.addf %add3A_905, %mul3A_1064 : vector<16x256xf32>
    %slice3A_1066 = vector.extract_strided_slice %convert_element_type3A_994 {offsets = [10, 0], sizes = [1, 256], strides = [1, 1]} : vector<16x256xf32> to vector<1x256xf32>
    %mul3A_1067 = vector.broadcast %slice3A_1066 : vector<1x256xf32> to vector<128x256xf32>
    %mul3A_1068 = arith.mulf %transpose3A_954, %mul3A_1067 : vector<128x256xf32>
    %add3A_1069 = arith.addf %add3A_909, %mul3A_1068 : vector<128x256xf32>
    %mul3A_1070 = vector.broadcast %slice3A_1066 : vector<1x256xf32> to vector<16x256xf32>
    %mul3A_1071 = arith.mulf %convert_element_type3A_995, %mul3A_1070 : vector<16x256xf32>
    %add3A_1072 = arith.addf %add3A_912, %mul3A_1071 : vector<16x256xf32>
    %slice3A_1073 = vector.extract_strided_slice %convert_element_type3A_994 {offsets = [11, 0], sizes = [1, 256], strides = [1, 1]} : vector<16x256xf32> to vector<1x256xf32>
    %mul3A_1074 = vector.broadcast %slice3A_1073 : vector<1x256xf32> to vector<128x256xf32>
    %mul3A_1075 = arith.mulf %transpose3A_954, %mul3A_1074 : vector<128x256xf32>
    %add3A_1076 = arith.addf %add3A_916, %mul3A_1075 : vector<128x256xf32>
    %mul3A_1077 = vector.broadcast %slice3A_1073 : vector<1x256xf32> to vector<16x256xf32>
    %mul3A_1078 = arith.mulf %convert_element_type3A_995, %mul3A_1077 : vector<16x256xf32>
    %add3A_1079 = arith.addf %add3A_919, %mul3A_1078 : vector<16x256xf32>
    %slice3A_1080 = vector.extract_strided_slice %convert_element_type3A_994 {offsets = [12, 0], sizes = [1, 256], strides = [1, 1]} : vector<16x256xf32> to vector<1x256xf32>
    %mul3A_1081 = vector.broadcast %slice3A_1080 : vector<1x256xf32> to vector<128x256xf32>
    %mul3A_1082 = arith.mulf %transpose3A_954, %mul3A_1081 : vector<128x256xf32>
    %add3A_1083 = arith.addf %add3A_923, %mul3A_1082 : vector<128x256xf32>
    %mul3A_1084 = vector.broadcast %slice3A_1080 : vector<1x256xf32> to vector<16x256xf32>
    %mul3A_1085 = arith.mulf %convert_element_type3A_995, %mul3A_1084 : vector<16x256xf32>
    %add3A_1086 = arith.addf %add3A_926, %mul3A_1085 : vector<16x256xf32>
    %slice3A_1087 = vector.extract_strided_slice %convert_element_type3A_994 {offsets = [13, 0], sizes = [1, 256], strides = [1, 1]} : vector<16x256xf32> to vector<1x256xf32>
    %mul3A_1088 = vector.broadcast %slice3A_1087 : vector<1x256xf32> to vector<128x256xf32>
    %mul3A_1089 = arith.mulf %transpose3A_954, %mul3A_1088 : vector<128x256xf32>
    %add3A_1090 = arith.addf %add3A_930, %mul3A_1089 : vector<128x256xf32>
    %mul3A_1091 = vector.broadcast %slice3A_1087 : vector<1x256xf32> to vector<16x256xf32>
    %mul3A_1092 = arith.mulf %convert_element_type3A_995, %mul3A_1091 : vector<16x256xf32>
    %add3A_1093 = arith.addf %add3A_933, %mul3A_1092 : vector<16x256xf32>
    %slice3A_1094 = vector.extract_strided_slice %convert_element_type3A_994 {offsets = [14, 0], sizes = [1, 256], strides = [1, 1]} : vector<16x256xf32> to vector<1x256xf32>
    %mul3A_1095 = vector.broadcast %slice3A_1094 : vector<1x256xf32> to vector<128x256xf32>
    %mul3A_1096 = arith.mulf %transpose3A_954, %mul3A_1095 : vector<128x256xf32>
    %add3A_1097 = arith.addf %add3A_937, %mul3A_1096 : vector<128x256xf32>
    %mul3A_1098 = vector.broadcast %slice3A_1094 : vector<1x256xf32> to vector<16x256xf32>
    %mul3A_1099 = arith.mulf %convert_element_type3A_995, %mul3A_1098 : vector<16x256xf32>
    %add3A_1100 = arith.addf %add3A_940, %mul3A_1099 : vector<16x256xf32>
    %slice3A_1101 = vector.extract_strided_slice %convert_element_type3A_994 {offsets = [15, 0], sizes = [1, 256], strides = [1, 1]} : vector<16x256xf32> to vector<1x256xf32>
    %mul3A_1102 = vector.broadcast %slice3A_1101 : vector<1x256xf32> to vector<128x256xf32>
    %mul3A_1103 = arith.mulf %transpose3A_954, %mul3A_1102 : vector<128x256xf32>
    %add3A_1104 = arith.addf %add3A_944, %mul3A_1103 : vector<128x256xf32>
    %mul3A_1105 = vector.broadcast %slice3A_1101 : vector<1x256xf32> to vector<16x256xf32>
    %mul3A_1106 = arith.mulf %convert_element_type3A_995, %mul3A_1105 : vector<16x256xf32>
    %add3A_1107 = arith.addf %add3A_947, %mul3A_1106 : vector<16x256xf32>
    %get3A_1108 = arith.constant 0 : index
    %get3A_1109 = arith.constant 0 : index
    %get3A_1110 = arith.constant 7 : index
    %get3A_1111 = arith.constant 0 : index
    %get3A_1112 = vector.load %arg2[%get3A_1108, %get3A_1109, %get3A_1110, %get3A_1111] : memref<1x256x9x128xf32, #tpu.memory_space<vmem>>, vector<1x256x1x128xf32>
    %get3A_1113 = vector.shape_cast %get3A_1112 : vector<1x256x1x128xf32> to vector<256x128xf32>
    %transpose3A_1114 = tpu.transpose %get3A_1113, [1, 0] : vector<256x128xf32> -> vector<128x256xf32>
    %get3A_1115 = arith.constant 0 : index
    %get3A_1116 = arith.constant 0 : index
    %get3A_1117 = arith.constant 7 : index
    %get3A_1118 = arith.constant 0 : index
    %get3A_1119 = vector.load %arg3[%get3A_1115, %get3A_1116, %get3A_1117, %get3A_1118] : memref<1x256x9x16xf32, #tpu.memory_space<vmem>>, vector<1x256x1x16xf32>
    %get3A_1120 = vector.shape_cast %get3A_1119 : vector<1x256x1x16xf32> to vector<256x16xf32>
    %transpose3A_1121 = tpu.transpose %get3A_1120, [1, 0] : vector<256x16xf32> -> vector<16x256xf32>
    %sub3A_1122 = arith.subf %transpose3A_1121, %transpose3A : vector<16x256xf32>
    %convert_element_type3A_1123 = arith.truncf %sub3A_1122 : vector<16x256xf32> to vector<16x256xbf16>
    %dot_general3A_1124 = arith.constant dense<0.000000e+00> : vector<8x256xf32>
    %dot_general3A_1125 = tpu.matmul %get3A_3, %convert_element_type3A_1123, %dot_general3A_1124 {dimension_numbers = #tpu.dot_dimension_numbers<[1], [0], [0], [1], [0, 0, 1, 1], [], []>, transpose_lhs_hint = false} : vector<8x16xbf16>, vector<16x256xbf16>, vector<8x256xf32> -> vector<8x256xf32>
    %add3A_1126 = vector.broadcast %get3A_6 : vector<8x1xf32> to vector<8x256xf32>
    %add3A_1127 = arith.addf %dot_general3A_1125, %add3A_1126 : vector<8x256xf32>
    %mul3A_1128 = vector.broadcast %div3A_1 : f32 to vector<8x256xf32>
    %mul3A_1129 = arith.mulf %mul3A_1128, %add3A_1127 : vector<8x256xf32>
    %max3A_1130 = arith.constant 0.000000e+00 : f32
    %max3A_1131 = vector.broadcast %max3A_1130 : f32 to vector<8x256xf32>
    %max3A_1132 = arith.maximumf %mul3A_1129, %max3A_1131 : vector<8x256xf32>
    %convert_element_type3A_1133 = arith.truncf %max3A_1132 : vector<8x256xf32> to vector<8x256xbf16>
    %dot_general3A_1134 = arith.constant dense<0.000000e+00> : vector<8x256xf32>
    %dot_general3A_1135 = tpu.matmul %get3A_9, %convert_element_type3A_1133, %dot_general3A_1134 {dimension_numbers = #tpu.dot_dimension_numbers<[1], [0], [0], [1], [0, 0, 1, 1], [], []>, transpose_lhs_hint = false} : vector<8x8xbf16>, vector<8x256xbf16>, vector<8x256xf32> -> vector<8x256xf32>
    %add3A_1136 = vector.broadcast %get3A_12 : vector<8x1xf32> to vector<8x256xf32>
    %add3A_1137 = arith.addf %dot_general3A_1135, %add3A_1136 : vector<8x256xf32>
    %mul3A_1138 = vector.broadcast %div3A_1 : f32 to vector<8x256xf32>
    %mul3A_1139 = arith.mulf %mul3A_1138, %add3A_1137 : vector<8x256xf32>
    %max3A_1140 = arith.constant 0.000000e+00 : f32
    %max3A_1141 = vector.broadcast %max3A_1140 : f32 to vector<8x256xf32>
    %max3A_1142 = arith.maximumf %mul3A_1139, %max3A_1141 : vector<8x256xf32>
    %convert_element_type3A_1143 = arith.truncf %max3A_1142 : vector<8x256xf32> to vector<8x256xbf16>
    %dot_general3A_1144 = arith.constant dense<0.000000e+00> : vector<16x256xf32>
    %dot_general3A_1145 = tpu.matmul %get3A_15, %convert_element_type3A_1143, %dot_general3A_1144 {dimension_numbers = #tpu.dot_dimension_numbers<[1], [0], [0], [1], [0, 0, 1, 1], [], []>, transpose_lhs_hint = false} : vector<16x8xbf16>, vector<8x256xbf16>, vector<16x256xf32> -> vector<16x256xf32>
    %add3A_1146 = vector.broadcast %get3A_18 : vector<16x1xf32> to vector<16x256xf32>
    %add3A_1147 = arith.addf %dot_general3A_1145, %add3A_1146 : vector<16x256xf32>
    %mul3A_1148 = vector.broadcast %div3A_1 : f32 to vector<16x256xf32>
    %mul3A_1149 = arith.mulf %mul3A_1148, %add3A_1147 : vector<16x256xf32>
    %max3A_1150 = arith.constant 0.000000e+00 : f32
    %max3A_1151 = vector.broadcast %max3A_1150 : f32 to vector<16x256xf32>
    %max3A_1152 = arith.maximumf %mul3A_1149, %max3A_1151 : vector<16x256xf32>
    %convert_element_type3A_1153 = arith.truncf %max3A_1152 : vector<16x256xf32> to vector<16x256xbf16>
    %convert_element_type3A_1154 = arith.extf %convert_element_type3A_1153 : vector<16x256xbf16> to vector<16x256xf32>
    %convert_element_type3A_1155 = arith.extf %convert_element_type3A_1123 : vector<16x256xbf16> to vector<16x256xf32>
    %slice3A_1156 = vector.extract_strided_slice %convert_element_type3A_1154 {offsets = [0, 0], sizes = [1, 256], strides = [1, 1]} : vector<16x256xf32> to vector<1x256xf32>
    %mul3A_1157 = vector.broadcast %slice3A_1156 : vector<1x256xf32> to vector<128x256xf32>
    %mul3A_1158 = arith.mulf %transpose3A_1114, %mul3A_1157 : vector<128x256xf32>
    %add3A_1159 = arith.addf %add3A_999, %mul3A_1158 : vector<128x256xf32>
    %mul3A_1160 = vector.broadcast %slice3A_1156 : vector<1x256xf32> to vector<16x256xf32>
    %mul3A_1161 = arith.mulf %convert_element_type3A_1155, %mul3A_1160 : vector<16x256xf32>
    %add3A_1162 = arith.addf %add3A_1002, %mul3A_1161 : vector<16x256xf32>
    %slice3A_1163 = vector.extract_strided_slice %convert_element_type3A_1154 {offsets = [1, 0], sizes = [1, 256], strides = [1, 1]} : vector<16x256xf32> to vector<1x256xf32>
    %mul3A_1164 = vector.broadcast %slice3A_1163 : vector<1x256xf32> to vector<128x256xf32>
    %mul3A_1165 = arith.mulf %transpose3A_1114, %mul3A_1164 : vector<128x256xf32>
    %add3A_1166 = arith.addf %add3A_1006, %mul3A_1165 : vector<128x256xf32>
    %mul3A_1167 = vector.broadcast %slice3A_1163 : vector<1x256xf32> to vector<16x256xf32>
    %mul3A_1168 = arith.mulf %convert_element_type3A_1155, %mul3A_1167 : vector<16x256xf32>
    %add3A_1169 = arith.addf %add3A_1009, %mul3A_1168 : vector<16x256xf32>
    %slice3A_1170 = vector.extract_strided_slice %convert_element_type3A_1154 {offsets = [2, 0], sizes = [1, 256], strides = [1, 1]} : vector<16x256xf32> to vector<1x256xf32>
    %mul3A_1171 = vector.broadcast %slice3A_1170 : vector<1x256xf32> to vector<128x256xf32>
    %mul3A_1172 = arith.mulf %transpose3A_1114, %mul3A_1171 : vector<128x256xf32>
    %add3A_1173 = arith.addf %add3A_1013, %mul3A_1172 : vector<128x256xf32>
    %mul3A_1174 = vector.broadcast %slice3A_1170 : vector<1x256xf32> to vector<16x256xf32>
    %mul3A_1175 = arith.mulf %convert_element_type3A_1155, %mul3A_1174 : vector<16x256xf32>
    %add3A_1176 = arith.addf %add3A_1016, %mul3A_1175 : vector<16x256xf32>
    %slice3A_1177 = vector.extract_strided_slice %convert_element_type3A_1154 {offsets = [3, 0], sizes = [1, 256], strides = [1, 1]} : vector<16x256xf32> to vector<1x256xf32>
    %mul3A_1178 = vector.broadcast %slice3A_1177 : vector<1x256xf32> to vector<128x256xf32>
    %mul3A_1179 = arith.mulf %transpose3A_1114, %mul3A_1178 : vector<128x256xf32>
    %add3A_1180 = arith.addf %add3A_1020, %mul3A_1179 : vector<128x256xf32>
    %mul3A_1181 = vector.broadcast %slice3A_1177 : vector<1x256xf32> to vector<16x256xf32>
    %mul3A_1182 = arith.mulf %convert_element_type3A_1155, %mul3A_1181 : vector<16x256xf32>
    %add3A_1183 = arith.addf %add3A_1023, %mul3A_1182 : vector<16x256xf32>
    %slice3A_1184 = vector.extract_strided_slice %convert_element_type3A_1154 {offsets = [4, 0], sizes = [1, 256], strides = [1, 1]} : vector<16x256xf32> to vector<1x256xf32>
    %mul3A_1185 = vector.broadcast %slice3A_1184 : vector<1x256xf32> to vector<128x256xf32>
    %mul3A_1186 = arith.mulf %transpose3A_1114, %mul3A_1185 : vector<128x256xf32>
    %add3A_1187 = arith.addf %add3A_1027, %mul3A_1186 : vector<128x256xf32>
    %mul3A_1188 = vector.broadcast %slice3A_1184 : vector<1x256xf32> to vector<16x256xf32>
    %mul3A_1189 = arith.mulf %convert_element_type3A_1155, %mul3A_1188 : vector<16x256xf32>
    %add3A_1190 = arith.addf %add3A_1030, %mul3A_1189 : vector<16x256xf32>
    %slice3A_1191 = vector.extract_strided_slice %convert_element_type3A_1154 {offsets = [5, 0], sizes = [1, 256], strides = [1, 1]} : vector<16x256xf32> to vector<1x256xf32>
    %mul3A_1192 = vector.broadcast %slice3A_1191 : vector<1x256xf32> to vector<128x256xf32>
    %mul3A_1193 = arith.mulf %transpose3A_1114, %mul3A_1192 : vector<128x256xf32>
    %add3A_1194 = arith.addf %add3A_1034, %mul3A_1193 : vector<128x256xf32>
    %mul3A_1195 = vector.broadcast %slice3A_1191 : vector<1x256xf32> to vector<16x256xf32>
    %mul3A_1196 = arith.mulf %convert_element_type3A_1155, %mul3A_1195 : vector<16x256xf32>
    %add3A_1197 = arith.addf %add3A_1037, %mul3A_1196 : vector<16x256xf32>
    %slice3A_1198 = vector.extract_strided_slice %convert_element_type3A_1154 {offsets = [6, 0], sizes = [1, 256], strides = [1, 1]} : vector<16x256xf32> to vector<1x256xf32>
    %mul3A_1199 = vector.broadcast %slice3A_1198 : vector<1x256xf32> to vector<128x256xf32>
    %mul3A_1200 = arith.mulf %transpose3A_1114, %mul3A_1199 : vector<128x256xf32>
    %add3A_1201 = arith.addf %add3A_1041, %mul3A_1200 : vector<128x256xf32>
    %mul3A_1202 = vector.broadcast %slice3A_1198 : vector<1x256xf32> to vector<16x256xf32>
    %mul3A_1203 = arith.mulf %convert_element_type3A_1155, %mul3A_1202 : vector<16x256xf32>
    %add3A_1204 = arith.addf %add3A_1044, %mul3A_1203 : vector<16x256xf32>
    %slice3A_1205 = vector.extract_strided_slice %convert_element_type3A_1154 {offsets = [7, 0], sizes = [1, 256], strides = [1, 1]} : vector<16x256xf32> to vector<1x256xf32>
    %mul3A_1206 = vector.broadcast %slice3A_1205 : vector<1x256xf32> to vector<128x256xf32>
    %mul3A_1207 = arith.mulf %transpose3A_1114, %mul3A_1206 : vector<128x256xf32>
    %add3A_1208 = arith.addf %add3A_1048, %mul3A_1207 : vector<128x256xf32>
    %mul3A_1209 = vector.broadcast %slice3A_1205 : vector<1x256xf32> to vector<16x256xf32>
    %mul3A_1210 = arith.mulf %convert_element_type3A_1155, %mul3A_1209 : vector<16x256xf32>
    %add3A_1211 = arith.addf %add3A_1051, %mul3A_1210 : vector<16x256xf32>
    %slice3A_1212 = vector.extract_strided_slice %convert_element_type3A_1154 {offsets = [8, 0], sizes = [1, 256], strides = [1, 1]} : vector<16x256xf32> to vector<1x256xf32>
    %mul3A_1213 = vector.broadcast %slice3A_1212 : vector<1x256xf32> to vector<128x256xf32>
    %mul3A_1214 = arith.mulf %transpose3A_1114, %mul3A_1213 : vector<128x256xf32>
    %add3A_1215 = arith.addf %add3A_1055, %mul3A_1214 : vector<128x256xf32>
    %mul3A_1216 = vector.broadcast %slice3A_1212 : vector<1x256xf32> to vector<16x256xf32>
    %mul3A_1217 = arith.mulf %convert_element_type3A_1155, %mul3A_1216 : vector<16x256xf32>
    %add3A_1218 = arith.addf %add3A_1058, %mul3A_1217 : vector<16x256xf32>
    %slice3A_1219 = vector.extract_strided_slice %convert_element_type3A_1154 {offsets = [9, 0], sizes = [1, 256], strides = [1, 1]} : vector<16x256xf32> to vector<1x256xf32>
    %mul3A_1220 = vector.broadcast %slice3A_1219 : vector<1x256xf32> to vector<128x256xf32>
    %mul3A_1221 = arith.mulf %transpose3A_1114, %mul3A_1220 : vector<128x256xf32>
    %add3A_1222 = arith.addf %add3A_1062, %mul3A_1221 : vector<128x256xf32>
    %mul3A_1223 = vector.broadcast %slice3A_1219 : vector<1x256xf32> to vector<16x256xf32>
    %mul3A_1224 = arith.mulf %convert_element_type3A_1155, %mul3A_1223 : vector<16x256xf32>
    %add3A_1225 = arith.addf %add3A_1065, %mul3A_1224 : vector<16x256xf32>
    %slice3A_1226 = vector.extract_strided_slice %convert_element_type3A_1154 {offsets = [10, 0], sizes = [1, 256], strides = [1, 1]} : vector<16x256xf32> to vector<1x256xf32>
    %mul3A_1227 = vector.broadcast %slice3A_1226 : vector<1x256xf32> to vector<128x256xf32>
    %mul3A_1228 = arith.mulf %transpose3A_1114, %mul3A_1227 : vector<128x256xf32>
    %add3A_1229 = arith.addf %add3A_1069, %mul3A_1228 : vector<128x256xf32>
    %mul3A_1230 = vector.broadcast %slice3A_1226 : vector<1x256xf32> to vector<16x256xf32>
    %mul3A_1231 = arith.mulf %convert_element_type3A_1155, %mul3A_1230 : vector<16x256xf32>
    %add3A_1232 = arith.addf %add3A_1072, %mul3A_1231 : vector<16x256xf32>
    %slice3A_1233 = vector.extract_strided_slice %convert_element_type3A_1154 {offsets = [11, 0], sizes = [1, 256], strides = [1, 1]} : vector<16x256xf32> to vector<1x256xf32>
    %mul3A_1234 = vector.broadcast %slice3A_1233 : vector<1x256xf32> to vector<128x256xf32>
    %mul3A_1235 = arith.mulf %transpose3A_1114, %mul3A_1234 : vector<128x256xf32>
    %add3A_1236 = arith.addf %add3A_1076, %mul3A_1235 : vector<128x256xf32>
    %mul3A_1237 = vector.broadcast %slice3A_1233 : vector<1x256xf32> to vector<16x256xf32>
    %mul3A_1238 = arith.mulf %convert_element_type3A_1155, %mul3A_1237 : vector<16x256xf32>
    %add3A_1239 = arith.addf %add3A_1079, %mul3A_1238 : vector<16x256xf32>
    %slice3A_1240 = vector.extract_strided_slice %convert_element_type3A_1154 {offsets = [12, 0], sizes = [1, 256], strides = [1, 1]} : vector<16x256xf32> to vector<1x256xf32>
    %mul3A_1241 = vector.broadcast %slice3A_1240 : vector<1x256xf32> to vector<128x256xf32>
    %mul3A_1242 = arith.mulf %transpose3A_1114, %mul3A_1241 : vector<128x256xf32>
    %add3A_1243 = arith.addf %add3A_1083, %mul3A_1242 : vector<128x256xf32>
    %mul3A_1244 = vector.broadcast %slice3A_1240 : vector<1x256xf32> to vector<16x256xf32>
    %mul3A_1245 = arith.mulf %convert_element_type3A_1155, %mul3A_1244 : vector<16x256xf32>
    %add3A_1246 = arith.addf %add3A_1086, %mul3A_1245 : vector<16x256xf32>
    %slice3A_1247 = vector.extract_strided_slice %convert_element_type3A_1154 {offsets = [13, 0], sizes = [1, 256], strides = [1, 1]} : vector<16x256xf32> to vector<1x256xf32>
    %mul3A_1248 = vector.broadcast %slice3A_1247 : vector<1x256xf32> to vector<128x256xf32>
    %mul3A_1249 = arith.mulf %transpose3A_1114, %mul3A_1248 : vector<128x256xf32>
    %add3A_1250 = arith.addf %add3A_1090, %mul3A_1249 : vector<128x256xf32>
    %mul3A_1251 = vector.broadcast %slice3A_1247 : vector<1x256xf32> to vector<16x256xf32>
    %mul3A_1252 = arith.mulf %convert_element_type3A_1155, %mul3A_1251 : vector<16x256xf32>
    %add3A_1253 = arith.addf %add3A_1093, %mul3A_1252 : vector<16x256xf32>
    %slice3A_1254 = vector.extract_strided_slice %convert_element_type3A_1154 {offsets = [14, 0], sizes = [1, 256], strides = [1, 1]} : vector<16x256xf32> to vector<1x256xf32>
    %mul3A_1255 = vector.broadcast %slice3A_1254 : vector<1x256xf32> to vector<128x256xf32>
    %mul3A_1256 = arith.mulf %transpose3A_1114, %mul3A_1255 : vector<128x256xf32>
    %add3A_1257 = arith.addf %add3A_1097, %mul3A_1256 : vector<128x256xf32>
    %mul3A_1258 = vector.broadcast %slice3A_1254 : vector<1x256xf32> to vector<16x256xf32>
    %mul3A_1259 = arith.mulf %convert_element_type3A_1155, %mul3A_1258 : vector<16x256xf32>
    %add3A_1260 = arith.addf %add3A_1100, %mul3A_1259 : vector<16x256xf32>
    %slice3A_1261 = vector.extract_strided_slice %convert_element_type3A_1154 {offsets = [15, 0], sizes = [1, 256], strides = [1, 1]} : vector<16x256xf32> to vector<1x256xf32>
    %mul3A_1262 = vector.broadcast %slice3A_1261 : vector<1x256xf32> to vector<128x256xf32>
    %mul3A_1263 = arith.mulf %transpose3A_1114, %mul3A_1262 : vector<128x256xf32>
    %add3A_1264 = arith.addf %add3A_1104, %mul3A_1263 : vector<128x256xf32>
    %mul3A_1265 = vector.broadcast %slice3A_1261 : vector<1x256xf32> to vector<16x256xf32>
    %mul3A_1266 = arith.mulf %convert_element_type3A_1155, %mul3A_1265 : vector<16x256xf32>
    %add3A_1267 = arith.addf %add3A_1107, %mul3A_1266 : vector<16x256xf32>
    %get3A_1268 = arith.constant 0 : index
    %get3A_1269 = arith.constant 0 : index
    %get3A_1270 = arith.constant 8 : index
    %get3A_1271 = arith.constant 0 : index
    %get3A_1272 = vector.load %arg2[%get3A_1268, %get3A_1269, %get3A_1270, %get3A_1271] : memref<1x256x9x128xf32, #tpu.memory_space<vmem>>, vector<1x256x1x128xf32>
    %get3A_1273 = vector.shape_cast %get3A_1272 : vector<1x256x1x128xf32> to vector<256x128xf32>
    %transpose3A_1274 = tpu.transpose %get3A_1273, [1, 0] : vector<256x128xf32> -> vector<128x256xf32>
    %get3A_1275 = arith.constant 0 : index
    %get3A_1276 = arith.constant 0 : index
    %get3A_1277 = arith.constant 8 : index
    %get3A_1278 = arith.constant 0 : index
    %get3A_1279 = vector.load %arg3[%get3A_1275, %get3A_1276, %get3A_1277, %get3A_1278] : memref<1x256x9x16xf32, #tpu.memory_space<vmem>>, vector<1x256x1x16xf32>
    %get3A_1280 = vector.shape_cast %get3A_1279 : vector<1x256x1x16xf32> to vector<256x16xf32>
    %transpose3A_1281 = tpu.transpose %get3A_1280, [1, 0] : vector<256x16xf32> -> vector<16x256xf32>
    %sub3A_1282 = arith.subf %transpose3A_1281, %transpose3A : vector<16x256xf32>
    %convert_element_type3A_1283 = arith.truncf %sub3A_1282 : vector<16x256xf32> to vector<16x256xbf16>
    %dot_general3A_1284 = arith.constant dense<0.000000e+00> : vector<8x256xf32>
    %dot_general3A_1285 = tpu.matmul %get3A_3, %convert_element_type3A_1283, %dot_general3A_1284 {dimension_numbers = #tpu.dot_dimension_numbers<[1], [0], [0], [1], [0, 0, 1, 1], [], []>, transpose_lhs_hint = false} : vector<8x16xbf16>, vector<16x256xbf16>, vector<8x256xf32> -> vector<8x256xf32>
    %add3A_1286 = vector.broadcast %get3A_6 : vector<8x1xf32> to vector<8x256xf32>
    %add3A_1287 = arith.addf %dot_general3A_1285, %add3A_1286 : vector<8x256xf32>
    %mul3A_1288 = vector.broadcast %div3A_1 : f32 to vector<8x256xf32>
    %mul3A_1289 = arith.mulf %mul3A_1288, %add3A_1287 : vector<8x256xf32>
    %max3A_1290 = arith.constant 0.000000e+00 : f32
    %max3A_1291 = vector.broadcast %max3A_1290 : f32 to vector<8x256xf32>
    %max3A_1292 = arith.maximumf %mul3A_1289, %max3A_1291 : vector<8x256xf32>
    %convert_element_type3A_1293 = arith.truncf %max3A_1292 : vector<8x256xf32> to vector<8x256xbf16>
    %dot_general3A_1294 = arith.constant dense<0.000000e+00> : vector<8x256xf32>
    %dot_general3A_1295 = tpu.matmul %get3A_9, %convert_element_type3A_1293, %dot_general3A_1294 {dimension_numbers = #tpu.dot_dimension_numbers<[1], [0], [0], [1], [0, 0, 1, 1], [], []>, transpose_lhs_hint = false} : vector<8x8xbf16>, vector<8x256xbf16>, vector<8x256xf32> -> vector<8x256xf32>
    %add3A_1296 = vector.broadcast %get3A_12 : vector<8x1xf32> to vector<8x256xf32>
    %add3A_1297 = arith.addf %dot_general3A_1295, %add3A_1296 : vector<8x256xf32>
    %mul3A_1298 = vector.broadcast %div3A_1 : f32 to vector<8x256xf32>
    %mul3A_1299 = arith.mulf %mul3A_1298, %add3A_1297 : vector<8x256xf32>
    %max3A_1300 = arith.constant 0.000000e+00 : f32
    %max3A_1301 = vector.broadcast %max3A_1300 : f32 to vector<8x256xf32>
    %max3A_1302 = arith.maximumf %mul3A_1299, %max3A_1301 : vector<8x256xf32>
    %convert_element_type3A_1303 = arith.truncf %max3A_1302 : vector<8x256xf32> to vector<8x256xbf16>
    %dot_general3A_1304 = arith.constant dense<0.000000e+00> : vector<16x256xf32>
    %dot_general3A_1305 = tpu.matmul %get3A_15, %convert_element_type3A_1303, %dot_general3A_1304 {dimension_numbers = #tpu.dot_dimension_numbers<[1], [0], [0], [1], [0, 0, 1, 1], [], []>, transpose_lhs_hint = false} : vector<16x8xbf16>, vector<8x256xbf16>, vector<16x256xf32> -> vector<16x256xf32>
    %add3A_1306 = vector.broadcast %get3A_18 : vector<16x1xf32> to vector<16x256xf32>
    %add3A_1307 = arith.addf %dot_general3A_1305, %add3A_1306 : vector<16x256xf32>
    %mul3A_1308 = vector.broadcast %div3A_1 : f32 to vector<16x256xf32>
    %mul3A_1309 = arith.mulf %mul3A_1308, %add3A_1307 : vector<16x256xf32>
    %max3A_1310 = arith.constant 0.000000e+00 : f32
    %max3A_1311 = vector.broadcast %max3A_1310 : f32 to vector<16x256xf32>
    %max3A_1312 = arith.maximumf %mul3A_1309, %max3A_1311 : vector<16x256xf32>
    %convert_element_type3A_1313 = arith.truncf %max3A_1312 : vector<16x256xf32> to vector<16x256xbf16>
    %convert_element_type3A_1314 = arith.extf %convert_element_type3A_1313 : vector<16x256xbf16> to vector<16x256xf32>
    %convert_element_type3A_1315 = arith.extf %convert_element_type3A_1283 : vector<16x256xbf16> to vector<16x256xf32>
    %slice3A_1316 = vector.extract_strided_slice %convert_element_type3A_1314 {offsets = [0, 0], sizes = [1, 256], strides = [1, 1]} : vector<16x256xf32> to vector<1x256xf32>
    %mul3A_1317 = vector.broadcast %slice3A_1316 : vector<1x256xf32> to vector<128x256xf32>
    %mul3A_1318 = arith.mulf %transpose3A_1274, %mul3A_1317 : vector<128x256xf32>
    %add3A_1319 = arith.addf %add3A_1159, %mul3A_1318 : vector<128x256xf32>
    %mul3A_1320 = vector.broadcast %slice3A_1316 : vector<1x256xf32> to vector<16x256xf32>
    %mul3A_1321 = arith.mulf %convert_element_type3A_1315, %mul3A_1320 : vector<16x256xf32>
    %add3A_1322 = arith.addf %add3A_1162, %mul3A_1321 : vector<16x256xf32>
    %slice3A_1323 = vector.extract_strided_slice %convert_element_type3A_1314 {offsets = [1, 0], sizes = [1, 256], strides = [1, 1]} : vector<16x256xf32> to vector<1x256xf32>
    %mul3A_1324 = vector.broadcast %slice3A_1323 : vector<1x256xf32> to vector<128x256xf32>
    %mul3A_1325 = arith.mulf %transpose3A_1274, %mul3A_1324 : vector<128x256xf32>
    %add3A_1326 = arith.addf %add3A_1166, %mul3A_1325 : vector<128x256xf32>
    %mul3A_1327 = vector.broadcast %slice3A_1323 : vector<1x256xf32> to vector<16x256xf32>
    %mul3A_1328 = arith.mulf %convert_element_type3A_1315, %mul3A_1327 : vector<16x256xf32>
    %add3A_1329 = arith.addf %add3A_1169, %mul3A_1328 : vector<16x256xf32>
    %slice3A_1330 = vector.extract_strided_slice %convert_element_type3A_1314 {offsets = [2, 0], sizes = [1, 256], strides = [1, 1]} : vector<16x256xf32> to vector<1x256xf32>
    %mul3A_1331 = vector.broadcast %slice3A_1330 : vector<1x256xf32> to vector<128x256xf32>
    %mul3A_1332 = arith.mulf %transpose3A_1274, %mul3A_1331 : vector<128x256xf32>
    %add3A_1333 = arith.addf %add3A_1173, %mul3A_1332 : vector<128x256xf32>
    %mul3A_1334 = vector.broadcast %slice3A_1330 : vector<1x256xf32> to vector<16x256xf32>
    %mul3A_1335 = arith.mulf %convert_element_type3A_1315, %mul3A_1334 : vector<16x256xf32>
    %add3A_1336 = arith.addf %add3A_1176, %mul3A_1335 : vector<16x256xf32>
    %slice3A_1337 = vector.extract_strided_slice %convert_element_type3A_1314 {offsets = [3, 0], sizes = [1, 256], strides = [1, 1]} : vector<16x256xf32> to vector<1x256xf32>
    %mul3A_1338 = vector.broadcast %slice3A_1337 : vector<1x256xf32> to vector<128x256xf32>
    %mul3A_1339 = arith.mulf %transpose3A_1274, %mul3A_1338 : vector<128x256xf32>
    %add3A_1340 = arith.addf %add3A_1180, %mul3A_1339 : vector<128x256xf32>
    %mul3A_1341 = vector.broadcast %slice3A_1337 : vector<1x256xf32> to vector<16x256xf32>
    %mul3A_1342 = arith.mulf %convert_element_type3A_1315, %mul3A_1341 : vector<16x256xf32>
    %add3A_1343 = arith.addf %add3A_1183, %mul3A_1342 : vector<16x256xf32>
    %slice3A_1344 = vector.extract_strided_slice %convert_element_type3A_1314 {offsets = [4, 0], sizes = [1, 256], strides = [1, 1]} : vector<16x256xf32> to vector<1x256xf32>
    %mul3A_1345 = vector.broadcast %slice3A_1344 : vector<1x256xf32> to vector<128x256xf32>
    %mul3A_1346 = arith.mulf %transpose3A_1274, %mul3A_1345 : vector<128x256xf32>
    %add3A_1347 = arith.addf %add3A_1187, %mul3A_1346 : vector<128x256xf32>
    %mul3A_1348 = vector.broadcast %slice3A_1344 : vector<1x256xf32> to vector<16x256xf32>
    %mul3A_1349 = arith.mulf %convert_element_type3A_1315, %mul3A_1348 : vector<16x256xf32>
    %add3A_1350 = arith.addf %add3A_1190, %mul3A_1349 : vector<16x256xf32>
    %slice3A_1351 = vector.extract_strided_slice %convert_element_type3A_1314 {offsets = [5, 0], sizes = [1, 256], strides = [1, 1]} : vector<16x256xf32> to vector<1x256xf32>
    %mul3A_1352 = vector.broadcast %slice3A_1351 : vector<1x256xf32> to vector<128x256xf32>
    %mul3A_1353 = arith.mulf %transpose3A_1274, %mul3A_1352 : vector<128x256xf32>
    %add3A_1354 = arith.addf %add3A_1194, %mul3A_1353 : vector<128x256xf32>
    %mul3A_1355 = vector.broadcast %slice3A_1351 : vector<1x256xf32> to vector<16x256xf32>
    %mul3A_1356 = arith.mulf %convert_element_type3A_1315, %mul3A_1355 : vector<16x256xf32>
    %add3A_1357 = arith.addf %add3A_1197, %mul3A_1356 : vector<16x256xf32>
    %slice3A_1358 = vector.extract_strided_slice %convert_element_type3A_1314 {offsets = [6, 0], sizes = [1, 256], strides = [1, 1]} : vector<16x256xf32> to vector<1x256xf32>
    %mul3A_1359 = vector.broadcast %slice3A_1358 : vector<1x256xf32> to vector<128x256xf32>
    %mul3A_1360 = arith.mulf %transpose3A_1274, %mul3A_1359 : vector<128x256xf32>
    %add3A_1361 = arith.addf %add3A_1201, %mul3A_1360 : vector<128x256xf32>
    %mul3A_1362 = vector.broadcast %slice3A_1358 : vector<1x256xf32> to vector<16x256xf32>
    %mul3A_1363 = arith.mulf %convert_element_type3A_1315, %mul3A_1362 : vector<16x256xf32>
    %add3A_1364 = arith.addf %add3A_1204, %mul3A_1363 : vector<16x256xf32>
    %slice3A_1365 = vector.extract_strided_slice %convert_element_type3A_1314 {offsets = [7, 0], sizes = [1, 256], strides = [1, 1]} : vector<16x256xf32> to vector<1x256xf32>
    %mul3A_1366 = vector.broadcast %slice3A_1365 : vector<1x256xf32> to vector<128x256xf32>
    %mul3A_1367 = arith.mulf %transpose3A_1274, %mul3A_1366 : vector<128x256xf32>
    %add3A_1368 = arith.addf %add3A_1208, %mul3A_1367 : vector<128x256xf32>
    %mul3A_1369 = vector.broadcast %slice3A_1365 : vector<1x256xf32> to vector<16x256xf32>
    %mul3A_1370 = arith.mulf %convert_element_type3A_1315, %mul3A_1369 : vector<16x256xf32>
    %add3A_1371 = arith.addf %add3A_1211, %mul3A_1370 : vector<16x256xf32>
    %slice3A_1372 = vector.extract_strided_slice %convert_element_type3A_1314 {offsets = [8, 0], sizes = [1, 256], strides = [1, 1]} : vector<16x256xf32> to vector<1x256xf32>
    %mul3A_1373 = vector.broadcast %slice3A_1372 : vector<1x256xf32> to vector<128x256xf32>
    %mul3A_1374 = arith.mulf %transpose3A_1274, %mul3A_1373 : vector<128x256xf32>
    %add3A_1375 = arith.addf %add3A_1215, %mul3A_1374 : vector<128x256xf32>
    %mul3A_1376 = vector.broadcast %slice3A_1372 : vector<1x256xf32> to vector<16x256xf32>
    %mul3A_1377 = arith.mulf %convert_element_type3A_1315, %mul3A_1376 : vector<16x256xf32>
    %add3A_1378 = arith.addf %add3A_1218, %mul3A_1377 : vector<16x256xf32>
    %slice3A_1379 = vector.extract_strided_slice %convert_element_type3A_1314 {offsets = [9, 0], sizes = [1, 256], strides = [1, 1]} : vector<16x256xf32> to vector<1x256xf32>
    %mul3A_1380 = vector.broadcast %slice3A_1379 : vector<1x256xf32> to vector<128x256xf32>
    %mul3A_1381 = arith.mulf %transpose3A_1274, %mul3A_1380 : vector<128x256xf32>
    %add3A_1382 = arith.addf %add3A_1222, %mul3A_1381 : vector<128x256xf32>
    %mul3A_1383 = vector.broadcast %slice3A_1379 : vector<1x256xf32> to vector<16x256xf32>
    %mul3A_1384 = arith.mulf %convert_element_type3A_1315, %mul3A_1383 : vector<16x256xf32>
    %add3A_1385 = arith.addf %add3A_1225, %mul3A_1384 : vector<16x256xf32>
    %slice3A_1386 = vector.extract_strided_slice %convert_element_type3A_1314 {offsets = [10, 0], sizes = [1, 256], strides = [1, 1]} : vector<16x256xf32> to vector<1x256xf32>
    %mul3A_1387 = vector.broadcast %slice3A_1386 : vector<1x256xf32> to vector<128x256xf32>
    %mul3A_1388 = arith.mulf %transpose3A_1274, %mul3A_1387 : vector<128x256xf32>
    %add3A_1389 = arith.addf %add3A_1229, %mul3A_1388 : vector<128x256xf32>
    %mul3A_1390 = vector.broadcast %slice3A_1386 : vector<1x256xf32> to vector<16x256xf32>
    %mul3A_1391 = arith.mulf %convert_element_type3A_1315, %mul3A_1390 : vector<16x256xf32>
    %add3A_1392 = arith.addf %add3A_1232, %mul3A_1391 : vector<16x256xf32>
    %slice3A_1393 = vector.extract_strided_slice %convert_element_type3A_1314 {offsets = [11, 0], sizes = [1, 256], strides = [1, 1]} : vector<16x256xf32> to vector<1x256xf32>
    %mul3A_1394 = vector.broadcast %slice3A_1393 : vector<1x256xf32> to vector<128x256xf32>
    %mul3A_1395 = arith.mulf %transpose3A_1274, %mul3A_1394 : vector<128x256xf32>
    %add3A_1396 = arith.addf %add3A_1236, %mul3A_1395 : vector<128x256xf32>
    %mul3A_1397 = vector.broadcast %slice3A_1393 : vector<1x256xf32> to vector<16x256xf32>
    %mul3A_1398 = arith.mulf %convert_element_type3A_1315, %mul3A_1397 : vector<16x256xf32>
    %add3A_1399 = arith.addf %add3A_1239, %mul3A_1398 : vector<16x256xf32>
    %slice3A_1400 = vector.extract_strided_slice %convert_element_type3A_1314 {offsets = [12, 0], sizes = [1, 256], strides = [1, 1]} : vector<16x256xf32> to vector<1x256xf32>
    %mul3A_1401 = vector.broadcast %slice3A_1400 : vector<1x256xf32> to vector<128x256xf32>
    %mul3A_1402 = arith.mulf %transpose3A_1274, %mul3A_1401 : vector<128x256xf32>
    %add3A_1403 = arith.addf %add3A_1243, %mul3A_1402 : vector<128x256xf32>
    %mul3A_1404 = vector.broadcast %slice3A_1400 : vector<1x256xf32> to vector<16x256xf32>
    %mul3A_1405 = arith.mulf %convert_element_type3A_1315, %mul3A_1404 : vector<16x256xf32>
    %add3A_1406 = arith.addf %add3A_1246, %mul3A_1405 : vector<16x256xf32>
    %slice3A_1407 = vector.extract_strided_slice %convert_element_type3A_1314 {offsets = [13, 0], sizes = [1, 256], strides = [1, 1]} : vector<16x256xf32> to vector<1x256xf32>
    %mul3A_1408 = vector.broadcast %slice3A_1407 : vector<1x256xf32> to vector<128x256xf32>
    %mul3A_1409 = arith.mulf %transpose3A_1274, %mul3A_1408 : vector<128x256xf32>
    %add3A_1410 = arith.addf %add3A_1250, %mul3A_1409 : vector<128x256xf32>
    %mul3A_1411 = vector.broadcast %slice3A_1407 : vector<1x256xf32> to vector<16x256xf32>
    %mul3A_1412 = arith.mulf %convert_element_type3A_1315, %mul3A_1411 : vector<16x256xf32>
    %add3A_1413 = arith.addf %add3A_1253, %mul3A_1412 : vector<16x256xf32>
    %slice3A_1414 = vector.extract_strided_slice %convert_element_type3A_1314 {offsets = [14, 0], sizes = [1, 256], strides = [1, 1]} : vector<16x256xf32> to vector<1x256xf32>
    %mul3A_1415 = vector.broadcast %slice3A_1414 : vector<1x256xf32> to vector<128x256xf32>
    %mul3A_1416 = arith.mulf %transpose3A_1274, %mul3A_1415 : vector<128x256xf32>
    %add3A_1417 = arith.addf %add3A_1257, %mul3A_1416 : vector<128x256xf32>
    %mul3A_1418 = vector.broadcast %slice3A_1414 : vector<1x256xf32> to vector<16x256xf32>
    %mul3A_1419 = arith.mulf %convert_element_type3A_1315, %mul3A_1418 : vector<16x256xf32>
    %add3A_1420 = arith.addf %add3A_1260, %mul3A_1419 : vector<16x256xf32>
    %slice3A_1421 = vector.extract_strided_slice %convert_element_type3A_1314 {offsets = [15, 0], sizes = [1, 256], strides = [1, 1]} : vector<16x256xf32> to vector<1x256xf32>
    %mul3A_1422 = vector.broadcast %slice3A_1421 : vector<1x256xf32> to vector<128x256xf32>
    %mul3A_1423 = arith.mulf %transpose3A_1274, %mul3A_1422 : vector<128x256xf32>
    %add3A_1424 = arith.addf %add3A_1264, %mul3A_1423 : vector<128x256xf32>
    %mul3A_1425 = vector.broadcast %slice3A_1421 : vector<1x256xf32> to vector<16x256xf32>
    %mul3A_1426 = arith.mulf %convert_element_type3A_1315, %mul3A_1425 : vector<16x256xf32>
    %add3A_1427 = arith.addf %add3A_1267, %mul3A_1426 : vector<16x256xf32>
    %get3A_1428 = arith.constant 0 : index
    %get3A_1429 = arith.constant 0 : index
    %get3A_1430 = arith.constant 0 : index
    %get3A_1431 = vector.load %arg5[%get3A_1428, %get3A_1429, %get3A_1430] : memref<16x128x128xbf16, #tpu.memory_space<vmem>>, vector<1x128x128xbf16>
    %get3A_1432 = vector.shape_cast %get3A_1431 : vector<1x128x128xbf16> to vector<128x128xbf16>
    %convert_element_type3A_1433 = arith.truncf %add3A_1319 : vector<128x256xf32> to vector<128x256xbf16>
    %dot_general3A_1434 = arith.constant dense<0.000000e+00> : vector<128x256xf32>
    %dot_general3A_1435 = tpu.matmul %get3A_1432, %convert_element_type3A_1433, %dot_general3A_1434 {dimension_numbers = #tpu.dot_dimension_numbers<[1], [0], [0], [1], [0, 0, 1, 1], [], []>, transpose_lhs_hint = false} : vector<128x128xbf16>, vector<128x256xbf16>, vector<128x256xf32> -> vector<128x256xf32>
    %get3A_1436 = arith.constant 0 : index
    %get3A_1437 = arith.constant 0 : index
    %get3A_1438 = arith.constant 0 : index
    %get3A_1439 = vector.load %arg6[%get3A_1436, %get3A_1437, %get3A_1438] : memref<16x128x16xbf16, #tpu.memory_space<vmem>>, vector<1x128x16xbf16>
    %get3A_1440 = vector.shape_cast %get3A_1439 : vector<1x128x16xbf16> to vector<128x16xbf16>
    %convert_element_type3A_1441 = arith.truncf %add3A_1322 : vector<16x256xf32> to vector<16x256xbf16>
    %dot_general3A_1442 = arith.constant dense<0.000000e+00> : vector<128x256xf32>
    %dot_general3A_1443 = tpu.matmul %get3A_1440, %convert_element_type3A_1441, %dot_general3A_1442 {dimension_numbers = #tpu.dot_dimension_numbers<[1], [0], [0], [1], [0, 0, 1, 1], [], []>, transpose_lhs_hint = false} : vector<128x16xbf16>, vector<16x256xbf16>, vector<128x256xf32> -> vector<128x256xf32>
    %add3A_1444 = arith.addf %dot_general3A_1435, %dot_general3A_1443 : vector<128x256xf32>
    %get3A_1445 = arith.constant 1 : index
    %get3A_1446 = arith.constant 0 : index
    %get3A_1447 = arith.constant 0 : index
    %get3A_1448 = vector.load %arg5[%get3A_1445, %get3A_1446, %get3A_1447] : memref<16x128x128xbf16, #tpu.memory_space<vmem>>, vector<1x128x128xbf16>
    %get3A_1449 = vector.shape_cast %get3A_1448 : vector<1x128x128xbf16> to vector<128x128xbf16>
    %convert_element_type3A_1450 = arith.truncf %add3A_1326 : vector<128x256xf32> to vector<128x256xbf16>
    %dot_general3A_1451 = arith.constant dense<0.000000e+00> : vector<128x256xf32>
    %dot_general3A_1452 = tpu.matmul %get3A_1449, %convert_element_type3A_1450, %dot_general3A_1451 {dimension_numbers = #tpu.dot_dimension_numbers<[1], [0], [0], [1], [0, 0, 1, 1], [], []>, transpose_lhs_hint = false} : vector<128x128xbf16>, vector<128x256xbf16>, vector<128x256xf32> -> vector<128x256xf32>
    %get3A_1453 = arith.constant 1 : index
    %get3A_1454 = arith.constant 0 : index
    %get3A_1455 = arith.constant 0 : index
    %get3A_1456 = vector.load %arg6[%get3A_1453, %get3A_1454, %get3A_1455] : memref<16x128x16xbf16, #tpu.memory_space<vmem>>, vector<1x128x16xbf16>
    %get3A_1457 = vector.shape_cast %get3A_1456 : vector<1x128x16xbf16> to vector<128x16xbf16>
    %convert_element_type3A_1458 = arith.truncf %add3A_1329 : vector<16x256xf32> to vector<16x256xbf16>
    %dot_general3A_1459 = arith.constant dense<0.000000e+00> : vector<128x256xf32>
    %dot_general3A_1460 = tpu.matmul %get3A_1457, %convert_element_type3A_1458, %dot_general3A_1459 {dimension_numbers = #tpu.dot_dimension_numbers<[1], [0], [0], [1], [0, 0, 1, 1], [], []>, transpose_lhs_hint = false} : vector<128x16xbf16>, vector<16x256xbf16>, vector<128x256xf32> -> vector<128x256xf32>
    %add3A_1461 = arith.addf %dot_general3A_1452, %dot_general3A_1460 : vector<128x256xf32>
    %add3A_1462 = arith.addf %add3A_1444, %add3A_1461 : vector<128x256xf32>
    %get3A_1463 = arith.constant 2 : index
    %get3A_1464 = arith.constant 0 : index
    %get3A_1465 = arith.constant 0 : index
    %get3A_1466 = vector.load %arg5[%get3A_1463, %get3A_1464, %get3A_1465] : memref<16x128x128xbf16, #tpu.memory_space<vmem>>, vector<1x128x128xbf16>
    %get3A_1467 = vector.shape_cast %get3A_1466 : vector<1x128x128xbf16> to vector<128x128xbf16>
    %convert_element_type3A_1468 = arith.truncf %add3A_1333 : vector<128x256xf32> to vector<128x256xbf16>
    %dot_general3A_1469 = arith.constant dense<0.000000e+00> : vector<128x256xf32>
    %dot_general3A_1470 = tpu.matmul %get3A_1467, %convert_element_type3A_1468, %dot_general3A_1469 {dimension_numbers = #tpu.dot_dimension_numbers<[1], [0], [0], [1], [0, 0, 1, 1], [], []>, transpose_lhs_hint = false} : vector<128x128xbf16>, vector<128x256xbf16>, vector<128x256xf32> -> vector<128x256xf32>
    %get3A_1471 = arith.constant 2 : index
    %get3A_1472 = arith.constant 0 : index
    %get3A_1473 = arith.constant 0 : index
    %get3A_1474 = vector.load %arg6[%get3A_1471, %get3A_1472, %get3A_1473] : memref<16x128x16xbf16, #tpu.memory_space<vmem>>, vector<1x128x16xbf16>
    %get3A_1475 = vector.shape_cast %get3A_1474 : vector<1x128x16xbf16> to vector<128x16xbf16>
    %convert_element_type3A_1476 = arith.truncf %add3A_1336 : vector<16x256xf32> to vector<16x256xbf16>
    %dot_general3A_1477 = arith.constant dense<0.000000e+00> : vector<128x256xf32>
    %dot_general3A_1478 = tpu.matmul %get3A_1475, %convert_element_type3A_1476, %dot_general3A_1477 {dimension_numbers = #tpu.dot_dimension_numbers<[1], [0], [0], [1], [0, 0, 1, 1], [], []>, transpose_lhs_hint = false} : vector<128x16xbf16>, vector<16x256xbf16>, vector<128x256xf32> -> vector<128x256xf32>
    %add3A_1479 = arith.addf %dot_general3A_1470, %dot_general3A_1478 : vector<128x256xf32>
    %add3A_1480 = arith.addf %add3A_1462, %add3A_1479 : vector<128x256xf32>
    %get3A_1481 = arith.constant 3 : index
    %get3A_1482 = arith.constant 0 : index
    %get3A_1483 = arith.constant 0 : index
    %get3A_1484 = vector.load %arg5[%get3A_1481, %get3A_1482, %get3A_1483] : memref<16x128x128xbf16, #tpu.memory_space<vmem>>, vector<1x128x128xbf16>
    %get3A_1485 = vector.shape_cast %get3A_1484 : vector<1x128x128xbf16> to vector<128x128xbf16>
    %convert_element_type3A_1486 = arith.truncf %add3A_1340 : vector<128x256xf32> to vector<128x256xbf16>
    %dot_general3A_1487 = arith.constant dense<0.000000e+00> : vector<128x256xf32>
    %dot_general3A_1488 = tpu.matmul %get3A_1485, %convert_element_type3A_1486, %dot_general3A_1487 {dimension_numbers = #tpu.dot_dimension_numbers<[1], [0], [0], [1], [0, 0, 1, 1], [], []>, transpose_lhs_hint = false} : vector<128x128xbf16>, vector<128x256xbf16>, vector<128x256xf32> -> vector<128x256xf32>
    %get3A_1489 = arith.constant 3 : index
    %get3A_1490 = arith.constant 0 : index
    %get3A_1491 = arith.constant 0 : index
    %get3A_1492 = vector.load %arg6[%get3A_1489, %get3A_1490, %get3A_1491] : memref<16x128x16xbf16, #tpu.memory_space<vmem>>, vector<1x128x16xbf16>
    %get3A_1493 = vector.shape_cast %get3A_1492 : vector<1x128x16xbf16> to vector<128x16xbf16>
    %convert_element_type3A_1494 = arith.truncf %add3A_1343 : vector<16x256xf32> to vector<16x256xbf16>
    %dot_general3A_1495 = arith.constant dense<0.000000e+00> : vector<128x256xf32>
    %dot_general3A_1496 = tpu.matmul %get3A_1493, %convert_element_type3A_1494, %dot_general3A_1495 {dimension_numbers = #tpu.dot_dimension_numbers<[1], [0], [0], [1], [0, 0, 1, 1], [], []>, transpose_lhs_hint = false} : vector<128x16xbf16>, vector<16x256xbf16>, vector<128x256xf32> -> vector<128x256xf32>
    %add3A_1497 = arith.addf %dot_general3A_1488, %dot_general3A_1496 : vector<128x256xf32>
    %add3A_1498 = arith.addf %add3A_1480, %add3A_1497 : vector<128x256xf32>
    %get3A_1499 = arith.constant 4 : index
    %get3A_1500 = arith.constant 0 : index
    %get3A_1501 = arith.constant 0 : index
    %get3A_1502 = vector.load %arg5[%get3A_1499, %get3A_1500, %get3A_1501] : memref<16x128x128xbf16, #tpu.memory_space<vmem>>, vector<1x128x128xbf16>
    %get3A_1503 = vector.shape_cast %get3A_1502 : vector<1x128x128xbf16> to vector<128x128xbf16>
    %convert_element_type3A_1504 = arith.truncf %add3A_1347 : vector<128x256xf32> to vector<128x256xbf16>
    %dot_general3A_1505 = arith.constant dense<0.000000e+00> : vector<128x256xf32>
    %dot_general3A_1506 = tpu.matmul %get3A_1503, %convert_element_type3A_1504, %dot_general3A_1505 {dimension_numbers = #tpu.dot_dimension_numbers<[1], [0], [0], [1], [0, 0, 1, 1], [], []>, transpose_lhs_hint = false} : vector<128x128xbf16>, vector<128x256xbf16>, vector<128x256xf32> -> vector<128x256xf32>
    %get3A_1507 = arith.constant 4 : index
    %get3A_1508 = arith.constant 0 : index
    %get3A_1509 = arith.constant 0 : index
    %get3A_1510 = vector.load %arg6[%get3A_1507, %get3A_1508, %get3A_1509] : memref<16x128x16xbf16, #tpu.memory_space<vmem>>, vector<1x128x16xbf16>
    %get3A_1511 = vector.shape_cast %get3A_1510 : vector<1x128x16xbf16> to vector<128x16xbf16>
    %convert_element_type3A_1512 = arith.truncf %add3A_1350 : vector<16x256xf32> to vector<16x256xbf16>
    %dot_general3A_1513 = arith.constant dense<0.000000e+00> : vector<128x256xf32>
    %dot_general3A_1514 = tpu.matmul %get3A_1511, %convert_element_type3A_1512, %dot_general3A_1513 {dimension_numbers = #tpu.dot_dimension_numbers<[1], [0], [0], [1], [0, 0, 1, 1], [], []>, transpose_lhs_hint = false} : vector<128x16xbf16>, vector<16x256xbf16>, vector<128x256xf32> -> vector<128x256xf32>
    %add3A_1515 = arith.addf %dot_general3A_1506, %dot_general3A_1514 : vector<128x256xf32>
    %add3A_1516 = arith.addf %add3A_1498, %add3A_1515 : vector<128x256xf32>
    %get3A_1517 = arith.constant 5 : index
    %get3A_1518 = arith.constant 0 : index
    %get3A_1519 = arith.constant 0 : index
    %get3A_1520 = vector.load %arg5[%get3A_1517, %get3A_1518, %get3A_1519] : memref<16x128x128xbf16, #tpu.memory_space<vmem>>, vector<1x128x128xbf16>
    %get3A_1521 = vector.shape_cast %get3A_1520 : vector<1x128x128xbf16> to vector<128x128xbf16>
    %convert_element_type3A_1522 = arith.truncf %add3A_1354 : vector<128x256xf32> to vector<128x256xbf16>
    %dot_general3A_1523 = arith.constant dense<0.000000e+00> : vector<128x256xf32>
    %dot_general3A_1524 = tpu.matmul %get3A_1521, %convert_element_type3A_1522, %dot_general3A_1523 {dimension_numbers = #tpu.dot_dimension_numbers<[1], [0], [0], [1], [0, 0, 1, 1], [], []>, transpose_lhs_hint = false} : vector<128x128xbf16>, vector<128x256xbf16>, vector<128x256xf32> -> vector<128x256xf32>
    %get3A_1525 = arith.constant 5 : index
    %get3A_1526 = arith.constant 0 : index
    %get3A_1527 = arith.constant 0 : index
    %get3A_1528 = vector.load %arg6[%get3A_1525, %get3A_1526, %get3A_1527] : memref<16x128x16xbf16, #tpu.memory_space<vmem>>, vector<1x128x16xbf16>
    %get3A_1529 = vector.shape_cast %get3A_1528 : vector<1x128x16xbf16> to vector<128x16xbf16>
    %convert_element_type3A_1530 = arith.truncf %add3A_1357 : vector<16x256xf32> to vector<16x256xbf16>
    %dot_general3A_1531 = arith.constant dense<0.000000e+00> : vector<128x256xf32>
    %dot_general3A_1532 = tpu.matmul %get3A_1529, %convert_element_type3A_1530, %dot_general3A_1531 {dimension_numbers = #tpu.dot_dimension_numbers<[1], [0], [0], [1], [0, 0, 1, 1], [], []>, transpose_lhs_hint = false} : vector<128x16xbf16>, vector<16x256xbf16>, vector<128x256xf32> -> vector<128x256xf32>
    %add3A_1533 = arith.addf %dot_general3A_1524, %dot_general3A_1532 : vector<128x256xf32>
    %add3A_1534 = arith.addf %add3A_1516, %add3A_1533 : vector<128x256xf32>
    %get3A_1535 = arith.constant 6 : index
    %get3A_1536 = arith.constant 0 : index
    %get3A_1537 = arith.constant 0 : index
    %get3A_1538 = vector.load %arg5[%get3A_1535, %get3A_1536, %get3A_1537] : memref<16x128x128xbf16, #tpu.memory_space<vmem>>, vector<1x128x128xbf16>
    %get3A_1539 = vector.shape_cast %get3A_1538 : vector<1x128x128xbf16> to vector<128x128xbf16>
    %convert_element_type3A_1540 = arith.truncf %add3A_1361 : vector<128x256xf32> to vector<128x256xbf16>
    %dot_general3A_1541 = arith.constant dense<0.000000e+00> : vector<128x256xf32>
    %dot_general3A_1542 = tpu.matmul %get3A_1539, %convert_element_type3A_1540, %dot_general3A_1541 {dimension_numbers = #tpu.dot_dimension_numbers<[1], [0], [0], [1], [0, 0, 1, 1], [], []>, transpose_lhs_hint = false} : vector<128x128xbf16>, vector<128x256xbf16>, vector<128x256xf32> -> vector<128x256xf32>
    %get3A_1543 = arith.constant 6 : index
    %get3A_1544 = arith.constant 0 : index
    %get3A_1545 = arith.constant 0 : index
    %get3A_1546 = vector.load %arg6[%get3A_1543, %get3A_1544, %get3A_1545] : memref<16x128x16xbf16, #tpu.memory_space<vmem>>, vector<1x128x16xbf16>
    %get3A_1547 = vector.shape_cast %get3A_1546 : vector<1x128x16xbf16> to vector<128x16xbf16>
    %convert_element_type3A_1548 = arith.truncf %add3A_1364 : vector<16x256xf32> to vector<16x256xbf16>
    %dot_general3A_1549 = arith.constant dense<0.000000e+00> : vector<128x256xf32>
    %dot_general3A_1550 = tpu.matmul %get3A_1547, %convert_element_type3A_1548, %dot_general3A_1549 {dimension_numbers = #tpu.dot_dimension_numbers<[1], [0], [0], [1], [0, 0, 1, 1], [], []>, transpose_lhs_hint = false} : vector<128x16xbf16>, vector<16x256xbf16>, vector<128x256xf32> -> vector<128x256xf32>
    %add3A_1551 = arith.addf %dot_general3A_1542, %dot_general3A_1550 : vector<128x256xf32>
    %add3A_1552 = arith.addf %add3A_1534, %add3A_1551 : vector<128x256xf32>
    %get3A_1553 = arith.constant 7 : index
    %get3A_1554 = arith.constant 0 : index
    %get3A_1555 = arith.constant 0 : index
    %get3A_1556 = vector.load %arg5[%get3A_1553, %get3A_1554, %get3A_1555] : memref<16x128x128xbf16, #tpu.memory_space<vmem>>, vector<1x128x128xbf16>
    %get3A_1557 = vector.shape_cast %get3A_1556 : vector<1x128x128xbf16> to vector<128x128xbf16>
    %convert_element_type3A_1558 = arith.truncf %add3A_1368 : vector<128x256xf32> to vector<128x256xbf16>
    %dot_general3A_1559 = arith.constant dense<0.000000e+00> : vector<128x256xf32>
    %dot_general3A_1560 = tpu.matmul %get3A_1557, %convert_element_type3A_1558, %dot_general3A_1559 {dimension_numbers = #tpu.dot_dimension_numbers<[1], [0], [0], [1], [0, 0, 1, 1], [], []>, transpose_lhs_hint = false} : vector<128x128xbf16>, vector<128x256xbf16>, vector<128x256xf32> -> vector<128x256xf32>
    %get3A_1561 = arith.constant 7 : index
    %get3A_1562 = arith.constant 0 : index
    %get3A_1563 = arith.constant 0 : index
    %get3A_1564 = vector.load %arg6[%get3A_1561, %get3A_1562, %get3A_1563] : memref<16x128x16xbf16, #tpu.memory_space<vmem>>, vector<1x128x16xbf16>
    %get3A_1565 = vector.shape_cast %get3A_1564 : vector<1x128x16xbf16> to vector<128x16xbf16>
    %convert_element_type3A_1566 = arith.truncf %add3A_1371 : vector<16x256xf32> to vector<16x256xbf16>
    %dot_general3A_1567 = arith.constant dense<0.000000e+00> : vector<128x256xf32>
    %dot_general3A_1568 = tpu.matmul %get3A_1565, %convert_element_type3A_1566, %dot_general3A_1567 {dimension_numbers = #tpu.dot_dimension_numbers<[1], [0], [0], [1], [0, 0, 1, 1], [], []>, transpose_lhs_hint = false} : vector<128x16xbf16>, vector<16x256xbf16>, vector<128x256xf32> -> vector<128x256xf32>
    %add3A_1569 = arith.addf %dot_general3A_1560, %dot_general3A_1568 : vector<128x256xf32>
    %add3A_1570 = arith.addf %add3A_1552, %add3A_1569 : vector<128x256xf32>
    %get3A_1571 = arith.constant 8 : index
    %get3A_1572 = arith.constant 0 : index
    %get3A_1573 = arith.constant 0 : index
    %get3A_1574 = vector.load %arg5[%get3A_1571, %get3A_1572, %get3A_1573] : memref<16x128x128xbf16, #tpu.memory_space<vmem>>, vector<1x128x128xbf16>
    %get3A_1575 = vector.shape_cast %get3A_1574 : vector<1x128x128xbf16> to vector<128x128xbf16>
    %convert_element_type3A_1576 = arith.truncf %add3A_1375 : vector<128x256xf32> to vector<128x256xbf16>
    %dot_general3A_1577 = arith.constant dense<0.000000e+00> : vector<128x256xf32>
    %dot_general3A_1578 = tpu.matmul %get3A_1575, %convert_element_type3A_1576, %dot_general3A_1577 {dimension_numbers = #tpu.dot_dimension_numbers<[1], [0], [0], [1], [0, 0, 1, 1], [], []>, transpose_lhs_hint = false} : vector<128x128xbf16>, vector<128x256xbf16>, vector<128x256xf32> -> vector<128x256xf32>
    %get3A_1579 = arith.constant 8 : index
    %get3A_1580 = arith.constant 0 : index
    %get3A_1581 = arith.constant 0 : index
    %get3A_1582 = vector.load %arg6[%get3A_1579, %get3A_1580, %get3A_1581] : memref<16x128x16xbf16, #tpu.memory_space<vmem>>, vector<1x128x16xbf16>
    %get3A_1583 = vector.shape_cast %get3A_1582 : vector<1x128x16xbf16> to vector<128x16xbf16>
    %convert_element_type3A_1584 = arith.truncf %add3A_1378 : vector<16x256xf32> to vector<16x256xbf16>
    %dot_general3A_1585 = arith.constant dense<0.000000e+00> : vector<128x256xf32>
    %dot_general3A_1586 = tpu.matmul %get3A_1583, %convert_element_type3A_1584, %dot_general3A_1585 {dimension_numbers = #tpu.dot_dimension_numbers<[1], [0], [0], [1], [0, 0, 1, 1], [], []>, transpose_lhs_hint = false} : vector<128x16xbf16>, vector<16x256xbf16>, vector<128x256xf32> -> vector<128x256xf32>
    %add3A_1587 = arith.addf %dot_general3A_1578, %dot_general3A_1586 : vector<128x256xf32>
    %add3A_1588 = arith.addf %add3A_1570, %add3A_1587 : vector<128x256xf32>
    %get3A_1589 = arith.constant 9 : index
    %get3A_1590 = arith.constant 0 : index
    %get3A_1591 = arith.constant 0 : index
    %get3A_1592 = vector.load %arg5[%get3A_1589, %get3A_1590, %get3A_1591] : memref<16x128x128xbf16, #tpu.memory_space<vmem>>, vector<1x128x128xbf16>
    %get3A_1593 = vector.shape_cast %get3A_1592 : vector<1x128x128xbf16> to vector<128x128xbf16>
    %convert_element_type3A_1594 = arith.truncf %add3A_1382 : vector<128x256xf32> to vector<128x256xbf16>
    %dot_general3A_1595 = arith.constant dense<0.000000e+00> : vector<128x256xf32>
    %dot_general3A_1596 = tpu.matmul %get3A_1593, %convert_element_type3A_1594, %dot_general3A_1595 {dimension_numbers = #tpu.dot_dimension_numbers<[1], [0], [0], [1], [0, 0, 1, 1], [], []>, transpose_lhs_hint = false} : vector<128x128xbf16>, vector<128x256xbf16>, vector<128x256xf32> -> vector<128x256xf32>
    %get3A_1597 = arith.constant 9 : index
    %get3A_1598 = arith.constant 0 : index
    %get3A_1599 = arith.constant 0 : index
    %get3A_1600 = vector.load %arg6[%get3A_1597, %get3A_1598, %get3A_1599] : memref<16x128x16xbf16, #tpu.memory_space<vmem>>, vector<1x128x16xbf16>
    %get3A_1601 = vector.shape_cast %get3A_1600 : vector<1x128x16xbf16> to vector<128x16xbf16>
    %convert_element_type3A_1602 = arith.truncf %add3A_1385 : vector<16x256xf32> to vector<16x256xbf16>
    %dot_general3A_1603 = arith.constant dense<0.000000e+00> : vector<128x256xf32>
    %dot_general3A_1604 = tpu.matmul %get3A_1601, %convert_element_type3A_1602, %dot_general3A_1603 {dimension_numbers = #tpu.dot_dimension_numbers<[1], [0], [0], [1], [0, 0, 1, 1], [], []>, transpose_lhs_hint = false} : vector<128x16xbf16>, vector<16x256xbf16>, vector<128x256xf32> -> vector<128x256xf32>
    %add3A_1605 = arith.addf %dot_general3A_1596, %dot_general3A_1604 : vector<128x256xf32>
    %add3A_1606 = arith.addf %add3A_1588, %add3A_1605 : vector<128x256xf32>
    %get3A_1607 = arith.constant 10 : index
    %get3A_1608 = arith.constant 0 : index
    %get3A_1609 = arith.constant 0 : index
    %get3A_1610 = vector.load %arg5[%get3A_1607, %get3A_1608, %get3A_1609] : memref<16x128x128xbf16, #tpu.memory_space<vmem>>, vector<1x128x128xbf16>
    %get3A_1611 = vector.shape_cast %get3A_1610 : vector<1x128x128xbf16> to vector<128x128xbf16>
    %convert_element_type3A_1612 = arith.truncf %add3A_1389 : vector<128x256xf32> to vector<128x256xbf16>
    %dot_general3A_1613 = arith.constant dense<0.000000e+00> : vector<128x256xf32>
    %dot_general3A_1614 = tpu.matmul %get3A_1611, %convert_element_type3A_1612, %dot_general3A_1613 {dimension_numbers = #tpu.dot_dimension_numbers<[1], [0], [0], [1], [0, 0, 1, 1], [], []>, transpose_lhs_hint = false} : vector<128x128xbf16>, vector<128x256xbf16>, vector<128x256xf32> -> vector<128x256xf32>
    %get3A_1615 = arith.constant 10 : index
    %get3A_1616 = arith.constant 0 : index
    %get3A_1617 = arith.constant 0 : index
    %get3A_1618 = vector.load %arg6[%get3A_1615, %get3A_1616, %get3A_1617] : memref<16x128x16xbf16, #tpu.memory_space<vmem>>, vector<1x128x16xbf16>
    %get3A_1619 = vector.shape_cast %get3A_1618 : vector<1x128x16xbf16> to vector<128x16xbf16>
    %convert_element_type3A_1620 = arith.truncf %add3A_1392 : vector<16x256xf32> to vector<16x256xbf16>
    %dot_general3A_1621 = arith.constant dense<0.000000e+00> : vector<128x256xf32>
    %dot_general3A_1622 = tpu.matmul %get3A_1619, %convert_element_type3A_1620, %dot_general3A_1621 {dimension_numbers = #tpu.dot_dimension_numbers<[1], [0], [0], [1], [0, 0, 1, 1], [], []>, transpose_lhs_hint = false} : vector<128x16xbf16>, vector<16x256xbf16>, vector<128x256xf32> -> vector<128x256xf32>
    %add3A_1623 = arith.addf %dot_general3A_1614, %dot_general3A_1622 : vector<128x256xf32>
    %add3A_1624 = arith.addf %add3A_1606, %add3A_1623 : vector<128x256xf32>
    %get3A_1625 = arith.constant 11 : index
    %get3A_1626 = arith.constant 0 : index
    %get3A_1627 = arith.constant 0 : index
    %get3A_1628 = vector.load %arg5[%get3A_1625, %get3A_1626, %get3A_1627] : memref<16x128x128xbf16, #tpu.memory_space<vmem>>, vector<1x128x128xbf16>
    %get3A_1629 = vector.shape_cast %get3A_1628 : vector<1x128x128xbf16> to vector<128x128xbf16>
    %convert_element_type3A_1630 = arith.truncf %add3A_1396 : vector<128x256xf32> to vector<128x256xbf16>
    %dot_general3A_1631 = arith.constant dense<0.000000e+00> : vector<128x256xf32>
    %dot_general3A_1632 = tpu.matmul %get3A_1629, %convert_element_type3A_1630, %dot_general3A_1631 {dimension_numbers = #tpu.dot_dimension_numbers<[1], [0], [0], [1], [0, 0, 1, 1], [], []>, transpose_lhs_hint = false} : vector<128x128xbf16>, vector<128x256xbf16>, vector<128x256xf32> -> vector<128x256xf32>
    %get3A_1633 = arith.constant 11 : index
    %get3A_1634 = arith.constant 0 : index
    %get3A_1635 = arith.constant 0 : index
    %get3A_1636 = vector.load %arg6[%get3A_1633, %get3A_1634, %get3A_1635] : memref<16x128x16xbf16, #tpu.memory_space<vmem>>, vector<1x128x16xbf16>
    %get3A_1637 = vector.shape_cast %get3A_1636 : vector<1x128x16xbf16> to vector<128x16xbf16>
    %convert_element_type3A_1638 = arith.truncf %add3A_1399 : vector<16x256xf32> to vector<16x256xbf16>
    %dot_general3A_1639 = arith.constant dense<0.000000e+00> : vector<128x256xf32>
    %dot_general3A_1640 = tpu.matmul %get3A_1637, %convert_element_type3A_1638, %dot_general3A_1639 {dimension_numbers = #tpu.dot_dimension_numbers<[1], [0], [0], [1], [0, 0, 1, 1], [], []>, transpose_lhs_hint = false} : vector<128x16xbf16>, vector<16x256xbf16>, vector<128x256xf32> -> vector<128x256xf32>
    %add3A_1641 = arith.addf %dot_general3A_1632, %dot_general3A_1640 : vector<128x256xf32>
    %add3A_1642 = arith.addf %add3A_1624, %add3A_1641 : vector<128x256xf32>
    %get3A_1643 = arith.constant 12 : index
    %get3A_1644 = arith.constant 0 : index
    %get3A_1645 = arith.constant 0 : index
    %get3A_1646 = vector.load %arg5[%get3A_1643, %get3A_1644, %get3A_1645] : memref<16x128x128xbf16, #tpu.memory_space<vmem>>, vector<1x128x128xbf16>
    %get3A_1647 = vector.shape_cast %get3A_1646 : vector<1x128x128xbf16> to vector<128x128xbf16>
    %convert_element_type3A_1648 = arith.truncf %add3A_1403 : vector<128x256xf32> to vector<128x256xbf16>
    %dot_general3A_1649 = arith.constant dense<0.000000e+00> : vector<128x256xf32>
    %dot_general3A_1650 = tpu.matmul %get3A_1647, %convert_element_type3A_1648, %dot_general3A_1649 {dimension_numbers = #tpu.dot_dimension_numbers<[1], [0], [0], [1], [0, 0, 1, 1], [], []>, transpose_lhs_hint = false} : vector<128x128xbf16>, vector<128x256xbf16>, vector<128x256xf32> -> vector<128x256xf32>
    %get3A_1651 = arith.constant 12 : index
    %get3A_1652 = arith.constant 0 : index
    %get3A_1653 = arith.constant 0 : index
    %get3A_1654 = vector.load %arg6[%get3A_1651, %get3A_1652, %get3A_1653] : memref<16x128x16xbf16, #tpu.memory_space<vmem>>, vector<1x128x16xbf16>
    %get3A_1655 = vector.shape_cast %get3A_1654 : vector<1x128x16xbf16> to vector<128x16xbf16>
    %convert_element_type3A_1656 = arith.truncf %add3A_1406 : vector<16x256xf32> to vector<16x256xbf16>
    %dot_general3A_1657 = arith.constant dense<0.000000e+00> : vector<128x256xf32>
    %dot_general3A_1658 = tpu.matmul %get3A_1655, %convert_element_type3A_1656, %dot_general3A_1657 {dimension_numbers = #tpu.dot_dimension_numbers<[1], [0], [0], [1], [0, 0, 1, 1], [], []>, transpose_lhs_hint = false} : vector<128x16xbf16>, vector<16x256xbf16>, vector<128x256xf32> -> vector<128x256xf32>
    %add3A_1659 = arith.addf %dot_general3A_1650, %dot_general3A_1658 : vector<128x256xf32>
    %add3A_1660 = arith.addf %add3A_1642, %add3A_1659 : vector<128x256xf32>
    %get3A_1661 = arith.constant 13 : index
    %get3A_1662 = arith.constant 0 : index
    %get3A_1663 = arith.constant 0 : index
    %get3A_1664 = vector.load %arg5[%get3A_1661, %get3A_1662, %get3A_1663] : memref<16x128x128xbf16, #tpu.memory_space<vmem>>, vector<1x128x128xbf16>
    %get3A_1665 = vector.shape_cast %get3A_1664 : vector<1x128x128xbf16> to vector<128x128xbf16>
    %convert_element_type3A_1666 = arith.truncf %add3A_1410 : vector<128x256xf32> to vector<128x256xbf16>
    %dot_general3A_1667 = arith.constant dense<0.000000e+00> : vector<128x256xf32>
    %dot_general3A_1668 = tpu.matmul %get3A_1665, %convert_element_type3A_1666, %dot_general3A_1667 {dimension_numbers = #tpu.dot_dimension_numbers<[1], [0], [0], [1], [0, 0, 1, 1], [], []>, transpose_lhs_hint = false} : vector<128x128xbf16>, vector<128x256xbf16>, vector<128x256xf32> -> vector<128x256xf32>
    %get3A_1669 = arith.constant 13 : index
    %get3A_1670 = arith.constant 0 : index
    %get3A_1671 = arith.constant 0 : index
    %get3A_1672 = vector.load %arg6[%get3A_1669, %get3A_1670, %get3A_1671] : memref<16x128x16xbf16, #tpu.memory_space<vmem>>, vector<1x128x16xbf16>
    %get3A_1673 = vector.shape_cast %get3A_1672 : vector<1x128x16xbf16> to vector<128x16xbf16>
    %convert_element_type3A_1674 = arith.truncf %add3A_1413 : vector<16x256xf32> to vector<16x256xbf16>
    %dot_general3A_1675 = arith.constant dense<0.000000e+00> : vector<128x256xf32>
    %dot_general3A_1676 = tpu.matmul %get3A_1673, %convert_element_type3A_1674, %dot_general3A_1675 {dimension_numbers = #tpu.dot_dimension_numbers<[1], [0], [0], [1], [0, 0, 1, 1], [], []>, transpose_lhs_hint = false} : vector<128x16xbf16>, vector<16x256xbf16>, vector<128x256xf32> -> vector<128x256xf32>
    %add3A_1677 = arith.addf %dot_general3A_1668, %dot_general3A_1676 : vector<128x256xf32>
    %add3A_1678 = arith.addf %add3A_1660, %add3A_1677 : vector<128x256xf32>
    %get3A_1679 = arith.constant 14 : index
    %get3A_1680 = arith.constant 0 : index
    %get3A_1681 = arith.constant 0 : index
    %get3A_1682 = vector.load %arg5[%get3A_1679, %get3A_1680, %get3A_1681] : memref<16x128x128xbf16, #tpu.memory_space<vmem>>, vector<1x128x128xbf16>
    %get3A_1683 = vector.shape_cast %get3A_1682 : vector<1x128x128xbf16> to vector<128x128xbf16>
    %convert_element_type3A_1684 = arith.truncf %add3A_1417 : vector<128x256xf32> to vector<128x256xbf16>
    %dot_general3A_1685 = arith.constant dense<0.000000e+00> : vector<128x256xf32>
    %dot_general3A_1686 = tpu.matmul %get3A_1683, %convert_element_type3A_1684, %dot_general3A_1685 {dimension_numbers = #tpu.dot_dimension_numbers<[1], [0], [0], [1], [0, 0, 1, 1], [], []>, transpose_lhs_hint = false} : vector<128x128xbf16>, vector<128x256xbf16>, vector<128x256xf32> -> vector<128x256xf32>
    %get3A_1687 = arith.constant 14 : index
    %get3A_1688 = arith.constant 0 : index
    %get3A_1689 = arith.constant 0 : index
    %get3A_1690 = vector.load %arg6[%get3A_1687, %get3A_1688, %get3A_1689] : memref<16x128x16xbf16, #tpu.memory_space<vmem>>, vector<1x128x16xbf16>
    %get3A_1691 = vector.shape_cast %get3A_1690 : vector<1x128x16xbf16> to vector<128x16xbf16>
    %convert_element_type3A_1692 = arith.truncf %add3A_1420 : vector<16x256xf32> to vector<16x256xbf16>
    %dot_general3A_1693 = arith.constant dense<0.000000e+00> : vector<128x256xf32>
    %dot_general3A_1694 = tpu.matmul %get3A_1691, %convert_element_type3A_1692, %dot_general3A_1693 {dimension_numbers = #tpu.dot_dimension_numbers<[1], [0], [0], [1], [0, 0, 1, 1], [], []>, transpose_lhs_hint = false} : vector<128x16xbf16>, vector<16x256xbf16>, vector<128x256xf32> -> vector<128x256xf32>
    %add3A_1695 = arith.addf %dot_general3A_1686, %dot_general3A_1694 : vector<128x256xf32>
    %add3A_1696 = arith.addf %add3A_1678, %add3A_1695 : vector<128x256xf32>
    %get3A_1697 = arith.constant 15 : index
    %get3A_1698 = arith.constant 0 : index
    %get3A_1699 = arith.constant 0 : index
    %get3A_1700 = vector.load %arg5[%get3A_1697, %get3A_1698, %get3A_1699] : memref<16x128x128xbf16, #tpu.memory_space<vmem>>, vector<1x128x128xbf16>
    %get3A_1701 = vector.shape_cast %get3A_1700 : vector<1x128x128xbf16> to vector<128x128xbf16>
    %convert_element_type3A_1702 = arith.truncf %add3A_1424 : vector<128x256xf32> to vector<128x256xbf16>
    %dot_general3A_1703 = arith.constant dense<0.000000e+00> : vector<128x256xf32>
    %dot_general3A_1704 = tpu.matmul %get3A_1701, %convert_element_type3A_1702, %dot_general3A_1703 {dimension_numbers = #tpu.dot_dimension_numbers<[1], [0], [0], [1], [0, 0, 1, 1], [], []>, transpose_lhs_hint = false} : vector<128x128xbf16>, vector<128x256xbf16>, vector<128x256xf32> -> vector<128x256xf32>
    %get3A_1705 = arith.constant 15 : index
    %get3A_1706 = arith.constant 0 : index
    %get3A_1707 = arith.constant 0 : index
    %get3A_1708 = vector.load %arg6[%get3A_1705, %get3A_1706, %get3A_1707] : memref<16x128x16xbf16, #tpu.memory_space<vmem>>, vector<1x128x16xbf16>
    %get3A_1709 = vector.shape_cast %get3A_1708 : vector<1x128x16xbf16> to vector<128x16xbf16>
    %convert_element_type3A_1710 = arith.truncf %add3A_1427 : vector<16x256xf32> to vector<16x256xbf16>
    %dot_general3A_1711 = arith.constant dense<0.000000e+00> : vector<128x256xf32>
    %dot_general3A_1712 = tpu.matmul %get3A_1709, %convert_element_type3A_1710, %dot_general3A_1711 {dimension_numbers = #tpu.dot_dimension_numbers<[1], [0], [0], [1], [0, 0, 1, 1], [], []>, transpose_lhs_hint = false} : vector<128x16xbf16>, vector<16x256xbf16>, vector<128x256xf32> -> vector<128x256xf32>
    %add3A_1713 = arith.addf %dot_general3A_1704, %dot_general3A_1712 : vector<128x256xf32>
    %add3A_1714 = arith.addf %add3A_1696, %add3A_1713 : vector<128x256xf32>
    %add3A_1715 = vector.broadcast %get3A_21 : vector<128x1xf32> to vector<128x256xf32>
    %add3A_1716 = arith.addf %add3A_1714, %add3A_1715 : vector<128x256xf32>
    %mul3A_1717 = vector.broadcast %div3A_1 : f32 to vector<128x256xf32>
    %mul3A_1718 = arith.mulf %mul3A_1717, %add3A_1716 : vector<128x256xf32>
    %ge3A = arith.constant 0.000000e+00 : f32
    %ge3A_1719 = vector.broadcast %ge3A : f32 to vector<128x256xf32>
    %ge3A_1720 = arith.cmpf oge, %mul3A_1718, %ge3A_1719 : vector<128x256xf32>
    %mul3A_1721 = arith.constant 1.000000e-01 : f32
    %mul3A_1722 = vector.broadcast %mul3A_1721 : f32 to vector<128x256xf32>
    %mul3A_1723 = arith.mulf %mul3A_1722, %mul3A_1718 : vector<128x256xf32>
    %select_n3A = arith.select %ge3A_1720, %mul3A_1718, %mul3A_1723 : vector<128x256xi1>, vector<128x256xf32>
    %get3A_1724 = arith.constant 0 : index
    %get3A_1725 = arith.constant 0 : index
    %get3A_1726 = vector.load %arg14[%get3A_1724, %get3A_1725] : memref<128x128xbf16, #tpu.memory_space<vmem>>, vector<128x128xbf16>
    %convert_element_type3A_1727 = arith.truncf %select_n3A : vector<128x256xf32> to vector<128x256xbf16>
    %dot_general3A_1728 = arith.constant dense<0.000000e+00> : vector<128x256xf32>
    %dot_general3A_1729 = tpu.matmul %get3A_1726, %convert_element_type3A_1727, %dot_general3A_1728 {dimension_numbers = #tpu.dot_dimension_numbers<[1], [0], [0], [1], [0, 0, 1, 1], [], []>, transpose_lhs_hint = false} : vector<128x128xbf16>, vector<128x256xbf16>, vector<128x256xf32> -> vector<128x256xf32>
    %get3A_1730 = arith.constant 0 : index
    %get3A_1731 = arith.constant 0 : index
    %get3A_1732 = vector.load %arg15[%get3A_1730, %get3A_1731] : memref<128x1xf32, #tpu.memory_space<vmem>>, vector<128x1xf32>
    %add3A_1733 = vector.broadcast %get3A_1732 : vector<128x1xf32> to vector<128x256xf32>
    %add3A_1734 = arith.addf %dot_general3A_1729, %add3A_1733 : vector<128x256xf32>
    %mul3A_1735 = vector.broadcast %div3A_1 : f32 to vector<128x256xf32>
    %mul3A_1736 = arith.mulf %mul3A_1735, %add3A_1734 : vector<128x256xf32>
    %ge3A_1737 = arith.constant 0.000000e+00 : f32
    %ge3A_1738 = vector.broadcast %ge3A_1737 : f32 to vector<128x256xf32>
    %ge3A_1739 = arith.cmpf oge, %mul3A_1736, %ge3A_1738 : vector<128x256xf32>
    %mul3A_1740 = arith.constant 1.000000e-01 : f32
    %mul3A_1741 = vector.broadcast %mul3A_1740 : f32 to vector<128x256xf32>
    %mul3A_1742 = arith.mulf %mul3A_1741, %mul3A_1736 : vector<128x256xf32>
    %select_n3A_1743 = arith.select %ge3A_1739, %mul3A_1736, %mul3A_1742 : vector<128x256xi1>, vector<128x256xf32>
    %get3A_1744 = arith.constant 0 : index
    %get3A_1745 = arith.constant 0 : index
    %get3A_1746 = vector.load %arg16[%get3A_1744, %get3A_1745] : memref<64x128xbf16, #tpu.memory_space<vmem>>, vector<64x128xbf16>
    %convert_element_type3A_1747 = arith.truncf %select_n3A_1743 : vector<128x256xf32> to vector<128x256xbf16>
    %dot_general3A_1748 = arith.constant dense<0.000000e+00> : vector<64x256xf32>
    %dot_general3A_1749 = tpu.matmul %get3A_1746, %convert_element_type3A_1747, %dot_general3A_1748 {dimension_numbers = #tpu.dot_dimension_numbers<[1], [0], [0], [1], [0, 0, 1, 1], [], []>, transpose_lhs_hint = false} : vector<64x128xbf16>, vector<128x256xbf16>, vector<64x256xf32> -> vector<64x256xf32>
    %get3A_1750 = arith.constant 0 : index
    %get3A_1751 = arith.constant 0 : index
    %get3A_1752 = vector.load %arg17[%get3A_1750, %get3A_1751] : memref<64x1xf32, #tpu.memory_space<vmem>>, vector<64x1xf32>
    %add3A_1753 = vector.broadcast %get3A_1752 : vector<64x1xf32> to vector<64x256xf32>
    %add3A_1754 = arith.addf %dot_general3A_1749, %add3A_1753 : vector<64x256xf32>
    %mul3A_1755 = vector.broadcast %div3A_1 : f32 to vector<64x256xf32>
    %mul3A_1756 = arith.mulf %mul3A_1755, %add3A_1754 : vector<64x256xf32>
    %ge3A_1757 = arith.constant 0.000000e+00 : f32
    %ge3A_1758 = vector.broadcast %ge3A_1757 : f32 to vector<64x256xf32>
    %ge3A_1759 = arith.cmpf oge, %mul3A_1756, %ge3A_1758 : vector<64x256xf32>
    %mul3A_1760 = arith.constant 1.000000e-01 : f32
    %mul3A_1761 = vector.broadcast %mul3A_1760 : f32 to vector<64x256xf32>
    %mul3A_1762 = arith.mulf %mul3A_1761, %mul3A_1756 : vector<64x256xf32>
    %select_n3A_1763 = arith.select %ge3A_1759, %mul3A_1756, %mul3A_1762 : vector<64x256xi1>, vector<64x256xf32>
    %get3A_1764 = arith.constant 0 : index
    %get3A_1765 = arith.constant 0 : index
    %get3A_1766 = vector.load %arg18[%get3A_1764, %get3A_1765] : memref<3x64xbf16, #tpu.memory_space<vmem>>, vector<3x64xbf16>
    %convert_element_type3A_1767 = arith.truncf %select_n3A_1763 : vector<64x256xf32> to vector<64x256xbf16>
    %dot_general3A_1768 = arith.constant dense<0.000000e+00> : vector<3x256xf32>
    %dot_general3A_1769 = tpu.matmul %get3A_1766, %convert_element_type3A_1767, %dot_general3A_1768 {dimension_numbers = #tpu.dot_dimension_numbers<[1], [0], [0], [1], [0, 0, 1, 1], [], []>, transpose_lhs_hint = false} : vector<3x64xbf16>, vector<64x256xbf16>, vector<3x256xf32> -> vector<3x256xf32>
    %get3A_1770 = arith.constant 0 : index
    %get3A_1771 = arith.constant 0 : index
    %get3A_1772 = vector.load %arg19[%get3A_1770, %get3A_1771] : memref<3x1xf32, #tpu.memory_space<vmem>>, vector<3x1xf32>
    %add3A_1773 = vector.broadcast %get3A_1772 : vector<3x1xf32> to vector<3x256xf32>
    %add3A_1774 = arith.addf %dot_general3A_1769, %add3A_1773 : vector<3x256xf32>
    %swap3A = arith.constant 0 : index
    %swap3A_1775 = arith.constant 0 : index
    %swap3A_1776 = arith.constant 0 : index
    %swap3A_1777 = vector.load %arg20[%swap3A, %swap3A_1775, %swap3A_1776] : memref<1x64x256xf32, #tpu.memory_space<vmem>>, vector<1x64x256xf32>
    %swap3A_1778 = vector.shape_cast %swap3A_1777 : vector<1x64x256xf32> to vector<64x256xf32>
    %swap3A_1779 = vector.shape_cast %select_n3A_1763 : vector<64x256xf32> to vector<1x64x256xf32>
    tpu.vector_store %arg20[%swap3A, %swap3A_1775, %swap3A_1776], %swap3A_1779 {strides = array<i32>} : memref<1x64x256xf32, #tpu.memory_space<vmem>>, vector<1x64x256xf32>,
    %jit3A = arith.constant -2.000000e+02 : f32
    %jit3A_1780 = arith.constant 2.000000e+02 : f32
    %max3A_1781 = vector.broadcast %jit3A : f32 to vector<3x256xf32>
    %max3A_1782 = arith.maximumf %max3A_1781, %add3A_1774 : vector<3x256xf32>
    %min3A = vector.broadcast %jit3A_1780 : f32 to vector<3x256xf32>
    %min3A_1783 = arith.minimumf %min3A, %max3A_1782 : vector<3x256xf32>
    %swap3A_1784 = arith.constant 0 : index
    %swap3A_1785 = arith.constant 0 : index
    %swap3A_1786 = arith.constant 0 : index
    %swap3A_1787 = vector.load %arg21[%swap3A_1784, %swap3A_1785, %swap3A_1786] : memref<1x3x256xf32, #tpu.memory_space<vmem>>, vector<1x3x256xf32>
    %swap3A_1788 = vector.shape_cast %swap3A_1787 : vector<1x3x256xf32> to vector<3x256xf32>
    %swap3A_1789 = vector.shape_cast %min3A_1783 : vector<3x256xf32> to vector<1x3x256xf32>
    tpu.vector_store %arg21[%swap3A_1784, %swap3A_1785, %swap3A_1786], %swap3A_1789 {strides = array<i32>} : memref<1x3x256xf32, #tpu.memory_space<vmem>>, vector<1x3x256xf32>,
    return
  }
  func.func @transform_0(%arg0: i32, %arg1: i32) -> (i32, i32, i32, i32) {
    %c0_i32 = arith.constant 0 : i32
    %c0_i32_0 = arith.constant 0 : i32
    %c0_i32_1 = arith.constant 0 : i32
    return %arg0, %arg1, %c0_i32, %c0_i32_0 : i32, i32, i32, i32
  }
  func.func @transform_1(%arg0: i32, %arg1: i32) -> (i32, i32, i32, i32) {
    %c0_i32 = arith.constant 0 : i32
    %c0_i32_0 = arith.constant 0 : i32
    %c0_i32_1 = arith.constant 0 : i32
    return %arg0, %arg1, %c0_i32, %c0_i32_0 : i32, i32, i32, i32
  }
  func.func @transform_2(%arg0: i32, %arg1: i32) -> (i32, i32, i32) {
    %c0_i32 = arith.constant 0 : i32
    %c0_i32_0 = arith.constant 0 : i32
    return %arg0, %arg1, %c0_i32 : i32, i32, i32
  }
  func.func @transform_3(%arg0: i32, %arg1: i32) -> (i32, i32, i32) {
    %c0_i32 = arith.constant 0 : i32
    %c0_i32_0 = arith.constant 0 : i32
    %c0_i32_1 = arith.constant 0 : i32
    %c0_i32_2 = arith.constant 0 : i32
    return %c0_i32, %c0_i32_0, %c0_i32_1 : i32, i32, i32
  }
  func.func @transform_4(%arg0: i32, %arg1: i32) -> (i32, i32, i32) {
    %c0_i32 = arith.constant 0 : i32
    %c0_i32_0 = arith.constant 0 : i32
    %c0_i32_1 = arith.constant 0 : i32
    %c0_i32_2 = arith.constant 0 : i32
    return %c0_i32, %c0_i32_0, %c0_i32_1 : i32, i32, i32
  }
  func.func @transform_5(%arg0: i32, %arg1: i32) -> (i32, i32) {
    %c0_i32 = arith.constant 0 : i32
    %c0_i32_0 = arith.constant 0 : i32
    %c0_i32_1 = arith.constant 0 : i32
    return %c0_i32, %c0_i32_0 : i32, i32
  }
  func.func @transform_6(%arg0: i32, %arg1: i32) -> (i32, i32) {
    %c0_i32 = arith.constant 0 : i32
    %c0_i32_0 = arith.constant 0 : i32
    %c0_i32_1 = arith.constant 0 : i32
    return %c0_i32, %c0_i32_0 : i32, i32
  }
  func.func @transform_7(%arg0: i32, %arg1: i32) -> (i32, i32) {
    %c0_i32 = arith.constant 0 : i32
    %c0_i32_0 = arith.constant 0 : i32
    %c0_i32_1 = arith.constant 0 : i32
    return %c0_i32, %c0_i32_0 : i32, i32
  }
  func.func @transform_8(%arg0: i32, %arg1: i32) -> (i32, i32) {
    %c0_i32 = arith.constant 0 : i32
    %c0_i32_0 = arith.constant 0 : i32
    %c0_i32_1 = arith.constant 0 : i32
    return %c0_i32, %c0_i32_0 : i32, i32
  }
  func.func @transform_9(%arg0: i32, %arg1: i32) -> (i32, i32) {
    %c0_i32 = arith.constant 0 : i32
    %c0_i32_0 = arith.constant 0 : i32
    %c0_i32_1 = arith.constant 0 : i32
    return %c0_i32, %c0_i32_0 : i32, i32
  }
  func.func @transform_10(%arg0: i32, %arg1: i32) -> (i32, i32) {
    %c0_i32 = arith.constant 0 : i32
    %c0_i32_0 = arith.constant 0 : i32
    %c0_i32_1 = arith.constant 0 : i32
    return %c0_i32, %c0_i32_0 : i32, i32
  }
  func.func @transform_11(%arg0: i32, %arg1: i32) -> (i32, i32) {
    %c0_i32 = arith.constant 0 : i32
    %c0_i32_0 = arith.constant 0 : i32
    %c0_i32_1 = arith.constant 0 : i32
    return %c0_i32, %c0_i32_0 : i32, i32
  }
  func.func @transform_12(%arg0: i32, %arg1: i32) -> (i32, i32) {
    %c0_i32 = arith.constant 0 : i32
    %c0_i32_0 = arith.constant 0 : i32
    %c0_i32_1 = arith.constant 0 : i32
    return %c0_i32, %c0_i32_0 : i32, i32
  }
  func.func @transform_13(%arg0: i32, %arg1: i32) -> (i32, i32) {
    %c0_i32 = arith.constant 0 : i32
    %c0_i32_0 = arith.constant 0 : i32
    %c0_i32_1 = arith.constant 0 : i32
    return %c0_i32, %c0_i32_0 : i32, i32
  }
  func.func @transform_14(%arg0: i32, %arg1: i32) -> (i32, i32) {
    %c0_i32 = arith.constant 0 : i32
    %c0_i32_0 = arith.constant 0 : i32
    %c0_i32_1 = arith.constant 0 : i32
    return %c0_i32, %c0_i32_0 : i32, i32
  }
  func.func @transform_15(%arg0: i32, %arg1: i32) -> (i32, i32) {
    %c0_i32 = arith.constant 0 : i32
    %c0_i32_0 = arith.constant 0 : i32
    %c0_i32_1 = arith.constant 0 : i32
    return %c0_i32, %c0_i32_0 : i32, i32
  }
  func.func @transform_16(%arg0: i32, %arg1: i32) -> (i32, i32) {
    %c0_i32 = arith.constant 0 : i32
    %c0_i32_0 = arith.constant 0 : i32
    %c0_i32_1 = arith.constant 0 : i32
    return %c0_i32, %c0_i32_0 : i32, i32
  }
  func.func @transform_17(%arg0: i32, %arg1: i32) -> (i32, i32) {
    %c0_i32 = arith.constant 0 : i32
    %c0_i32_0 = arith.constant 0 : i32
    %c0_i32_1 = arith.constant 0 : i32
    return %c0_i32, %c0_i32_0 : i32, i32
  }
  func.func @transform_18(%arg0: i32, %arg1: i32) -> (i32, i32, i32) {
    %c0_i32 = arith.constant 0 : i32
    %c0_i32_0 = arith.constant 0 : i32
    return %arg0, %c0_i32, %arg1 : i32, i32, i32
  }
  func.func @transform_19(%arg0: i32, %arg1: i32) -> (i32, i32, i32) {
    %c0_i32 = arith.constant 0 : i32
    %c0_i32_0 = arith.constant 0 : i32
    return %arg0, %c0_i32, %arg1 : i32, i32, i32
  }
}

</mosaic_0001>

<sc_bundles>
// kernel: kernel.10.cloned.1.call-start
scs
__scs_entry_jumppad:
0x0: {  	(pc) =	sbr.rel $0x88, $3  }
0x1: {  	(tag) =	ssettag $0x0;
	lr =	simm.s32 $0x1  }
0x2: {  	[smem:$0x3F87] =	sst lr;
	_ =	strace $0xD0000000  }
0x3: {  	_ = 	snop  }
0x4: {  	_ = 	snop  }
0x5: {  	_ = 	snop  }
0x6: {  	_ = 	snop  }
0x7: {  	_ = 	snop  }
__scs_overlays_trampoline_lowered:
0x8: {  	[smem:$0x3F96] =	sst s0  }
0x9: {  	[smem:$0x3F97] =	sst s1  }
0xa: {  	[smem:$0x3F98] =	sst s2  }
0xb: {  	[smem:$0x3F99] =	sst s3  }
0xc: {  	[smem:$0x3F9A] =	sst s4  }
0xd: {  	[smem:$0x3F9B] =	sst s5  }
0xe: {  	[smem:$0x3F9C] =	sst s6  }
0xf: {  	[smem:$0x3F9D] =	sst s7  }
0x10: {  	[smem:$0x3F9E] =	sst s8  }
0x11: {  	[smem:$0x3F9F] =	sst s9;
	s0 =	simm.s32 @!p0 $0x0  }
0x12: {  	s1 =	sld [smem:$0x3F85];
	s0 =	simm.s32 @p0 $0x1  }
0x13: {  	[smem:$0x3FA0] =	sst s0;
	s0 =	simm.s32 @!p1 $0x0  }
0x14: {  	s2 =	sld [smem:$0x3F84];
	s0 =	simm.s32 @p1 $0x1  }
0x15: {  	[smem:$0x3FA1] =	sst s0;
	s0 =	simm.s32 @!p2 $0x0  }
0x16: {  	s3 =	sld [smem:$0x3FDB];
	s0 =	simm.s32 @p2 $0x1  }
0x17: {  	s4 =	simm.s32 $0x1BF5;
	[smem:$0x3FA3] =	sst s0  }
0x18: {  	s0 =	sld [smem:$0x3F86];
	_ =	swait.ge [sflag:s4], $0x0  }
0x19: {  	s7 =	sld [smem:$0x3F87]  }
0x1a: {  	s8 =	sadd.s32 $0xFFFFE003, lr  }
0x1b: {  	s9 =	sadd.s32 $0xFFFFFEF7, lr;
	s5 =	simm.s32 $0xFFFFFFFF;
	p2 =	slt.u32 s8, $0xFFFFF086  }
0x1c: {  	p1 =	slt.u32 s9, $0xF7A;
	s5 =	simm.s32 @!p2 $0x0  }
0x1d: {  	s5 =	simm.s32 @p1 $0x1;
	p0 =	seq.s32 s7, s2  }
0x1e: {  	s7 =	smul.u32 @!p0 $0xF7A, s2;
	p2 =	seq.s32 @!p0 s5, $0x0  }
0x1f: {  	s9 =	smul.u32 $0xF7A, s1;
	s8 =	simm.s32 @!p0 $0x1BF5;
	p2 =	por !p2, p0  }
0x20: {  	[sflag:s8] =	ssyncset.s32 @!p0 $0xFFFFF086;
	s6 =	sadd.s32 @!p0 s3, s7;
	s7 =	simm.s32 @!p0 $0x108  }
0x21: {  	s3 =	sadd.s32 s3, s9;
	s6 =	sadd.s32 @!p0 $0x88, s6;
	s7 =	simm.s32 @p2 $0x1082  }
0x22: {  	[simem:s7], [sflag:s8] =	dma.local @!p0 [hbm:s6], $0xF7A  }
0x23: {  	s9 =	sor.u32 $0xD0000000, s2;
	s6 =	simm.s32 $0x108;
	_ =	swait.ge @!p0 [sflag:s8], $0x0  }
0x24: {  	s3 =	sadd.s32 $0x88, s3;
	s6 =	simm.s32 @!p1 $0x1082;
	[sflag:s4] =	ssyncset.s32 $0xFFFFF086  }
0x25: {  	[simem:s6], [sflag:s4] =	dma.local [hbm:s3], $0xF7A  }
0x26: {  	[smem:$0x3F87] =	sst s1;
	(tag) =	ssettag s2;
	_ =	strace s9  }
0x27: {  	s1 =	sld [smem:$0x3F97]  }
0x28: {  	s2 =	sld [smem:$0x3F98]  }
0x29: {  	s4 =	sld [smem:$0x3F9A]  }
0x2a: {  	p0 =	seq.s32 s5, $0x0;
	s5 =	sld [smem:$0x3F9B]  }
0x2b: {  	s6 =	sld [smem:$0x3F9C]  }
0x2c: {  	s7 =	sld [smem:$0x3F9D]  }
0x2d: {  	s3 =	simm.s32 $0x108;
	s8 =	sld [smem:$0x3F9E]  }
0x2e: {  	s3 =	simm.s32 @!p0 $0x1082;
	s9 =	sld [smem:$0x3F9F]  }
0x2f: {  	lr =	sadd.s32 s0, s3;
	s0 =	sld [smem:$0x3F96]  }
0x30: {  	s3 =	sld [smem:$0x3F99]  }
0x31: {  	[smem:$0x3FA2] =	sst s10  }
0x32: {  	s10 =	sld [smem:$0x3FA0];
	_ =	sdelay $0x3  }
0x33: {  	p0 =	seq.s32 s10, $0x1;
	s10 =	sld [smem:$0x3FA2];
	_ =	sdelay $0x3  }
0x34: {  	[smem:$0x3FA2] =	sst s10  }
0x35: {  	s10 =	sld [smem:$0x3FA1];
	_ =	sdelay $0x3  }
0x36: {  	p1 =	seq.s32 s10, $0x1;
	s10 =	sld [smem:$0x3FA2];
	_ =	sdelay $0x3  }
0x37: {  	[smem:$0x3FA2] =	sst s10  }
0x38: {  	s10 =	sld [smem:$0x3FA3]  }
0x39: {  	_ = 	snop;
	(pc) =	sbr.ind lr, $3  }
0x3a: {  	_ = 	snop  }
0x3b: {  	_ = 	snop  }
0x3c: {  	p2 =	seq.s32 s10, $0x1;
	s10 =	sld [smem:$0x3FA2]  }
0x3d: {  	_ =	shalt  }
0x3e: {  	_ =	shalt  }
0x3f: {  	_ =	shalt  }
0x40: {  	_ =	shalt  }
0x41: {  	_ =	shalt  }
0x42: {  	_ =	shalt  }
0x43: {  	_ =	shalt  }
0x44: {  	_ =	shalt  }
0x45: {  	_ =	shalt  }
0x46: {  	_ =	shalt  }
0x47: {  	_ =	shalt  }
0x48: {  	_ =	shalt  }
0x49: {  	_ =	shalt  }
0x4a: {  	_ =	shalt  }
0x4b: {  	_ =	shalt  }
0x4c: {  	_ =	shalt  }
0x4d: {  	_ =	shalt  }
0x4e: {  	_ =	shalt  }
0x4f: {  	_ =	shalt  }
0x50: {  	_ =	shalt  }
0x51: {  	_ =	shalt  }
0x52: {  	_ =	shalt  }
0x53: {  	_ =	shalt  }
0x54: {  	_ =	shalt  }
0x55: {  	_ =	shalt  }
0x56: {  	_ =	shalt  }
0x57: {  	_ =	shalt  }
0x58: {  	_ =	shalt  }
0x59: {  	_ =	shalt  }
0x5a: {  	_ =	shalt  }
0x5b: {  	_ =	shalt  }
0x5c: {  	_ =	shalt  }
0x5d: {  	_ =	shalt  }
0x5e: {  	_ =	shalt  }
0x5f: {  	_ =	shalt  }
0x60: {  	_ =	shalt  }
0x61: {  	_ =	shalt  }
0x62: {  	_ =	shalt  }
0x63: {  	_ =	shalt  }
0x64: {  	_ =	shalt  }
0x65: {  	_ =	shalt  }
0x66: {  	_ =	shalt  }
0x67: {  	_ =	shalt  }
0x68: {  	_ =	shalt  }
0x69: {  	_ =	shalt  }
0x6a: {  	_ =	shalt  }
0x6b: {  	_ =	shalt  }
0x6c: {  	_ =	shalt  }
0x6d: {  	_ =	shalt  }
0x6e: {  	_ =	shalt  }
0x6f: {  	_ =	shalt  }
0x70: {  	_ =	shalt  }
0x71: {  	_ =	shalt  }
0x72: {  	_ =	shalt  }
0x73: {  	_ =	shalt  }
0x74: {  	_ =	shalt  }
0x75: {  	_ =	shalt  }
0x76: {  	_ =	shalt  }
0x77: {  	_ =	shalt  }
0x78: {  	_ =	shalt  }
0x79: {  	_ =	shalt  }
0x7a: {  	_ =	shalt  }
0x7b: {  	_ =	shalt  }
0x7c: {  	_ =	shalt  }
0x7d: {  	_ =	shalt  }
0x7e: {  	_ =	shalt  }
0x7f: {  	_ =	shalt  }
0x80: {  	_ =	shalt  }
0x81: {  	_ =	shalt  }
0x82: {  	_ =	shalt  }
0x83: {  	_ =	shalt  }
0x84: {  	_ =	shalt  }
0x85: {  	_ =	shalt  }
0x86: {  	_ =	shalt  }
0x87: {  	_ =	shalt  }
.Lfunc_end0:
.L_simem_size_0:
called_computation.1_lowered:
.L_overlay_start_0:
0x88: {  	s2 =	sld [smem:$0x3FD9]  }
0x89: {  	s3 =	sld [smem:$0x3FFE];
	_ =	sdelay $0x1  }
0x8a: {  	s1 =	srdreg.scid  }
0x8b: {  	s0 =	sand.u32 $0x1, s1  }
0x8c: {  	s16 =	sshll.u32 s0, $0xA;
	s2 =	sadd.s32 s3, s2  }
0x8d: {  	s2 =	sadd.s32 s2, s16  }
0x8e: {  	[smem:$0x3FAE] =	sst s2  }
0x8f: {  	_ = 	snop  }
0x90: {  	(tm) =	ssettm $0x1  }
0x91: {  	s17 =	sld [smem:$0x3FFB];
	_ =	sdelay $0x3  }
0x92: {  	_ =	strace s17  }
0x93: {  	s2 =	sld [smem:$0x3FFC];
	_ =	sdelay $0x3  }
0x94: {  	_ =	strace s2  }
0x95: {  	s2 =	sld [smem:$0x3FFD];
	_ =	sdelay $0x3  }
0x96: {  	_ =	strace s2  }
0x97: {  	_ =	strace $0x8FFFFFFF  }
0x98: {  	s18 =	sld [smem:$0x3FDB];
	_ =	sdelay $0x1  }
0x99: {  	s19 =	simm.s32 $_scs_section_size  }
0x9a: {  	s4 =	simm.s32 $_size__tile_overlayer_lowered;
	s5 =	simm.s32 $_tile_overlayer_lowered  }
0x9b: {  	s22 =	simm.s32 $0x1BFF;
	s21 =	sshll.u32 s5, $0x1;
	s2 =	sadd.s32 s19, s18  }
0x9c: {  	s6 =	simm.s32 $0x0;
	s20 =	sshll.u32 s4, $0x1;
	s4 =	sadd.s32 s21, s2  }
0x9d: {  	[timem:s6], [sflag:s22] =	dma.local [hbm:s4], s20  }
0x9e: {  	_ =	swait.ge [sflag:s22], s20  }
0x9f: {  	s3 =	ssub.s32 $0x0, s20;
	[sflag:s22] =	ssyncset.done $0x0  }
0xa0: {  	[sflag:s22] =	ssyncadd.s32 s3;
	_ =	sdelay $0x1  }
0xa1: {  	s23 =	simm.s32 $0x1B8B  }
0xa2: {  	_ =	swait.ge [sflag:s23], $0x1  }
0xa3: {  	[sflag:s23] =	ssyncset.done $0x0  }
0xa4: {  	s25 =	simm.s32 $0x1B8E;
	s24 =	sld [smem:$0x3FFE];
	[sflag:s23] =	ssyncadd.s32 $0xFFFFFFFF  }
0xa5: {  	s26 =	simm.s32 $execute0_lowered;
	[smem:$0x3FD2] =	sst s25  }
0xa6: {  	s4 =	sshll.u32 s26, $0x1;
	_ =	strace $0x80000049;
	[dreg:$0x1] =	wrdreg $0xFFFFFFFF  }
0xa7: {  	s28 =	simm.s32 $_size_execute0_lowered;
	s2 =	sadd.s32 s2, s4;
	[dreg:$0x0] =	wrdreg $0x0  }
0xa8: {  	s4 =	sshll.u32 s28, $0x1;
	[dreg:$0x2] =	wrdreg s2  }
0xa9: {  	[dreg:$0x3] =	wrdreg s4  }
0xaa: {  	[dreg:$0x4] =	wrdreg $0xC0  }
0xab: {  	_ =	task [dreg:s6], $0x5FFFF  }
0xac: {  	[dreg:$0x1] =	wrdreg $0xFFFFFFFF  }
0xad: {  	[dreg:$0x0] =	wrdreg $0x60  }
0xae: {  	[dreg:$0x2] =	wrdreg s24  }
0xaf: {  	[dreg:$0x3] =	wrdreg $0x9  }
0xb0: {  	_ =	task.clear_ibuf [dreg:s6], $0x4FFFF;
	_ =	strace $0x90000049  }
0xb1: {  	s29 =	simm.s32 $0x9;
	_ =	strace $0x8000004B  }
0xb2: {  	_ =	swait.ge [sflag:s29], $0x1  }
0xb3: {  	[sflag:s29] =	ssyncadd.s32 $0xFFFFFFFF  }
0xb4: {  	_ =	strace $0x9000004B  }
0xb5: {  	_ =	sfence  }
0xb6: {  	s30 =	sld [smem:$0x0];
	_ =	sdelay $0x2  }
0xb7: {  	s31 =	sshll.u32 s1, $0xD;
	s1 =	sshrl.u32 s1, $0x2  }
0xb8: {  	s3 =	sand.u32 $0x4000, s31;
	s1 =	sadd.s32 s1, s30  }
0xb9: {  	s0 =	sor.u32 s3, s0;
	s1 =	sshll.u32 s1, $0x11  }
0xba: {  	s0 =	sor.u32 s1, s0  }
0xbb: {  	s0 =	sadd.s32 $0x8F2B, s0  }
0xbc: {  	[sflag:s0] =	ssyncadd.remote.s32 $0x1  }
0xbd: {  	_ =	sfence.sel $0xFFFF  }
0xbe: {  	[dreg:$0x0] =	wrdreg $0xFFFFFFFF;
	(pc) =	sbr.abs _section_cstart, $3  }
0xbf: {  	[dreg:$0x1] =	wrdreg $0xFFFFFFFF  }
0xc0: {  	_ =	task.clear_ibuf [dreg:s6], $0x2FFFF;
	_ =	strace $0x9FFFFFFF  }
0xc1: {  	(tm) =	ssettm $0x7FFFFFFF  }
tec
execute0_lowered:
.L_overlay_start_1:
0x0: {  	(tag) =	ssettag $0x1  }
0x1: {  	s3 =	rddreg [dreg:$0x0]  }
0x2: {  	s0 =	rddreg [dreg:$0x1];
	s1 =	stileid.u32  }
0x3: {  	s4 =	srdreg.scid;
	s5 =	smul.u32 $0x2400, s1  }
0x4: {  	s2 =	simm.s32 $0x0;
	s4 =	sand.u32 $0x1, s4;
	s29 =	smul.u32 $0x24000, s1  }
0x5: {  	[smem:$0x7FF] =	sst s2;
	s6 =	smul.u32 $0x1200, s4  }
0x6: {  	_ =	strace $0x8000004A;
	s7 =	ssub.s32 $0x2, s4;
	s9 =	smul.u32 $0x12000, s4  }
0x7: {  	s8 =	sshrl.u32 s7, $0x1;
	s30 =	sadd.s32 s29, s3;
	s5 =	sadd.s32 s6, s5  }
0x8: {  	s31 =	ssub.s32 s7, s8;
	s7 =	simm.s32 $0x2;
	s5 =	sshrl.u32 s5, $0x3  }
0x9: {  	s8 =	simm.s32 $0x80;
	s4 =	smax.u32 s31, $0x1;
	s10 =	sadd.s32 s5, s3  }
0xa: {  	s3 =	sadd.s32 $0x449C00, s3;
	s5 =	sadd.s32 s9, s30;
	s9 =	simm.s32 $0x1  }
0xb: {  	s5 =	sadd.s32 $0x489C00, s5;
	s6 =	sadd.s32 $0x5400, s10;
	s10 =	simm.s32 $0x0  }
.LBB2_1:
0xc: {  	s11 =	sadd.s32 $0x0, s6  }
0xd: {  	[tilespmem:s2], [sflag:$0x2] =	stream.linear.gather [hbm4b:s11+s2], $0x80, $0x38;
	[tilespmem:$0x4080] =	vst v63  }
0xe: {  	_ =	swait.ge [sflag:s7], $0x80  }
0xf: {  	[sflag:s7] =	ssyncset.done $0x0  }
0x10: {  	[sflag:s7] =	ssyncadd.s32 $0xFFFFFF80  }
0x11: {  	[tilespmem:s8], [sflag:$0x1] =	stream.indirect.gather [hbm4b:s3+s8], $0x80, s2, s8, $0xb8;
	[tilespmem:$0x4080] =	vst v63  }
0x12: {  	_ =	swait.ge [sflag:s9], $0x4000  }
0x13: {  	[sflag:s9] =	ssyncset.done $0x0  }
0x14: {  	[sflag:s9] =	ssyncadd.s32 $0xFFFFC000  }
0x15: {  	[hbm4b:s5+s2] =	stream.linear.scatter [tilespmem:s8], [sflag:$0x2], $0x4000, $0x38;
	[tilespmem:$0x4080] =	vst v63  }
0x16: {  	s12 =	simm.s32 $0x10;
	_ =	swait.ge [sflag:s7], $0x4000  }
0x17: {  	s13 =	simm.s32 $0x20;
	s11 =	sadd.s32 $0x800, s5;
	[sflag:s7] =	ssyncset.done $0x0  }
.LBB2_2:
0x18: {  	s14 =	sadd.s32 s12, s6  }
0x19: {  	[sflag:s7] =	ssyncadd.s32 $0xFFFFC000;
	s12 =	smov.u32 s13;
	s15 =	sadd.s32 $0x10, s13  }
0x1a: {  	[tilespmem:s2], [sflag:$0x2] =	stream.linear.gather [hbm4b:s14+s2], $0x80, $0x38;
	[tilespmem:$0x4080] =	vst v63  }
0x1b: {  	p0 =	sne.s32 s13, $0x230;
	_ =	swait.ge [sflag:s7], $0x80  }
0x1c: {  	[sflag:s7] =	ssyncset.done $0x0  }
0x1d: {  	[sflag:s7] =	ssyncadd.s32 $0xFFFFFF80  }
0x1e: {  	[tilespmem:s8], [sflag:$0x1] =	stream.indirect.gather [hbm4b:s3+s8], $0x80, s2, s8, $0xb8;
	[tilespmem:$0x4080] =	vst v63  }
0x1f: {  	_ =	swait.ge [sflag:s9], $0x4000  }
.Ltmp0:
0x20: {  	[sflag:s9] =	ssyncset.done $0x0;
	(pc) =	sbr.rel @p0 .LBB2_2-.Ltmp0, $4  }
0x21: {  	[sflag:s9] =	ssyncadd.s32 $0xFFFFC000  }
0x22: {  	[hbm4b:s11+s2] =	stream.linear.scatter [tilespmem:s8], [sflag:$0x2], $0x4000, $0x38;
	[tilespmem:$0x4080] =	vst v63  }
0x23: {  	_ =	swait.ge [sflag:s7], $0x4000  }
0x24: {  	s13 =	smov.u32 s15;
	s11 =	sadd.s32 $0x800, s11;
	[sflag:s7] =	ssyncset.done $0x0  }
0x25: {  	s12 =	sadd.s32 s12, s6;
	[sflag:s7] =	ssyncadd.s32 $0xFFFFC000  }
0x26: {  	[tilespmem:s2], [sflag:$0x2] =	stream.linear.gather [hbm4b:s12+s2], $0x80, $0x38;
	[tilespmem:$0x4080] =	vst v63  }
0x27: {  	_ =	swait.ge [sflag:s7], $0x80  }
0x28: {  	[sflag:s7] =	ssyncset.done $0x0  }
0x29: {  	[sflag:s7] =	ssyncadd.s32 $0xFFFFFF80  }
0x2a: {  	[tilespmem:s8], [sflag:$0x1] =	stream.indirect.gather [hbm4b:s3+s8], $0x80, s2, s8, $0xb8;
	[tilespmem:$0x4080] =	vst v63  }
0x2b: {  	s10 =	sadd.s32 $0x1, s10;
	_ =	swait.ge [sflag:s9], $0x4000  }
0x2c: {  	p0 =	sne.s32 s10, s4;
	[sflag:s9] =	ssyncset.done $0x0  }
.Ltmp1:
0x2d: {  	[sflag:s9] =	ssyncadd.s32 $0xFFFFC000;
	(pc) =	sbr.rel @p0 .LBB2_1-.Ltmp1, $4  }
0x2e: {  	[hbm4b:s11+s2] =	stream.linear.scatter [tilespmem:s8], [sflag:$0x2], $0x4000, $0x38;
	[tilespmem:$0x4080] =	vst v63  }
0x2f: {  	_ =	swait.ge [sflag:s7], $0x4000  }
0x30: {  	[sflag:s7] =	ssyncset.done $0x0  }
0x31: {  	[sflag:s7] =	ssyncadd.s32 $0xFFFFC000  }
0x32: {  	_ =	sfence.sel $0x180000  }
0x33: {  	[bflag:$0x0] =	sbarrier.arrive $0xFFFF  }
0x34: {  	p0 =	sne.s32 s1, $0x0;
	_ =	strace $0x9000004A  }
0x35: {  	s0 =	sadd.s32 @!p0 $0x100000, s0;
	[bflag:$0x2] =	sbarrier.arrive $0xFFFF  }
0x36: {  	[sflag:s0] =	ssyncadd.tile.s32 @!p0 $0x1;
	_ =	shalt  }
.Lfunc_end2:
_tile_overlayer_lowered:
.L_overlay_start_2:
0x37: {  	(tag) =	ssettag $0x2  }
0x38: {  	s0 =	rddreg [dreg:$0x0];
	s2 =	stileid.u32  }
0x39: {  	s1 =	rddreg [dreg:$0x1];
	p0 =	sne.s32 s2, $0x0  }
0x3a: {  	s3 =	rddreg [dreg:$0x2];
	[bflag:$0x3] =	sbarrier.arrive $0xFFFF;
	s2 =	simm.s32 @!p0 $0x1C02  }
0x3b: {  	[timem:s3], [sflag:s2] =	dma.local @!p0 [hbm:s0], s1  }
0x3c: {  	s0 =	simm.s32 @!p0 $0x2  }
0x3d: {  	_ =	swait.ge @!p0 [sflag:s0], s1  }
0x3e: {  	s1 =	ssub.s32 @!p0 $0x0, s1;
	[sflag:s0] =	ssyncset.done @!p0 $0x0  }
0x3f: {  	[sflag:s0] =	ssyncadd.s32 @!p0 s1  }
0x40: {  	[bflag:$0x3] =	sbarrier.arrive $0xFFFF  }
0x41: {  	_ =	shalt  }

// kernel: kernel.7.cloned.1.call-start
scs
__scs_entry_jumppad:
0x0: {  	(pc) =	sbr.rel $0x88, $3  }
0x1: {  	(tag) =	ssettag $0x0;
	lr =	simm.s32 $0x1  }
0x2: {  	[smem:$0x3F87] =	sst lr;
	_ =	strace $0xD0000000  }
0x3: {  	_ = 	snop  }
0x4: {  	_ = 	snop  }
0x5: {  	_ = 	snop  }
0x6: {  	_ = 	snop  }
0x7: {  	_ = 	snop  }
__scs_overlays_trampoline_lowered:
0x8: {  	[smem:$0x3F96] =	sst s0  }
0x9: {  	[smem:$0x3F97] =	sst s1  }
0xa: {  	[smem:$0x3F98] =	sst s2  }
0xb: {  	[smem:$0x3F99] =	sst s3  }
0xc: {  	[smem:$0x3F9A] =	sst s4  }
0xd: {  	[smem:$0x3F9B] =	sst s5  }
0xe: {  	[smem:$0x3F9C] =	sst s6  }
0xf: {  	[smem:$0x3F9D] =	sst s7  }
0x10: {  	[smem:$0x3F9E] =	sst s8  }
0x11: {  	[smem:$0x3F9F] =	sst s9;
	s0 =	simm.s32 @!p0 $0x0  }
0x12: {  	s1 =	sld [smem:$0x3F85];
	s0 =	simm.s32 @p0 $0x1  }
0x13: {  	[smem:$0x3FA0] =	sst s0;
	s0 =	simm.s32 @!p1 $0x0  }
0x14: {  	s2 =	sld [smem:$0x3F84];
	s0 =	simm.s32 @p1 $0x1  }
0x15: {  	[smem:$0x3FA1] =	sst s0;
	s0 =	simm.s32 @!p2 $0x0  }
0x16: {  	s3 =	sld [smem:$0x3FDB];
	s0 =	simm.s32 @p2 $0x1  }
0x17: {  	s4 =	simm.s32 $0x1BF5;
	[smem:$0x3FA3] =	sst s0  }
0x18: {  	s0 =	sld [smem:$0x3F86];
	_ =	swait.ge [sflag:s4], $0x0  }
0x19: {  	s7 =	sld [smem:$0x3F87]  }
0x1a: {  	s8 =	sadd.s32 $0xFFFFE003, lr  }
0x1b: {  	s9 =	sadd.s32 $0xFFFFFEF7, lr;
	s5 =	simm.s32 $0xFFFFFFFF;
	p2 =	slt.u32 s8, $0xFFFFF086  }
0x1c: {  	p1 =	slt.u32 s9, $0xF7A;
	s5 =	simm.s32 @!p2 $0x0  }
0x1d: {  	s5 =	simm.s32 @p1 $0x1;
	p0 =	seq.s32 s7, s2  }
0x1e: {  	s7 =	smul.u32 @!p0 $0xF7A, s2;
	p2 =	seq.s32 @!p0 s5, $0x0  }
0x1f: {  	s9 =	smul.u32 $0xF7A, s1;
	s8 =	simm.s32 @!p0 $0x1BF5;
	p2 =	por !p2, p0  }
0x20: {  	[sflag:s8] =	ssyncset.s32 @!p0 $0xFFFFF086;
	s6 =	sadd.s32 @!p0 s3, s7;
	s7 =	simm.s32 @!p0 $0x108  }
0x21: {  	s3 =	sadd.s32 s3, s9;
	s6 =	sadd.s32 @!p0 $0x88, s6;
	s7 =	simm.s32 @p2 $0x1082  }
0x22: {  	[simem:s7], [sflag:s8] =	dma.local @!p0 [hbm:s6], $0xF7A  }
0x23: {  	s9 =	sor.u32 $0xD0000000, s2;
	s6 =	simm.s32 $0x108;
	_ =	swait.ge @!p0 [sflag:s8], $0x0  }
0x24: {  	s3 =	sadd.s32 $0x88, s3;
	s6 =	simm.s32 @!p1 $0x1082;
	[sflag:s4] =	ssyncset.s32 $0xFFFFF086  }
0x25: {  	[simem:s6], [sflag:s4] =	dma.local [hbm:s3], $0xF7A  }
0x26: {  	[smem:$0x3F87] =	sst s1;
	(tag) =	ssettag s2;
	_ =	strace s9  }
0x27: {  	s1 =	sld [smem:$0x3F97]  }
0x28: {  	s2 =	sld [smem:$0x3F98]  }
0x29: {  	s4 =	sld [smem:$0x3F9A]  }
0x2a: {  	p0 =	seq.s32 s5, $0x0;
	s5 =	sld [smem:$0x3F9B]  }
0x2b: {  	s6 =	sld [smem:$0x3F9C]  }
0x2c: {  	s7 =	sld [smem:$0x3F9D]  }
0x2d: {  	s3 =	simm.s32 $0x108;
	s8 =	sld [smem:$0x3F9E]  }
0x2e: {  	s3 =	simm.s32 @!p0 $0x1082;
	s9 =	sld [smem:$0x3F9F]  }
0x2f: {  	lr =	sadd.s32 s0, s3;
	s0 =	sld [smem:$0x3F96]  }
0x30: {  	s3 =	sld [smem:$0x3F99]  }
0x31: {  	[smem:$0x3FA2] =	sst s10  }
0x32: {  	s10 =	sld [smem:$0x3FA0];
	_ =	sdelay $0x3  }
0x33: {  	p0 =	seq.s32 s10, $0x1;
	s10 =	sld [smem:$0x3FA2];
	_ =	sdelay $0x3  }
0x34: {  	[smem:$0x3FA2] =	sst s10  }
0x35: {  	s10 =	sld [smem:$0x3FA1];
	_ =	sdelay $0x3  }
0x36: {  	p1 =	seq.s32 s10, $0x1;
	s10 =	sld [smem:$0x3FA2];
	_ =	sdelay $0x3  }
0x37: {  	[smem:$0x3FA2] =	sst s10  }
0x38: {  	s10 =	sld [smem:$0x3FA3]  }
0x39: {  	_ = 	snop;
	(pc) =	sbr.ind lr, $3  }
0x3a: {  	_ = 	snop  }
0x3b: {  	_ = 	snop  }
0x3c: {  	p2 =	seq.s32 s10, $0x1;
	s10 =	sld [smem:$0x3FA2]  }
0x3d: {  	_ =	shalt  }
0x3e: {  	_ =	shalt  }
0x3f: {  	_ =	shalt  }
0x40: {  	_ =	shalt  }
0x41: {  	_ =	shalt  }
0x42: {  	_ =	shalt  }
0x43: {  	_ =	shalt  }
0x44: {  	_ =	shalt  }
0x45: {  	_ =	shalt  }
0x46: {  	_ =	shalt  }
0x47: {  	_ =	shalt  }
0x48: {  	_ =	shalt  }
0x49: {  	_ =	shalt  }
0x4a: {  	_ =	shalt  }
0x4b: {  	_ =	shalt  }
0x4c: {  	_ =	shalt  }
0x4d: {  	_ =	shalt  }
0x4e: {  	_ =	shalt  }
0x4f: {  	_ =	shalt  }
0x50: {  	_ =	shalt  }
0x51: {  	_ =	shalt  }
0x52: {  	_ =	shalt  }
0x53: {  	_ =	shalt  }
0x54: {  	_ =	shalt  }
0x55: {  	_ =	shalt  }
0x56: {  	_ =	shalt  }
0x57: {  	_ =	shalt  }
0x58: {  	_ =	shalt  }
0x59: {  	_ =	shalt  }
0x5a: {  	_ =	shalt  }
0x5b: {  	_ =	shalt  }
0x5c: {  	_ =	shalt  }
0x5d: {  	_ =	shalt  }
0x5e: {  	_ =	shalt  }
0x5f: {  	_ =	shalt  }
0x60: {  	_ =	shalt  }
0x61: {  	_ =	shalt  }
0x62: {  	_ =	shalt  }
0x63: {  	_ =	shalt  }
0x64: {  	_ =	shalt  }
0x65: {  	_ =	shalt  }
0x66: {  	_ =	shalt  }
0x67: {  	_ =	shalt  }
0x68: {  	_ =	shalt  }
0x69: {  	_ =	shalt  }
0x6a: {  	_ =	shalt  }
0x6b: {  	_ =	shalt  }
0x6c: {  	_ =	shalt  }
0x6d: {  	_ =	shalt  }
0x6e: {  	_ =	shalt  }
0x6f: {  	_ =	shalt  }
0x70: {  	_ =	shalt  }
0x71: {  	_ =	shalt  }
0x72: {  	_ =	shalt  }
0x73: {  	_ =	shalt  }
0x74: {  	_ =	shalt  }
0x75: {  	_ =	shalt  }
0x76: {  	_ =	shalt  }
0x77: {  	_ =	shalt  }
0x78: {  	_ =	shalt  }
0x79: {  	_ =	shalt  }
0x7a: {  	_ =	shalt  }
0x7b: {  	_ =	shalt  }
0x7c: {  	_ =	shalt  }
0x7d: {  	_ =	shalt  }
0x7e: {  	_ =	shalt  }
0x7f: {  	_ =	shalt  }
0x80: {  	_ =	shalt  }
0x81: {  	_ =	shalt  }
0x82: {  	_ =	shalt  }
0x83: {  	_ =	shalt  }
0x84: {  	_ =	shalt  }
0x85: {  	_ =	shalt  }
0x86: {  	_ =	shalt  }
0x87: {  	_ =	shalt  }
.Lfunc_end0:
.L_simem_size_0:
called_computation_lowered:
.L_overlay_start_0:
0x88: {  	s2 =	sld [smem:$0x3FD9]  }
0x89: {  	s3 =	sld [smem:$0x3FFE];
	_ =	sdelay $0x1  }
0x8a: {  	s1 =	srdreg.scid  }
0x8b: {  	s0 =	sand.u32 $0x1, s1  }
0x8c: {  	s14 =	sshll.u32 s0, $0xA;
	s2 =	sadd.s32 s3, s2  }
0x8d: {  	s2 =	sadd.s32 s2, s14  }
0x8e: {  	[smem:$0x3FAE] =	sst s2  }
0x8f: {  	_ = 	snop  }
0x90: {  	s2 =	sld [smem:$0x3FD0];
	_ =	sdelay $0x2  }
0x91: {  	s15 =	simm.s32 $0xA;
	s4 =	simm.s32 $0x10  }
0x92: {  	[smem:s4], [sflag:s15] =	dma.local [hbm:s2], $0x1  }
0x93: {  	_ =	swait.eq [sflag:s15], $0x1  }
0x94: {  	[sflag:s15] =	ssyncset.done $0x0  }
0x95: {  	[sflag:s15] =	ssyncadd.s32 $0xFFFFFFFF  }
0x96: {  	s16 =	sld [smem:$0x10];
	(tm) =	ssettm $0x1  }
0x97: {  	s17 =	sld [smem:$0x3FFB];
	_ =	sdelay $0x3  }
0x98: {  	_ =	strace s17  }
0x99: {  	s3 =	sld [smem:$0x3FFC];
	_ =	sdelay $0x3  }
0x9a: {  	_ =	strace s3  }
0x9b: {  	s3 =	sld [smem:$0x3FFD];
	_ =	sdelay $0x3  }
0x9c: {  	_ =	strace s3  }
0x9d: {  	_ =	strace $0x8FFFFFFF  }
0x9e: {  	s18 =	sld [smem:$0x3FDB];
	_ =	sdelay $0x1  }
0x9f: {  	s19 =	simm.s32 $_scs_section_size  }
0xa0: {  	s5 =	simm.s32 $_size__tile_overlayer_lowered;
	s6 =	simm.s32 $_tile_overlayer_lowered  }
0xa1: {  	s22 =	simm.s32 $0x1BFF;
	s21 =	sshll.u32 s6, $0x1;
	s3 =	sadd.s32 s19, s18  }
0xa2: {  	s7 =	simm.s32 $0x0;
	s20 =	sshll.u32 s5, $0x1;
	s5 =	sadd.s32 s21, s3  }
0xa3: {  	[timem:s7], [sflag:s22] =	dma.local [hbm:s5], s20  }
0xa4: {  	_ =	swait.ge [sflag:s22], s20  }
0xa5: {  	s4 =	ssub.s32 $0x0, s20;
	[sflag:s22] =	ssyncset.done $0x0  }
0xa6: {  	[sflag:s22] =	ssyncadd.s32 s4;
	_ =	sdelay $0x1  }
0xa7: {  	s23 =	simm.s32 $0x1B8B  }
0xa8: {  	_ =	swait.ge [sflag:s23], $0x1  }
0xa9: {  	[sflag:s23] =	ssyncset.done $0x0  }
0xaa: {  	s25 =	simm.s32 $0x1B8E;
	s24 =	sld [smem:$0x3FFE];
	[sflag:s23] =	ssyncadd.s32 $0xFFFFFFFF  }
0xab: {  	s26 =	simm.s32 $execute0_lowered;
	[smem:$0x3FD2] =	sst s25  }
0xac: {  	s5 =	sshll.u32 s26, $0x1;
	_ =	strace $0x80000046;
	[dreg:$0x1] =	wrdreg $0xFFFFFFFF  }
0xad: {  	s28 =	simm.s32 $_size_execute0_lowered;
	s3 =	sadd.s32 s3, s5;
	[dreg:$0x0] =	wrdreg $0x0  }
0xae: {  	s5 =	sshll.u32 s28, $0x1;
	[dreg:$0x2] =	wrdreg s3  }
0xaf: {  	[dreg:$0x3] =	wrdreg s5  }
0xb0: {  	[dreg:$0x4] =	wrdreg $0xC0  }
0xb1: {  	_ =	task [dreg:s7], $0x5FFFF  }
0xb2: {  	[dreg:$0x1] =	wrdreg $0xFFFFFFFF  }
0xb3: {  	[dreg:$0x0] =	wrdreg $0x60  }
0xb4: {  	[dreg:$0x2] =	wrdreg s24  }
0xb5: {  	[dreg:$0x3] =	wrdreg s16  }
0xb6: {  	[dreg:$0x4] =	wrdreg $0x9  }
0xb7: {  	_ =	task.clear_ibuf [dreg:s7], $0x5FFFF;
	_ =	strace $0x90000046  }
0xb8: {  	s29 =	simm.s32 $0x9;
	_ =	strace $0x80000048  }
0xb9: {  	_ =	swait.ge [sflag:s29], $0x1  }
0xba: {  	[sflag:s29] =	ssyncadd.s32 $0xFFFFFFFF  }
0xbb: {  	_ =	strace $0x90000048  }
0xbc: {  	_ =	sfence  }
0xbd: {  	s30 =	sld [smem:$0x0];
	_ =	sdelay $0x2  }
0xbe: {  	s31 =	sshll.u32 s1, $0xD;
	s1 =	sshrl.u32 s1, $0x2  }
0xbf: {  	s3 =	sand.u32 $0x4000, s31;
	s1 =	sadd.s32 s1, s30  }
0xc0: {  	s0 =	sor.u32 s3, s0;
	s1 =	sshll.u32 s1, $0x11  }
0xc1: {  	s0 =	sor.u32 s1, s0  }
0xc2: {  	s0 =	sadd.s32 $0x8F2B, s0  }
0xc3: {  	[sflag:s0] =	ssyncadd.remote.s32 $0x1  }
0xc4: {  	_ =	sfence.sel $0xFFFF  }
0xc5: {  	[dreg:$0x0] =	wrdreg $0xFFFFFFFF;
	(pc) =	sbr.abs _section_cstart, $3  }
0xc6: {  	[dreg:$0x1] =	wrdreg $0xFFFFFFFF  }
0xc7: {  	_ =	task.clear_ibuf [dreg:s7], $0x2FFFF;
	_ =	strace $0x9FFFFFFF  }
0xc8: {  	(tm) =	ssettm $0x7FFFFFFF  }
0xc9: {  	_ =	shalt  }
tec
execute0_lowered:
.L_overlay_start_1:
0x0: {  	(tag) =	ssettag $0x1  }
0x1: {  	s1 =	srdreg.scid;
	s0 =	stileid.u32  }
0x2: {  	s5 =	rddreg [dreg:$0x0];
	s4 =	smul.u32 $0x2400, s0  }
0x3: {  	s2 =	rddreg [dreg:$0x1];
	s30 =	smul.u32 $0x4800, s0  }
0x4: {  	s3 =	simm.s32 $0x0;
	s6 =	sand.u32 $0x1, s1;
	s8 =	smul.u32 $0x3A800, s0  }
0x5: {  	s13 =	simm.s32 $0x2;
	s1 =	rddreg [dreg:$0x2];
	s7 =	smul.u32 $0x1200, s6  }
0x6: {  	s14 =	simm.s32 $0x0;
	[smem:$0x7FF] =	sst s3;
	s11 =	smul.u32 $0x1D400, s6  }
0x7: {  	_ =	strace $0x80000047;
	s10 =	ssub.s32 $0x2, s6;
	s6 =	smul.u32 $0x2400, s6  }
0x8: {  	s12 =	sshrl.u32 s10, $0x1;
	s8 =	sadd.s32 s8, s5;
	s4 =	sadd.s32 s7, s4  }
0x9: {  	s7 =	sadd.s32 s30, s5;
	s31 =	ssub.s32 s10, s12;
	s8 =	sadd.s32 s11, s8  }
0xa: {  	s10 =	simm.s32 $0x80;
	s11 =	simm.s32 $0x880;
	s12 =	simm.s32 $0x1  }
0xb: {  	s4 =	sshrl.u32 s4, $0x3;
	s7 =	sadd.s32 s6, s7;
	s6 =	sadd.s32 $0xB1C00, s8  }
0xc: {  	s9 =	sadd.s32 s4, s5;
	s4 =	sadd.s32 $0x49C00, s5;
	s5 =	smax.u32 s31, $0x1  }
0xd: {  	s7 =	sadd.s32 $0x459C00, s7;
	s8 =	sadd.s32 $0x5400, s9;
	s9 =	simm.s32 $0x3  }
.LBB2_1:
0xe: {  	s15 =	sadd.s32 $0x0, s8  }
0xf: {  	[tilespmem:s3], [sflag:$0x3] =	stream.linear.gather [hbm4b:s15+s3], $0x80, $0x38;
	[tilespmem:$0x7080] =	vst v63  }
0x10: {  	_ =	swait.ge [sflag:s9], $0x80  }
0x11: {  	[sflag:s9] =	ssyncset.done $0x0  }
0x12: {  	[sflag:s9] =	ssyncadd.s32 $0xFFFFFF80  }
0x13: {  	[tilespmem:s10], [sflag:$0x1] =	stream.indirect.gather [hbm4b:s2+s10], $0x10, s3, s10, $0xb8;
	[tilespmem:$0x7080] =	vst v63  }
0x14: {  	_ = 	snop  }
0x15: {  	[tilespmem:s11], [sflag:$0x2] =	stream.indirect.gather [hbm4b:s4+s10], $0xD0, s3, s10, $0xb8;
	[tilespmem:$0x7080] =	vst v63  }
0x16: {  	_ =	swait.ge [sflag:s12], $0x800  }
0x17: {  	[sflag:s12] =	ssyncset.done $0x0  }
0x18: {  	[sflag:s12] =	ssyncadd.s32 $0xFFFFF800  }
0x19: {  	_ =	swait.ge [sflag:s13], $0x6800  }
0x1a: {  	[sflag:s13] =	ssyncset.done $0x0  }
0x1b: {  	[sflag:s13] =	ssyncadd.s32 $0xFFFF9800  }
0x1c: {  	[hbm4b:s7+s3] =	stream.linear.scatter [tilespmem:s10], [sflag:$0x3], $0x800, $0x38;
	[tilespmem:$0x7080] =	vst v63  }
0x1d: {  	_ =	swait.ge [sflag:s9], $0x800  }
0x1e: {  	[sflag:s9] =	ssyncset.done $0x0  }
0x1f: {  	[sflag:s9] =	ssyncadd.s32 $0xFFFFF800  }
0x20: {  	[hbm4b:s6+s3] =	stream.linear.scatter [tilespmem:s11], [sflag:$0x3], $0x6800, $0x38;
	[tilespmem:$0x7080] =	vst v63  }
0x21: {  	s17 =	simm.s32 $0x10;
	s18 =	simm.s32 $0x20;
	_ =	swait.ge [sflag:s9], $0x6800  }
0x22: {  	s16 =	sadd.s32 $0x100, s7;
	s15 =	sadd.s32 $0xD00, s6;
	[sflag:s9] =	ssyncset.done $0x0  }
.LBB2_2:
0x23: {  	s19 =	sadd.s32 s17, s8  }
0x24: {  	[sflag:s9] =	ssyncadd.s32 $0xFFFF9800;
	s17 =	smov.u32 s18;
	s20 =	sadd.s32 $0x10, s18  }
0x25: {  	[tilespmem:s3], [sflag:$0x3] =	stream.linear.gather [hbm4b:s19+s3], $0x80, $0x38;
	[tilespmem:$0x7080] =	vst v63  }
0x26: {  	p0 =	sne.s32 s18, $0x230;
	_ =	swait.ge [sflag:s9], $0x80  }
0x27: {  	[sflag:s9] =	ssyncset.done $0x0  }
0x28: {  	[sflag:s9] =	ssyncadd.s32 $0xFFFFFF80  }
0x29: {  	[tilespmem:s10], [sflag:$0x1] =	stream.indirect.gather [hbm4b:s2+s10], $0x10, s3, s10, $0xb8;
	[tilespmem:$0x7080] =	vst v63  }
0x2a: {  	_ = 	snop  }
0x2b: {  	[tilespmem:s11], [sflag:$0x2] =	stream.indirect.gather [hbm4b:s4+s10], $0xD0, s3, s10, $0xb8;
	[tilespmem:$0x7080] =	vst v63  }
0x2c: {  	_ =	swait.ge [sflag:s12], $0x800  }
0x2d: {  	[sflag:s12] =	ssyncset.done $0x0  }
0x2e: {  	[sflag:s12] =	ssyncadd.s32 $0xFFFFF800  }
0x2f: {  	_ =	swait.ge [sflag:s13], $0x6800  }
0x30: {  	[sflag:s13] =	ssyncset.done $0x0  }
0x31: {  	[sflag:s13] =	ssyncadd.s32 $0xFFFF9800  }
0x32: {  	[hbm4b:s16+s3] =	stream.linear.scatter [tilespmem:s10], [sflag:$0x3], $0x800, $0x38;
	[tilespmem:$0x7080] =	vst v63  }
0x33: {  	_ =	swait.ge [sflag:s9], $0x800  }
.Ltmp0:
0x34: {  	[sflag:s9] =	ssyncset.done $0x0;
	(pc) =	sbr.rel @p0 .LBB2_2-.Ltmp0, $4  }
0x35: {  	[sflag:s9] =	ssyncadd.s32 $0xFFFFF800  }
0x36: {  	[hbm4b:s15+s3] =	stream.linear.scatter [tilespmem:s11], [sflag:$0x3], $0x6800, $0x38;
	[tilespmem:$0x7080] =	vst v63  }
0x37: {  	s18 =	smov.u32 s20;
	_ =	swait.ge [sflag:s9], $0x6800  }
0x38: {  	s16 =	sadd.s32 $0x100, s16;
	s15 =	sadd.s32 $0xD00, s15;
	[sflag:s9] =	ssyncset.done $0x0  }
0x39: {  	s17 =	sadd.s32 s17, s8;
	[sflag:s9] =	ssyncadd.s32 $0xFFFF9800  }
0x3a: {  	[tilespmem:s3], [sflag:$0x3] =	stream.linear.gather [hbm4b:s17+s3], $0x80, $0x38;
	[tilespmem:$0x7080] =	vst v63  }
0x3b: {  	_ =	swait.ge [sflag:s9], $0x80  }
0x3c: {  	[sflag:s9] =	ssyncset.done $0x0  }
0x3d: {  	[sflag:s9] =	ssyncadd.s32 $0xFFFFFF80  }
0x3e: {  	[tilespmem:s10], [sflag:$0x1] =	stream.indirect.gather [hbm4b:s2+s10], $0x10, s3, s10, $0xb8;
	[tilespmem:$0x7080] =	vst v63  }
0x3f: {  	_ = 	snop  }
0x40: {  	[tilespmem:s11], [sflag:$0x2] =	stream.indirect.gather [hbm4b:s4+s10], $0xD0, s3, s10, $0xb8;
	[tilespmem:$0x7080] =	vst v63  }
0x41: {  	_ =	swait.ge [sflag:s12], $0x800  }
0x42: {  	[sflag:s12] =	ssyncset.done $0x0  }
0x43: {  	[sflag:s12] =	ssyncadd.s32 $0xFFFFF800  }
0x44: {  	_ =	swait.ge [sflag:s13], $0x6800  }
0x45: {  	[sflag:s13] =	ssyncset.done $0x0  }
0x46: {  	[sflag:s13] =	ssyncadd.s32 $0xFFFF9800  }
0x47: {  	[hbm4b:s16+s3] =	stream.linear.scatter [tilespmem:s10], [sflag:$0x3], $0x800, $0x38;
	[tilespmem:$0x7080] =	vst v63  }
0x48: {  	s14 =	sadd.s32 $0x1, s14;
	_ =	swait.ge [sflag:s9], $0x800  }
0x49: {  	p0 =	sne.s32 s14, s5;
	[sflag:s9] =	ssyncset.done $0x0  }
.Ltmp1:
0x4a: {  	[sflag:s9] =	ssyncadd.s32 $0xFFFFF800;
	(pc) =	sbr.rel @p0 .LBB2_1-.Ltmp1, $4  }
0x4b: {  	[hbm4b:s15+s3] =	stream.linear.scatter [tilespmem:s11], [sflag:$0x3], $0x6800, $0x38;
	[tilespmem:$0x7080] =	vst v63  }
0x4c: {  	_ =	swait.ge [sflag:s9], $0x6800  }
0x4d: {  	[sflag:s9] =	ssyncset.done $0x0  }
0x4e: {  	[sflag:s9] =	ssyncadd.s32 $0xFFFF9800  }
0x4f: {  	_ =	sfence.sel $0x180000  }
0x50: {  	[bflag:$0x0] =	sbarrier.arrive $0xFFFF  }
0x51: {  	p0 =	sne.s32 s0, $0x0;
	_ =	strace $0x90000047  }
0x52: {  	s0 =	sadd.s32 @!p0 $0x100000, s1;
	[bflag:$0x2] =	sbarrier.arrive $0xFFFF  }
0x53: {  	[sflag:s0] =	ssyncadd.tile.s32 @!p0 $0x1;
	_ =	shalt  }
.Lfunc_end2:
_tile_overlayer_lowered:
.L_overlay_start_2:
0x54: {  	(tag) =	ssettag $0x2  }
0x55: {  	s0 =	rddreg [dreg:$0x0];
	s2 =	stileid.u32  }
0x56: {  	s1 =	rddreg [dreg:$0x1];
	p0 =	sne.s32 s2, $0x0  }
0x57: {  	s3 =	rddreg [dreg:$0x2];
	[bflag:$0x3] =	sbarrier.arrive $0xFFFF;
	s2 =	simm.s32 @!p0 $0x1C03  }
0x58: {  	[timem:s3], [sflag:s2] =	dma.local @!p0 [hbm:s0], s1  }
0x59: {  	s0 =	simm.s32 @!p0 $0x3  }
0x5a: {  	_ =	swait.ge @!p0 [sflag:s0], s1  }
0x5b: {  	s1 =	ssub.s32 @!p0 $0x0, s1;
	[sflag:s0] =	ssyncset.done @!p0 $0x0  }
0x5c: {  	[sflag:s0] =	ssyncadd.s32 @!p0 s1  }
0x5d: {  	[bflag:$0x3] =	sbarrier.arrive $0xFFFF  }
0x5e: {  	_ =	shalt  }

</sc_bundles>
